<compile_context>
chip_gen: v7x
topology: tpu7x:2x2x1
jax: 0.10.2.dev20260603
libtpu: 0.0.44.dev20260713+nightly
codegen_flags: <defaults>
</compile_context>

<pallas_src>
import functools

import jax
import jax.numpy as jnp
from jax import lax
from jax.experimental import pallas as pl
from jax.experimental.pallas import tpu as pltpu
from jax.experimental.pallas import tpu_sc as plsc

_N = 10000
_IN = 128
_OUT = 128
_HOP = 3
_E = 320000
_ALPHA = 0.2
_NC = 2
_NS = 16
_NW = _NC * _NS
_F = _OUT // _NW
_CH = 3200
_NCHUNK = _E // _CH
_GPI = 8
_COEF = (0.5, 0.25, 0.125)


def _prep_body(x_ref, w_ref, a_ref, el_ref, hp_ref, s1_ref, s2_ref, ep_ref):
    xb = x_ref[...]
    _H = _OUT // 2
    for i in range(_HOP):
        ep_ref[i] = el_ref[i, 0] | (el_ref[i, 1] << 16)
        wi_e = w_ref[i * _IN:(i + 1) * _IN, :_H]
        wi_o = w_ref[i * _IN:(i + 1) * _IN, _H:]
        hte = lax.dot_general(wi_e, xb, (((0,), (1,)), ((), ())),
                              preferred_element_type=jnp.float32)
        hto = lax.dot_general(wi_o, xb, (((0,), (1,)), ((), ())),
                              preferred_element_type=jnp.float32)
        hue = lax.bitcast_convert_type(
            hte.astype(jnp.bfloat16), jnp.uint16).astype(jnp.uint32)
        huo = lax.bitcast_convert_type(
            hto.astype(jnp.bfloat16), jnp.uint16).astype(jnp.uint32)
        hp_ref[i] = lax.bitcast_convert_type(hue | (huo << 16), jnp.int32)
        a1e = a_ref[:, 2 * i * _OUT:2 * i * _OUT + _H]
        a1o = a_ref[:, 2 * i * _OUT + _H:2 * i * _OUT + _OUT]
        a2e = a_ref[:, 2 * i * _OUT + _OUT:2 * i * _OUT + _OUT + _H]
        a2o = a_ref[:, 2 * i * _OUT + _OUT + _H:2 * (i + 1) * _OUT]
        s1_ref[i] = (
            lax.dot_general(a1e, hte, (((1,), (0,)), ((), ())),
                            preferred_element_type=jnp.float32)
            + lax.dot_general(a1o, hto, (((1,), (0,)), ((), ())),
                              preferred_element_type=jnp.float32))
        s2_ref[i] = (
            lax.dot_general(a2e, hte, (((1,), (0,)), ((), ())),
                            preferred_element_type=jnp.float32)
            + lax.dot_general(a2o, hto, (((1,), (0,)), ((), ())),
                              preferred_element_type=jnp.float32))


def _prep(x, W, a, el):
    return pl.pallas_call(
        _prep_body,
        out_shape=[
            jax.ShapeDtypeStruct((_HOP, _OUT // 2, _N), jnp.int32),
            jax.ShapeDtypeStruct((_HOP, 1, _N), jnp.float32),
            jax.ShapeDtypeStruct((_HOP, 1, _N), jnp.float32),
            jax.ShapeDtypeStruct((_HOP, _E), jnp.int32),
        ],
    )(x, W, a, el)


def _sc_edges(ht_r, s1, s2, edges, zeros):
    mesh = plsc.VectorSubcoreMesh(core_axis_name="c", subcore_axis_name="s")

    @functools.partial(
        pl.kernel,
        out_type=[
            jax.ShapeDtypeStruct((_HOP * _NW * _F * _N,), jnp.float32),
            jax.ShapeDtypeStruct((_HOP * _NS * _N,), jnp.float32),
        ],
        mesh=mesh,
        compiler_params=pltpu.CompilerParams(needs_layout_passes=False),
        scratch_types=[
            pltpu.VMEM(((_F // 2) * _N,), jnp.int32),
            pltpu.VMEM((_F * _N,), jnp.float32),
            pltpu.VMEM((_N,), jnp.float32),
            pltpu.VMEM((_N,), jnp.float32),
            pltpu.VMEM((_N,), jnp.float32),
            pltpu.VMEM((_CH,), jnp.int32),
            pltpu.VMEM((_CH,), jnp.int32),
            pltpu.VMEM((_CH,), jnp.float32),
            pltpu.VMEM((_CH,), jnp.float32),
            pltpu.VMEM_SHARED((_E,), jnp.float32),
            pltpu.SemaphoreType.DMA,
            pltpu.SemaphoreType.DMA,
            pltpu.SemaphoreType.DMA,
            pltpu.SemaphoreType.DMA,
        ],
    )
    def k(ht_hbm, s1_hbm, s2_hbm, e_hbm, z_hbm, acc_hbm, den_hbm,
          h_loc, acc_loc, s1_loc, s2_loc, den_loc,
          epA, epB, wbA, wbB, w_sp, semA, semB, semWA, semWB):
        cid = lax.axis_index("c")
        sid = lax.axis_index("s")
        wid = sid * _NC + cid
        _P1CH = 2000
        _P1SPAN = _E // _NS

        def issue(i, c, ebuf, wbuf, esem, wsem):
            pltpu.async_copy(
                e_hbm.at[pl.ds(i * _E + c * _CH, _CH)], ebuf, esem)
            pltpu.async_copy(w_sp.at[pl.ds(c * _CH, _CH)], wbuf, wsem)

        def drain(ebuf, wbuf, esem, wsem):
            pltpu.make_async_copy(e_hbm.at[pl.ds(0, _CH)], ebuf, esem).wait()
            pltpu.make_async_copy(w_sp.at[pl.ds(0, _CH)], wbuf, wsem).wait()

        def wgroup(base):
            pk = epA[pl.ds(base, 16)]
            src_v = pk & 0xFFFF
            dst_v = jnp.right_shift(pk, 16)
            s1v = plsc.load_gather(s1_loc, [src_v])
            s2v = plsc.load_gather(s2_loc, [dst_v])
            sc = s1v + s2v
            w = jnp.exp(-jnp.maximum(sc, _ALPHA * sc))
            wbA[pl.ds(base, 16)] = w
            plsc.addupdate_scatter(den_loc, [src_v], w)

        def group(eb, wb, base):
            pk = eb[pl.ds(base, 16)]
            src_v = pk & 0xFFFF
            dst_v = jnp.right_shift(pk, 16)
            w = wb[pl.ds(base, 16)]
            for p in range(_F // 2):
                pw = plsc.load_gather(h_loc.at[pl.ds(p * _N, _N)], [dst_v])
                va, vb = plsc.unpack(plsc.bitcast(pw, jnp.bfloat16),
                                     format=plsc.PackFormat.INTERLEAVED,
                                     preferred_element_type=jnp.float32)
                plsc.addupdate_scatter(acc_loc.at[pl.ds(2 * p * _N, _N)],
                                       [src_v], va * w)
                plsc.addupdate_scatter(acc_loc.at[pl.ds((2 * p + 1) * _N, _N)],
                                       [src_v], vb * w)

        def process(eb, wb):
            @plsc.parallel_loop(0, _CH // 16, 1, unroll=_GPI)
            def _body(g):
                group(eb, wb, g * 16)

        _FP = _F // 2
        for i in range(_HOP):
            pltpu.sync_copy(
                ht_hbm.at[pl.ds((i * _NW + wid) * _FP * _N, _FP * _N)], h_loc)
            pltpu.sync_copy(s1_hbm.at[pl.ds(i * _N, _N)], s1_loc)
            pltpu.sync_copy(s2_hbm.at[pl.ds(i * _N, _N)], s2_loc)
            pltpu.sync_copy(z_hbm, acc_loc)
            pltpu.sync_copy(z_hbm.at[pl.ds(0, _N)], den_loc)

            def wchunk(c, carry, i=i):
                base = sid * _P1SPAN + c * _P1CH
                pltpu.sync_copy(e_hbm.at[pl.ds(i * _E + base, _P1CH)],
                                epA.at[pl.ds(0, _P1CH)])

                @plsc.parallel_loop(0, _P1CH // 16, 1, unroll=5)
                def _wbody(g):
                    wgroup(g * 16)

                pltpu.sync_copy(wbA.at[pl.ds(0, _P1CH)],
                                w_sp.at[pl.ds(base, _P1CH)])
                return carry

            lax.fori_loop(0, _P1SPAN // _P1CH, wchunk, 0)

            @pl.when(cid == 0)
            def _(i=i):
                pltpu.sync_copy(den_loc,
                                den_hbm.at[pl.ds((i * _NS + sid) * _N, _N)])

            plsc.subcore_barrier()

            issue(i, 0, epA, wbA, semA, semWA)

            def chunk_pair(c2, carry, i=i):
                c1 = 2 * c2 + 1
                cn = jnp.minimum(2 * c2 + 2, _NCHUNK - 1)
                drain(epA, wbA, semA, semWA)
                issue(i, c1, epB, wbB, semB, semWB)
                process(epA, wbA)
                drain(epB, wbB, semB, semWB)
                issue(i, cn, epA, wbA, semA, semWA)
                process(epB, wbB)
                return carry

            lax.fori_loop(0, _NCHUNK // 2, chunk_pair, 0)
            drain(epA, wbA, semA, semWA)
            pltpu.sync_copy(
                acc_loc,
                acc_hbm.at[pl.ds((i * _NW + wid) * _F * _N, _F * _N)])
            plsc.subcore_barrier()

    return k(ht_r, s1, s2, edges, zeros)


def _finish_body(num_ref, den_ref, out_ref):
    acc = jnp.zeros((_OUT, _N), jnp.float32)
    for i in range(_HOP):
        den = jnp.sum(den_ref[i], axis=0, keepdims=True)
        acc = acc + _COEF[i] * num_ref[i] / den
    out_ref[...] = jnp.where(acc > 0, acc, jnp.exp(acc) - 1.0).T


def _finish(num, den):
    return pl.pallas_call(
        _finish_body,
        out_shape=jax.ShapeDtypeStruct((_N, _OUT), jnp.float32),
    )(num, den)


def kernel(x, k_edge_list, W, a):
    perm = jnp.concatenate([jnp.arange(0, _OUT, 2), jnp.arange(1, _OUT, 2)])
    Wp = W[:, perm]
    ap = a.reshape(2 * _HOP, _OUT)[:, perm].reshape(1, 2 * _OUT * _HOP)
    hp, s1, s2, ep = _prep(x, Wp, ap, k_edge_list)
    hp_r = hp.reshape(_HOP * _NW * (_F // 2) * _N)
    zeros = jnp.zeros((_F * _N,), jnp.float32)
    acc, den = _sc_edges(hp_r, s1.reshape(_HOP * _N), s2.reshape(_HOP * _N),
                         ep.reshape(_HOP * _E), zeros)
    num = acc.reshape(_HOP, _OUT, _N)
    return _finish(num, den.reshape(_HOP, _NS, _N))

# --- scband reference (transcript-rebuilt; emitter-appended) ---
"""Pipeline reference for scband-sp-graph-khop-decent-diff-attention-layer-85847806313251 (READ-ONLY COPY).

The authoritative reference and input builder live on the scoring server;
editing this copy changes nothing except your own understanding.
"""

import jax, jax.numpy as jnp
import numpy as np

N = 10000
IN = 128
OUT = 128
HOP = 3
E = 320000
ALPHA = 0.2
BETA = 0.5


def setup_inputs(seed: int = 0) -> dict:
    key = jax.random.key(seed)
    k1, k2, k3, k4 = jax.random.split(key, 4)
    x = jax.random.normal(k1, (N, IN), dtype=jnp.float32)
    k_edge_list = jax.random.randint(k2, (HOP, 2, E), 0, N, dtype=jnp.int32)
    # xavier_normal with gain=1.414
    w_std = 1.414 * np.sqrt(2.0 / (IN * HOP + OUT))
    a_std = 1.414 * np.sqrt(2.0 / (1 + 2 * OUT * HOP))
    W = jax.random.normal(k3, (IN * HOP, OUT), dtype=jnp.float32) * w_std
    a = jax.random.normal(k4, (1, 2 * OUT * HOP), dtype=jnp.float32) * a_std
    return {"x": x, "k_edge_list": k_edge_list, "W": W, "a": a}


def reference(x, k_edge_list, W, a):
    Nn = x.shape[0]
    h_prime_return = jnp.zeros((Nn, OUT), dtype=x.dtype)
    for i in range(HOP - 1, -1, -1):
        h = x @ W[i * IN:(i + 1) * IN, :]
        cur_edge = k_edge_list[i]
        src = cur_edge[0]
        dst = cur_edge[1]
        # edge_h: [2*OUT, E]
        edge_h = jnp.concatenate([h[src, :], h[dst, :]], axis=1).T
        a_slice = a[:, 2 * i * OUT:(2 * i + 2) * OUT]
        scores = (a_slice @ edge_h).squeeze()
        edge_e = jnp.exp(-jax.nn.leaky_relu(scores, negative_slope=ALPHA))
        # spmm(A, ones(N,1)) == per-row sum of edge values
        e_rowsum = jax.ops.segment_sum(edge_e, src, num_segments=Nn)[:, None]
        # dropout p=0.0 -> identity
        # spmm(A, h): scatter-add of edge_e * h[dst] into rows src
        h_prime = jax.ops.segment_sum(edge_e[:, None] * h[dst, :], src, num_segments=Nn)
        h_prime = h_prime / e_rowsum
        h_prime_return = (1.0 - BETA) * h_prime + BETA * h_prime_return
    return jax.nn.elu(h_prime_return)

if __name__ == "__main__":
    import jax
    _d = setup_inputs()
    print(jax.jit(kernel)(*tuple(_d.values())))

</pallas_src>

<mosaic_0001>
#map = affine_map<(d0, d1) -> (0)>
module attributes {stable_mosaic.version = 14 : i64} {
  func.func @k(%arg0: i32, %arg1: i32, %arg2: memref<1920000xi32, #tpu.memory_space<hbm>>, %arg3: memref<30000xf32, #tpu.memory_space<hbm>>, %arg4: memref<30000xf32, #tpu.memory_space<hbm>>, %arg5: memref<960000xi32, #tpu.memory_space<hbm>>, %arg6: memref<40000xf32, #tpu.memory_space<hbm>>, %arg7: memref<3840000xf32, #tpu.memory_space<hbm>>, %arg8: memref<480000xf32, #tpu.memory_space<hbm>>, %arg9: memref<20000xi32, #tpu.memory_space<vmem>>, %arg10: memref<40000xf32, #tpu.memory_space<vmem>>, %arg11: memref<10000xf32, #tpu.memory_space<vmem>>, %arg12: memref<10000xf32, #tpu.memory_space<vmem>>, %arg13: memref<10000xf32, #tpu.memory_space<vmem>>, %arg14: memref<3200xi32, #tpu.memory_space<vmem>>, %arg15: memref<3200xi32, #tpu.memory_space<vmem>>, %arg16: memref<3200xf32, #tpu.memory_space<vmem>>, %arg17: memref<3200xf32, #tpu.memory_space<vmem>>, %arg18: memref<320000xf32, #tpu.memory_space<vmem_shared>>, %arg19: memref<!tpu.dma_semaphore, #tpu.memory_space<semaphore_mem>>, %arg20: memref<!tpu.dma_semaphore, #tpu.memory_space<semaphore_mem>>, %arg21: memref<!tpu.dma_semaphore, #tpu.memory_space<semaphore_mem>>, %arg22: memref<!tpu.dma_semaphore, #tpu.memory_space<semaphore_mem>>) attributes {dimension_semantics = [#tpu.dimension_semantics<core_parallel>, #tpu.dimension_semantics<subcore_parallel>], iteration_bounds = array<i64: 2, 16>, scalar_prefetch = 0 : i64, scratch_operands = 14 : i64, tpu.core_type = #tpu.core_type<sc_vector_subcore>, window_params = [{transform_indices = #map}, {transform_indices = #map}, {transform_indices = #map}, {transform_indices = #map}, {transform_indices = #map}, {transform_indices = #map}, {transform_indices = #map}]} {
    %mul3A = arith.constant 2 : i32
    %mul3A_0 = arith.muli %arg1, %mul3A : i32
    %add3A = arith.addi %mul3A_0, %arg0 : i32
    %add3A_1 = arith.constant 0 : i32
    %add3A_2 = arith.addi %add3A_1, %add3A : i32
    %mul3A_3 = arith.constant 2 : i32
    %mul3A_4 = arith.muli %add3A_2, %mul3A_3 : i32
    %mul3A_5 = arith.constant 10000 : i32
    %mul3A_6 = arith.muli %mul3A_4, %mul3A_5 : i32
    "tpu.region"() ({
      %run_scoped3A = tpu.sem_alloc : memref<!tpu.dma_semaphore, #tpu.memory_space<semaphore_mem>>
      %dma_start3A_135 = tpu.memref_slice %arg2[%mul3A_6] : memref<1920000xi32, #tpu.memory_space<hbm>> -> memref<20000xi32, #tpu.memory_space<hbm>>
      %dma_start3A_136 = tpu.memref_slice %arg2[%mul3A_6] : memref<1920000xi32, #tpu.memory_space<hbm>> -> memref<20000xi32, #tpu.memory_space<hbm>>
      tpu.enqueue_dma source(%dma_start3A_136 : memref<20000xi32, #tpu.memory_space<hbm>>) target(%arg9 : memref<20000xi32, #tpu.memory_space<vmem>>) target_semaphore(%run_scoped3A : memref<!tpu.dma_semaphore, #tpu.memory_space<semaphore_mem>>)
      %dma_wait3A_137 = tpu.memref_slice %arg2[%mul3A_6] : memref<1920000xi32, #tpu.memory_space<hbm>> -> memref<20000xi32, #tpu.memory_space<hbm>>
      %dma_wait3A_138 = tpu.memref_slice %arg2[%mul3A_6] : memref<1920000xi32, #tpu.memory_space<hbm>> -> memref<20000xi32, #tpu.memory_space<hbm>>
      tpu.wait_dma2 semaphore(%run_scoped3A : memref<!tpu.dma_semaphore, #tpu.memory_space<semaphore_mem>>) src(%dma_wait3A_138 : memref<20000xi32, #tpu.memory_space<hbm>>) dst(%arg9 : memref<20000xi32, #tpu.memory_space<vmem>>)
      tpu.yield
    }) : () -> ()
    "tpu.region"() ({
      %run_scoped3A = tpu.sem_alloc : memref<!tpu.dma_semaphore, #tpu.memory_space<semaphore_mem>>
      %dma_start3A_135 = arith.constant 0 : i32
      %dma_start3A_136 = tpu.memref_slice %arg3[%dma_start3A_135] : memref<30000xf32, #tpu.memory_space<hbm>> -> memref<10000xf32, #tpu.memory_space<hbm>>
      %dma_start3A_137 = arith.constant 0 : i32
      %dma_start3A_138 = tpu.memref_slice %arg3[%dma_start3A_137] : memref<30000xf32, #tpu.memory_space<hbm>> -> memref<10000xf32, #tpu.memory_space<hbm>>
      tpu.enqueue_dma source(%dma_start3A_138 : memref<10000xf32, #tpu.memory_space<hbm>>) target(%arg11 : memref<10000xf32, #tpu.memory_space<vmem>>) target_semaphore(%run_scoped3A : memref<!tpu.dma_semaphore, #tpu.memory_space<semaphore_mem>>)
      %dma_wait3A_139 = arith.constant 0 : i32
      %dma_wait3A_140 = tpu.memref_slice %arg3[%dma_wait3A_139] : memref<30000xf32, #tpu.memory_space<hbm>> -> memref<10000xf32, #tpu.memory_space<hbm>>
      %dma_wait3A_141 = arith.constant 0 : i32
      %dma_wait3A_142 = tpu.memref_slice %arg3[%dma_wait3A_141] : memref<30000xf32, #tpu.memory_space<hbm>> -> memref<10000xf32, #tpu.memory_space<hbm>>
      tpu.wait_dma2 semaphore(%run_scoped3A : memref<!tpu.dma_semaphore, #tpu.memory_space<semaphore_mem>>) src(%dma_wait3A_142 : memref<10000xf32, #tpu.memory_space<hbm>>) dst(%arg11 : memref<10000xf32, #tpu.memory_space<vmem>>)
      tpu.yield
    }) : () -> ()
    "tpu.region"() ({
      %run_scoped3A = tpu.sem_alloc : memref<!tpu.dma_semaphore, #tpu.memory_space<semaphore_mem>>
      %dma_start3A_135 = arith.constant 0 : i32
      %dma_start3A_136 = tpu.memref_slice %arg4[%dma_start3A_135] : memref<30000xf32, #tpu.memory_space<hbm>> -> memref<10000xf32, #tpu.memory_space<hbm>>
      %dma_start3A_137 = arith.constant 0 : i32
      %dma_start3A_138 = tpu.memref_slice %arg4[%dma_start3A_137] : memref<30000xf32, #tpu.memory_space<hbm>> -> memref<10000xf32, #tpu.memory_space<hbm>>
      tpu.enqueue_dma source(%dma_start3A_138 : memref<10000xf32, #tpu.memory_space<hbm>>) target(%arg12 : memref<10000xf32, #tpu.memory_space<vmem>>) target_semaphore(%run_scoped3A : memref<!tpu.dma_semaphore, #tpu.memory_space<semaphore_mem>>)
      %dma_wait3A_139 = arith.constant 0 : i32
      %dma_wait3A_140 = tpu.memref_slice %arg4[%dma_wait3A_139] : memref<30000xf32, #tpu.memory_space<hbm>> -> memref<10000xf32, #tpu.memory_space<hbm>>
      %dma_wait3A_141 = arith.constant 0 : i32
      %dma_wait3A_142 = tpu.memref_slice %arg4[%dma_wait3A_141] : memref<30000xf32, #tpu.memory_space<hbm>> -> memref<10000xf32, #tpu.memory_space<hbm>>
      tpu.wait_dma2 semaphore(%run_scoped3A : memref<!tpu.dma_semaphore, #tpu.memory_space<semaphore_mem>>) src(%dma_wait3A_142 : memref<10000xf32, #tpu.memory_space<hbm>>) dst(%arg12 : memref<10000xf32, #tpu.memory_space<vmem>>)
      tpu.yield
    }) : () -> ()
    "tpu.region"() ({
      %run_scoped3A = tpu.sem_alloc : memref<!tpu.dma_semaphore, #tpu.memory_space<semaphore_mem>>
      tpu.enqueue_dma source(%arg6 : memref<40000xf32, #tpu.memory_space<hbm>>) target(%arg10 : memref<40000xf32, #tpu.memory_space<vmem>>) target_semaphore(%run_scoped3A : memref<!tpu.dma_semaphore, #tpu.memory_space<semaphore_mem>>)
      tpu.wait_dma2 semaphore(%run_scoped3A : memref<!tpu.dma_semaphore, #tpu.memory_space<semaphore_mem>>) src(%arg6 : memref<40000xf32, #tpu.memory_space<hbm>>) dst(%arg10 : memref<40000xf32, #tpu.memory_space<vmem>>)
      tpu.yield
    }) : () -> ()
    "tpu.region"() ({
      %run_scoped3A = tpu.sem_alloc : memref<!tpu.dma_semaphore, #tpu.memory_space<semaphore_mem>>
      %dma_start3A_135 = arith.constant 0 : i32
      %dma_start3A_136 = tpu.memref_slice %arg6[%dma_start3A_135] : memref<40000xf32, #tpu.memory_space<hbm>> -> memref<10000xf32, #tpu.memory_space<hbm>>
      %dma_start3A_137 = arith.constant 0 : i32
      %dma_start3A_138 = tpu.memref_slice %arg6[%dma_start3A_137] : memref<40000xf32, #tpu.memory_space<hbm>> -> memref<10000xf32, #tpu.memory_space<hbm>>
      tpu.enqueue_dma source(%dma_start3A_138 : memref<10000xf32, #tpu.memory_space<hbm>>) target(%arg13 : memref<10000xf32, #tpu.memory_space<vmem>>) target_semaphore(%run_scoped3A : memref<!tpu.dma_semaphore, #tpu.memory_space<semaphore_mem>>)
      %dma_wait3A_139 = arith.constant 0 : i32
      %dma_wait3A_140 = tpu.memref_slice %arg6[%dma_wait3A_139] : memref<40000xf32, #tpu.memory_space<hbm>> -> memref<10000xf32, #tpu.memory_space<hbm>>
      %dma_wait3A_141 = arith.constant 0 : i32
      %dma_wait3A_142 = tpu.memref_slice %arg6[%dma_wait3A_141] : memref<40000xf32, #tpu.memory_space<hbm>> -> memref<10000xf32, #tpu.memory_space<hbm>>
      tpu.wait_dma2 semaphore(%run_scoped3A : memref<!tpu.dma_semaphore, #tpu.memory_space<semaphore_mem>>) src(%dma_wait3A_142 : memref<10000xf32, #tpu.memory_space<hbm>>) dst(%arg13 : memref<10000xf32, #tpu.memory_space<vmem>>)
      tpu.yield
    }) : () -> ()
    %scan3A = arith.constant 0 : i32
    %scan3A_7 = arith.constant 0 : i32
    %scan3A_8 = arith.constant 10 : i32
    %scan3A_9 = arith.addi %scan3A_7, %scan3A_8 : i32
    %scan3A_10 = arith.constant 1 : i32
    scf.for %scan3A_135 = %scan3A_7 to %scan3A_9 step %scan3A_10  : i32 {
      %mul3A_136 = arith.constant 20000 : i32
      %mul3A_137 = arith.muli %arg1, %mul3A_136 : i32
      %mul3A_138 = arith.constant 2000 : i32
      %mul3A_139 = arith.muli %scan3A_135, %mul3A_138 : i32
      %add3A_140 = arith.addi %mul3A_137, %mul3A_139 : i32
      %add3A_141 = arith.constant 0 : i32
      %add3A_142 = arith.addi %add3A_141, %add3A_140 : i32
      "tpu.region"() ({
        %run_scoped3A = tpu.sem_alloc : memref<!tpu.dma_semaphore, #tpu.memory_space<semaphore_mem>>
        %dma_start3A_145 = arith.constant 0 : i32
        %dma_start3A_146 = tpu.memref_slice %arg14[%dma_start3A_145] : memref<3200xi32, #tpu.memory_space<vmem>> -> memref<2000xi32, #tpu.memory_space<vmem>>
        %dma_start3A_147 = tpu.memref_slice %arg5[%add3A_142] : memref<960000xi32, #tpu.memory_space<hbm>> -> memref<2000xi32, #tpu.memory_space<hbm>>
        %dma_start3A_148 = arith.constant 0 : i32
        %dma_start3A_149 = tpu.memref_slice %arg14[%dma_start3A_148] : memref<3200xi32, #tpu.memory_space<vmem>> -> memref<2000xi32, #tpu.memory_space<vmem>>
        %dma_start3A_150 = tpu.memref_slice %arg5[%add3A_142] : memref<960000xi32, #tpu.memory_space<hbm>> -> memref<2000xi32, #tpu.memory_space<hbm>>
        tpu.enqueue_dma source(%dma_start3A_150 : memref<2000xi32, #tpu.memory_space<hbm>>) target(%dma_start3A_149 : memref<2000xi32, #tpu.memory_space<vmem>>) target_semaphore(%run_scoped3A : memref<!tpu.dma_semaphore, #tpu.memory_space<semaphore_mem>>)
        %dma_wait3A_151 = arith.constant 0 : i32
        %dma_wait3A_152 = tpu.memref_slice %arg14[%dma_wait3A_151] : memref<3200xi32, #tpu.memory_space<vmem>> -> memref<2000xi32, #tpu.memory_space<vmem>>
        %dma_wait3A_153 = tpu.memref_slice %arg5[%add3A_142] : memref<960000xi32, #tpu.memory_space<hbm>> -> memref<2000xi32, #tpu.memory_space<hbm>>
        %dma_wait3A_154 = arith.constant 0 : i32
        %dma_wait3A_155 = tpu.memref_slice %arg14[%dma_wait3A_154] : memref<3200xi32, #tpu.memory_space<vmem>> -> memref<2000xi32, #tpu.memory_space<vmem>>
        %dma_wait3A_156 = tpu.memref_slice %arg5[%add3A_142] : memref<960000xi32, #tpu.memory_space<hbm>> -> memref<2000xi32, #tpu.memory_space<hbm>>
        tpu.wait_dma2 semaphore(%run_scoped3A : memref<!tpu.dma_semaphore, #tpu.memory_space<semaphore_mem>>) src(%dma_wait3A_156 : memref<2000xi32, #tpu.memory_space<hbm>>) dst(%dma_wait3A_155 : memref<2000xi32, #tpu.memory_space<vmem>>)
        tpu.yield
      }) : () -> ()
      %parallel_loop3A = arith.constant 0 : i32
      %parallel_loop3A_143 = arith.constant 125 : i32
      %parallel_loop3A_144 = arith.constant 1 : i32
      scf.for %parallel_loop3A_145 = %parallel_loop3A to %parallel_loop3A_143 step %parallel_loop3A_144  : i32 {
        %parallel_loop3A_146 = arith.constant 16 : i32
        %parallel_loop3A_147 = arith.muli %parallel_loop3A_145, %parallel_loop3A_146 : i32
        %parallel_loop3A_148 = arith.index_cast %parallel_loop3A_147 : i32 to index
        %parallel_loop3A_149 = tpu.vector_load %arg14[%parallel_loop3A_148] {strides = array<i32>} : memref<3200xi32, #tpu.memory_space<vmem>>, vector<16xi32>,
        %parallel_loop3A_150 = arith.constant 65535 : i32
        %parallel_loop3A_151 = vector.broadcast %parallel_loop3A_150 : i32 to vector<16xi32>
        %parallel_loop3A_152 = arith.andi %parallel_loop3A_149, %parallel_loop3A_151 : vector<16xi32>
        %parallel_loop3A_153 = arith.constant 16 : i32
        %parallel_loop3A_154 = vector.broadcast %parallel_loop3A_153 : i32 to vector<16xi32>
        %parallel_loop3A_155 = arith.shrsi %parallel_loop3A_149, %parallel_loop3A_154 : vector<16xi32>
        %parallel_loop3A_156 = tpu.vector_load_idx %arg11[%parallel_loop3A_152] : memref<10000xf32, #tpu.memory_space<vmem>>[vector<16xi32>], vector<16xf32>,
        %parallel_loop3A_157 = tpu.vector_load_idx %arg12[%parallel_loop3A_155] : memref<10000xf32, #tpu.memory_space<vmem>>[vector<16xi32>], vector<16xf32>,
        %parallel_loop3A_158 = arith.addf %parallel_loop3A_156, %parallel_loop3A_157 : vector<16xf32>
        %parallel_loop3A_159 = arith.constant 2.000000e-01 : f32
        %parallel_loop3A_160 = vector.broadcast %parallel_loop3A_159 : f32 to vector<16xf32>
        %parallel_loop3A_161 = arith.mulf %parallel_loop3A_160, %parallel_loop3A_158 : vector<16xf32>
        %parallel_loop3A_162 = arith.maximumf %parallel_loop3A_158, %parallel_loop3A_161 : vector<16xf32>
        %parallel_loop3A_163 = arith.constant 0.000000e+00 : f32
        %parallel_loop3A_164 = vector.broadcast %parallel_loop3A_163 : f32 to vector<16xf32>
        %parallel_loop3A_165 = arith.subf %parallel_loop3A_164, %parallel_loop3A_162 : vector<16xf32>
        %parallel_loop3A_166 = math.exp %parallel_loop3A_165 : vector<16xf32>
        %parallel_loop3A_167 = arith.index_cast %parallel_loop3A_147 : i32 to index
        %parallel_loop3A_168 = tpu.vector_load %arg16[%parallel_loop3A_167] {strides = array<i32>} : memref<3200xf32, #tpu.memory_space<vmem>>, vector<16xf32>,
        tpu.vector_store %arg16[%parallel_loop3A_167], %parallel_loop3A_166 {strides = array<i32>} : memref<3200xf32, #tpu.memory_space<vmem>>, vector<16xf32>,
        tpu.vector_store_idx %arg13[%parallel_loop3A_152], %parallel_loop3A_166 {add = true} : memref<10000xf32, #tpu.memory_space<vmem>>[vector<16xi32>], vector<16xf32>,
      } {sc.loop_unroll_factor = 5 : i64, sc.parallel_access}
      "tpu.region"() ({
        %run_scoped3A = tpu.sem_alloc : memref<!tpu.dma_semaphore, #tpu.memory_space<semaphore_mem>>
        %dma_start3A_145 = arith.constant 0 : i32
        %dma_start3A_146 = tpu.memref_slice %arg16[%dma_start3A_145] : memref<3200xf32, #tpu.memory_space<vmem>> -> memref<2000xf32, #tpu.memory_space<vmem>>
        %dma_start3A_147 = tpu.memref_slice %arg18[%add3A_140] : memref<320000xf32, #tpu.memory_space<vmem_shared>> -> memref<2000xf32, #tpu.memory_space<vmem_shared>>
        %dma_start3A_148 = tpu.memref_slice %arg18[%add3A_140] : memref<320000xf32, #tpu.memory_space<vmem_shared>> -> memref<2000xf32, #tpu.memory_space<vmem_shared>>
        %dma_start3A_149 = arith.constant 0 : i32
        %dma_start3A_150 = tpu.memref_slice %arg16[%dma_start3A_149] : memref<3200xf32, #tpu.memory_space<vmem>> -> memref<2000xf32, #tpu.memory_space<vmem>>
        tpu.enqueue_dma source(%dma_start3A_150 : memref<2000xf32, #tpu.memory_space<vmem>>) target(%dma_start3A_148 : memref<2000xf32, #tpu.memory_space<vmem_shared>>) target_semaphore(%run_scoped3A : memref<!tpu.dma_semaphore, #tpu.memory_space<semaphore_mem>>)
        %dma_wait3A_151 = arith.constant 0 : i32
        %dma_wait3A_152 = tpu.memref_slice %arg16[%dma_wait3A_151] : memref<3200xf32, #tpu.memory_space<vmem>> -> memref<2000xf32, #tpu.memory_space<vmem>>
        %dma_wait3A_153 = tpu.memref_slice %arg18[%add3A_140] : memref<320000xf32, #tpu.memory_space<vmem_shared>> -> memref<2000xf32, #tpu.memory_space<vmem_shared>>
        %dma_wait3A_154 = tpu.memref_slice %arg18[%add3A_140] : memref<320000xf32, #tpu.memory_space<vmem_shared>> -> memref<2000xf32, #tpu.memory_space<vmem_shared>>
        %dma_wait3A_155 = arith.constant 0 : i32
        %dma_wait3A_156 = tpu.memref_slice %arg16[%dma_wait3A_155] : memref<3200xf32, #tpu.memory_space<vmem>> -> memref<2000xf32, #tpu.memory_space<vmem>>
        tpu.wait_dma2 semaphore(%run_scoped3A : memref<!tpu.dma_semaphore, #tpu.memory_space<semaphore_mem>>) src(%dma_wait3A_156 : memref<2000xf32, #tpu.memory_space<vmem>>) dst(%dma_wait3A_154 : memref<2000xf32, #tpu.memory_space<vmem_shared>>)
        tpu.yield
      }) : () -> ()
    }
    %scan3A_11 = arith.constant 10 : i32
    %eq3A = arith.constant 0 : i32
    %eq3A_12 = arith.cmpi eq, %arg0, %eq3A : i32
    %convert_element_type3A = arith.extui %eq3A_12 : i1 to i32
    %cond3A = arith.constant 0 : i32
    %cond3A_13 = arith.cmpi ne, %convert_element_type3A, %cond3A : i32
    scf.if %cond3A_13 {
      %add3A_135 = arith.constant 0 : i32
      %add3A_136 = arith.addi %add3A_135, %arg1 : i32
      %mul3A_137 = arith.constant 10000 : i32
      %mul3A_138 = arith.muli %add3A_136, %mul3A_137 : i32
      "tpu.region"() ({
        %run_scoped3A = tpu.sem_alloc : memref<!tpu.dma_semaphore, #tpu.memory_space<semaphore_mem>>
        %dma_start3A_139 = tpu.memref_slice %arg8[%mul3A_138] : memref<480000xf32, #tpu.memory_space<hbm>> -> memref<10000xf32, #tpu.memory_space<hbm>>
        %dma_start3A_140 = tpu.memref_slice %arg8[%mul3A_138] : memref<480000xf32, #tpu.memory_space<hbm>> -> memref<10000xf32, #tpu.memory_space<hbm>>
        tpu.enqueue_dma source(%arg13 : memref<10000xf32, #tpu.memory_space<vmem>>) target(%dma_start3A_140 : memref<10000xf32, #tpu.memory_space<hbm>>) target_semaphore(%run_scoped3A : memref<!tpu.dma_semaphore, #tpu.memory_space<semaphore_mem>>)
        %dma_wait3A_141 = tpu.memref_slice %arg8[%mul3A_138] : memref<480000xf32, #tpu.memory_space<hbm>> -> memref<10000xf32, #tpu.memory_space<hbm>>
        %dma_wait3A_142 = tpu.memref_slice %arg8[%mul3A_138] : memref<480000xf32, #tpu.memory_space<hbm>> -> memref<10000xf32, #tpu.memory_space<hbm>>
        tpu.wait_dma2 semaphore(%run_scoped3A : memref<!tpu.dma_semaphore, #tpu.memory_space<semaphore_mem>>) src(%arg13 : memref<10000xf32, #tpu.memory_space<vmem>>) dst(%dma_wait3A_142 : memref<10000xf32, #tpu.memory_space<hbm>>)
        tpu.yield
      }) : () -> ()
    } else {
    }
    %barrier3A = arith.constant 0 : index
    tpu.barrier barrier_id(%barrier3A)
    %dma_start3A = arith.constant 0 : i32
    %dma_start3A_14 = tpu.memref_slice %arg5[%dma_start3A] : memref<960000xi32, #tpu.memory_space<hbm>> -> memref<3200xi32, #tpu.memory_space<hbm>>
    %dma_start3A_15 = arith.constant 0 : i32
    %dma_start3A_16 = tpu.memref_slice %arg5[%dma_start3A_15] : memref<960000xi32, #tpu.memory_space<hbm>> -> memref<3200xi32, #tpu.memory_space<hbm>>
    tpu.enqueue_dma source(%dma_start3A_16 : memref<3200xi32, #tpu.memory_space<hbm>>) target(%arg14 : memref<3200xi32, #tpu.memory_space<vmem>>) target_semaphore(%arg19 : memref<!tpu.dma_semaphore, #tpu.memory_space<semaphore_mem>>)
    %dma_start3A_17 = arith.constant 0 : i32
    %dma_start3A_18 = tpu.memref_slice %arg18[%dma_start3A_17] : memref<320000xf32, #tpu.memory_space<vmem_shared>> -> memref<3200xf32, #tpu.memory_space<vmem_shared>>
    %dma_start3A_19 = arith.constant 0 : i32
    %dma_start3A_20 = tpu.memref_slice %arg18[%dma_start3A_19] : memref<320000xf32, #tpu.memory_space<vmem_shared>> -> memref<3200xf32, #tpu.memory_space<vmem_shared>>
    tpu.enqueue_dma source(%dma_start3A_20 : memref<3200xf32, #tpu.memory_space<vmem_shared>>) target(%arg16 : memref<3200xf32, #tpu.memory_space<vmem>>) target_semaphore(%arg21 : memref<!tpu.dma_semaphore, #tpu.memory_space<semaphore_mem>>)
    %scan3A_21 = arith.constant 0 : i32
    %scan3A_22 = arith.constant 0 : i32
    %scan3A_23 = arith.constant 50 : i32
    %scan3A_24 = arith.addi %scan3A_22, %scan3A_23 : i32
    %scan3A_25 = arith.constant 1 : i32
    scf.for %scan3A_135 = %scan3A_22 to %scan3A_24 step %scan3A_25  : i32 {
      %mul3A_136 = arith.constant 2 : i32
      %mul3A_137 = arith.muli %mul3A_136, %scan3A_135 : i32
      %add3A_138 = arith.constant 1 : i32
      %add3A_139 = arith.addi %mul3A_137, %add3A_138 : i32
      %mul3A_140 = arith.constant 2 : i32
      %mul3A_141 = arith.muli %mul3A_140, %scan3A_135 : i32
      %add3A_142 = arith.constant 2 : i32
      %add3A_143 = arith.addi %mul3A_141, %add3A_142 : i32
      %min3A = arith.constant 99 : i32
      %min3A_144 = arith.minsi %add3A_143, %min3A : i32
      %dma_wait3A_145 = arith.constant 0 : i32
      %dma_wait3A_146 = tpu.memref_slice %arg5[%dma_wait3A_145] : memref<960000xi32, #tpu.memory_space<hbm>> -> memref<3200xi32, #tpu.memory_space<hbm>>
      %dma_wait3A_147 = arith.constant 0 : i32
      %dma_wait3A_148 = tpu.memref_slice %arg5[%dma_wait3A_147] : memref<960000xi32, #tpu.memory_space<hbm>> -> memref<3200xi32, #tpu.memory_space<hbm>>
      tpu.wait_dma2 semaphore(%arg19 : memref<!tpu.dma_semaphore, #tpu.memory_space<semaphore_mem>>) src(%dma_wait3A_148 : memref<3200xi32, #tpu.memory_space<hbm>>) dst(%arg14 : memref<3200xi32, #tpu.memory_space<vmem>>)
      %dma_wait3A_149 = arith.constant 0 : i32
      %dma_wait3A_150 = tpu.memref_slice %arg18[%dma_wait3A_149] : memref<320000xf32, #tpu.memory_space<vmem_shared>> -> memref<3200xf32, #tpu.memory_space<vmem_shared>>
      %dma_wait3A_151 = arith.constant 0 : i32
      %dma_wait3A_152 = tpu.memref_slice %arg18[%dma_wait3A_151] : memref<320000xf32, #tpu.memory_space<vmem_shared>> -> memref<3200xf32, #tpu.memory_space<vmem_shared>>
      tpu.wait_dma2 semaphore(%arg21 : memref<!tpu.dma_semaphore, #tpu.memory_space<semaphore_mem>>) src(%dma_wait3A_152 : memref<3200xf32, #tpu.memory_space<vmem_shared>>) dst(%arg16 : memref<3200xf32, #tpu.memory_space<vmem>>)
      %mul3A_153 = arith.constant 3200 : i32
      %mul3A_154 = arith.muli %add3A_139, %mul3A_153 : i32
      %add3A_155 = arith.constant 0 : i32
      %add3A_156 = arith.addi %add3A_155, %mul3A_154 : i32
      %dma_start3A_157 = tpu.memref_slice %arg5[%add3A_156] : memref<960000xi32, #tpu.memory_space<hbm>> -> memref<3200xi32, #tpu.memory_space<hbm>>
      %dma_start3A_158 = tpu.memref_slice %arg5[%add3A_156] : memref<960000xi32, #tpu.memory_space<hbm>> -> memref<3200xi32, #tpu.memory_space<hbm>>
      tpu.enqueue_dma source(%dma_start3A_158 : memref<3200xi32, #tpu.memory_space<hbm>>) target(%arg15 : memref<3200xi32, #tpu.memory_space<vmem>>) target_semaphore(%arg20 : memref<!tpu.dma_semaphore, #tpu.memory_space<semaphore_mem>>)
      %mul3A_159 = arith.constant 3200 : i32
      %mul3A_160 = arith.muli %add3A_139, %mul3A_159 : i32
      %dma_start3A_161 = tpu.memref_slice %arg18[%mul3A_160] : memref<320000xf32, #tpu.memory_space<vmem_shared>> -> memref<3200xf32, #tpu.memory_space<vmem_shared>>
      %dma_start3A_162 = tpu.memref_slice %arg18[%mul3A_160] : memref<320000xf32, #tpu.memory_space<vmem_shared>> -> memref<3200xf32, #tpu.memory_space<vmem_shared>>
      tpu.enqueue_dma source(%dma_start3A_162 : memref<3200xf32, #tpu.memory_space<vmem_shared>>) target(%arg17 : memref<3200xf32, #tpu.memory_space<vmem>>) target_semaphore(%arg22 : memref<!tpu.dma_semaphore, #tpu.memory_space<semaphore_mem>>)
      %parallel_loop3A = arith.constant 0 : i32
      %parallel_loop3A_163 = arith.constant 200 : i32
      %parallel_loop3A_164 = arith.constant 1 : i32
      scf.for %parallel_loop3A_186 = %parallel_loop3A to %parallel_loop3A_163 step %parallel_loop3A_164  : i32 {
        %parallel_loop3A_187 = arith.constant 16 : i32
        %parallel_loop3A_188 = arith.muli %parallel_loop3A_186, %parallel_loop3A_187 : i32
        %parallel_loop3A_189 = arith.index_cast %parallel_loop3A_188 : i32 to index
        %parallel_loop3A_190 = tpu.vector_load %arg14[%parallel_loop3A_189] {strides = array<i32>} : memref<3200xi32, #tpu.memory_space<vmem>>, vector<16xi32>,
        %parallel_loop3A_191 = arith.constant 65535 : i32
        %parallel_loop3A_192 = vector.broadcast %parallel_loop3A_191 : i32 to vector<16xi32>
        %parallel_loop3A_193 = arith.andi %parallel_loop3A_190, %parallel_loop3A_192 : vector<16xi32>
        %parallel_loop3A_194 = arith.constant 16 : i32
        %parallel_loop3A_195 = vector.broadcast %parallel_loop3A_194 : i32 to vector<16xi32>
        %parallel_loop3A_196 = arith.shrsi %parallel_loop3A_190, %parallel_loop3A_195 : vector<16xi32>
        %parallel_loop3A_197 = arith.index_cast %parallel_loop3A_188 : i32 to index
        %parallel_loop3A_198 = tpu.vector_load %arg16[%parallel_loop3A_197] {strides = array<i32>} : memref<3200xf32, #tpu.memory_space<vmem>>, vector<16xf32>,
        %parallel_loop3A_199 = arith.constant 0 : i32
        %parallel_loop3A_200 = tpu.memref_slice %arg9[%parallel_loop3A_199] : memref<20000xi32, #tpu.memory_space<vmem>> -> memref<10000xi32, #tpu.memory_space<vmem>>
        %parallel_loop3A_201 = tpu.vector_load_idx %parallel_loop3A_200[%parallel_loop3A_196] : memref<10000xi32, #tpu.memory_space<vmem>>[vector<16xi32>], vector<16xi32>,
        %parallel_loop3A_202 = vector.bitcast %parallel_loop3A_201 : vector<16xi32> to vector<32xbf16>
        %parallel_loop3A_203 = tpu.unpack_subelements %parallel_loop3A_202, 0 {pack_format = #tpu.pack_format<interleaved>} : vector<32xbf16> -> vector<16xf32>
        %parallel_loop3A_204 = tpu.unpack_subelements %parallel_loop3A_202, 1 {pack_format = #tpu.pack_format<interleaved>} : vector<32xbf16> -> vector<16xf32>
        %parallel_loop3A_205 = arith.mulf %parallel_loop3A_203, %parallel_loop3A_198 : vector<16xf32>
        %parallel_loop3A_206 = arith.constant 0 : i32
        %parallel_loop3A_207 = tpu.memref_slice %arg10[%parallel_loop3A_206] : memref<40000xf32, #tpu.memory_space<vmem>> -> memref<10000xf32, #tpu.memory_space<vmem>>
        tpu.vector_store_idx %parallel_loop3A_207[%parallel_loop3A_193], %parallel_loop3A_205 {add = true} : memref<10000xf32, #tpu.memory_space<vmem>>[vector<16xi32>], vector<16xf32>,
        %parallel_loop3A_208 = arith.mulf %parallel_loop3A_204, %parallel_loop3A_198 : vector<16xf32>
        %parallel_loop3A_209 = arith.constant 10000 : i32
        %parallel_loop3A_210 = tpu.memref_slice %arg10[%parallel_loop3A_209] : memref<40000xf32, #tpu.memory_space<vmem>> -> memref<10000xf32, #tpu.memory_space<vmem>>
        tpu.vector_store_idx %parallel_loop3A_210[%parallel_loop3A_193], %parallel_loop3A_208 {add = true} : memref<10000xf32, #tpu.memory_space<vmem>>[vector<16xi32>], vector<16xf32>,
        %parallel_loop3A_211 = arith.constant 10000 : i32
        %parallel_loop3A_212 = tpu.memref_slice %arg9[%parallel_loop3A_211] : memref<20000xi32, #tpu.memory_space<vmem>> -> memref<10000xi32, #tpu.memory_space<vmem>>
        %parallel_loop3A_213 = tpu.vector_load_idx %parallel_loop3A_212[%parallel_loop3A_196] : memref<10000xi32, #tpu.memory_space<vmem>>[vector<16xi32>], vector<16xi32>,
        %parallel_loop3A_214 = vector.bitcast %parallel_loop3A_213 : vector<16xi32> to vector<32xbf16>
        %parallel_loop3A_215 = tpu.unpack_subelements %parallel_loop3A_214, 0 {pack_format = #tpu.pack_format<interleaved>} : vector<32xbf16> -> vector<16xf32>
        %parallel_loop3A_216 = tpu.unpack_subelements %parallel_loop3A_214, 1 {pack_format = #tpu.pack_format<interleaved>} : vector<32xbf16> -> vector<16xf32>
        %parallel_loop3A_217 = arith.mulf %parallel_loop3A_215, %parallel_loop3A_198 : vector<16xf32>
        %parallel_loop3A_218 = arith.constant 20000 : i32
        %parallel_loop3A_219 = tpu.memref_slice %arg10[%parallel_loop3A_218] : memref<40000xf32, #tpu.memory_space<vmem>> -> memref<10000xf32, #tpu.memory_space<vmem>>
        tpu.vector_store_idx %parallel_loop3A_219[%parallel_loop3A_193], %parallel_loop3A_217 {add = true} : memref<10000xf32, #tpu.memory_space<vmem>>[vector<16xi32>], vector<16xf32>,
        %parallel_loop3A_220 = arith.mulf %parallel_loop3A_216, %parallel_loop3A_198 : vector<16xf32>
        %parallel_loop3A_221 = arith.constant 30000 : i32
        %parallel_loop3A_222 = tpu.memref_slice %arg10[%parallel_loop3A_221] : memref<40000xf32, #tpu.memory_space<vmem>> -> memref<10000xf32, #tpu.memory_space<vmem>>
        tpu.vector_store_idx %parallel_loop3A_222[%parallel_loop3A_193], %parallel_loop3A_220 {add = true} : memref<10000xf32, #tpu.memory_space<vmem>>[vector<16xi32>], vector<16xf32>,
      } {sc.loop_unroll_factor = 8 : i64, sc.parallel_access}
      %dma_wait3A_165 = arith.constant 0 : i32
      %dma_wait3A_166 = tpu.memref_slice %arg5[%dma_wait3A_165] : memref<960000xi32, #tpu.memory_space<hbm>> -> memref<3200xi32, #tpu.memory_space<hbm>>
      %dma_wait3A_167 = arith.constant 0 : i32
      %dma_wait3A_168 = tpu.memref_slice %arg5[%dma_wait3A_167] : memref<960000xi32, #tpu.memory_space<hbm>> -> memref<3200xi32, #tpu.memory_space<hbm>>
      tpu.wait_dma2 semaphore(%arg20 : memref<!tpu.dma_semaphore, #tpu.memory_space<semaphore_mem>>) src(%dma_wait3A_168 : memref<3200xi32, #tpu.memory_space<hbm>>) dst(%arg15 : memref<3200xi32, #tpu.memory_space<vmem>>)
      %dma_wait3A_169 = arith.constant 0 : i32
      %dma_wait3A_170 = tpu.memref_slice %arg18[%dma_wait3A_169] : memref<320000xf32, #tpu.memory_space<vmem_shared>> -> memref<3200xf32, #tpu.memory_space<vmem_shared>>
      %dma_wait3A_171 = arith.constant 0 : i32
      %dma_wait3A_172 = tpu.memref_slice %arg18[%dma_wait3A_171] : memref<320000xf32, #tpu.memory_space<vmem_shared>> -> memref<3200xf32, #tpu.memory_space<vmem_shared>>
      tpu.wait_dma2 semaphore(%arg22 : memref<!tpu.dma_semaphore, #tpu.memory_space<semaphore_mem>>) src(%dma_wait3A_172 : memref<3200xf32, #tpu.memory_space<vmem_shared>>) dst(%arg17 : memref<3200xf32, #tpu.memory_space<vmem>>)
      %mul3A_173 = arith.constant 3200 : i32
      %mul3A_174 = arith.muli %min3A_144, %mul3A_173 : i32
      %add3A_175 = arith.constant 0 : i32
      %add3A_176 = arith.addi %add3A_175, %mul3A_174 : i32
      %dma_start3A_177 = tpu.memref_slice %arg5[%add3A_176] : memref<960000xi32, #tpu.memory_space<hbm>> -> memref<3200xi32, #tpu.memory_space<hbm>>
      %dma_start3A_178 = tpu.memref_slice %arg5[%add3A_176] : memref<960000xi32, #tpu.memory_space<hbm>> -> memref<3200xi32, #tpu.memory_space<hbm>>
      tpu.enqueue_dma source(%dma_start3A_178 : memref<3200xi32, #tpu.memory_space<hbm>>) target(%arg14 : memref<3200xi32, #tpu.memory_space<vmem>>) target_semaphore(%arg19 : memref<!tpu.dma_semaphore, #tpu.memory_space<semaphore_mem>>)
      %mul3A_179 = arith.constant 3200 : i32
      %mul3A_180 = arith.muli %min3A_144, %mul3A_179 : i32
      %dma_start3A_181 = tpu.memref_slice %arg18[%mul3A_180] : memref<320000xf32, #tpu.memory_space<vmem_shared>> -> memref<3200xf32, #tpu.memory_space<vmem_shared>>
      %dma_start3A_182 = tpu.memref_slice %arg18[%mul3A_180] : memref<320000xf32, #tpu.memory_space<vmem_shared>> -> memref<3200xf32, #tpu.memory_space<vmem_shared>>
      tpu.enqueue_dma source(%dma_start3A_182 : memref<3200xf32, #tpu.memory_space<vmem_shared>>) target(%arg16 : memref<3200xf32, #tpu.memory_space<vmem>>) target_semaphore(%arg21 : memref<!tpu.dma_semaphore, #tpu.memory_space<semaphore_mem>>)
      %parallel_loop3A_183 = arith.constant 0 : i32
      %parallel_loop3A_184 = arith.constant 200 : i32
      %parallel_loop3A_185 = arith.constant 1 : i32
      scf.for %parallel_loop3A_186 = %parallel_loop3A_183 to %parallel_loop3A_184 step %parallel_loop3A_185  : i32 {
        %parallel_loop3A_187 = arith.constant 16 : i32
        %parallel_loop3A_188 = arith.muli %parallel_loop3A_186, %parallel_loop3A_187 : i32
        %parallel_loop3A_189 = arith.index_cast %parallel_loop3A_188 : i32 to index
        %parallel_loop3A_190 = tpu.vector_load %arg15[%parallel_loop3A_189] {strides = array<i32>} : memref<3200xi32, #tpu.memory_space<vmem>>, vector<16xi32>,
        %parallel_loop3A_191 = arith.constant 65535 : i32
        %parallel_loop3A_192 = vector.broadcast %parallel_loop3A_191 : i32 to vector<16xi32>
        %parallel_loop3A_193 = arith.andi %parallel_loop3A_190, %parallel_loop3A_192 : vector<16xi32>
        %parallel_loop3A_194 = arith.constant 16 : i32
        %parallel_loop3A_195 = vector.broadcast %parallel_loop3A_194 : i32 to vector<16xi32>
        %parallel_loop3A_196 = arith.shrsi %parallel_loop3A_190, %parallel_loop3A_195 : vector<16xi32>
        %parallel_loop3A_197 = arith.index_cast %parallel_loop3A_188 : i32 to index
        %parallel_loop3A_198 = tpu.vector_load %arg17[%parallel_loop3A_197] {strides = array<i32>} : memref<3200xf32, #tpu.memory_space<vmem>>, vector<16xf32>,
        %parallel_loop3A_199 = arith.constant 0 : i32
        %parallel_loop3A_200 = tpu.memref_slice %arg9[%parallel_loop3A_199] : memref<20000xi32, #tpu.memory_space<vmem>> -> memref<10000xi32, #tpu.memory_space<vmem>>
        %parallel_loop3A_201 = tpu.vector_load_idx %parallel_loop3A_200[%parallel_loop3A_196] : memref<10000xi32, #tpu.memory_space<vmem>>[vector<16xi32>], vector<16xi32>,
        %parallel_loop3A_202 = vector.bitcast %parallel_loop3A_201 : vector<16xi32> to vector<32xbf16>
        %parallel_loop3A_203 = tpu.unpack_subelements %parallel_loop3A_202, 0 {pack_format = #tpu.pack_format<interleaved>} : vector<32xbf16> -> vector<16xf32>
        %parallel_loop3A_204 = tpu.unpack_subelements %parallel_loop3A_202, 1 {pack_format = #tpu.pack_format<interleaved>} : vector<32xbf16> -> vector<16xf32>
        %parallel_loop3A_205 = arith.mulf %parallel_loop3A_203, %parallel_loop3A_198 : vector<16xf32>
        %parallel_loop3A_206 = arith.constant 0 : i32
        %parallel_loop3A_207 = tpu.memref_slice %arg10[%parallel_loop3A_206] : memref<40000xf32, #tpu.memory_space<vmem>> -> memref<10000xf32, #tpu.memory_space<vmem>>
        tpu.vector_store_idx %parallel_loop3A_207[%parallel_loop3A_193], %parallel_loop3A_205 {add = true} : memref<10000xf32, #tpu.memory_space<vmem>>[vector<16xi32>], vector<16xf32>,
        %parallel_loop3A_208 = arith.mulf %parallel_loop3A_204, %parallel_loop3A_198 : vector<16xf32>
        %parallel_loop3A_209 = arith.constant 10000 : i32
        %parallel_loop3A_210 = tpu.memref_slice %arg10[%parallel_loop3A_209] : memref<40000xf32, #tpu.memory_space<vmem>> -> memref<10000xf32, #tpu.memory_space<vmem>>
        tpu.vector_store_idx %parallel_loop3A_210[%parallel_loop3A_193], %parallel_loop3A_208 {add = true} : memref<10000xf32, #tpu.memory_space<vmem>>[vector<16xi32>], vector<16xf32>,
        %parallel_loop3A_211 = arith.constant 10000 : i32
        %parallel_loop3A_212 = tpu.memref_slice %arg9[%parallel_loop3A_211] : memref<20000xi32, #tpu.memory_space<vmem>> -> memref<10000xi32, #tpu.memory_space<vmem>>
        %parallel_loop3A_213 = tpu.vector_load_idx %parallel_loop3A_212[%parallel_loop3A_196] : memref<10000xi32, #tpu.memory_space<vmem>>[vector<16xi32>], vector<16xi32>,
        %parallel_loop3A_214 = vector.bitcast %parallel_loop3A_213 : vector<16xi32> to vector<32xbf16>
        %parallel_loop3A_215 = tpu.unpack_subelements %parallel_loop3A_214, 0 {pack_format = #tpu.pack_format<interleaved>} : vector<32xbf16> -> vector<16xf32>
        %parallel_loop3A_216 = tpu.unpack_subelements %parallel_loop3A_214, 1 {pack_format = #tpu.pack_format<interleaved>} : vector<32xbf16> -> vector<16xf32>
        %parallel_loop3A_217 = arith.mulf %parallel_loop3A_215, %parallel_loop3A_198 : vector<16xf32>
        %parallel_loop3A_218 = arith.constant 20000 : i32
        %parallel_loop3A_219 = tpu.memref_slice %arg10[%parallel_loop3A_218] : memref<40000xf32, #tpu.memory_space<vmem>> -> memref<10000xf32, #tpu.memory_space<vmem>>
        tpu.vector_store_idx %parallel_loop3A_219[%parallel_loop3A_193], %parallel_loop3A_217 {add = true} : memref<10000xf32, #tpu.memory_space<vmem>>[vector<16xi32>], vector<16xf32>,
        %parallel_loop3A_220 = arith.mulf %parallel_loop3A_216, %parallel_loop3A_198 : vector<16xf32>
        %parallel_loop3A_221 = arith.constant 30000 : i32
        %parallel_loop3A_222 = tpu.memref_slice %arg10[%parallel_loop3A_221] : memref<40000xf32, #tpu.memory_space<vmem>> -> memref<10000xf32, #tpu.memory_space<vmem>>
        tpu.vector_store_idx %parallel_loop3A_222[%parallel_loop3A_193], %parallel_loop3A_220 {add = true} : memref<10000xf32, #tpu.memory_space<vmem>>[vector<16xi32>], vector<16xf32>,
      } {sc.loop_unroll_factor = 8 : i64, sc.parallel_access}
    }
    %scan3A_26 = arith.constant 50 : i32
    %dma_wait3A = arith.constant 0 : i32
    %dma_wait3A_27 = tpu.memref_slice %arg5[%dma_wait3A] : memref<960000xi32, #tpu.memory_space<hbm>> -> memref<3200xi32, #tpu.memory_space<hbm>>
    %dma_wait3A_28 = arith.constant 0 : i32
    %dma_wait3A_29 = tpu.memref_slice %arg5[%dma_wait3A_28] : memref<960000xi32, #tpu.memory_space<hbm>> -> memref<3200xi32, #tpu.memory_space<hbm>>
    tpu.wait_dma2 semaphore(%arg19 : memref<!tpu.dma_semaphore, #tpu.memory_space<semaphore_mem>>) src(%dma_wait3A_29 : memref<3200xi32, #tpu.memory_space<hbm>>) dst(%arg14 : memref<3200xi32, #tpu.memory_space<vmem>>)
    %dma_wait3A_30 = arith.constant 0 : i32
    %dma_wait3A_31 = tpu.memref_slice %arg18[%dma_wait3A_30] : memref<320000xf32, #tpu.memory_space<vmem_shared>> -> memref<3200xf32, #tpu.memory_space<vmem_shared>>
    %dma_wait3A_32 = arith.constant 0 : i32
    %dma_wait3A_33 = tpu.memref_slice %arg18[%dma_wait3A_32] : memref<320000xf32, #tpu.memory_space<vmem_shared>> -> memref<3200xf32, #tpu.memory_space<vmem_shared>>
    tpu.wait_dma2 semaphore(%arg21 : memref<!tpu.dma_semaphore, #tpu.memory_space<semaphore_mem>>) src(%dma_wait3A_33 : memref<3200xf32, #tpu.memory_space<vmem_shared>>) dst(%arg16 : memref<3200xf32, #tpu.memory_space<vmem>>)
    %add3A_34 = arith.constant 0 : i32
    %add3A_35 = arith.addi %add3A_34, %add3A : i32
    %mul3A_36 = arith.constant 4 : i32
    %mul3A_37 = arith.muli %add3A_35, %mul3A_36 : i32
    %mul3A_38 = arith.constant 10000 : i32
    %mul3A_39 = arith.muli %mul3A_37, %mul3A_38 : i32
    "tpu.region"() ({
      %run_scoped3A = tpu.sem_alloc : memref<!tpu.dma_semaphore, #tpu.memory_space<semaphore_mem>>
      %dma_start3A_135 = tpu.memref_slice %arg7[%mul3A_39] : memref<3840000xf32, #tpu.memory_space<hbm>> -> memref<40000xf32, #tpu.memory_space<hbm>>
      %dma_start3A_136 = tpu.memref_slice %arg7[%mul3A_39] : memref<3840000xf32, #tpu.memory_space<hbm>> -> memref<40000xf32, #tpu.memory_space<hbm>>
      tpu.enqueue_dma source(%arg10 : memref<40000xf32, #tpu.memory_space<vmem>>) target(%dma_start3A_136 : memref<40000xf32, #tpu.memory_space<hbm>>) target_semaphore(%run_scoped3A : memref<!tpu.dma_semaphore, #tpu.memory_space<semaphore_mem>>)
      %dma_wait3A_137 = tpu.memref_slice %arg7[%mul3A_39] : memref<3840000xf32, #tpu.memory_space<hbm>> -> memref<40000xf32, #tpu.memory_space<hbm>>
      %dma_wait3A_138 = tpu.memref_slice %arg7[%mul3A_39] : memref<3840000xf32, #tpu.memory_space<hbm>> -> memref<40000xf32, #tpu.memory_space<hbm>>
      tpu.wait_dma2 semaphore(%run_scoped3A : memref<!tpu.dma_semaphore, #tpu.memory_space<semaphore_mem>>) src(%arg10 : memref<40000xf32, #tpu.memory_space<vmem>>) dst(%dma_wait3A_138 : memref<40000xf32, #tpu.memory_space<hbm>>)
      tpu.yield
    }) : () -> ()
    %barrier3A_40 = arith.constant 0 : index
    tpu.barrier barrier_id(%barrier3A_40)
    %add3A_41 = arith.constant 32 : i32
    %add3A_42 = arith.addi %add3A_41, %add3A : i32
    %mul3A_43 = arith.constant 2 : i32
    %mul3A_44 = arith.muli %add3A_42, %mul3A_43 : i32
    %mul3A_45 = arith.constant 10000 : i32
    %mul3A_46 = arith.muli %mul3A_44, %mul3A_45 : i32
    "tpu.region"() ({
      %run_scoped3A = tpu.sem_alloc : memref<!tpu.dma_semaphore, #tpu.memory_space<semaphore_mem>>
      %dma_start3A_135 = tpu.memref_slice %arg2[%mul3A_46] : memref<1920000xi32, #tpu.memory_space<hbm>> -> memref<20000xi32, #tpu.memory_space<hbm>>
      %dma_start3A_136 = tpu.memref_slice %arg2[%mul3A_46] : memref<1920000xi32, #tpu.memory_space<hbm>> -> memref<20000xi32, #tpu.memory_space<hbm>>
      tpu.enqueue_dma source(%dma_start3A_136 : memref<20000xi32, #tpu.memory_space<hbm>>) target(%arg9 : memref<20000xi32, #tpu.memory_space<vmem>>) target_semaphore(%run_scoped3A : memref<!tpu.dma_semaphore, #tpu.memory_space<semaphore_mem>>)
      %dma_wait3A_137 = tpu.memref_slice %arg2[%mul3A_46] : memref<1920000xi32, #tpu.memory_space<hbm>> -> memref<20000xi32, #tpu.memory_space<hbm>>
      %dma_wait3A_138 = tpu.memref_slice %arg2[%mul3A_46] : memref<1920000xi32, #tpu.memory_space<hbm>> -> memref<20000xi32, #tpu.memory_space<hbm>>
      tpu.wait_dma2 semaphore(%run_scoped3A : memref<!tpu.dma_semaphore, #tpu.memory_space<semaphore_mem>>) src(%dma_wait3A_138 : memref<20000xi32, #tpu.memory_space<hbm>>) dst(%arg9 : memref<20000xi32, #tpu.memory_space<vmem>>)
      tpu.yield
    }) : () -> ()
    "tpu.region"() ({
      %run_scoped3A = tpu.sem_alloc : memref<!tpu.dma_semaphore, #tpu.memory_space<semaphore_mem>>
      %dma_start3A_135 = arith.constant 10000 : i32
      %dma_start3A_136 = tpu.memref_slice %arg3[%dma_start3A_135] : memref<30000xf32, #tpu.memory_space<hbm>> -> memref<10000xf32, #tpu.memory_space<hbm>>
      %dma_start3A_137 = arith.constant 10000 : i32
      %dma_start3A_138 = tpu.memref_slice %arg3[%dma_start3A_137] : memref<30000xf32, #tpu.memory_space<hbm>> -> memref<10000xf32, #tpu.memory_space<hbm>>
      tpu.enqueue_dma source(%dma_start3A_138 : memref<10000xf32, #tpu.memory_space<hbm>>) target(%arg11 : memref<10000xf32, #tpu.memory_space<vmem>>) target_semaphore(%run_scoped3A : memref<!tpu.dma_semaphore, #tpu.memory_space<semaphore_mem>>)
      %dma_wait3A_139 = arith.constant 10000 : i32
      %dma_wait3A_140 = tpu.memref_slice %arg3[%dma_wait3A_139] : memref<30000xf32, #tpu.memory_space<hbm>> -> memref<10000xf32, #tpu.memory_space<hbm>>
      %dma_wait3A_141 = arith.constant 10000 : i32
      %dma_wait3A_142 = tpu.memref_slice %arg3[%dma_wait3A_141] : memref<30000xf32, #tpu.memory_space<hbm>> -> memref<10000xf32, #tpu.memory_space<hbm>>
      tpu.wait_dma2 semaphore(%run_scoped3A : memref<!tpu.dma_semaphore, #tpu.memory_space<semaphore_mem>>) src(%dma_wait3A_142 : memref<10000xf32, #tpu.memory_space<hbm>>) dst(%arg11 : memref<10000xf32, #tpu.memory_space<vmem>>)
      tpu.yield
    }) : () -> ()
    "tpu.region"() ({
      %run_scoped3A = tpu.sem_alloc : memref<!tpu.dma_semaphore, #tpu.memory_space<semaphore_mem>>
      %dma_start3A_135 = arith.constant 10000 : i32
      %dma_start3A_136 = tpu.memref_slice %arg4[%dma_start3A_135] : memref<30000xf32, #tpu.memory_space<hbm>> -> memref<10000xf32, #tpu.memory_space<hbm>>
      %dma_start3A_137 = arith.constant 10000 : i32
      %dma_start3A_138 = tpu.memref_slice %arg4[%dma_start3A_137] : memref<30000xf32, #tpu.memory_space<hbm>> -> memref<10000xf32, #tpu.memory_space<hbm>>
      tpu.enqueue_dma source(%dma_start3A_138 : memref<10000xf32, #tpu.memory_space<hbm>>) target(%arg12 : memref<10000xf32, #tpu.memory_space<vmem>>) target_semaphore(%run_scoped3A : memref<!tpu.dma_semaphore, #tpu.memory_space<semaphore_mem>>)
      %dma_wait3A_139 = arith.constant 10000 : i32
      %dma_wait3A_140 = tpu.memref_slice %arg4[%dma_wait3A_139] : memref<30000xf32, #tpu.memory_space<hbm>> -> memref<10000xf32, #tpu.memory_space<hbm>>
      %dma_wait3A_141 = arith.constant 10000 : i32
      %dma_wait3A_142 = tpu.memref_slice %arg4[%dma_wait3A_141] : memref<30000xf32, #tpu.memory_space<hbm>> -> memref<10000xf32, #tpu.memory_space<hbm>>
      tpu.wait_dma2 semaphore(%run_scoped3A : memref<!tpu.dma_semaphore, #tpu.memory_space<semaphore_mem>>) src(%dma_wait3A_142 : memref<10000xf32, #tpu.memory_space<hbm>>) dst(%arg12 : memref<10000xf32, #tpu.memory_space<vmem>>)
      tpu.yield
    }) : () -> ()
    "tpu.region"() ({
      %run_scoped3A = tpu.sem_alloc : memref<!tpu.dma_semaphore, #tpu.memory_space<semaphore_mem>>
      tpu.enqueue_dma source(%arg6 : memref<40000xf32, #tpu.memory_space<hbm>>) target(%arg10 : memref<40000xf32, #tpu.memory_space<vmem>>) target_semaphore(%run_scoped3A : memref<!tpu.dma_semaphore, #tpu.memory_space<semaphore_mem>>)
      tpu.wait_dma2 semaphore(%run_scoped3A : memref<!tpu.dma_semaphore, #tpu.memory_space<semaphore_mem>>) src(%arg6 : memref<40000xf32, #tpu.memory_space<hbm>>) dst(%arg10 : memref<40000xf32, #tpu.memory_space<vmem>>)
      tpu.yield
    }) : () -> ()
    "tpu.region"() ({
      %run_scoped3A = tpu.sem_alloc : memref<!tpu.dma_semaphore, #tpu.memory_space<semaphore_mem>>
      %dma_start3A_135 = arith.constant 0 : i32
      %dma_start3A_136 = tpu.memref_slice %arg6[%dma_start3A_135] : memref<40000xf32, #tpu.memory_space<hbm>> -> memref<10000xf32, #tpu.memory_space<hbm>>
      %dma_start3A_137 = arith.constant 0 : i32
      %dma_start3A_138 = tpu.memref_slice %arg6[%dma_start3A_137] : memref<40000xf32, #tpu.memory_space<hbm>> -> memref<10000xf32, #tpu.memory_space<hbm>>
      tpu.enqueue_dma source(%dma_start3A_138 : memref<10000xf32, #tpu.memory_space<hbm>>) target(%arg13 : memref<10000xf32, #tpu.memory_space<vmem>>) target_semaphore(%run_scoped3A : memref<!tpu.dma_semaphore, #tpu.memory_space<semaphore_mem>>)
      %dma_wait3A_139 = arith.constant 0 : i32
      %dma_wait3A_140 = tpu.memref_slice %arg6[%dma_wait3A_139] : memref<40000xf32, #tpu.memory_space<hbm>> -> memref<10000xf32, #tpu.memory_space<hbm>>
      %dma_wait3A_141 = arith.constant 0 : i32
      %dma_wait3A_142 = tpu.memref_slice %arg6[%dma_wait3A_141] : memref<40000xf32, #tpu.memory_space<hbm>> -> memref<10000xf32, #tpu.memory_space<hbm>>
      tpu.wait_dma2 semaphore(%run_scoped3A : memref<!tpu.dma_semaphore, #tpu.memory_space<semaphore_mem>>) src(%dma_wait3A_142 : memref<10000xf32, #tpu.memory_space<hbm>>) dst(%arg13 : memref<10000xf32, #tpu.memory_space<vmem>>)
      tpu.yield
    }) : () -> ()
    %scan3A_47 = arith.constant 0 : i32
    %scan3A_48 = arith.constant 0 : i32
    %scan3A_49 = arith.constant 10 : i32
    %scan3A_50 = arith.addi %scan3A_48, %scan3A_49 : i32
    %scan3A_51 = arith.constant 1 : i32
    scf.for %scan3A_135 = %scan3A_48 to %scan3A_50 step %scan3A_51  : i32 {
      %mul3A_136 = arith.constant 20000 : i32
      %mul3A_137 = arith.muli %arg1, %mul3A_136 : i32
      %mul3A_138 = arith.constant 2000 : i32
      %mul3A_139 = arith.muli %scan3A_135, %mul3A_138 : i32
      %add3A_140 = arith.addi %mul3A_137, %mul3A_139 : i32
      %add3A_141 = arith.constant 320000 : i32
      %add3A_142 = arith.addi %add3A_141, %add3A_140 : i32
      "tpu.region"() ({
        %run_scoped3A = tpu.sem_alloc : memref<!tpu.dma_semaphore, #tpu.memory_space<semaphore_mem>>
        %dma_start3A_145 = arith.constant 0 : i32
        %dma_start3A_146 = tpu.memref_slice %arg14[%dma_start3A_145] : memref<3200xi32, #tpu.memory_space<vmem>> -> memref<2000xi32, #tpu.memory_space<vmem>>
        %dma_start3A_147 = tpu.memref_slice %arg5[%add3A_142] : memref<960000xi32, #tpu.memory_space<hbm>> -> memref<2000xi32, #tpu.memory_space<hbm>>
        %dma_start3A_148 = arith.constant 0 : i32
        %dma_start3A_149 = tpu.memref_slice %arg14[%dma_start3A_148] : memref<3200xi32, #tpu.memory_space<vmem>> -> memref<2000xi32, #tpu.memory_space<vmem>>
        %dma_start3A_150 = tpu.memref_slice %arg5[%add3A_142] : memref<960000xi32, #tpu.memory_space<hbm>> -> memref<2000xi32, #tpu.memory_space<hbm>>
        tpu.enqueue_dma source(%dma_start3A_150 : memref<2000xi32, #tpu.memory_space<hbm>>) target(%dma_start3A_149 : memref<2000xi32, #tpu.memory_space<vmem>>) target_semaphore(%run_scoped3A : memref<!tpu.dma_semaphore, #tpu.memory_space<semaphore_mem>>)
        %dma_wait3A_151 = arith.constant 0 : i32
        %dma_wait3A_152 = tpu.memref_slice %arg14[%dma_wait3A_151] : memref<3200xi32, #tpu.memory_space<vmem>> -> memref<2000xi32, #tpu.memory_space<vmem>>
        %dma_wait3A_153 = tpu.memref_slice %arg5[%add3A_142] : memref<960000xi32, #tpu.memory_space<hbm>> -> memref<2000xi32, #tpu.memory_space<hbm>>
        %dma_wait3A_154 = arith.constant 0 : i32
        %dma_wait3A_155 = tpu.memref_slice %arg14[%dma_wait3A_154] : memref<3200xi32, #tpu.memory_space<vmem>> -> memref<2000xi32, #tpu.memory_space<vmem>>
        %dma_wait3A_156 = tpu.memref_slice %arg5[%add3A_142] : memref<960000xi32, #tpu.memory_space<hbm>> -> memref<2000xi32, #tpu.memory_space<hbm>>
        tpu.wait_dma2 semaphore(%run_scoped3A : memref<!tpu.dma_semaphore, #tpu.memory_space<semaphore_mem>>) src(%dma_wait3A_156 : memref<2000xi32, #tpu.memory_space<hbm>>) dst(%dma_wait3A_155 : memref<2000xi32, #tpu.memory_space<vmem>>)
        tpu.yield
      }) : () -> ()
      %parallel_loop3A = arith.constant 0 : i32
      %parallel_loop3A_143 = arith.constant 125 : i32
      %parallel_loop3A_144 = arith.constant 1 : i32
      scf.for %parallel_loop3A_145 = %parallel_loop3A to %parallel_loop3A_143 step %parallel_loop3A_144  : i32 {
        %parallel_loop3A_146 = arith.constant 16 : i32
        %parallel_loop3A_147 = arith.muli %parallel_loop3A_145, %parallel_loop3A_146 : i32
        %parallel_loop3A_148 = arith.index_cast %parallel_loop3A_147 : i32 to index
        %parallel_loop3A_149 = tpu.vector_load %arg14[%parallel_loop3A_148] {strides = array<i32>} : memref<3200xi32, #tpu.memory_space<vmem>>, vector<16xi32>,
        %parallel_loop3A_150 = arith.constant 65535 : i32
        %parallel_loop3A_151 = vector.broadcast %parallel_loop3A_150 : i32 to vector<16xi32>
        %parallel_loop3A_152 = arith.andi %parallel_loop3A_149, %parallel_loop3A_151 : vector<16xi32>
        %parallel_loop3A_153 = arith.constant 16 : i32
        %parallel_loop3A_154 = vector.broadcast %parallel_loop3A_153 : i32 to vector<16xi32>
        %parallel_loop3A_155 = arith.shrsi %parallel_loop3A_149, %parallel_loop3A_154 : vector<16xi32>
        %parallel_loop3A_156 = tpu.vector_load_idx %arg11[%parallel_loop3A_152] : memref<10000xf32, #tpu.memory_space<vmem>>[vector<16xi32>], vector<16xf32>,
        %parallel_loop3A_157 = tpu.vector_load_idx %arg12[%parallel_loop3A_155] : memref<10000xf32, #tpu.memory_space<vmem>>[vector<16xi32>], vector<16xf32>,
        %parallel_loop3A_158 = arith.addf %parallel_loop3A_156, %parallel_loop3A_157 : vector<16xf32>
        %parallel_loop3A_159 = arith.constant 2.000000e-01 : f32
        %parallel_loop3A_160 = vector.broadcast %parallel_loop3A_159 : f32 to vector<16xf32>
        %parallel_loop3A_161 = arith.mulf %parallel_loop3A_160, %parallel_loop3A_158 : vector<16xf32>
        %parallel_loop3A_162 = arith.maximumf %parallel_loop3A_158, %parallel_loop3A_161 : vector<16xf32>
        %parallel_loop3A_163 = arith.constant 0.000000e+00 : f32
        %parallel_loop3A_164 = vector.broadcast %parallel_loop3A_163 : f32 to vector<16xf32>
        %parallel_loop3A_165 = arith.subf %parallel_loop3A_164, %parallel_loop3A_162 : vector<16xf32>
        %parallel_loop3A_166 = math.exp %parallel_loop3A_165 : vector<16xf32>
        %parallel_loop3A_167 = arith.index_cast %parallel_loop3A_147 : i32 to index
        %parallel_loop3A_168 = tpu.vector_load %arg16[%parallel_loop3A_167] {strides = array<i32>} : memref<3200xf32, #tpu.memory_space<vmem>>, vector<16xf32>,
        tpu.vector_store %arg16[%parallel_loop3A_167], %parallel_loop3A_166 {strides = array<i32>} : memref<3200xf32, #tpu.memory_space<vmem>>, vector<16xf32>,
        tpu.vector_store_idx %arg13[%parallel_loop3A_152], %parallel_loop3A_166 {add = true} : memref<10000xf32, #tpu.memory_space<vmem>>[vector<16xi32>], vector<16xf32>,
      } {sc.loop_unroll_factor = 5 : i64, sc.parallel_access}
      "tpu.region"() ({
        %run_scoped3A = tpu.sem_alloc : memref<!tpu.dma_semaphore, #tpu.memory_space<semaphore_mem>>
        %dma_start3A_145 = arith.constant 0 : i32
        %dma_start3A_146 = tpu.memref_slice %arg16[%dma_start3A_145] : memref<3200xf32, #tpu.memory_space<vmem>> -> memref<2000xf32, #tpu.memory_space<vmem>>
        %dma_start3A_147 = tpu.memref_slice %arg18[%add3A_140] : memref<320000xf32, #tpu.memory_space<vmem_shared>> -> memref<2000xf32, #tpu.memory_space<vmem_shared>>
        %dma_start3A_148 = tpu.memref_slice %arg18[%add3A_140] : memref<320000xf32, #tpu.memory_space<vmem_shared>> -> memref<2000xf32, #tpu.memory_space<vmem_shared>>
        %dma_start3A_149 = arith.constant 0 : i32
        %dma_start3A_150 = tpu.memref_slice %arg16[%dma_start3A_149] : memref<3200xf32, #tpu.memory_space<vmem>> -> memref<2000xf32, #tpu.memory_space<vmem>>
        tpu.enqueue_dma source(%dma_start3A_150 : memref<2000xf32, #tpu.memory_space<vmem>>) target(%dma_start3A_148 : memref<2000xf32, #tpu.memory_space<vmem_shared>>) target_semaphore(%run_scoped3A : memref<!tpu.dma_semaphore, #tpu.memory_space<semaphore_mem>>)
        %dma_wait3A_151 = arith.constant 0 : i32
        %dma_wait3A_152 = tpu.memref_slice %arg16[%dma_wait3A_151] : memref<3200xf32, #tpu.memory_space<vmem>> -> memref<2000xf32, #tpu.memory_space<vmem>>
        %dma_wait3A_153 = tpu.memref_slice %arg18[%add3A_140] : memref<320000xf32, #tpu.memory_space<vmem_shared>> -> memref<2000xf32, #tpu.memory_space<vmem_shared>>
        %dma_wait3A_154 = tpu.memref_slice %arg18[%add3A_140] : memref<320000xf32, #tpu.memory_space<vmem_shared>> -> memref<2000xf32, #tpu.memory_space<vmem_shared>>
        %dma_wait3A_155 = arith.constant 0 : i32
        %dma_wait3A_156 = tpu.memref_slice %arg16[%dma_wait3A_155] : memref<3200xf32, #tpu.memory_space<vmem>> -> memref<2000xf32, #tpu.memory_space<vmem>>
        tpu.wait_dma2 semaphore(%run_scoped3A : memref<!tpu.dma_semaphore, #tpu.memory_space<semaphore_mem>>) src(%dma_wait3A_156 : memref<2000xf32, #tpu.memory_space<vmem>>) dst(%dma_wait3A_154 : memref<2000xf32, #tpu.memory_space<vmem_shared>>)
        tpu.yield
      }) : () -> ()
    }
    %scan3A_52 = arith.constant 10 : i32
    %eq3A_53 = arith.constant 0 : i32
    %eq3A_54 = arith.cmpi eq, %arg0, %eq3A_53 : i32
    %convert_element_type3A_55 = arith.extui %eq3A_54 : i1 to i32
    %cond3A_56 = arith.constant 0 : i32
    %cond3A_57 = arith.cmpi ne, %convert_element_type3A_55, %cond3A_56 : i32
    scf.if %cond3A_57 {
      %add3A_135 = arith.constant 16 : i32
      %add3A_136 = arith.addi %add3A_135, %arg1 : i32
      %mul3A_137 = arith.constant 10000 : i32
      %mul3A_138 = arith.muli %add3A_136, %mul3A_137 : i32
      "tpu.region"() ({
        %run_scoped3A = tpu.sem_alloc : memref<!tpu.dma_semaphore, #tpu.memory_space<semaphore_mem>>
        %dma_start3A_139 = tpu.memref_slice %arg8[%mul3A_138] : memref<480000xf32, #tpu.memory_space<hbm>> -> memref<10000xf32, #tpu.memory_space<hbm>>
        %dma_start3A_140 = tpu.memref_slice %arg8[%mul3A_138] : memref<480000xf32, #tpu.memory_space<hbm>> -> memref<10000xf32, #tpu.memory_space<hbm>>
        tpu.enqueue_dma source(%arg13 : memref<10000xf32, #tpu.memory_space<vmem>>) target(%dma_start3A_140 : memref<10000xf32, #tpu.memory_space<hbm>>) target_semaphore(%run_scoped3A : memref<!tpu.dma_semaphore, #tpu.memory_space<semaphore_mem>>)
        %dma_wait3A_141 = tpu.memref_slice %arg8[%mul3A_138] : memref<480000xf32, #tpu.memory_space<hbm>> -> memref<10000xf32, #tpu.memory_space<hbm>>
        %dma_wait3A_142 = tpu.memref_slice %arg8[%mul3A_138] : memref<480000xf32, #tpu.memory_space<hbm>> -> memref<10000xf32, #tpu.memory_space<hbm>>
        tpu.wait_dma2 semaphore(%run_scoped3A : memref<!tpu.dma_semaphore, #tpu.memory_space<semaphore_mem>>) src(%arg13 : memref<10000xf32, #tpu.memory_space<vmem>>) dst(%dma_wait3A_142 : memref<10000xf32, #tpu.memory_space<hbm>>)
        tpu.yield
      }) : () -> ()
    } else {
    }
    %barrier3A_58 = arith.constant 0 : index
    tpu.barrier barrier_id(%barrier3A_58)
    %dma_start3A_59 = arith.constant 320000 : i32
    %dma_start3A_60 = tpu.memref_slice %arg5[%dma_start3A_59] : memref<960000xi32, #tpu.memory_space<hbm>> -> memref<3200xi32, #tpu.memory_space<hbm>>
    %dma_start3A_61 = arith.constant 320000 : i32
    %dma_start3A_62 = tpu.memref_slice %arg5[%dma_start3A_61] : memref<960000xi32, #tpu.memory_space<hbm>> -> memref<3200xi32, #tpu.memory_space<hbm>>
    tpu.enqueue_dma source(%dma_start3A_62 : memref<3200xi32, #tpu.memory_space<hbm>>) target(%arg14 : memref<3200xi32, #tpu.memory_space<vmem>>) target_semaphore(%arg19 : memref<!tpu.dma_semaphore, #tpu.memory_space<semaphore_mem>>)
    %dma_start3A_63 = arith.constant 0 : i32
    %dma_start3A_64 = tpu.memref_slice %arg18[%dma_start3A_63] : memref<320000xf32, #tpu.memory_space<vmem_shared>> -> memref<3200xf32, #tpu.memory_space<vmem_shared>>
    %dma_start3A_65 = arith.constant 0 : i32
    %dma_start3A_66 = tpu.memref_slice %arg18[%dma_start3A_65] : memref<320000xf32, #tpu.memory_space<vmem_shared>> -> memref<3200xf32, #tpu.memory_space<vmem_shared>>
    tpu.enqueue_dma source(%dma_start3A_66 : memref<3200xf32, #tpu.memory_space<vmem_shared>>) target(%arg16 : memref<3200xf32, #tpu.memory_space<vmem>>) target_semaphore(%arg21 : memref<!tpu.dma_semaphore, #tpu.memory_space<semaphore_mem>>)
    %scan3A_67 = arith.constant 0 : i32
    %scan3A_68 = arith.constant 0 : i32
    %scan3A_69 = arith.constant 50 : i32
    %scan3A_70 = arith.addi %scan3A_68, %scan3A_69 : i32
    %scan3A_71 = arith.constant 1 : i32
    scf.for %scan3A_135 = %scan3A_68 to %scan3A_70 step %scan3A_71  : i32 {
      %mul3A_136 = arith.constant 2 : i32
      %mul3A_137 = arith.muli %mul3A_136, %scan3A_135 : i32
      %add3A_138 = arith.constant 1 : i32
      %add3A_139 = arith.addi %mul3A_137, %add3A_138 : i32
      %mul3A_140 = arith.constant 2 : i32
      %mul3A_141 = arith.muli %mul3A_140, %scan3A_135 : i32
      %add3A_142 = arith.constant 2 : i32
      %add3A_143 = arith.addi %mul3A_141, %add3A_142 : i32
      %min3A = arith.constant 99 : i32
      %min3A_144 = arith.minsi %add3A_143, %min3A : i32
      %dma_wait3A_145 = arith.constant 0 : i32
      %dma_wait3A_146 = tpu.memref_slice %arg5[%dma_wait3A_145] : memref<960000xi32, #tpu.memory_space<hbm>> -> memref<3200xi32, #tpu.memory_space<hbm>>
      %dma_wait3A_147 = arith.constant 0 : i32
      %dma_wait3A_148 = tpu.memref_slice %arg5[%dma_wait3A_147] : memref<960000xi32, #tpu.memory_space<hbm>> -> memref<3200xi32, #tpu.memory_space<hbm>>
      tpu.wait_dma2 semaphore(%arg19 : memref<!tpu.dma_semaphore, #tpu.memory_space<semaphore_mem>>) src(%dma_wait3A_148 : memref<3200xi32, #tpu.memory_space<hbm>>) dst(%arg14 : memref<3200xi32, #tpu.memory_space<vmem>>)
      %dma_wait3A_149 = arith.constant 0 : i32
      %dma_wait3A_150 = tpu.memref_slice %arg18[%dma_wait3A_149] : memref<320000xf32, #tpu.memory_space<vmem_shared>> -> memref<3200xf32, #tpu.memory_space<vmem_shared>>
      %dma_wait3A_151 = arith.constant 0 : i32
      %dma_wait3A_152 = tpu.memref_slice %arg18[%dma_wait3A_151] : memref<320000xf32, #tpu.memory_space<vmem_shared>> -> memref<3200xf32, #tpu.memory_space<vmem_shared>>
      tpu.wait_dma2 semaphore(%arg21 : memref<!tpu.dma_semaphore, #tpu.memory_space<semaphore_mem>>) src(%dma_wait3A_152 : memref<3200xf32, #tpu.memory_space<vmem_shared>>) dst(%arg16 : memref<3200xf32, #tpu.memory_space<vmem>>)
      %mul3A_153 = arith.constant 3200 : i32
      %mul3A_154 = arith.muli %add3A_139, %mul3A_153 : i32
      %add3A_155 = arith.constant 320000 : i32
      %add3A_156 = arith.addi %add3A_155, %mul3A_154 : i32
      %dma_start3A_157 = tpu.memref_slice %arg5[%add3A_156] : memref<960000xi32, #tpu.memory_space<hbm>> -> memref<3200xi32, #tpu.memory_space<hbm>>
      %dma_start3A_158 = tpu.memref_slice %arg5[%add3A_156] : memref<960000xi32, #tpu.memory_space<hbm>> -> memref<3200xi32, #tpu.memory_space<hbm>>
      tpu.enqueue_dma source(%dma_start3A_158 : memref<3200xi32, #tpu.memory_space<hbm>>) target(%arg15 : memref<3200xi32, #tpu.memory_space<vmem>>) target_semaphore(%arg20 : memref<!tpu.dma_semaphore, #tpu.memory_space<semaphore_mem>>)
      %mul3A_159 = arith.constant 3200 : i32
      %mul3A_160 = arith.muli %add3A_139, %mul3A_159 : i32
      %dma_start3A_161 = tpu.memref_slice %arg18[%mul3A_160] : memref<320000xf32, #tpu.memory_space<vmem_shared>> -> memref<3200xf32, #tpu.memory_space<vmem_shared>>
      %dma_start3A_162 = tpu.memref_slice %arg18[%mul3A_160] : memref<320000xf32, #tpu.memory_space<vmem_shared>> -> memref<3200xf32, #tpu.memory_space<vmem_shared>>
      tpu.enqueue_dma source(%dma_start3A_162 : memref<3200xf32, #tpu.memory_space<vmem_shared>>) target(%arg17 : memref<3200xf32, #tpu.memory_space<vmem>>) target_semaphore(%arg22 : memref<!tpu.dma_semaphore, #tpu.memory_space<semaphore_mem>>)
      %parallel_loop3A = arith.constant 0 : i32
      %parallel_loop3A_163 = arith.constant 200 : i32
      %parallel_loop3A_164 = arith.constant 1 : i32
      scf.for %parallel_loop3A_186 = %parallel_loop3A to %parallel_loop3A_163 step %parallel_loop3A_164  : i32 {
        %parallel_loop3A_187 = arith.constant 16 : i32
        %parallel_loop3A_188 = arith.muli %parallel_loop3A_186, %parallel_loop3A_187 : i32
        %parallel_loop3A_189 = arith.index_cast %parallel_loop3A_188 : i32 to index
        %parallel_loop3A_190 = tpu.vector_load %arg14[%parallel_loop3A_189] {strides = array<i32>} : memref<3200xi32, #tpu.memory_space<vmem>>, vector<16xi32>,
        %parallel_loop3A_191 = arith.constant 65535 : i32
        %parallel_loop3A_192 = vector.broadcast %parallel_loop3A_191 : i32 to vector<16xi32>
        %parallel_loop3A_193 = arith.andi %parallel_loop3A_190, %parallel_loop3A_192 : vector<16xi32>
        %parallel_loop3A_194 = arith.constant 16 : i32
        %parallel_loop3A_195 = vector.broadcast %parallel_loop3A_194 : i32 to vector<16xi32>
        %parallel_loop3A_196 = arith.shrsi %parallel_loop3A_190, %parallel_loop3A_195 : vector<16xi32>
        %parallel_loop3A_197 = arith.index_cast %parallel_loop3A_188 : i32 to index
        %parallel_loop3A_198 = tpu.vector_load %arg16[%parallel_loop3A_197] {strides = array<i32>} : memref<3200xf32, #tpu.memory_space<vmem>>, vector<16xf32>,
        %parallel_loop3A_199 = arith.constant 0 : i32
        %parallel_loop3A_200 = tpu.memref_slice %arg9[%parallel_loop3A_199] : memref<20000xi32, #tpu.memory_space<vmem>> -> memref<10000xi32, #tpu.memory_space<vmem>>
        %parallel_loop3A_201 = tpu.vector_load_idx %parallel_loop3A_200[%parallel_loop3A_196] : memref<10000xi32, #tpu.memory_space<vmem>>[vector<16xi32>], vector<16xi32>,
        %parallel_loop3A_202 = vector.bitcast %parallel_loop3A_201 : vector<16xi32> to vector<32xbf16>
        %parallel_loop3A_203 = tpu.unpack_subelements %parallel_loop3A_202, 0 {pack_format = #tpu.pack_format<interleaved>} : vector<32xbf16> -> vector<16xf32>
        %parallel_loop3A_204 = tpu.unpack_subelements %parallel_loop3A_202, 1 {pack_format = #tpu.pack_format<interleaved>} : vector<32xbf16> -> vector<16xf32>
        %parallel_loop3A_205 = arith.mulf %parallel_loop3A_203, %parallel_loop3A_198 : vector<16xf32>
        %parallel_loop3A_206 = arith.constant 0 : i32
        %parallel_loop3A_207 = tpu.memref_slice %arg10[%parallel_loop3A_206] : memref<40000xf32, #tpu.memory_space<vmem>> -> memref<10000xf32, #tpu.memory_space<vmem>>
        tpu.vector_store_idx %parallel_loop3A_207[%parallel_loop3A_193], %parallel_loop3A_205 {add = true} : memref<10000xf32, #tpu.memory_space<vmem>>[vector<16xi32>], vector<16xf32>,
        %parallel_loop3A_208 = arith.mulf %parallel_loop3A_204, %parallel_loop3A_198 : vector<16xf32>
        %parallel_loop3A_209 = arith.constant 10000 : i32
        %parallel_loop3A_210 = tpu.memref_slice %arg10[%parallel_loop3A_209] : memref<40000xf32, #tpu.memory_space<vmem>> -> memref<10000xf32, #tpu.memory_space<vmem>>
        tpu.vector_store_idx %parallel_loop3A_210[%parallel_loop3A_193], %parallel_loop3A_208 {add = true} : memref<10000xf32, #tpu.memory_space<vmem>>[vector<16xi32>], vector<16xf32>,
        %parallel_loop3A_211 = arith.constant 10000 : i32
        %parallel_loop3A_212 = tpu.memref_slice %arg9[%parallel_loop3A_211] : memref<20000xi32, #tpu.memory_space<vmem>> -> memref<10000xi32, #tpu.memory_space<vmem>>
        %parallel_loop3A_213 = tpu.vector_load_idx %parallel_loop3A_212[%parallel_loop3A_196] : memref<10000xi32, #tpu.memory_space<vmem>>[vector<16xi32>], vector<16xi32>,
        %parallel_loop3A_214 = vector.bitcast %parallel_loop3A_213 : vector<16xi32> to vector<32xbf16>
        %parallel_loop3A_215 = tpu.unpack_subelements %parallel_loop3A_214, 0 {pack_format = #tpu.pack_format<interleaved>} : vector<32xbf16> -> vector<16xf32>
        %parallel_loop3A_216 = tpu.unpack_subelements %parallel_loop3A_214, 1 {pack_format = #tpu.pack_format<interleaved>} : vector<32xbf16> -> vector<16xf32>
        %parallel_loop3A_217 = arith.mulf %parallel_loop3A_215, %parallel_loop3A_198 : vector<16xf32>
        %parallel_loop3A_218 = arith.constant 20000 : i32
        %parallel_loop3A_219 = tpu.memref_slice %arg10[%parallel_loop3A_218] : memref<40000xf32, #tpu.memory_space<vmem>> -> memref<10000xf32, #tpu.memory_space<vmem>>
        tpu.vector_store_idx %parallel_loop3A_219[%parallel_loop3A_193], %parallel_loop3A_217 {add = true} : memref<10000xf32, #tpu.memory_space<vmem>>[vector<16xi32>], vector<16xf32>,
        %parallel_loop3A_220 = arith.mulf %parallel_loop3A_216, %parallel_loop3A_198 : vector<16xf32>
        %parallel_loop3A_221 = arith.constant 30000 : i32
        %parallel_loop3A_222 = tpu.memref_slice %arg10[%parallel_loop3A_221] : memref<40000xf32, #tpu.memory_space<vmem>> -> memref<10000xf32, #tpu.memory_space<vmem>>
        tpu.vector_store_idx %parallel_loop3A_222[%parallel_loop3A_193], %parallel_loop3A_220 {add = true} : memref<10000xf32, #tpu.memory_space<vmem>>[vector<16xi32>], vector<16xf32>,
      } {sc.loop_unroll_factor = 8 : i64, sc.parallel_access}
      %dma_wait3A_165 = arith.constant 0 : i32
      %dma_wait3A_166 = tpu.memref_slice %arg5[%dma_wait3A_165] : memref<960000xi32, #tpu.memory_space<hbm>> -> memref<3200xi32, #tpu.memory_space<hbm>>
      %dma_wait3A_167 = arith.constant 0 : i32
      %dma_wait3A_168 = tpu.memref_slice %arg5[%dma_wait3A_167] : memref<960000xi32, #tpu.memory_space<hbm>> -> memref<3200xi32, #tpu.memory_space<hbm>>
      tpu.wait_dma2 semaphore(%arg20 : memref<!tpu.dma_semaphore, #tpu.memory_space<semaphore_mem>>) src(%dma_wait3A_168 : memref<3200xi32, #tpu.memory_space<hbm>>) dst(%arg15 : memref<3200xi32, #tpu.memory_space<vmem>>)
      %dma_wait3A_169 = arith.constant 0 : i32
      %dma_wait3A_170 = tpu.memref_slice %arg18[%dma_wait3A_169] : memref<320000xf32, #tpu.memory_space<vmem_shared>> -> memref<3200xf32, #tpu.memory_space<vmem_shared>>
      %dma_wait3A_171 = arith.constant 0 : i32
      %dma_wait3A_172 = tpu.memref_slice %arg18[%dma_wait3A_171] : memref<320000xf32, #tpu.memory_space<vmem_shared>> -> memref<3200xf32, #tpu.memory_space<vmem_shared>>
      tpu.wait_dma2 semaphore(%arg22 : memref<!tpu.dma_semaphore, #tpu.memory_space<semaphore_mem>>) src(%dma_wait3A_172 : memref<3200xf32, #tpu.memory_space<vmem_shared>>) dst(%arg17 : memref<3200xf32, #tpu.memory_space<vmem>>)
      %mul3A_173 = arith.constant 3200 : i32
      %mul3A_174 = arith.muli %min3A_144, %mul3A_173 : i32
      %add3A_175 = arith.constant 320000 : i32
      %add3A_176 = arith.addi %add3A_175, %mul3A_174 : i32
      %dma_start3A_177 = tpu.memref_slice %arg5[%add3A_176] : memref<960000xi32, #tpu.memory_space<hbm>> -> memref<3200xi32, #tpu.memory_space<hbm>>
      %dma_start3A_178 = tpu.memref_slice %arg5[%add3A_176] : memref<960000xi32, #tpu.memory_space<hbm>> -> memref<3200xi32, #tpu.memory_space<hbm>>
      tpu.enqueue_dma source(%dma_start3A_178 : memref<3200xi32, #tpu.memory_space<hbm>>) target(%arg14 : memref<3200xi32, #tpu.memory_space<vmem>>) target_semaphore(%arg19 : memref<!tpu.dma_semaphore, #tpu.memory_space<semaphore_mem>>)
      %mul3A_179 = arith.constant 3200 : i32
      %mul3A_180 = arith.muli %min3A_144, %mul3A_179 : i32
      %dma_start3A_181 = tpu.memref_slice %arg18[%mul3A_180] : memref<320000xf32, #tpu.memory_space<vmem_shared>> -> memref<3200xf32, #tpu.memory_space<vmem_shared>>
      %dma_start3A_182 = tpu.memref_slice %arg18[%mul3A_180] : memref<320000xf32, #tpu.memory_space<vmem_shared>> -> memref<3200xf32, #tpu.memory_space<vmem_shared>>
      tpu.enqueue_dma source(%dma_start3A_182 : memref<3200xf32, #tpu.memory_space<vmem_shared>>) target(%arg16 : memref<3200xf32, #tpu.memory_space<vmem>>) target_semaphore(%arg21 : memref<!tpu.dma_semaphore, #tpu.memory_space<semaphore_mem>>)
      %parallel_loop3A_183 = arith.constant 0 : i32
      %parallel_loop3A_184 = arith.constant 200 : i32
      %parallel_loop3A_185 = arith.constant 1 : i32
      scf.for %parallel_loop3A_186 = %parallel_loop3A_183 to %parallel_loop3A_184 step %parallel_loop3A_185  : i32 {
        %parallel_loop3A_187 = arith.constant 16 : i32
        %parallel_loop3A_188 = arith.muli %parallel_loop3A_186, %parallel_loop3A_187 : i32
        %parallel_loop3A_189 = arith.index_cast %parallel_loop3A_188 : i32 to index
        %parallel_loop3A_190 = tpu.vector_load %arg15[%parallel_loop3A_189] {strides = array<i32>} : memref<3200xi32, #tpu.memory_space<vmem>>, vector<16xi32>,
        %parallel_loop3A_191 = arith.constant 65535 : i32
        %parallel_loop3A_192 = vector.broadcast %parallel_loop3A_191 : i32 to vector<16xi32>
        %parallel_loop3A_193 = arith.andi %parallel_loop3A_190, %parallel_loop3A_192 : vector<16xi32>
        %parallel_loop3A_194 = arith.constant 16 : i32
        %parallel_loop3A_195 = vector.broadcast %parallel_loop3A_194 : i32 to vector<16xi32>
        %parallel_loop3A_196 = arith.shrsi %parallel_loop3A_190, %parallel_loop3A_195 : vector<16xi32>
        %parallel_loop3A_197 = arith.index_cast %parallel_loop3A_188 : i32 to index
        %parallel_loop3A_198 = tpu.vector_load %arg17[%parallel_loop3A_197] {strides = array<i32>} : memref<3200xf32, #tpu.memory_space<vmem>>, vector<16xf32>,
        %parallel_loop3A_199 = arith.constant 0 : i32
        %parallel_loop3A_200 = tpu.memref_slice %arg9[%parallel_loop3A_199] : memref<20000xi32, #tpu.memory_space<vmem>> -> memref<10000xi32, #tpu.memory_space<vmem>>
        %parallel_loop3A_201 = tpu.vector_load_idx %parallel_loop3A_200[%parallel_loop3A_196] : memref<10000xi32, #tpu.memory_space<vmem>>[vector<16xi32>], vector<16xi32>,
        %parallel_loop3A_202 = vector.bitcast %parallel_loop3A_201 : vector<16xi32> to vector<32xbf16>
        %parallel_loop3A_203 = tpu.unpack_subelements %parallel_loop3A_202, 0 {pack_format = #tpu.pack_format<interleaved>} : vector<32xbf16> -> vector<16xf32>
        %parallel_loop3A_204 = tpu.unpack_subelements %parallel_loop3A_202, 1 {pack_format = #tpu.pack_format<interleaved>} : vector<32xbf16> -> vector<16xf32>
        %parallel_loop3A_205 = arith.mulf %parallel_loop3A_203, %parallel_loop3A_198 : vector<16xf32>
        %parallel_loop3A_206 = arith.constant 0 : i32
        %parallel_loop3A_207 = tpu.memref_slice %arg10[%parallel_loop3A_206] : memref<40000xf32, #tpu.memory_space<vmem>> -> memref<10000xf32, #tpu.memory_space<vmem>>
        tpu.vector_store_idx %parallel_loop3A_207[%parallel_loop3A_193], %parallel_loop3A_205 {add = true} : memref<10000xf32, #tpu.memory_space<vmem>>[vector<16xi32>], vector<16xf32>,
        %parallel_loop3A_208 = arith.mulf %parallel_loop3A_204, %parallel_loop3A_198 : vector<16xf32>
        %parallel_loop3A_209 = arith.constant 10000 : i32
        %parallel_loop3A_210 = tpu.memref_slice %arg10[%parallel_loop3A_209] : memref<40000xf32, #tpu.memory_space<vmem>> -> memref<10000xf32, #tpu.memory_space<vmem>>
        tpu.vector_store_idx %parallel_loop3A_210[%parallel_loop3A_193], %parallel_loop3A_208 {add = true} : memref<10000xf32, #tpu.memory_space<vmem>>[vector<16xi32>], vector<16xf32>,
        %parallel_loop3A_211 = arith.constant 10000 : i32
        %parallel_loop3A_212 = tpu.memref_slice %arg9[%parallel_loop3A_211] : memref<20000xi32, #tpu.memory_space<vmem>> -> memref<10000xi32, #tpu.memory_space<vmem>>
        %parallel_loop3A_213 = tpu.vector_load_idx %parallel_loop3A_212[%parallel_loop3A_196] : memref<10000xi32, #tpu.memory_space<vmem>>[vector<16xi32>], vector<16xi32>,
        %parallel_loop3A_214 = vector.bitcast %parallel_loop3A_213 : vector<16xi32> to vector<32xbf16>
        %parallel_loop3A_215 = tpu.unpack_subelements %parallel_loop3A_214, 0 {pack_format = #tpu.pack_format<interleaved>} : vector<32xbf16> -> vector<16xf32>
        %parallel_loop3A_216 = tpu.unpack_subelements %parallel_loop3A_214, 1 {pack_format = #tpu.pack_format<interleaved>} : vector<32xbf16> -> vector<16xf32>
        %parallel_loop3A_217 = arith.mulf %parallel_loop3A_215, %parallel_loop3A_198 : vector<16xf32>
        %parallel_loop3A_218 = arith.constant 20000 : i32
        %parallel_loop3A_219 = tpu.memref_slice %arg10[%parallel_loop3A_218] : memref<40000xf32, #tpu.memory_space<vmem>> -> memref<10000xf32, #tpu.memory_space<vmem>>
        tpu.vector_store_idx %parallel_loop3A_219[%parallel_loop3A_193], %parallel_loop3A_217 {add = true} : memref<10000xf32, #tpu.memory_space<vmem>>[vector<16xi32>], vector<16xf32>,
        %parallel_loop3A_220 = arith.mulf %parallel_loop3A_216, %parallel_loop3A_198 : vector<16xf32>
        %parallel_loop3A_221 = arith.constant 30000 : i32
        %parallel_loop3A_222 = tpu.memref_slice %arg10[%parallel_loop3A_221] : memref<40000xf32, #tpu.memory_space<vmem>> -> memref<10000xf32, #tpu.memory_space<vmem>>
        tpu.vector_store_idx %parallel_loop3A_222[%parallel_loop3A_193], %parallel_loop3A_220 {add = true} : memref<10000xf32, #tpu.memory_space<vmem>>[vector<16xi32>], vector<16xf32>,
      } {sc.loop_unroll_factor = 8 : i64, sc.parallel_access}
    }
    %scan3A_72 = arith.constant 50 : i32
    %dma_wait3A_73 = arith.constant 0 : i32
    %dma_wait3A_74 = tpu.memref_slice %arg5[%dma_wait3A_73] : memref<960000xi32, #tpu.memory_space<hbm>> -> memref<3200xi32, #tpu.memory_space<hbm>>
    %dma_wait3A_75 = arith.constant 0 : i32
    %dma_wait3A_76 = tpu.memref_slice %arg5[%dma_wait3A_75] : memref<960000xi32, #tpu.memory_space<hbm>> -> memref<3200xi32, #tpu.memory_space<hbm>>
    tpu.wait_dma2 semaphore(%arg19 : memref<!tpu.dma_semaphore, #tpu.memory_space<semaphore_mem>>) src(%dma_wait3A_76 : memref<3200xi32, #tpu.memory_space<hbm>>) dst(%arg14 : memref<3200xi32, #tpu.memory_space<vmem>>)
    %dma_wait3A_77 = arith.constant 0 : i32
    %dma_wait3A_78 = tpu.memref_slice %arg18[%dma_wait3A_77] : memref<320000xf32, #tpu.memory_space<vmem_shared>> -> memref<3200xf32, #tpu.memory_space<vmem_shared>>
    %dma_wait3A_79 = arith.constant 0 : i32
    %dma_wait3A_80 = tpu.memref_slice %arg18[%dma_wait3A_79] : memref<320000xf32, #tpu.memory_space<vmem_shared>> -> memref<3200xf32, #tpu.memory_space<vmem_shared>>
    tpu.wait_dma2 semaphore(%arg21 : memref<!tpu.dma_semaphore, #tpu.memory_space<semaphore_mem>>) src(%dma_wait3A_80 : memref<3200xf32, #tpu.memory_space<vmem_shared>>) dst(%arg16 : memref<3200xf32, #tpu.memory_space<vmem>>)
    %add3A_81 = arith.constant 32 : i32
    %add3A_82 = arith.addi %add3A_81, %add3A : i32
    %mul3A_83 = arith.constant 4 : i32
    %mul3A_84 = arith.muli %add3A_82, %mul3A_83 : i32
    %mul3A_85 = arith.constant 10000 : i32
    %mul3A_86 = arith.muli %mul3A_84, %mul3A_85 : i32
    "tpu.region"() ({
      %run_scoped3A = tpu.sem_alloc : memref<!tpu.dma_semaphore, #tpu.memory_space<semaphore_mem>>
      %dma_start3A_135 = tpu.memref_slice %arg7[%mul3A_86] : memref<3840000xf32, #tpu.memory_space<hbm>> -> memref<40000xf32, #tpu.memory_space<hbm>>
      %dma_start3A_136 = tpu.memref_slice %arg7[%mul3A_86] : memref<3840000xf32, #tpu.memory_space<hbm>> -> memref<40000xf32, #tpu.memory_space<hbm>>
      tpu.enqueue_dma source(%arg10 : memref<40000xf32, #tpu.memory_space<vmem>>) target(%dma_start3A_136 : memref<40000xf32, #tpu.memory_space<hbm>>) target_semaphore(%run_scoped3A : memref<!tpu.dma_semaphore, #tpu.memory_space<semaphore_mem>>)
      %dma_wait3A_137 = tpu.memref_slice %arg7[%mul3A_86] : memref<3840000xf32, #tpu.memory_space<hbm>> -> memref<40000xf32, #tpu.memory_space<hbm>>
      %dma_wait3A_138 = tpu.memref_slice %arg7[%mul3A_86] : memref<3840000xf32, #tpu.memory_space<hbm>> -> memref<40000xf32, #tpu.memory_space<hbm>>
      tpu.wait_dma2 semaphore(%run_scoped3A : memref<!tpu.dma_semaphore, #tpu.memory_space<semaphore_mem>>) src(%arg10 : memref<40000xf32, #tpu.memory_space<vmem>>) dst(%dma_wait3A_138 : memref<40000xf32, #tpu.memory_space<hbm>>)
      tpu.yield
    }) : () -> ()
    %barrier3A_87 = arith.constant 0 : index
    tpu.barrier barrier_id(%barrier3A_87)
    %add3A_88 = arith.constant 64 : i32
    %add3A_89 = arith.addi %add3A_88, %add3A : i32
    %mul3A_90 = arith.constant 2 : i32
    %mul3A_91 = arith.muli %add3A_89, %mul3A_90 : i32
    %mul3A_92 = arith.constant 10000 : i32
    %mul3A_93 = arith.muli %mul3A_91, %mul3A_92 : i32
    "tpu.region"() ({
      %run_scoped3A = tpu.sem_alloc : memref<!tpu.dma_semaphore, #tpu.memory_space<semaphore_mem>>
      %dma_start3A_135 = tpu.memref_slice %arg2[%mul3A_93] : memref<1920000xi32, #tpu.memory_space<hbm>> -> memref<20000xi32, #tpu.memory_space<hbm>>
      %dma_start3A_136 = tpu.memref_slice %arg2[%mul3A_93] : memref<1920000xi32, #tpu.memory_space<hbm>> -> memref<20000xi32, #tpu.memory_space<hbm>>
      tpu.enqueue_dma source(%dma_start3A_136 : memref<20000xi32, #tpu.memory_space<hbm>>) target(%arg9 : memref<20000xi32, #tpu.memory_space<vmem>>) target_semaphore(%run_scoped3A : memref<!tpu.dma_semaphore, #tpu.memory_space<semaphore_mem>>)
      %dma_wait3A_137 = tpu.memref_slice %arg2[%mul3A_93] : memref<1920000xi32, #tpu.memory_space<hbm>> -> memref<20000xi32, #tpu.memory_space<hbm>>
      %dma_wait3A_138 = tpu.memref_slice %arg2[%mul3A_93] : memref<1920000xi32, #tpu.memory_space<hbm>> -> memref<20000xi32, #tpu.memory_space<hbm>>
      tpu.wait_dma2 semaphore(%run_scoped3A : memref<!tpu.dma_semaphore, #tpu.memory_space<semaphore_mem>>) src(%dma_wait3A_138 : memref<20000xi32, #tpu.memory_space<hbm>>) dst(%arg9 : memref<20000xi32, #tpu.memory_space<vmem>>)
      tpu.yield
    }) : () -> ()
    "tpu.region"() ({
      %run_scoped3A = tpu.sem_alloc : memref<!tpu.dma_semaphore, #tpu.memory_space<semaphore_mem>>
      %dma_start3A_135 = arith.constant 20000 : i32
      %dma_start3A_136 = tpu.memref_slice %arg3[%dma_start3A_135] : memref<30000xf32, #tpu.memory_space<hbm>> -> memref<10000xf32, #tpu.memory_space<hbm>>
      %dma_start3A_137 = arith.constant 20000 : i32
      %dma_start3A_138 = tpu.memref_slice %arg3[%dma_start3A_137] : memref<30000xf32, #tpu.memory_space<hbm>> -> memref<10000xf32, #tpu.memory_space<hbm>>
      tpu.enqueue_dma source(%dma_start3A_138 : memref<10000xf32, #tpu.memory_space<hbm>>) target(%arg11 : memref<10000xf32, #tpu.memory_space<vmem>>) target_semaphore(%run_scoped3A : memref<!tpu.dma_semaphore, #tpu.memory_space<semaphore_mem>>)
      %dma_wait3A_139 = arith.constant 20000 : i32
      %dma_wait3A_140 = tpu.memref_slice %arg3[%dma_wait3A_139] : memref<30000xf32, #tpu.memory_space<hbm>> -> memref<10000xf32, #tpu.memory_space<hbm>>
      %dma_wait3A_141 = arith.constant 20000 : i32
      %dma_wait3A_142 = tpu.memref_slice %arg3[%dma_wait3A_141] : memref<30000xf32, #tpu.memory_space<hbm>> -> memref<10000xf32, #tpu.memory_space<hbm>>
      tpu.wait_dma2 semaphore(%run_scoped3A : memref<!tpu.dma_semaphore, #tpu.memory_space<semaphore_mem>>) src(%dma_wait3A_142 : memref<10000xf32, #tpu.memory_space<hbm>>) dst(%arg11 : memref<10000xf32, #tpu.memory_space<vmem>>)
      tpu.yield
    }) : () -> ()
    "tpu.region"() ({
      %run_scoped3A = tpu.sem_alloc : memref<!tpu.dma_semaphore, #tpu.memory_space<semaphore_mem>>
      %dma_start3A_135 = arith.constant 20000 : i32
      %dma_start3A_136 = tpu.memref_slice %arg4[%dma_start3A_135] : memref<30000xf32, #tpu.memory_space<hbm>> -> memref<10000xf32, #tpu.memory_space<hbm>>
      %dma_start3A_137 = arith.constant 20000 : i32
      %dma_start3A_138 = tpu.memref_slice %arg4[%dma_start3A_137] : memref<30000xf32, #tpu.memory_space<hbm>> -> memref<10000xf32, #tpu.memory_space<hbm>>
      tpu.enqueue_dma source(%dma_start3A_138 : memref<10000xf32, #tpu.memory_space<hbm>>) target(%arg12 : memref<10000xf32, #tpu.memory_space<vmem>>) target_semaphore(%run_scoped3A : memref<!tpu.dma_semaphore, #tpu.memory_space<semaphore_mem>>)
      %dma_wait3A_139 = arith.constant 20000 : i32
      %dma_wait3A_140 = tpu.memref_slice %arg4[%dma_wait3A_139] : memref<30000xf32, #tpu.memory_space<hbm>> -> memref<10000xf32, #tpu.memory_space<hbm>>
      %dma_wait3A_141 = arith.constant 20000 : i32
      %dma_wait3A_142 = tpu.memref_slice %arg4[%dma_wait3A_141] : memref<30000xf32, #tpu.memory_space<hbm>> -> memref<10000xf32, #tpu.memory_space<hbm>>
      tpu.wait_dma2 semaphore(%run_scoped3A : memref<!tpu.dma_semaphore, #tpu.memory_space<semaphore_mem>>) src(%dma_wait3A_142 : memref<10000xf32, #tpu.memory_space<hbm>>) dst(%arg12 : memref<10000xf32, #tpu.memory_space<vmem>>)
      tpu.yield
    }) : () -> ()
    "tpu.region"() ({
      %run_scoped3A = tpu.sem_alloc : memref<!tpu.dma_semaphore, #tpu.memory_space<semaphore_mem>>
      tpu.enqueue_dma source(%arg6 : memref<40000xf32, #tpu.memory_space<hbm>>) target(%arg10 : memref<40000xf32, #tpu.memory_space<vmem>>) target_semaphore(%run_scoped3A : memref<!tpu.dma_semaphore, #tpu.memory_space<semaphore_mem>>)
      tpu.wait_dma2 semaphore(%run_scoped3A : memref<!tpu.dma_semaphore, #tpu.memory_space<semaphore_mem>>) src(%arg6 : memref<40000xf32, #tpu.memory_space<hbm>>) dst(%arg10 : memref<40000xf32, #tpu.memory_space<vmem>>)
      tpu.yield
    }) : () -> ()
    "tpu.region"() ({
      %run_scoped3A = tpu.sem_alloc : memref<!tpu.dma_semaphore, #tpu.memory_space<semaphore_mem>>
      %dma_start3A_135 = arith.constant 0 : i32
      %dma_start3A_136 = tpu.memref_slice %arg6[%dma_start3A_135] : memref<40000xf32, #tpu.memory_space<hbm>> -> memref<10000xf32, #tpu.memory_space<hbm>>
      %dma_start3A_137 = arith.constant 0 : i32
      %dma_start3A_138 = tpu.memref_slice %arg6[%dma_start3A_137] : memref<40000xf32, #tpu.memory_space<hbm>> -> memref<10000xf32, #tpu.memory_space<hbm>>
      tpu.enqueue_dma source(%dma_start3A_138 : memref<10000xf32, #tpu.memory_space<hbm>>) target(%arg13 : memref<10000xf32, #tpu.memory_space<vmem>>) target_semaphore(%run_scoped3A : memref<!tpu.dma_semaphore, #tpu.memory_space<semaphore_mem>>)
      %dma_wait3A_139 = arith.constant 0 : i32
      %dma_wait3A_140 = tpu.memref_slice %arg6[%dma_wait3A_139] : memref<40000xf32, #tpu.memory_space<hbm>> -> memref<10000xf32, #tpu.memory_space<hbm>>
      %dma_wait3A_141 = arith.constant 0 : i32
      %dma_wait3A_142 = tpu.memref_slice %arg6[%dma_wait3A_141] : memref<40000xf32, #tpu.memory_space<hbm>> -> memref<10000xf32, #tpu.memory_space<hbm>>
      tpu.wait_dma2 semaphore(%run_scoped3A : memref<!tpu.dma_semaphore, #tpu.memory_space<semaphore_mem>>) src(%dma_wait3A_142 : memref<10000xf32, #tpu.memory_space<hbm>>) dst(%arg13 : memref<10000xf32, #tpu.memory_space<vmem>>)
      tpu.yield
    }) : () -> ()
    %scan3A_94 = arith.constant 0 : i32
    %scan3A_95 = arith.constant 0 : i32
    %scan3A_96 = arith.constant 10 : i32
    %scan3A_97 = arith.addi %scan3A_95, %scan3A_96 : i32
    %scan3A_98 = arith.constant 1 : i32
    scf.for %scan3A_135 = %scan3A_95 to %scan3A_97 step %scan3A_98  : i32 {
      %mul3A_136 = arith.constant 20000 : i32
      %mul3A_137 = arith.muli %arg1, %mul3A_136 : i32
      %mul3A_138 = arith.constant 2000 : i32
      %mul3A_139 = arith.muli %scan3A_135, %mul3A_138 : i32
      %add3A_140 = arith.addi %mul3A_137, %mul3A_139 : i32
      %add3A_141 = arith.constant 640000 : i32
      %add3A_142 = arith.addi %add3A_141, %add3A_140 : i32
      "tpu.region"() ({
        %run_scoped3A = tpu.sem_alloc : memref<!tpu.dma_semaphore, #tpu.memory_space<semaphore_mem>>
        %dma_start3A_145 = arith.constant 0 : i32
        %dma_start3A_146 = tpu.memref_slice %arg14[%dma_start3A_145] : memref<3200xi32, #tpu.memory_space<vmem>> -> memref<2000xi32, #tpu.memory_space<vmem>>
        %dma_start3A_147 = tpu.memref_slice %arg5[%add3A_142] : memref<960000xi32, #tpu.memory_space<hbm>> -> memref<2000xi32, #tpu.memory_space<hbm>>
        %dma_start3A_148 = arith.constant 0 : i32
        %dma_start3A_149 = tpu.memref_slice %arg14[%dma_start3A_148] : memref<3200xi32, #tpu.memory_space<vmem>> -> memref<2000xi32, #tpu.memory_space<vmem>>
        %dma_start3A_150 = tpu.memref_slice %arg5[%add3A_142] : memref<960000xi32, #tpu.memory_space<hbm>> -> memref<2000xi32, #tpu.memory_space<hbm>>
        tpu.enqueue_dma source(%dma_start3A_150 : memref<2000xi32, #tpu.memory_space<hbm>>) target(%dma_start3A_149 : memref<2000xi32, #tpu.memory_space<vmem>>) target_semaphore(%run_scoped3A : memref<!tpu.dma_semaphore, #tpu.memory_space<semaphore_mem>>)
        %dma_wait3A_151 = arith.constant 0 : i32
        %dma_wait3A_152 = tpu.memref_slice %arg14[%dma_wait3A_151] : memref<3200xi32, #tpu.memory_space<vmem>> -> memref<2000xi32, #tpu.memory_space<vmem>>
        %dma_wait3A_153 = tpu.memref_slice %arg5[%add3A_142] : memref<960000xi32, #tpu.memory_space<hbm>> -> memref<2000xi32, #tpu.memory_space<hbm>>
        %dma_wait3A_154 = arith.constant 0 : i32
        %dma_wait3A_155 = tpu.memref_slice %arg14[%dma_wait3A_154] : memref<3200xi32, #tpu.memory_space<vmem>> -> memref<2000xi32, #tpu.memory_space<vmem>>
        %dma_wait3A_156 = tpu.memref_slice %arg5[%add3A_142] : memref<960000xi32, #tpu.memory_space<hbm>> -> memref<2000xi32, #tpu.memory_space<hbm>>
        tpu.wait_dma2 semaphore(%run_scoped3A : memref<!tpu.dma_semaphore, #tpu.memory_space<semaphore_mem>>) src(%dma_wait3A_156 : memref<2000xi32, #tpu.memory_space<hbm>>) dst(%dma_wait3A_155 : memref<2000xi32, #tpu.memory_space<vmem>>)
        tpu.yield
      }) : () -> ()
      %parallel_loop3A = arith.constant 0 : i32
      %parallel_loop3A_143 = arith.constant 125 : i32
      %parallel_loop3A_144 = arith.constant 1 : i32
      scf.for %parallel_loop3A_145 = %parallel_loop3A to %parallel_loop3A_143 step %parallel_loop3A_144  : i32 {
        %parallel_loop3A_146 = arith.constant 16 : i32
        %parallel_loop3A_147 = arith.muli %parallel_loop3A_145, %parallel_loop3A_146 : i32
        %parallel_loop3A_148 = arith.index_cast %parallel_loop3A_147 : i32 to index
        %parallel_loop3A_149 = tpu.vector_load %arg14[%parallel_loop3A_148] {strides = array<i32>} : memref<3200xi32, #tpu.memory_space<vmem>>, vector<16xi32>,
        %parallel_loop3A_150 = arith.constant 65535 : i32
        %parallel_loop3A_151 = vector.broadcast %parallel_loop3A_150 : i32 to vector<16xi32>
        %parallel_loop3A_152 = arith.andi %parallel_loop3A_149, %parallel_loop3A_151 : vector<16xi32>
        %parallel_loop3A_153 = arith.constant 16 : i32
        %parallel_loop3A_154 = vector.broadcast %parallel_loop3A_153 : i32 to vector<16xi32>
        %parallel_loop3A_155 = arith.shrsi %parallel_loop3A_149, %parallel_loop3A_154 : vector<16xi32>
        %parallel_loop3A_156 = tpu.vector_load_idx %arg11[%parallel_loop3A_152] : memref<10000xf32, #tpu.memory_space<vmem>>[vector<16xi32>], vector<16xf32>,
        %parallel_loop3A_157 = tpu.vector_load_idx %arg12[%parallel_loop3A_155] : memref<10000xf32, #tpu.memory_space<vmem>>[vector<16xi32>], vector<16xf32>,
        %parallel_loop3A_158 = arith.addf %parallel_loop3A_156, %parallel_loop3A_157 : vector<16xf32>
        %parallel_loop3A_159 = arith.constant 2.000000e-01 : f32
        %parallel_loop3A_160 = vector.broadcast %parallel_loop3A_159 : f32 to vector<16xf32>
        %parallel_loop3A_161 = arith.mulf %parallel_loop3A_160, %parallel_loop3A_158 : vector<16xf32>
        %parallel_loop3A_162 = arith.maximumf %parallel_loop3A_158, %parallel_loop3A_161 : vector<16xf32>
        %parallel_loop3A_163 = arith.constant 0.000000e+00 : f32
        %parallel_loop3A_164 = vector.broadcast %parallel_loop3A_163 : f32 to vector<16xf32>
        %parallel_loop3A_165 = arith.subf %parallel_loop3A_164, %parallel_loop3A_162 : vector<16xf32>
        %parallel_loop3A_166 = math.exp %parallel_loop3A_165 : vector<16xf32>
        %parallel_loop3A_167 = arith.index_cast %parallel_loop3A_147 : i32 to index
        %parallel_loop3A_168 = tpu.vector_load %arg16[%parallel_loop3A_167] {strides = array<i32>} : memref<3200xf32, #tpu.memory_space<vmem>>, vector<16xf32>,
        tpu.vector_store %arg16[%parallel_loop3A_167], %parallel_loop3A_166 {strides = array<i32>} : memref<3200xf32, #tpu.memory_space<vmem>>, vector<16xf32>,
        tpu.vector_store_idx %arg13[%parallel_loop3A_152], %parallel_loop3A_166 {add = true} : memref<10000xf32, #tpu.memory_space<vmem>>[vector<16xi32>], vector<16xf32>,
      } {sc.loop_unroll_factor = 5 : i64, sc.parallel_access}
      "tpu.region"() ({
        %run_scoped3A = tpu.sem_alloc : memref<!tpu.dma_semaphore, #tpu.memory_space<semaphore_mem>>
        %dma_start3A_145 = arith.constant 0 : i32
        %dma_start3A_146 = tpu.memref_slice %arg16[%dma_start3A_145] : memref<3200xf32, #tpu.memory_space<vmem>> -> memref<2000xf32, #tpu.memory_space<vmem>>
        %dma_start3A_147 = tpu.memref_slice %arg18[%add3A_140] : memref<320000xf32, #tpu.memory_space<vmem_shared>> -> memref<2000xf32, #tpu.memory_space<vmem_shared>>
        %dma_start3A_148 = tpu.memref_slice %arg18[%add3A_140] : memref<320000xf32, #tpu.memory_space<vmem_shared>> -> memref<2000xf32, #tpu.memory_space<vmem_shared>>
        %dma_start3A_149 = arith.constant 0 : i32
        %dma_start3A_150 = tpu.memref_slice %arg16[%dma_start3A_149] : memref<3200xf32, #tpu.memory_space<vmem>> -> memref<2000xf32, #tpu.memory_space<vmem>>
        tpu.enqueue_dma source(%dma_start3A_150 : memref<2000xf32, #tpu.memory_space<vmem>>) target(%dma_start3A_148 : memref<2000xf32, #tpu.memory_space<vmem_shared>>) target_semaphore(%run_scoped3A : memref<!tpu.dma_semaphore, #tpu.memory_space<semaphore_mem>>)
        %dma_wait3A_151 = arith.constant 0 : i32
        %dma_wait3A_152 = tpu.memref_slice %arg16[%dma_wait3A_151] : memref<3200xf32, #tpu.memory_space<vmem>> -> memref<2000xf32, #tpu.memory_space<vmem>>
        %dma_wait3A_153 = tpu.memref_slice %arg18[%add3A_140] : memref<320000xf32, #tpu.memory_space<vmem_shared>> -> memref<2000xf32, #tpu.memory_space<vmem_shared>>
        %dma_wait3A_154 = tpu.memref_slice %arg18[%add3A_140] : memref<320000xf32, #tpu.memory_space<vmem_shared>> -> memref<2000xf32, #tpu.memory_space<vmem_shared>>
        %dma_wait3A_155 = arith.constant 0 : i32
        %dma_wait3A_156 = tpu.memref_slice %arg16[%dma_wait3A_155] : memref<3200xf32, #tpu.memory_space<vmem>> -> memref<2000xf32, #tpu.memory_space<vmem>>
        tpu.wait_dma2 semaphore(%run_scoped3A : memref<!tpu.dma_semaphore, #tpu.memory_space<semaphore_mem>>) src(%dma_wait3A_156 : memref<2000xf32, #tpu.memory_space<vmem>>) dst(%dma_wait3A_154 : memref<2000xf32, #tpu.memory_space<vmem_shared>>)
        tpu.yield
      }) : () -> ()
    }
    %scan3A_99 = arith.constant 10 : i32
    %eq3A_100 = arith.constant 0 : i32
    %eq3A_101 = arith.cmpi eq, %arg0, %eq3A_100 : i32
    %convert_element_type3A_102 = arith.extui %eq3A_101 : i1 to i32
    %cond3A_103 = arith.constant 0 : i32
    %cond3A_104 = arith.cmpi ne, %convert_element_type3A_102, %cond3A_103 : i32
    scf.if %cond3A_104 {
      %add3A_135 = arith.constant 32 : i32
      %add3A_136 = arith.addi %add3A_135, %arg1 : i32
      %mul3A_137 = arith.constant 10000 : i32
      %mul3A_138 = arith.muli %add3A_136, %mul3A_137 : i32
      "tpu.region"() ({
        %run_scoped3A = tpu.sem_alloc : memref<!tpu.dma_semaphore, #tpu.memory_space<semaphore_mem>>
        %dma_start3A_139 = tpu.memref_slice %arg8[%mul3A_138] : memref<480000xf32, #tpu.memory_space<hbm>> -> memref<10000xf32, #tpu.memory_space<hbm>>
        %dma_start3A_140 = tpu.memref_slice %arg8[%mul3A_138] : memref<480000xf32, #tpu.memory_space<hbm>> -> memref<10000xf32, #tpu.memory_space<hbm>>
        tpu.enqueue_dma source(%arg13 : memref<10000xf32, #tpu.memory_space<vmem>>) target(%dma_start3A_140 : memref<10000xf32, #tpu.memory_space<hbm>>) target_semaphore(%run_scoped3A : memref<!tpu.dma_semaphore, #tpu.memory_space<semaphore_mem>>)
        %dma_wait3A_141 = tpu.memref_slice %arg8[%mul3A_138] : memref<480000xf32, #tpu.memory_space<hbm>> -> memref<10000xf32, #tpu.memory_space<hbm>>
        %dma_wait3A_142 = tpu.memref_slice %arg8[%mul3A_138] : memref<480000xf32, #tpu.memory_space<hbm>> -> memref<10000xf32, #tpu.memory_space<hbm>>
        tpu.wait_dma2 semaphore(%run_scoped3A : memref<!tpu.dma_semaphore, #tpu.memory_space<semaphore_mem>>) src(%arg13 : memref<10000xf32, #tpu.memory_space<vmem>>) dst(%dma_wait3A_142 : memref<10000xf32, #tpu.memory_space<hbm>>)
        tpu.yield
      }) : () -> ()
    } else {
    }
    %barrier3A_105 = arith.constant 0 : index
    tpu.barrier barrier_id(%barrier3A_105)
    %dma_start3A_106 = arith.constant 640000 : i32
    %dma_start3A_107 = tpu.memref_slice %arg5[%dma_start3A_106] : memref<960000xi32, #tpu.memory_space<hbm>> -> memref<3200xi32, #tpu.memory_space<hbm>>
    %dma_start3A_108 = arith.constant 640000 : i32
    %dma_start3A_109 = tpu.memref_slice %arg5[%dma_start3A_108] : memref<960000xi32, #tpu.memory_space<hbm>> -> memref<3200xi32, #tpu.memory_space<hbm>>
    tpu.enqueue_dma source(%dma_start3A_109 : memref<3200xi32, #tpu.memory_space<hbm>>) target(%arg14 : memref<3200xi32, #tpu.memory_space<vmem>>) target_semaphore(%arg19 : memref<!tpu.dma_semaphore, #tpu.memory_space<semaphore_mem>>)
    %dma_start3A_110 = arith.constant 0 : i32
    %dma_start3A_111 = tpu.memref_slice %arg18[%dma_start3A_110] : memref<320000xf32, #tpu.memory_space<vmem_shared>> -> memref<3200xf32, #tpu.memory_space<vmem_shared>>
    %dma_start3A_112 = arith.constant 0 : i32
    %dma_start3A_113 = tpu.memref_slice %arg18[%dma_start3A_112] : memref<320000xf32, #tpu.memory_space<vmem_shared>> -> memref<3200xf32, #tpu.memory_space<vmem_shared>>
    tpu.enqueue_dma source(%dma_start3A_113 : memref<3200xf32, #tpu.memory_space<vmem_shared>>) target(%arg16 : memref<3200xf32, #tpu.memory_space<vmem>>) target_semaphore(%arg21 : memref<!tpu.dma_semaphore, #tpu.memory_space<semaphore_mem>>)
    %scan3A_114 = arith.constant 0 : i32
    %scan3A_115 = arith.constant 0 : i32
    %scan3A_116 = arith.constant 50 : i32
    %scan3A_117 = arith.addi %scan3A_115, %scan3A_116 : i32
    %scan3A_118 = arith.constant 1 : i32
    scf.for %scan3A_135 = %scan3A_115 to %scan3A_117 step %scan3A_118  : i32 {
      %mul3A_136 = arith.constant 2 : i32
      %mul3A_137 = arith.muli %mul3A_136, %scan3A_135 : i32
      %add3A_138 = arith.constant 1 : i32
      %add3A_139 = arith.addi %mul3A_137, %add3A_138 : i32
      %mul3A_140 = arith.constant 2 : i32
      %mul3A_141 = arith.muli %mul3A_140, %scan3A_135 : i32
      %add3A_142 = arith.constant 2 : i32
      %add3A_143 = arith.addi %mul3A_141, %add3A_142 : i32
      %min3A = arith.constant 99 : i32
      %min3A_144 = arith.minsi %add3A_143, %min3A : i32
      %dma_wait3A_145 = arith.constant 0 : i32
      %dma_wait3A_146 = tpu.memref_slice %arg5[%dma_wait3A_145] : memref<960000xi32, #tpu.memory_space<hbm>> -> memref<3200xi32, #tpu.memory_space<hbm>>
      %dma_wait3A_147 = arith.constant 0 : i32
      %dma_wait3A_148 = tpu.memref_slice %arg5[%dma_wait3A_147] : memref<960000xi32, #tpu.memory_space<hbm>> -> memref<3200xi32, #tpu.memory_space<hbm>>
      tpu.wait_dma2 semaphore(%arg19 : memref<!tpu.dma_semaphore, #tpu.memory_space<semaphore_mem>>) src(%dma_wait3A_148 : memref<3200xi32, #tpu.memory_space<hbm>>) dst(%arg14 : memref<3200xi32, #tpu.memory_space<vmem>>)
      %dma_wait3A_149 = arith.constant 0 : i32
      %dma_wait3A_150 = tpu.memref_slice %arg18[%dma_wait3A_149] : memref<320000xf32, #tpu.memory_space<vmem_shared>> -> memref<3200xf32, #tpu.memory_space<vmem_shared>>
      %dma_wait3A_151 = arith.constant 0 : i32
      %dma_wait3A_152 = tpu.memref_slice %arg18[%dma_wait3A_151] : memref<320000xf32, #tpu.memory_space<vmem_shared>> -> memref<3200xf32, #tpu.memory_space<vmem_shared>>
      tpu.wait_dma2 semaphore(%arg21 : memref<!tpu.dma_semaphore, #tpu.memory_space<semaphore_mem>>) src(%dma_wait3A_152 : memref<3200xf32, #tpu.memory_space<vmem_shared>>) dst(%arg16 : memref<3200xf32, #tpu.memory_space<vmem>>)
      %mul3A_153 = arith.constant 3200 : i32
      %mul3A_154 = arith.muli %add3A_139, %mul3A_153 : i32
      %add3A_155 = arith.constant 640000 : i32
      %add3A_156 = arith.addi %add3A_155, %mul3A_154 : i32
      %dma_start3A_157 = tpu.memref_slice %arg5[%add3A_156] : memref<960000xi32, #tpu.memory_space<hbm>> -> memref<3200xi32, #tpu.memory_space<hbm>>
      %dma_start3A_158 = tpu.memref_slice %arg5[%add3A_156] : memref<960000xi32, #tpu.memory_space<hbm>> -> memref<3200xi32, #tpu.memory_space<hbm>>
      tpu.enqueue_dma source(%dma_start3A_158 : memref<3200xi32, #tpu.memory_space<hbm>>) target(%arg15 : memref<3200xi32, #tpu.memory_space<vmem>>) target_semaphore(%arg20 : memref<!tpu.dma_semaphore, #tpu.memory_space<semaphore_mem>>)
      %mul3A_159 = arith.constant 3200 : i32
      %mul3A_160 = arith.muli %add3A_139, %mul3A_159 : i32
      %dma_start3A_161 = tpu.memref_slice %arg18[%mul3A_160] : memref<320000xf32, #tpu.memory_space<vmem_shared>> -> memref<3200xf32, #tpu.memory_space<vmem_shared>>
      %dma_start3A_162 = tpu.memref_slice %arg18[%mul3A_160] : memref<320000xf32, #tpu.memory_space<vmem_shared>> -> memref<3200xf32, #tpu.memory_space<vmem_shared>>
      tpu.enqueue_dma source(%dma_start3A_162 : memref<3200xf32, #tpu.memory_space<vmem_shared>>) target(%arg17 : memref<3200xf32, #tpu.memory_space<vmem>>) target_semaphore(%arg22 : memref<!tpu.dma_semaphore, #tpu.memory_space<semaphore_mem>>)
      %parallel_loop3A = arith.constant 0 : i32
      %parallel_loop3A_163 = arith.constant 200 : i32
      %parallel_loop3A_164 = arith.constant 1 : i32
      scf.for %parallel_loop3A_186 = %parallel_loop3A to %parallel_loop3A_163 step %parallel_loop3A_164  : i32 {
        %parallel_loop3A_187 = arith.constant 16 : i32
        %parallel_loop3A_188 = arith.muli %parallel_loop3A_186, %parallel_loop3A_187 : i32
        %parallel_loop3A_189 = arith.index_cast %parallel_loop3A_188 : i32 to index
        %parallel_loop3A_190 = tpu.vector_load %arg14[%parallel_loop3A_189] {strides = array<i32>} : memref<3200xi32, #tpu.memory_space<vmem>>, vector<16xi32>,
        %parallel_loop3A_191 = arith.constant 65535 : i32
        %parallel_loop3A_192 = vector.broadcast %parallel_loop3A_191 : i32 to vector<16xi32>
        %parallel_loop3A_193 = arith.andi %parallel_loop3A_190, %parallel_loop3A_192 : vector<16xi32>
        %parallel_loop3A_194 = arith.constant 16 : i32
        %parallel_loop3A_195 = vector.broadcast %parallel_loop3A_194 : i32 to vector<16xi32>
        %parallel_loop3A_196 = arith.shrsi %parallel_loop3A_190, %parallel_loop3A_195 : vector<16xi32>
        %parallel_loop3A_197 = arith.index_cast %parallel_loop3A_188 : i32 to index
        %parallel_loop3A_198 = tpu.vector_load %arg16[%parallel_loop3A_197] {strides = array<i32>} : memref<3200xf32, #tpu.memory_space<vmem>>, vector<16xf32>,
        %parallel_loop3A_199 = arith.constant 0 : i32
        %parallel_loop3A_200 = tpu.memref_slice %arg9[%parallel_loop3A_199] : memref<20000xi32, #tpu.memory_space<vmem>> -> memref<10000xi32, #tpu.memory_space<vmem>>
        %parallel_loop3A_201 = tpu.vector_load_idx %parallel_loop3A_200[%parallel_loop3A_196] : memref<10000xi32, #tpu.memory_space<vmem>>[vector<16xi32>], vector<16xi32>,
        %parallel_loop3A_202 = vector.bitcast %parallel_loop3A_201 : vector<16xi32> to vector<32xbf16>
        %parallel_loop3A_203 = tpu.unpack_subelements %parallel_loop3A_202, 0 {pack_format = #tpu.pack_format<interleaved>} : vector<32xbf16> -> vector<16xf32>
        %parallel_loop3A_204 = tpu.unpack_subelements %parallel_loop3A_202, 1 {pack_format = #tpu.pack_format<interleaved>} : vector<32xbf16> -> vector<16xf32>
        %parallel_loop3A_205 = arith.mulf %parallel_loop3A_203, %parallel_loop3A_198 : vector<16xf32>
        %parallel_loop3A_206 = arith.constant 0 : i32
        %parallel_loop3A_207 = tpu.memref_slice %arg10[%parallel_loop3A_206] : memref<40000xf32, #tpu.memory_space<vmem>> -> memref<10000xf32, #tpu.memory_space<vmem>>
        tpu.vector_store_idx %parallel_loop3A_207[%parallel_loop3A_193], %parallel_loop3A_205 {add = true} : memref<10000xf32, #tpu.memory_space<vmem>>[vector<16xi32>], vector<16xf32>,
        %parallel_loop3A_208 = arith.mulf %parallel_loop3A_204, %parallel_loop3A_198 : vector<16xf32>
        %parallel_loop3A_209 = arith.constant 10000 : i32
        %parallel_loop3A_210 = tpu.memref_slice %arg10[%parallel_loop3A_209] : memref<40000xf32, #tpu.memory_space<vmem>> -> memref<10000xf32, #tpu.memory_space<vmem>>
        tpu.vector_store_idx %parallel_loop3A_210[%parallel_loop3A_193], %parallel_loop3A_208 {add = true} : memref<10000xf32, #tpu.memory_space<vmem>>[vector<16xi32>], vector<16xf32>,
        %parallel_loop3A_211 = arith.constant 10000 : i32
        %parallel_loop3A_212 = tpu.memref_slice %arg9[%parallel_loop3A_211] : memref<20000xi32, #tpu.memory_space<vmem>> -> memref<10000xi32, #tpu.memory_space<vmem>>
        %parallel_loop3A_213 = tpu.vector_load_idx %parallel_loop3A_212[%parallel_loop3A_196] : memref<10000xi32, #tpu.memory_space<vmem>>[vector<16xi32>], vector<16xi32>,
        %parallel_loop3A_214 = vector.bitcast %parallel_loop3A_213 : vector<16xi32> to vector<32xbf16>
        %parallel_loop3A_215 = tpu.unpack_subelements %parallel_loop3A_214, 0 {pack_format = #tpu.pack_format<interleaved>} : vector<32xbf16> -> vector<16xf32>
        %parallel_loop3A_216 = tpu.unpack_subelements %parallel_loop3A_214, 1 {pack_format = #tpu.pack_format<interleaved>} : vector<32xbf16> -> vector<16xf32>
        %parallel_loop3A_217 = arith.mulf %parallel_loop3A_215, %parallel_loop3A_198 : vector<16xf32>
        %parallel_loop3A_218 = arith.constant 20000 : i32
        %parallel_loop3A_219 = tpu.memref_slice %arg10[%parallel_loop3A_218] : memref<40000xf32, #tpu.memory_space<vmem>> -> memref<10000xf32, #tpu.memory_space<vmem>>
        tpu.vector_store_idx %parallel_loop3A_219[%parallel_loop3A_193], %parallel_loop3A_217 {add = true} : memref<10000xf32, #tpu.memory_space<vmem>>[vector<16xi32>], vector<16xf32>,
        %parallel_loop3A_220 = arith.mulf %parallel_loop3A_216, %parallel_loop3A_198 : vector<16xf32>
        %parallel_loop3A_221 = arith.constant 30000 : i32
        %parallel_loop3A_222 = tpu.memref_slice %arg10[%parallel_loop3A_221] : memref<40000xf32, #tpu.memory_space<vmem>> -> memref<10000xf32, #tpu.memory_space<vmem>>
        tpu.vector_store_idx %parallel_loop3A_222[%parallel_loop3A_193], %parallel_loop3A_220 {add = true} : memref<10000xf32, #tpu.memory_space<vmem>>[vector<16xi32>], vector<16xf32>,
      } {sc.loop_unroll_factor = 8 : i64, sc.parallel_access}
      %dma_wait3A_165 = arith.constant 0 : i32
      %dma_wait3A_166 = tpu.memref_slice %arg5[%dma_wait3A_165] : memref<960000xi32, #tpu.memory_space<hbm>> -> memref<3200xi32, #tpu.memory_space<hbm>>
      %dma_wait3A_167 = arith.constant 0 : i32
      %dma_wait3A_168 = tpu.memref_slice %arg5[%dma_wait3A_167] : memref<960000xi32, #tpu.memory_space<hbm>> -> memref<3200xi32, #tpu.memory_space<hbm>>
      tpu.wait_dma2 semaphore(%arg20 : memref<!tpu.dma_semaphore, #tpu.memory_space<semaphore_mem>>) src(%dma_wait3A_168 : memref<3200xi32, #tpu.memory_space<hbm>>) dst(%arg15 : memref<3200xi32, #tpu.memory_space<vmem>>)
      %dma_wait3A_169 = arith.constant 0 : i32
      %dma_wait3A_170 = tpu.memref_slice %arg18[%dma_wait3A_169] : memref<320000xf32, #tpu.memory_space<vmem_shared>> -> memref<3200xf32, #tpu.memory_space<vmem_shared>>
      %dma_wait3A_171 = arith.constant 0 : i32
      %dma_wait3A_172 = tpu.memref_slice %arg18[%dma_wait3A_171] : memref<320000xf32, #tpu.memory_space<vmem_shared>> -> memref<3200xf32, #tpu.memory_space<vmem_shared>>
      tpu.wait_dma2 semaphore(%arg22 : memref<!tpu.dma_semaphore, #tpu.memory_space<semaphore_mem>>) src(%dma_wait3A_172 : memref<3200xf32, #tpu.memory_space<vmem_shared>>) dst(%arg17 : memref<3200xf32, #tpu.memory_space<vmem>>)
      %mul3A_173 = arith.constant 3200 : i32
      %mul3A_174 = arith.muli %min3A_144, %mul3A_173 : i32
      %add3A_175 = arith.constant 640000 : i32
      %add3A_176 = arith.addi %add3A_175, %mul3A_174 : i32
      %dma_start3A_177 = tpu.memref_slice %arg5[%add3A_176] : memref<960000xi32, #tpu.memory_space<hbm>> -> memref<3200xi32, #tpu.memory_space<hbm>>
      %dma_start3A_178 = tpu.memref_slice %arg5[%add3A_176] : memref<960000xi32, #tpu.memory_space<hbm>> -> memref<3200xi32, #tpu.memory_space<hbm>>
      tpu.enqueue_dma source(%dma_start3A_178 : memref<3200xi32, #tpu.memory_space<hbm>>) target(%arg14 : memref<3200xi32, #tpu.memory_space<vmem>>) target_semaphore(%arg19 : memref<!tpu.dma_semaphore, #tpu.memory_space<semaphore_mem>>)
      %mul3A_179 = arith.constant 3200 : i32
      %mul3A_180 = arith.muli %min3A_144, %mul3A_179 : i32
      %dma_start3A_181 = tpu.memref_slice %arg18[%mul3A_180] : memref<320000xf32, #tpu.memory_space<vmem_shared>> -> memref<3200xf32, #tpu.memory_space<vmem_shared>>
      %dma_start3A_182 = tpu.memref_slice %arg18[%mul3A_180] : memref<320000xf32, #tpu.memory_space<vmem_shared>> -> memref<3200xf32, #tpu.memory_space<vmem_shared>>
      tpu.enqueue_dma source(%dma_start3A_182 : memref<3200xf32, #tpu.memory_space<vmem_shared>>) target(%arg16 : memref<3200xf32, #tpu.memory_space<vmem>>) target_semaphore(%arg21 : memref<!tpu.dma_semaphore, #tpu.memory_space<semaphore_mem>>)
      %parallel_loop3A_183 = arith.constant 0 : i32
      %parallel_loop3A_184 = arith.constant 200 : i32
      %parallel_loop3A_185 = arith.constant 1 : i32
      scf.for %parallel_loop3A_186 = %parallel_loop3A_183 to %parallel_loop3A_184 step %parallel_loop3A_185  : i32 {
        %parallel_loop3A_187 = arith.constant 16 : i32
        %parallel_loop3A_188 = arith.muli %parallel_loop3A_186, %parallel_loop3A_187 : i32
        %parallel_loop3A_189 = arith.index_cast %parallel_loop3A_188 : i32 to index
        %parallel_loop3A_190 = tpu.vector_load %arg15[%parallel_loop3A_189] {strides = array<i32>} : memref<3200xi32, #tpu.memory_space<vmem>>, vector<16xi32>,
        %parallel_loop3A_191 = arith.constant 65535 : i32
        %parallel_loop3A_192 = vector.broadcast %parallel_loop3A_191 : i32 to vector<16xi32>
        %parallel_loop3A_193 = arith.andi %parallel_loop3A_190, %parallel_loop3A_192 : vector<16xi32>
        %parallel_loop3A_194 = arith.constant 16 : i32
        %parallel_loop3A_195 = vector.broadcast %parallel_loop3A_194 : i32 to vector<16xi32>
        %parallel_loop3A_196 = arith.shrsi %parallel_loop3A_190, %parallel_loop3A_195 : vector<16xi32>
        %parallel_loop3A_197 = arith.index_cast %parallel_loop3A_188 : i32 to index
        %parallel_loop3A_198 = tpu.vector_load %arg17[%parallel_loop3A_197] {strides = array<i32>} : memref<3200xf32, #tpu.memory_space<vmem>>, vector<16xf32>,
        %parallel_loop3A_199 = arith.constant 0 : i32
        %parallel_loop3A_200 = tpu.memref_slice %arg9[%parallel_loop3A_199] : memref<20000xi32, #tpu.memory_space<vmem>> -> memref<10000xi32, #tpu.memory_space<vmem>>
        %parallel_loop3A_201 = tpu.vector_load_idx %parallel_loop3A_200[%parallel_loop3A_196] : memref<10000xi32, #tpu.memory_space<vmem>>[vector<16xi32>], vector<16xi32>,
        %parallel_loop3A_202 = vector.bitcast %parallel_loop3A_201 : vector<16xi32> to vector<32xbf16>
        %parallel_loop3A_203 = tpu.unpack_subelements %parallel_loop3A_202, 0 {pack_format = #tpu.pack_format<interleaved>} : vector<32xbf16> -> vector<16xf32>
        %parallel_loop3A_204 = tpu.unpack_subelements %parallel_loop3A_202, 1 {pack_format = #tpu.pack_format<interleaved>} : vector<32xbf16> -> vector<16xf32>
        %parallel_loop3A_205 = arith.mulf %parallel_loop3A_203, %parallel_loop3A_198 : vector<16xf32>
        %parallel_loop3A_206 = arith.constant 0 : i32
        %parallel_loop3A_207 = tpu.memref_slice %arg10[%parallel_loop3A_206] : memref<40000xf32, #tpu.memory_space<vmem>> -> memref<10000xf32, #tpu.memory_space<vmem>>
        tpu.vector_store_idx %parallel_loop3A_207[%parallel_loop3A_193], %parallel_loop3A_205 {add = true} : memref<10000xf32, #tpu.memory_space<vmem>>[vector<16xi32>], vector<16xf32>,
        %parallel_loop3A_208 = arith.mulf %parallel_loop3A_204, %parallel_loop3A_198 : vector<16xf32>
        %parallel_loop3A_209 = arith.constant 10000 : i32
        %parallel_loop3A_210 = tpu.memref_slice %arg10[%parallel_loop3A_209] : memref<40000xf32, #tpu.memory_space<vmem>> -> memref<10000xf32, #tpu.memory_space<vmem>>
        tpu.vector_store_idx %parallel_loop3A_210[%parallel_loop3A_193], %parallel_loop3A_208 {add = true} : memref<10000xf32, #tpu.memory_space<vmem>>[vector<16xi32>], vector<16xf32>,
        %parallel_loop3A_211 = arith.constant 10000 : i32
        %parallel_loop3A_212 = tpu.memref_slice %arg9[%parallel_loop3A_211] : memref<20000xi32, #tpu.memory_space<vmem>> -> memref<10000xi32, #tpu.memory_space<vmem>>
        %parallel_loop3A_213 = tpu.vector_load_idx %parallel_loop3A_212[%parallel_loop3A_196] : memref<10000xi32, #tpu.memory_space<vmem>>[vector<16xi32>], vector<16xi32>,
        %parallel_loop3A_214 = vector.bitcast %parallel_loop3A_213 : vector<16xi32> to vector<32xbf16>
        %parallel_loop3A_215 = tpu.unpack_subelements %parallel_loop3A_214, 0 {pack_format = #tpu.pack_format<interleaved>} : vector<32xbf16> -> vector<16xf32>
        %parallel_loop3A_216 = tpu.unpack_subelements %parallel_loop3A_214, 1 {pack_format = #tpu.pack_format<interleaved>} : vector<32xbf16> -> vector<16xf32>
        %parallel_loop3A_217 = arith.mulf %parallel_loop3A_215, %parallel_loop3A_198 : vector<16xf32>
        %parallel_loop3A_218 = arith.constant 20000 : i32
        %parallel_loop3A_219 = tpu.memref_slice %arg10[%parallel_loop3A_218] : memref<40000xf32, #tpu.memory_space<vmem>> -> memref<10000xf32, #tpu.memory_space<vmem>>
        tpu.vector_store_idx %parallel_loop3A_219[%parallel_loop3A_193], %parallel_loop3A_217 {add = true} : memref<10000xf32, #tpu.memory_space<vmem>>[vector<16xi32>], vector<16xf32>,
        %parallel_loop3A_220 = arith.mulf %parallel_loop3A_216, %parallel_loop3A_198 : vector<16xf32>
        %parallel_loop3A_221 = arith.constant 30000 : i32
        %parallel_loop3A_222 = tpu.memref_slice %arg10[%parallel_loop3A_221] : memref<40000xf32, #tpu.memory_space<vmem>> -> memref<10000xf32, #tpu.memory_space<vmem>>
        tpu.vector_store_idx %parallel_loop3A_222[%parallel_loop3A_193], %parallel_loop3A_220 {add = true} : memref<10000xf32, #tpu.memory_space<vmem>>[vector<16xi32>], vector<16xf32>,
      } {sc.loop_unroll_factor = 8 : i64, sc.parallel_access}
    }
    %scan3A_119 = arith.constant 50 : i32
    %dma_wait3A_120 = arith.constant 0 : i32
    %dma_wait3A_121 = tpu.memref_slice %arg5[%dma_wait3A_120] : memref<960000xi32, #tpu.memory_space<hbm>> -> memref<3200xi32, #tpu.memory_space<hbm>>
    %dma_wait3A_122 = arith.constant 0 : i32
    %dma_wait3A_123 = tpu.memref_slice %arg5[%dma_wait3A_122] : memref<960000xi32, #tpu.memory_space<hbm>> -> memref<3200xi32, #tpu.memory_space<hbm>>
    tpu.wait_dma2 semaphore(%arg19 : memref<!tpu.dma_semaphore, #tpu.memory_space<semaphore_mem>>) src(%dma_wait3A_123 : memref<3200xi32, #tpu.memory_space<hbm>>) dst(%arg14 : memref<3200xi32, #tpu.memory_space<vmem>>)
    %dma_wait3A_124 = arith.constant 0 : i32
    %dma_wait3A_125 = tpu.memref_slice %arg18[%dma_wait3A_124] : memref<320000xf32, #tpu.memory_space<vmem_shared>> -> memref<3200xf32, #tpu.memory_space<vmem_shared>>
    %dma_wait3A_126 = arith.constant 0 : i32
    %dma_wait3A_127 = tpu.memref_slice %arg18[%dma_wait3A_126] : memref<320000xf32, #tpu.memory_space<vmem_shared>> -> memref<3200xf32, #tpu.memory_space<vmem_shared>>
    tpu.wait_dma2 semaphore(%arg21 : memref<!tpu.dma_semaphore, #tpu.memory_space<semaphore_mem>>) src(%dma_wait3A_127 : memref<3200xf32, #tpu.memory_space<vmem_shared>>) dst(%arg16 : memref<3200xf32, #tpu.memory_space<vmem>>)
    %add3A_128 = arith.constant 64 : i32
    %add3A_129 = arith.addi %add3A_128, %add3A : i32
    %mul3A_130 = arith.constant 4 : i32
    %mul3A_131 = arith.muli %add3A_129, %mul3A_130 : i32
    %mul3A_132 = arith.constant 10000 : i32
    %mul3A_133 = arith.muli %mul3A_131, %mul3A_132 : i32
    "tpu.region"() ({
      %run_scoped3A = tpu.sem_alloc : memref<!tpu.dma_semaphore, #tpu.memory_space<semaphore_mem>>
      %dma_start3A_135 = tpu.memref_slice %arg7[%mul3A_133] : memref<3840000xf32, #tpu.memory_space<hbm>> -> memref<40000xf32, #tpu.memory_space<hbm>>
      %dma_start3A_136 = tpu.memref_slice %arg7[%mul3A_133] : memref<3840000xf32, #tpu.memory_space<hbm>> -> memref<40000xf32, #tpu.memory_space<hbm>>
      tpu.enqueue_dma source(%arg10 : memref<40000xf32, #tpu.memory_space<vmem>>) target(%dma_start3A_136 : memref<40000xf32, #tpu.memory_space<hbm>>) target_semaphore(%run_scoped3A : memref<!tpu.dma_semaphore, #tpu.memory_space<semaphore_mem>>)
      %dma_wait3A_137 = tpu.memref_slice %arg7[%mul3A_133] : memref<3840000xf32, #tpu.memory_space<hbm>> -> memref<40000xf32, #tpu.memory_space<hbm>>
      %dma_wait3A_138 = tpu.memref_slice %arg7[%mul3A_133] : memref<3840000xf32, #tpu.memory_space<hbm>> -> memref<40000xf32, #tpu.memory_space<hbm>>
      tpu.wait_dma2 semaphore(%run_scoped3A : memref<!tpu.dma_semaphore, #tpu.memory_space<semaphore_mem>>) src(%arg10 : memref<40000xf32, #tpu.memory_space<vmem>>) dst(%dma_wait3A_138 : memref<40000xf32, #tpu.memory_space<hbm>>)
      tpu.yield
    }) : () -> ()
    %barrier3A_134 = arith.constant 0 : index
    tpu.barrier barrier_id(%barrier3A_134)
    return
  }
}

module attributes {stable_mosaic.version = 14 : i64} {
  func.func @_prep_body(%arg0: memref<10000x128xf32, #tpu.memory_space<vmem>>, %arg1: memref<384x128xf32, #tpu.memory_space<vmem>>, %arg2: memref<1x768xf32, #tpu.memory_space<vmem>>, %arg3: memref<3x2x320000xi32, #tpu.memory_space<vmem>>, %arg4: memref<3x64x10000xi32, #tpu.memory_space<vmem>>, %arg5: memref<3x1x10000xf32, #tpu.memory_space<vmem>>, %arg6: memref<3x1x10000xf32, #tpu.memory_space<vmem>>, %arg7: memref<3x320000xi32, #tpu.memory_space<vmem>>) attributes {dimension_semantics = [], scalar_prefetch = 0 : i64, scratch_operands = 0 : i64, tpu.core_type = #tpu.core_type<tc>} {
    %get3A = arith.constant 0 : index
    %get3A_0 = arith.constant 0 : index
    %get3A_1 = vector.load %arg0[%get3A, %get3A_0] : memref<10000x128xf32, #tpu.memory_space<vmem>>, vector<10000x128xf32>
    %get3A_2 = arith.constant 0 : index
    %get3A_3 = arith.constant 0 : index
    %get3A_4 = arith.constant 0 : index
    %get3A_5 = vector.load %arg3[%get3A_2, %get3A_3, %get3A_4] : memref<3x2x320000xi32, #tpu.memory_space<vmem>>, vector<1x1x320000xi32>
    %get3A_6 = vector.shape_cast %get3A_5 : vector<1x1x320000xi32> to vector<320000xi32>
    %get3A_7 = arith.constant 0 : index
    %get3A_8 = arith.constant 1 : index
    %get3A_9 = arith.constant 0 : index
    %get3A_10 = vector.load %arg3[%get3A_7, %get3A_8, %get3A_9] : memref<3x2x320000xi32, #tpu.memory_space<vmem>>, vector<1x1x320000xi32>
    %get3A_11 = vector.shape_cast %get3A_10 : vector<1x1x320000xi32> to vector<320000xi32>
    %shift_left3A = arith.constant 16 : i32
    %shift_left3A_12 = vector.broadcast %shift_left3A : i32 to vector<320000xi32>
    %shift_left3A_13 = arith.shli %get3A_11, %shift_left3A_12 : vector<320000xi32>
    %or3A = arith.ori %get3A_6, %shift_left3A_13 : vector<320000xi32>
    %swap3A = arith.constant 0 : index
    %swap3A_14 = arith.constant 0 : index
    %swap3A_15 = vector.load %arg7[%swap3A, %swap3A_14] : memref<3x320000xi32, #tpu.memory_space<vmem>>, vector<1x320000xi32>
    %swap3A_16 = vector.shape_cast %swap3A_15 : vector<1x320000xi32> to vector<320000xi32>
    %swap3A_17 = vector.shape_cast %or3A : vector<320000xi32> to vector<1x320000xi32>
    tpu.vector_store %arg7[%swap3A, %swap3A_14], %swap3A_17 {strides = array<i32>} : memref<3x320000xi32, #tpu.memory_space<vmem>>, vector<1x320000xi32>,
    %get3A_18 = arith.constant 0 : index
    %get3A_19 = arith.constant 0 : index
    %get3A_20 = vector.load %arg1[%get3A_18, %get3A_19] : memref<384x128xf32, #tpu.memory_space<vmem>>, vector<128x64xf32>
    %get3A_21 = arith.constant 0 : index
    %get3A_22 = arith.constant 64 : index
    %get3A_23 = vector.load %arg1[%get3A_21, %get3A_22] : memref<384x128xf32, #tpu.memory_space<vmem>>, vector<128x64xf32>
    %dot_general3A = arith.constant dense<0.000000e+00> : vector<64x10000xf32>
    %dot_general3A_24 = tpu.matmul %get3A_20, %get3A_1, %dot_general3A {dimension_numbers = #tpu.dot_dimension_numbers<[0], [1], [1], [0], [0, 1, 1, 0], [], []>, transpose_lhs_hint = false} : vector<128x64xf32>, vector<10000x128xf32>, vector<64x10000xf32> -> vector<64x10000xf32>
    %dot_general3A_25 = arith.constant dense<0.000000e+00> : vector<64x10000xf32>
    %dot_general3A_26 = tpu.matmul %get3A_23, %get3A_1, %dot_general3A_25 {dimension_numbers = #tpu.dot_dimension_numbers<[0], [1], [1], [0], [0, 1, 1, 0], [], []>, transpose_lhs_hint = false} : vector<128x64xf32>, vector<10000x128xf32>, vector<64x10000xf32> -> vector<64x10000xf32>
    %convert_element_type3A = arith.truncf %dot_general3A_24 : vector<64x10000xf32> to vector<64x10000xbf16>
    %bitcast_convert_type3A = tpu.bitcast %convert_element_type3A : vector<64x10000xbf16> -> vector<64x10000xi16>
    %convert_element_type3A_27 = arith.extui %bitcast_convert_type3A : vector<64x10000xi16> to vector<64x10000xi32>
    %convert_element_type3A_28 = arith.truncf %dot_general3A_26 : vector<64x10000xf32> to vector<64x10000xbf16>
    %bitcast_convert_type3A_29 = tpu.bitcast %convert_element_type3A_28 : vector<64x10000xbf16> -> vector<64x10000xi16>
    %convert_element_type3A_30 = arith.extui %bitcast_convert_type3A_29 : vector<64x10000xi16> to vector<64x10000xi32>
    %shift_left3A_31 = arith.constant 16 : i32
    %shift_left3A_32 = vector.broadcast %shift_left3A_31 : i32 to vector<64x10000xi32>
    %shift_left3A_33 = arith.shli %convert_element_type3A_30, %shift_left3A_32 : vector<64x10000xi32>
    %or3A_34 = arith.ori %convert_element_type3A_27, %shift_left3A_33 : vector<64x10000xi32>
    %bitcast_convert_type3A_35 = tpu.bitcast %or3A_34 : vector<64x10000xi32> -> vector<64x10000xi32>
    %swap3A_36 = arith.constant 0 : index
    %swap3A_37 = arith.constant 0 : index
    %swap3A_38 = arith.constant 0 : index
    %swap3A_39 = vector.load %arg4[%swap3A_36, %swap3A_37, %swap3A_38] : memref<3x64x10000xi32, #tpu.memory_space<vmem>>, vector<1x64x10000xi32>
    %swap3A_40 = vector.shape_cast %swap3A_39 : vector<1x64x10000xi32> to vector<64x10000xi32>
    %swap3A_41 = vector.shape_cast %bitcast_convert_type3A_35 : vector<64x10000xi32> to vector<1x64x10000xi32>
    tpu.vector_store %arg4[%swap3A_36, %swap3A_37, %swap3A_38], %swap3A_41 {strides = array<i32>} : memref<3x64x10000xi32, #tpu.memory_space<vmem>>, vector<1x64x10000xi32>,
    %get3A_42 = arith.constant 0 : index
    %get3A_43 = arith.constant 0 : index
    %get3A_44 = vector.load %arg2[%get3A_42, %get3A_43] : memref<1x768xf32, #tpu.memory_space<vmem>>, vector<1x64xf32>
    %get3A_45 = arith.constant 0 : index
    %get3A_46 = arith.constant 64 : index
    %get3A_47 = vector.load %arg2[%get3A_45, %get3A_46] : memref<1x768xf32, #tpu.memory_space<vmem>>, vector<1x64xf32>
    %get3A_48 = arith.constant 0 : index
    %get3A_49 = arith.constant 128 : index
    %get3A_50 = vector.load %arg2[%get3A_48, %get3A_49] : memref<1x768xf32, #tpu.memory_space<vmem>>, vector<1x64xf32>
    %get3A_51 = arith.constant 0 : index
    %get3A_52 = arith.constant 192 : index
    %get3A_53 = vector.load %arg2[%get3A_51, %get3A_52] : memref<1x768xf32, #tpu.memory_space<vmem>>, vector<1x64xf32>
    %dot_general3A_54 = arith.constant dense<0.000000e+00> : vector<1x10000xf32>
    %dot_general3A_55 = tpu.matmul %get3A_44, %dot_general3A_24, %dot_general3A_54 {dimension_numbers = #tpu.dot_dimension_numbers<[1], [0], [0], [1], [0, 0, 1, 1], [], []>, transpose_lhs_hint = false} : vector<1x64xf32>, vector<64x10000xf32>, vector<1x10000xf32> -> vector<1x10000xf32>
    %dot_general3A_56 = arith.constant dense<0.000000e+00> : vector<1x10000xf32>
    %dot_general3A_57 = tpu.matmul %get3A_47, %dot_general3A_26, %dot_general3A_56 {dimension_numbers = #tpu.dot_dimension_numbers<[1], [0], [0], [1], [0, 0, 1, 1], [], []>, transpose_lhs_hint = false} : vector<1x64xf32>, vector<64x10000xf32>, vector<1x10000xf32> -> vector<1x10000xf32>
    %add3A = arith.addf %dot_general3A_55, %dot_general3A_57 : vector<1x10000xf32>
    %swap3A_58 = arith.constant 0 : index
    %swap3A_59 = arith.constant 0 : index
    %swap3A_60 = arith.constant 0 : index
    %swap3A_61 = vector.load %arg5[%swap3A_58, %swap3A_59, %swap3A_60] : memref<3x1x10000xf32, #tpu.memory_space<vmem>>, vector<1x1x10000xf32>
    %swap3A_62 = vector.shape_cast %swap3A_61 : vector<1x1x10000xf32> to vector<1x10000xf32>
    %swap3A_63 = vector.shape_cast %add3A : vector<1x10000xf32> to vector<1x1x10000xf32>
    tpu.vector_store %arg5[%swap3A_58, %swap3A_59, %swap3A_60], %swap3A_63 {strides = array<i32>} : memref<3x1x10000xf32, #tpu.memory_space<vmem>>, vector<1x1x10000xf32>,
    %dot_general3A_64 = arith.constant dense<0.000000e+00> : vector<1x10000xf32>
    %dot_general3A_65 = tpu.matmul %get3A_50, %dot_general3A_24, %dot_general3A_64 {dimension_numbers = #tpu.dot_dimension_numbers<[1], [0], [0], [1], [0, 0, 1, 1], [], []>, transpose_lhs_hint = false} : vector<1x64xf32>, vector<64x10000xf32>, vector<1x10000xf32> -> vector<1x10000xf32>
    %dot_general3A_66 = arith.constant dense<0.000000e+00> : vector<1x10000xf32>
    %dot_general3A_67 = tpu.matmul %get3A_53, %dot_general3A_26, %dot_general3A_66 {dimension_numbers = #tpu.dot_dimension_numbers<[1], [0], [0], [1], [0, 0, 1, 1], [], []>, transpose_lhs_hint = false} : vector<1x64xf32>, vector<64x10000xf32>, vector<1x10000xf32> -> vector<1x10000xf32>
    %add3A_68 = arith.addf %dot_general3A_65, %dot_general3A_67 : vector<1x10000xf32>
    %swap3A_69 = arith.constant 0 : index
    %swap3A_70 = arith.constant 0 : index
    %swap3A_71 = arith.constant 0 : index
    %swap3A_72 = vector.load %arg6[%swap3A_69, %swap3A_70, %swap3A_71] : memref<3x1x10000xf32, #tpu.memory_space<vmem>>, vector<1x1x10000xf32>
    %swap3A_73 = vector.shape_cast %swap3A_72 : vector<1x1x10000xf32> to vector<1x10000xf32>
    %swap3A_74 = vector.shape_cast %add3A_68 : vector<1x10000xf32> to vector<1x1x10000xf32>
    tpu.vector_store %arg6[%swap3A_69, %swap3A_70, %swap3A_71], %swap3A_74 {strides = array<i32>} : memref<3x1x10000xf32, #tpu.memory_space<vmem>>, vector<1x1x10000xf32>,
    %get3A_75 = arith.constant 1 : index
    %get3A_76 = arith.constant 0 : index
    %get3A_77 = arith.constant 0 : index
    %get3A_78 = vector.load %arg3[%get3A_75, %get3A_76, %get3A_77] : memref<3x2x320000xi32, #tpu.memory_space<vmem>>, vector<1x1x320000xi32>
    %get3A_79 = vector.shape_cast %get3A_78 : vector<1x1x320000xi32> to vector<320000xi32>
    %get3A_80 = arith.constant 1 : index
    %get3A_81 = arith.constant 1 : index
    %get3A_82 = arith.constant 0 : index
    %get3A_83 = vector.load %arg3[%get3A_80, %get3A_81, %get3A_82] : memref<3x2x320000xi32, #tpu.memory_space<vmem>>, vector<1x1x320000xi32>
    %get3A_84 = vector.shape_cast %get3A_83 : vector<1x1x320000xi32> to vector<320000xi32>
    %shift_left3A_85 = arith.constant 16 : i32
    %shift_left3A_86 = vector.broadcast %shift_left3A_85 : i32 to vector<320000xi32>
    %shift_left3A_87 = arith.shli %get3A_84, %shift_left3A_86 : vector<320000xi32>
    %or3A_88 = arith.ori %get3A_79, %shift_left3A_87 : vector<320000xi32>
    %swap3A_89 = arith.constant 1 : index
    %swap3A_90 = arith.constant 0 : index
    %swap3A_91 = vector.load %arg7[%swap3A_89, %swap3A_90] : memref<3x320000xi32, #tpu.memory_space<vmem>>, vector<1x320000xi32>
    %swap3A_92 = vector.shape_cast %swap3A_91 : vector<1x320000xi32> to vector<320000xi32>
    %swap3A_93 = vector.shape_cast %or3A_88 : vector<320000xi32> to vector<1x320000xi32>
    tpu.vector_store %arg7[%swap3A_89, %swap3A_90], %swap3A_93 {strides = array<i32>} : memref<3x320000xi32, #tpu.memory_space<vmem>>, vector<1x320000xi32>,
    %get3A_94 = arith.constant 128 : index
    %get3A_95 = arith.constant 0 : index
    %get3A_96 = vector.load %arg1[%get3A_94, %get3A_95] : memref<384x128xf32, #tpu.memory_space<vmem>>, vector<128x64xf32>
    %get3A_97 = arith.constant 128 : index
    %get3A_98 = arith.constant 64 : index
    %get3A_99 = vector.load %arg1[%get3A_97, %get3A_98] : memref<384x128xf32, #tpu.memory_space<vmem>>, vector<128x64xf32>
    %dot_general3A_100 = arith.constant dense<0.000000e+00> : vector<64x10000xf32>
    %dot_general3A_101 = tpu.matmul %get3A_96, %get3A_1, %dot_general3A_100 {dimension_numbers = #tpu.dot_dimension_numbers<[0], [1], [1], [0], [0, 1, 1, 0], [], []>, transpose_lhs_hint = false} : vector<128x64xf32>, vector<10000x128xf32>, vector<64x10000xf32> -> vector<64x10000xf32>
    %dot_general3A_102 = arith.constant dense<0.000000e+00> : vector<64x10000xf32>
    %dot_general3A_103 = tpu.matmul %get3A_99, %get3A_1, %dot_general3A_102 {dimension_numbers = #tpu.dot_dimension_numbers<[0], [1], [1], [0], [0, 1, 1, 0], [], []>, transpose_lhs_hint = false} : vector<128x64xf32>, vector<10000x128xf32>, vector<64x10000xf32> -> vector<64x10000xf32>
    %convert_element_type3A_104 = arith.truncf %dot_general3A_101 : vector<64x10000xf32> to vector<64x10000xbf16>
    %bitcast_convert_type3A_105 = tpu.bitcast %convert_element_type3A_104 : vector<64x10000xbf16> -> vector<64x10000xi16>
    %convert_element_type3A_106 = arith.extui %bitcast_convert_type3A_105 : vector<64x10000xi16> to vector<64x10000xi32>
    %convert_element_type3A_107 = arith.truncf %dot_general3A_103 : vector<64x10000xf32> to vector<64x10000xbf16>
    %bitcast_convert_type3A_108 = tpu.bitcast %convert_element_type3A_107 : vector<64x10000xbf16> -> vector<64x10000xi16>
    %convert_element_type3A_109 = arith.extui %bitcast_convert_type3A_108 : vector<64x10000xi16> to vector<64x10000xi32>
    %shift_left3A_110 = arith.constant 16 : i32
    %shift_left3A_111 = vector.broadcast %shift_left3A_110 : i32 to vector<64x10000xi32>
    %shift_left3A_112 = arith.shli %convert_element_type3A_109, %shift_left3A_111 : vector<64x10000xi32>
    %or3A_113 = arith.ori %convert_element_type3A_106, %shift_left3A_112 : vector<64x10000xi32>
    %bitcast_convert_type3A_114 = tpu.bitcast %or3A_113 : vector<64x10000xi32> -> vector<64x10000xi32>
    %swap3A_115 = arith.constant 1 : index
    %swap3A_116 = arith.constant 0 : index
    %swap3A_117 = arith.constant 0 : index
    %swap3A_118 = vector.load %arg4[%swap3A_115, %swap3A_116, %swap3A_117] : memref<3x64x10000xi32, #tpu.memory_space<vmem>>, vector<1x64x10000xi32>
    %swap3A_119 = vector.shape_cast %swap3A_118 : vector<1x64x10000xi32> to vector<64x10000xi32>
    %swap3A_120 = vector.shape_cast %bitcast_convert_type3A_114 : vector<64x10000xi32> to vector<1x64x10000xi32>
    tpu.vector_store %arg4[%swap3A_115, %swap3A_116, %swap3A_117], %swap3A_120 {strides = array<i32>} : memref<3x64x10000xi32, #tpu.memory_space<vmem>>, vector<1x64x10000xi32>,
    %get3A_121 = arith.constant 0 : index
    %get3A_122 = arith.constant 256 : index
    %get3A_123 = vector.load %arg2[%get3A_121, %get3A_122] : memref<1x768xf32, #tpu.memory_space<vmem>>, vector<1x64xf32>
    %get3A_124 = arith.constant 0 : index
    %get3A_125 = arith.constant 320 : index
    %get3A_126 = vector.load %arg2[%get3A_124, %get3A_125] : memref<1x768xf32, #tpu.memory_space<vmem>>, vector<1x64xf32>
    %get3A_127 = arith.constant 0 : index
    %get3A_128 = arith.constant 384 : index
    %get3A_129 = vector.load %arg2[%get3A_127, %get3A_128] : memref<1x768xf32, #tpu.memory_space<vmem>>, vector<1x64xf32>
    %get3A_130 = arith.constant 0 : index
    %get3A_131 = arith.constant 448 : index
    %get3A_132 = vector.load %arg2[%get3A_130, %get3A_131] : memref<1x768xf32, #tpu.memory_space<vmem>>, vector<1x64xf32>
    %dot_general3A_133 = arith.constant dense<0.000000e+00> : vector<1x10000xf32>
    %dot_general3A_134 = tpu.matmul %get3A_123, %dot_general3A_101, %dot_general3A_133 {dimension_numbers = #tpu.dot_dimension_numbers<[1], [0], [0], [1], [0, 0, 1, 1], [], []>, transpose_lhs_hint = false} : vector<1x64xf32>, vector<64x10000xf32>, vector<1x10000xf32> -> vector<1x10000xf32>
    %dot_general3A_135 = arith.constant dense<0.000000e+00> : vector<1x10000xf32>
    %dot_general3A_136 = tpu.matmul %get3A_126, %dot_general3A_103, %dot_general3A_135 {dimension_numbers = #tpu.dot_dimension_numbers<[1], [0], [0], [1], [0, 0, 1, 1], [], []>, transpose_lhs_hint = false} : vector<1x64xf32>, vector<64x10000xf32>, vector<1x10000xf32> -> vector<1x10000xf32>
    %add3A_137 = arith.addf %dot_general3A_134, %dot_general3A_136 : vector<1x10000xf32>
    %swap3A_138 = arith.constant 1 : index
    %swap3A_139 = arith.constant 0 : index
    %swap3A_140 = arith.constant 0 : index
    %swap3A_141 = vector.load %arg5[%swap3A_138, %swap3A_139, %swap3A_140] : memref<3x1x10000xf32, #tpu.memory_space<vmem>>, vector<1x1x10000xf32>
    %swap3A_142 = vector.shape_cast %swap3A_141 : vector<1x1x10000xf32> to vector<1x10000xf32>
    %swap3A_143 = vector.shape_cast %add3A_137 : vector<1x10000xf32> to vector<1x1x10000xf32>
    tpu.vector_store %arg5[%swap3A_138, %swap3A_139, %swap3A_140], %swap3A_143 {strides = array<i32>} : memref<3x1x10000xf32, #tpu.memory_space<vmem>>, vector<1x1x10000xf32>,
    %dot_general3A_144 = arith.constant dense<0.000000e+00> : vector<1x10000xf32>
    %dot_general3A_145 = tpu.matmul %get3A_129, %dot_general3A_101, %dot_general3A_144 {dimension_numbers = #tpu.dot_dimension_numbers<[1], [0], [0], [1], [0, 0, 1, 1], [], []>, transpose_lhs_hint = false} : vector<1x64xf32>, vector<64x10000xf32>, vector<1x10000xf32> -> vector<1x10000xf32>
    %dot_general3A_146 = arith.constant dense<0.000000e+00> : vector<1x10000xf32>
    %dot_general3A_147 = tpu.matmul %get3A_132, %dot_general3A_103, %dot_general3A_146 {dimension_numbers = #tpu.dot_dimension_numbers<[1], [0], [0], [1], [0, 0, 1, 1], [], []>, transpose_lhs_hint = false} : vector<1x64xf32>, vector<64x10000xf32>, vector<1x10000xf32> -> vector<1x10000xf32>
    %add3A_148 = arith.addf %dot_general3A_145, %dot_general3A_147 : vector<1x10000xf32>
    %swap3A_149 = arith.constant 1 : index
    %swap3A_150 = arith.constant 0 : index
    %swap3A_151 = arith.constant 0 : index
    %swap3A_152 = vector.load %arg6[%swap3A_149, %swap3A_150, %swap3A_151] : memref<3x1x10000xf32, #tpu.memory_space<vmem>>, vector<1x1x10000xf32>
    %swap3A_153 = vector.shape_cast %swap3A_152 : vector<1x1x10000xf32> to vector<1x10000xf32>
    %swap3A_154 = vector.shape_cast %add3A_148 : vector<1x10000xf32> to vector<1x1x10000xf32>
    tpu.vector_store %arg6[%swap3A_149, %swap3A_150, %swap3A_151], %swap3A_154 {strides = array<i32>} : memref<3x1x10000xf32, #tpu.memory_space<vmem>>, vector<1x1x10000xf32>,
    %get3A_155 = arith.constant 2 : index
    %get3A_156 = arith.constant 0 : index
    %get3A_157 = arith.constant 0 : index
    %get3A_158 = vector.load %arg3[%get3A_155, %get3A_156, %get3A_157] : memref<3x2x320000xi32, #tpu.memory_space<vmem>>, vector<1x1x320000xi32>
    %get3A_159 = vector.shape_cast %get3A_158 : vector<1x1x320000xi32> to vector<320000xi32>
    %get3A_160 = arith.constant 2 : index
    %get3A_161 = arith.constant 1 : index
    %get3A_162 = arith.constant 0 : index
    %get3A_163 = vector.load %arg3[%get3A_160, %get3A_161, %get3A_162] : memref<3x2x320000xi32, #tpu.memory_space<vmem>>, vector<1x1x320000xi32>
    %get3A_164 = vector.shape_cast %get3A_163 : vector<1x1x320000xi32> to vector<320000xi32>
    %shift_left3A_165 = arith.constant 16 : i32
    %shift_left3A_166 = vector.broadcast %shift_left3A_165 : i32 to vector<320000xi32>
    %shift_left3A_167 = arith.shli %get3A_164, %shift_left3A_166 : vector<320000xi32>
    %or3A_168 = arith.ori %get3A_159, %shift_left3A_167 : vector<320000xi32>
    %swap3A_169 = arith.constant 2 : index
    %swap3A_170 = arith.constant 0 : index
    %swap3A_171 = vector.load %arg7[%swap3A_169, %swap3A_170] : memref<3x320000xi32, #tpu.memory_space<vmem>>, vector<1x320000xi32>
    %swap3A_172 = vector.shape_cast %swap3A_171 : vector<1x320000xi32> to vector<320000xi32>
    %swap3A_173 = vector.shape_cast %or3A_168 : vector<320000xi32> to vector<1x320000xi32>
    tpu.vector_store %arg7[%swap3A_169, %swap3A_170], %swap3A_173 {strides = array<i32>} : memref<3x320000xi32, #tpu.memory_space<vmem>>, vector<1x320000xi32>,
    %get3A_174 = arith.constant 256 : index
    %get3A_175 = arith.constant 0 : index
    %get3A_176 = vector.load %arg1[%get3A_174, %get3A_175] : memref<384x128xf32, #tpu.memory_space<vmem>>, vector<128x64xf32>
    %get3A_177 = arith.constant 256 : index
    %get3A_178 = arith.constant 64 : index
    %get3A_179 = vector.load %arg1[%get3A_177, %get3A_178] : memref<384x128xf32, #tpu.memory_space<vmem>>, vector<128x64xf32>
    %dot_general3A_180 = arith.constant dense<0.000000e+00> : vector<64x10000xf32>
    %dot_general3A_181 = tpu.matmul %get3A_176, %get3A_1, %dot_general3A_180 {dimension_numbers = #tpu.dot_dimension_numbers<[0], [1], [1], [0], [0, 1, 1, 0], [], []>, transpose_lhs_hint = false} : vector<128x64xf32>, vector<10000x128xf32>, vector<64x10000xf32> -> vector<64x10000xf32>
    %dot_general3A_182 = arith.constant dense<0.000000e+00> : vector<64x10000xf32>
    %dot_general3A_183 = tpu.matmul %get3A_179, %get3A_1, %dot_general3A_182 {dimension_numbers = #tpu.dot_dimension_numbers<[0], [1], [1], [0], [0, 1, 1, 0], [], []>, transpose_lhs_hint = false} : vector<128x64xf32>, vector<10000x128xf32>, vector<64x10000xf32> -> vector<64x10000xf32>
    %convert_element_type3A_184 = arith.truncf %dot_general3A_181 : vector<64x10000xf32> to vector<64x10000xbf16>
    %bitcast_convert_type3A_185 = tpu.bitcast %convert_element_type3A_184 : vector<64x10000xbf16> -> vector<64x10000xi16>
    %convert_element_type3A_186 = arith.extui %bitcast_convert_type3A_185 : vector<64x10000xi16> to vector<64x10000xi32>
    %convert_element_type3A_187 = arith.truncf %dot_general3A_183 : vector<64x10000xf32> to vector<64x10000xbf16>
    %bitcast_convert_type3A_188 = tpu.bitcast %convert_element_type3A_187 : vector<64x10000xbf16> -> vector<64x10000xi16>
    %convert_element_type3A_189 = arith.extui %bitcast_convert_type3A_188 : vector<64x10000xi16> to vector<64x10000xi32>
    %shift_left3A_190 = arith.constant 16 : i32
    %shift_left3A_191 = vector.broadcast %shift_left3A_190 : i32 to vector<64x10000xi32>
    %shift_left3A_192 = arith.shli %convert_element_type3A_189, %shift_left3A_191 : vector<64x10000xi32>
    %or3A_193 = arith.ori %convert_element_type3A_186, %shift_left3A_192 : vector<64x10000xi32>
    %bitcast_convert_type3A_194 = tpu.bitcast %or3A_193 : vector<64x10000xi32> -> vector<64x10000xi32>
    %swap3A_195 = arith.constant 2 : index
    %swap3A_196 = arith.constant 0 : index
    %swap3A_197 = arith.constant 0 : index
    %swap3A_198 = vector.load %arg4[%swap3A_195, %swap3A_196, %swap3A_197] : memref<3x64x10000xi32, #tpu.memory_space<vmem>>, vector<1x64x10000xi32>
    %swap3A_199 = vector.shape_cast %swap3A_198 : vector<1x64x10000xi32> to vector<64x10000xi32>
    %swap3A_200 = vector.shape_cast %bitcast_convert_type3A_194 : vector<64x10000xi32> to vector<1x64x10000xi32>
    tpu.vector_store %arg4[%swap3A_195, %swap3A_196, %swap3A_197], %swap3A_200 {strides = array<i32>} : memref<3x64x10000xi32, #tpu.memory_space<vmem>>, vector<1x64x10000xi32>,
    %get3A_201 = arith.constant 0 : index
    %get3A_202 = arith.constant 512 : index
    %get3A_203 = vector.load %arg2[%get3A_201, %get3A_202] : memref<1x768xf32, #tpu.memory_space<vmem>>, vector<1x64xf32>
    %get3A_204 = arith.constant 0 : index
    %get3A_205 = arith.constant 576 : index
    %get3A_206 = vector.load %arg2[%get3A_204, %get3A_205] : memref<1x768xf32, #tpu.memory_space<vmem>>, vector<1x64xf32>
    %get3A_207 = arith.constant 0 : index
    %get3A_208 = arith.constant 640 : index
    %get3A_209 = vector.load %arg2[%get3A_207, %get3A_208] : memref<1x768xf32, #tpu.memory_space<vmem>>, vector<1x64xf32>
    %get3A_210 = arith.constant 0 : index
    %get3A_211 = arith.constant 704 : index
    %get3A_212 = vector.load %arg2[%get3A_210, %get3A_211] : memref<1x768xf32, #tpu.memory_space<vmem>>, vector<1x64xf32>
    %dot_general3A_213 = arith.constant dense<0.000000e+00> : vector<1x10000xf32>
    %dot_general3A_214 = tpu.matmul %get3A_203, %dot_general3A_181, %dot_general3A_213 {dimension_numbers = #tpu.dot_dimension_numbers<[1], [0], [0], [1], [0, 0, 1, 1], [], []>, transpose_lhs_hint = false} : vector<1x64xf32>, vector<64x10000xf32>, vector<1x10000xf32> -> vector<1x10000xf32>
    %dot_general3A_215 = arith.constant dense<0.000000e+00> : vector<1x10000xf32>
    %dot_general3A_216 = tpu.matmul %get3A_206, %dot_general3A_183, %dot_general3A_215 {dimension_numbers = #tpu.dot_dimension_numbers<[1], [0], [0], [1], [0, 0, 1, 1], [], []>, transpose_lhs_hint = false} : vector<1x64xf32>, vector<64x10000xf32>, vector<1x10000xf32> -> vector<1x10000xf32>
    %add3A_217 = arith.addf %dot_general3A_214, %dot_general3A_216 : vector<1x10000xf32>
    %swap3A_218 = arith.constant 2 : index
    %swap3A_219 = arith.constant 0 : index
    %swap3A_220 = arith.constant 0 : index
    %swap3A_221 = vector.load %arg5[%swap3A_218, %swap3A_219, %swap3A_220] : memref<3x1x10000xf32, #tpu.memory_space<vmem>>, vector<1x1x10000xf32>
    %swap3A_222 = vector.shape_cast %swap3A_221 : vector<1x1x10000xf32> to vector<1x10000xf32>
    %swap3A_223 = vector.shape_cast %add3A_217 : vector<1x10000xf32> to vector<1x1x10000xf32>
    tpu.vector_store %arg5[%swap3A_218, %swap3A_219, %swap3A_220], %swap3A_223 {strides = array<i32>} : memref<3x1x10000xf32, #tpu.memory_space<vmem>>, vector<1x1x10000xf32>,
    %dot_general3A_224 = arith.constant dense<0.000000e+00> : vector<1x10000xf32>
    %dot_general3A_225 = tpu.matmul %get3A_209, %dot_general3A_181, %dot_general3A_224 {dimension_numbers = #tpu.dot_dimension_numbers<[1], [0], [0], [1], [0, 0, 1, 1], [], []>, transpose_lhs_hint = false} : vector<1x64xf32>, vector<64x10000xf32>, vector<1x10000xf32> -> vector<1x10000xf32>
    %dot_general3A_226 = arith.constant dense<0.000000e+00> : vector<1x10000xf32>
    %dot_general3A_227 = tpu.matmul %get3A_212, %dot_general3A_183, %dot_general3A_226 {dimension_numbers = #tpu.dot_dimension_numbers<[1], [0], [0], [1], [0, 0, 1, 1], [], []>, transpose_lhs_hint = false} : vector<1x64xf32>, vector<64x10000xf32>, vector<1x10000xf32> -> vector<1x10000xf32>
    %add3A_228 = arith.addf %dot_general3A_225, %dot_general3A_227 : vector<1x10000xf32>
    %swap3A_229 = arith.constant 2 : index
    %swap3A_230 = arith.constant 0 : index
    %swap3A_231 = arith.constant 0 : index
    %swap3A_232 = vector.load %arg6[%swap3A_229, %swap3A_230, %swap3A_231] : memref<3x1x10000xf32, #tpu.memory_space<vmem>>, vector<1x1x10000xf32>
    %swap3A_233 = vector.shape_cast %swap3A_232 : vector<1x1x10000xf32> to vector<1x10000xf32>
    %swap3A_234 = vector.shape_cast %add3A_228 : vector<1x10000xf32> to vector<1x1x10000xf32>
    tpu.vector_store %arg6[%swap3A_229, %swap3A_230, %swap3A_231], %swap3A_234 {strides = array<i32>} : memref<3x1x10000xf32, #tpu.memory_space<vmem>>, vector<1x1x10000xf32>,
    return
  }
}

module attributes {stable_mosaic.version = 14 : i64} {
  func.func @_finish_body(%arg0: memref<3x128x10000xf32, #tpu.memory_space<vmem>>, %arg1: memref<3x16x10000xf32, #tpu.memory_space<vmem>>, %arg2: memref<10000x128xf32, #tpu.memory_space<vmem>>) attributes {dimension_semantics = [], scalar_prefetch = 0 : i64, scratch_operands = 0 : i64, tpu.core_type = #tpu.core_type<tc>} {
    %broadcast_in_dim3A = arith.constant 0.000000e+00 : f32
    %broadcast_in_dim3A_0 = vector.broadcast %broadcast_in_dim3A : f32 to vector<128x10000xf32>
    %get3A = arith.constant 0 : index
    %get3A_1 = arith.constant 0 : index
    %get3A_2 = arith.constant 0 : index
    %get3A_3 = vector.load %arg1[%get3A, %get3A_1, %get3A_2] : memref<3x16x10000xf32, #tpu.memory_space<vmem>>, vector<1x16x10000xf32>
    %get3A_4 = vector.shape_cast %get3A_3 : vector<1x16x10000xf32> to vector<16x10000xf32>
    %reduce_sum3A = arith.constant dense<0.000000e+00> : vector<10000xf32>
    %reduce_sum3A_5 = vector.multi_reduction <add>, %get3A_4, %reduce_sum3A [0] : vector<16x10000xf32> to vector<10000xf32>
    %broadcast_in_dim3A_6 = vector.shape_cast %reduce_sum3A_5 : vector<10000xf32> to vector<1x10000xf32>
    %get3A_7 = arith.constant 0 : index
    %get3A_8 = arith.constant 0 : index
    %get3A_9 = arith.constant 0 : index
    %get3A_10 = vector.load %arg0[%get3A_7, %get3A_8, %get3A_9] : memref<3x128x10000xf32, #tpu.memory_space<vmem>>, vector<1x128x10000xf32>
    %get3A_11 = vector.shape_cast %get3A_10 : vector<1x128x10000xf32> to vector<128x10000xf32>
    %mul3A = arith.constant 5.000000e-01 : f32
    %mul3A_12 = vector.broadcast %mul3A : f32 to vector<128x10000xf32>
    %mul3A_13 = arith.mulf %mul3A_12, %get3A_11 : vector<128x10000xf32>
    %div3A = vector.broadcast %broadcast_in_dim3A_6 : vector<1x10000xf32> to vector<128x10000xf32>
    %div3A_14 = arith.divf %mul3A_13, %div3A : vector<128x10000xf32>
    %add3A = arith.addf %broadcast_in_dim3A_0, %div3A_14 : vector<128x10000xf32>
    %get3A_15 = arith.constant 1 : index
    %get3A_16 = arith.constant 0 : index
    %get3A_17 = arith.constant 0 : index
    %get3A_18 = vector.load %arg1[%get3A_15, %get3A_16, %get3A_17] : memref<3x16x10000xf32, #tpu.memory_space<vmem>>, vector<1x16x10000xf32>
    %get3A_19 = vector.shape_cast %get3A_18 : vector<1x16x10000xf32> to vector<16x10000xf32>
    %reduce_sum3A_20 = arith.constant dense<0.000000e+00> : vector<10000xf32>
    %reduce_sum3A_21 = vector.multi_reduction <add>, %get3A_19, %reduce_sum3A_20 [0] : vector<16x10000xf32> to vector<10000xf32>
    %broadcast_in_dim3A_22 = vector.shape_cast %reduce_sum3A_21 : vector<10000xf32> to vector<1x10000xf32>
    %get3A_23 = arith.constant 1 : index
    %get3A_24 = arith.constant 0 : index
    %get3A_25 = arith.constant 0 : index
    %get3A_26 = vector.load %arg0[%get3A_23, %get3A_24, %get3A_25] : memref<3x128x10000xf32, #tpu.memory_space<vmem>>, vector<1x128x10000xf32>
    %get3A_27 = vector.shape_cast %get3A_26 : vector<1x128x10000xf32> to vector<128x10000xf32>
    %mul3A_28 = arith.constant 2.500000e-01 : f32
    %mul3A_29 = vector.broadcast %mul3A_28 : f32 to vector<128x10000xf32>
    %mul3A_30 = arith.mulf %mul3A_29, %get3A_27 : vector<128x10000xf32>
    %div3A_31 = vector.broadcast %broadcast_in_dim3A_22 : vector<1x10000xf32> to vector<128x10000xf32>
    %div3A_32 = arith.divf %mul3A_30, %div3A_31 : vector<128x10000xf32>
    %add3A_33 = arith.addf %add3A, %div3A_32 : vector<128x10000xf32>
    %get3A_34 = arith.constant 2 : index
    %get3A_35 = arith.constant 0 : index
    %get3A_36 = arith.constant 0 : index
    %get3A_37 = vector.load %arg1[%get3A_34, %get3A_35, %get3A_36] : memref<3x16x10000xf32, #tpu.memory_space<vmem>>, vector<1x16x10000xf32>
    %get3A_38 = vector.shape_cast %get3A_37 : vector<1x16x10000xf32> to vector<16x10000xf32>
    %reduce_sum3A_39 = arith.constant dense<0.000000e+00> : vector<10000xf32>
    %reduce_sum3A_40 = vector.multi_reduction <add>, %get3A_38, %reduce_sum3A_39 [0] : vector<16x10000xf32> to vector<10000xf32>
    %broadcast_in_dim3A_41 = vector.shape_cast %reduce_sum3A_40 : vector<10000xf32> to vector<1x10000xf32>
    %get3A_42 = arith.constant 2 : index
    %get3A_43 = arith.constant 0 : index
    %get3A_44 = arith.constant 0 : index
    %get3A_45 = vector.load %arg0[%get3A_42, %get3A_43, %get3A_44] : memref<3x128x10000xf32, #tpu.memory_space<vmem>>, vector<1x128x10000xf32>
    %get3A_46 = vector.shape_cast %get3A_45 : vector<1x128x10000xf32> to vector<128x10000xf32>
    %mul3A_47 = arith.constant 1.250000e-01 : f32
    %mul3A_48 = vector.broadcast %mul3A_47 : f32 to vector<128x10000xf32>
    %mul3A_49 = arith.mulf %mul3A_48, %get3A_46 : vector<128x10000xf32>
    %div3A_50 = vector.broadcast %broadcast_in_dim3A_41 : vector<1x10000xf32> to vector<128x10000xf32>
    %div3A_51 = arith.divf %mul3A_49, %div3A_50 : vector<128x10000xf32>
    %add3A_52 = arith.addf %add3A_33, %div3A_51 : vector<128x10000xf32>
    %gt3A = arith.constant 0.000000e+00 : f32
    %gt3A_53 = vector.broadcast %gt3A : f32 to vector<128x10000xf32>
    %gt3A_54 = arith.cmpf ogt, %add3A_52, %gt3A_53 : vector<128x10000xf32>
    %exp3A = math.exp %add3A_52 : vector<128x10000xf32>
    %sub3A = arith.constant 1.000000e+00 : f32
    %sub3A_55 = vector.broadcast %sub3A : f32 to vector<128x10000xf32>
    %sub3A_56 = arith.subf %exp3A, %sub3A_55 : vector<128x10000xf32>
    %select_n3A = arith.select %gt3A_54, %add3A_52, %sub3A_56 : vector<128x10000xi1>, vector<128x10000xf32>
    %transpose3A = tpu.transpose %select_n3A, [1, 0] : vector<128x10000xf32> -> vector<10000x128xf32>
    %swap3A = arith.constant 0 : index
    %swap3A_57 = arith.constant 0 : index
    %swap3A_58 = vector.load %arg2[%swap3A, %swap3A_57] : memref<10000x128xf32, #tpu.memory_space<vmem>>, vector<10000x128xf32>
    tpu.vector_store %arg2[%swap3A, %swap3A_57], %transpose3A {strides = array<i32>} : memref<10000x128xf32, #tpu.memory_space<vmem>>, vector<10000x128xf32>,
    return
  }
}

</mosaic_0001>

<sc_bundles>
// kernel: kernel.5.cloned.1.call-start
scs
__scs_entry_jumppad:
0x0: {  	(pc) =	sbr.rel $0x88, $3  }
0x1: {  	(tag) =	ssettag $0x0;
	lr =	simm.s32 $0x1  }
0x2: {  	[smem:$0x3F9D] =	sst lr;
	_ =	strace $0xD0000000  }
0x3: {  	_ = 	snop  }
0x4: {  	_ = 	snop  }
0x5: {  	_ = 	snop  }
0x6: {  	_ = 	snop  }
0x7: {  	_ = 	snop  }
__scs_overlays_trampoline_lowered:
0x8: {  	[smem:$0x3FAC] =	sst s0  }
0x9: {  	[smem:$0x3FAD] =	sst s1  }
0xa: {  	[smem:$0x3FAE] =	sst s2  }
0xb: {  	[smem:$0x3FAF] =	sst s3  }
0xc: {  	[smem:$0x3FB0] =	sst s4  }
0xd: {  	[smem:$0x3FB1] =	sst s5  }
0xe: {  	[smem:$0x3FB2] =	sst s6  }
0xf: {  	[smem:$0x3FB3] =	sst s7  }
0x10: {  	[smem:$0x3FB4] =	sst s8  }
0x11: {  	[smem:$0x3FB5] =	sst s9;
	s0 =	simm.s32 @!p0 $0x0  }
0x12: {  	s1 =	sld [smem:$0x3F9B];
	s0 =	simm.s32 @p0 $0x1  }
0x13: {  	[smem:$0x3FB6] =	sst s0;
	s0 =	simm.s32 @!p1 $0x0  }
0x14: {  	s2 =	sld [smem:$0x3F9A];
	s0 =	simm.s32 @p1 $0x1  }
0x15: {  	[smem:$0x3FB7] =	sst s0;
	s0 =	simm.s32 @!p2 $0x0  }
0x16: {  	s3 =	sld [smem:$0x3FDB];
	s0 =	simm.s32 @p2 $0x1  }
0x17: {  	s4 =	simm.s32 $0x1BF5;
	[smem:$0x3FB9] =	sst s0  }
0x18: {  	s0 =	sld [smem:$0x3F9C];
	_ =	swait.ge [sflag:s4], $0x0  }
0x19: {  	s7 =	sld [smem:$0x3F9D]  }
0x1a: {  	s8 =	sadd.s32 $0xFFFFE003, lr  }
0x1b: {  	s9 =	sadd.s32 $0xFFFFFEF7, lr;
	s5 =	simm.s32 $0xFFFFFFFF;
	p2 =	slt.u32 s8, $0xFFFFF086  }
0x1c: {  	p1 =	slt.u32 s9, $0xF7A;
	s5 =	simm.s32 @!p2 $0x0  }
0x1d: {  	s5 =	simm.s32 @p1 $0x1;
	p0 =	seq.s32 s7, s2  }
0x1e: {  	s7 =	smul.u32 @!p0 $0xF7A, s2;
	p2 =	seq.s32 @!p0 s5, $0x0  }
0x1f: {  	s9 =	smul.u32 $0xF7A, s1;
	s8 =	simm.s32 @!p0 $0x1BF5;
	p2 =	por !p2, p0  }
0x20: {  	[sflag:s8] =	ssyncset.s32 @!p0 $0xFFFFF086;
	s6 =	sadd.s32 @!p0 s3, s7;
	s7 =	simm.s32 @!p0 $0x108  }
0x21: {  	s3 =	sadd.s32 s3, s9;
	s6 =	sadd.s32 @!p0 $0x88, s6;
	s7 =	simm.s32 @p2 $0x1082  }
0x22: {  	[simem:s7], [sflag:s8] =	dma.local @!p0 [hbm:s6], $0xF7A  }
0x23: {  	s9 =	sor.u32 $0xD0000000, s2;
	s6 =	simm.s32 $0x108;
	_ =	swait.ge @!p0 [sflag:s8], $0x0  }
0x24: {  	s3 =	sadd.s32 $0x88, s3;
	s6 =	simm.s32 @!p1 $0x1082;
	[sflag:s4] =	ssyncset.s32 $0xFFFFF086  }
0x25: {  	[simem:s6], [sflag:s4] =	dma.local [hbm:s3], $0xF7A  }
0x26: {  	[smem:$0x3F9D] =	sst s1;
	(tag) =	ssettag s2;
	_ =	strace s9  }
0x27: {  	s1 =	sld [smem:$0x3FAD]  }
0x28: {  	s2 =	sld [smem:$0x3FAE]  }
0x29: {  	s4 =	sld [smem:$0x3FB0]  }
0x2a: {  	p0 =	seq.s32 s5, $0x0;
	s5 =	sld [smem:$0x3FB1]  }
0x2b: {  	s6 =	sld [smem:$0x3FB2]  }
0x2c: {  	s7 =	sld [smem:$0x3FB3]  }
0x2d: {  	s3 =	simm.s32 $0x108;
	s8 =	sld [smem:$0x3FB4]  }
0x2e: {  	s3 =	simm.s32 @!p0 $0x1082;
	s9 =	sld [smem:$0x3FB5]  }
0x2f: {  	lr =	sadd.s32 s0, s3;
	s0 =	sld [smem:$0x3FAC]  }
0x30: {  	s3 =	sld [smem:$0x3FAF]  }
0x31: {  	[smem:$0x3FB8] =	sst s10  }
0x32: {  	s10 =	sld [smem:$0x3FB6];
	_ =	sdelay $0x3  }
0x33: {  	p0 =	seq.s32 s10, $0x1;
	s10 =	sld [smem:$0x3FB8];
	_ =	sdelay $0x3  }
0x34: {  	[smem:$0x3FB8] =	sst s10  }
0x35: {  	s10 =	sld [smem:$0x3FB7];
	_ =	sdelay $0x3  }
0x36: {  	p1 =	seq.s32 s10, $0x1;
	s10 =	sld [smem:$0x3FB8];
	_ =	sdelay $0x3  }
0x37: {  	[smem:$0x3FB8] =	sst s10  }
0x38: {  	s10 =	sld [smem:$0x3FB9]  }
0x39: {  	_ = 	snop;
	(pc) =	sbr.ind lr, $3  }
0x3a: {  	_ = 	snop  }
0x3b: {  	_ = 	snop  }
0x3c: {  	p2 =	seq.s32 s10, $0x1;
	s10 =	sld [smem:$0x3FB8]  }
0x3d: {  	_ =	shalt  }
0x3e: {  	_ =	shalt  }
0x3f: {  	_ =	shalt  }
0x40: {  	_ =	shalt  }
0x41: {  	_ =	shalt  }
0x42: {  	_ =	shalt  }
0x43: {  	_ =	shalt  }
0x44: {  	_ =	shalt  }
0x45: {  	_ =	shalt  }
0x46: {  	_ =	shalt  }
0x47: {  	_ =	shalt  }
0x48: {  	_ =	shalt  }
0x49: {  	_ =	shalt  }
0x4a: {  	_ =	shalt  }
0x4b: {  	_ =	shalt  }
0x4c: {  	_ =	shalt  }
0x4d: {  	_ =	shalt  }
0x4e: {  	_ =	shalt  }
0x4f: {  	_ =	shalt  }
0x50: {  	_ =	shalt  }
0x51: {  	_ =	shalt  }
0x52: {  	_ =	shalt  }
0x53: {  	_ =	shalt  }
0x54: {  	_ =	shalt  }
0x55: {  	_ =	shalt  }
0x56: {  	_ =	shalt  }
0x57: {  	_ =	shalt  }
0x58: {  	_ =	shalt  }
0x59: {  	_ =	shalt  }
0x5a: {  	_ =	shalt  }
0x5b: {  	_ =	shalt  }
0x5c: {  	_ =	shalt  }
0x5d: {  	_ =	shalt  }
0x5e: {  	_ =	shalt  }
0x5f: {  	_ =	shalt  }
0x60: {  	_ =	shalt  }
0x61: {  	_ =	shalt  }
0x62: {  	_ =	shalt  }
0x63: {  	_ =	shalt  }
0x64: {  	_ =	shalt  }
0x65: {  	_ =	shalt  }
0x66: {  	_ =	shalt  }
0x67: {  	_ =	shalt  }
0x68: {  	_ =	shalt  }
0x69: {  	_ =	shalt  }
0x6a: {  	_ =	shalt  }
0x6b: {  	_ =	shalt  }
0x6c: {  	_ =	shalt  }
0x6d: {  	_ =	shalt  }
0x6e: {  	_ =	shalt  }
0x6f: {  	_ =	shalt  }
0x70: {  	_ =	shalt  }
0x71: {  	_ =	shalt  }
0x72: {  	_ =	shalt  }
0x73: {  	_ =	shalt  }
0x74: {  	_ =	shalt  }
0x75: {  	_ =	shalt  }
0x76: {  	_ =	shalt  }
0x77: {  	_ =	shalt  }
0x78: {  	_ =	shalt  }
0x79: {  	_ =	shalt  }
0x7a: {  	_ =	shalt  }
0x7b: {  	_ =	shalt  }
0x7c: {  	_ =	shalt  }
0x7d: {  	_ =	shalt  }
0x7e: {  	_ =	shalt  }
0x7f: {  	_ =	shalt  }
0x80: {  	_ =	shalt  }
0x81: {  	_ =	shalt  }
0x82: {  	_ =	shalt  }
0x83: {  	_ =	shalt  }
0x84: {  	_ =	shalt  }
0x85: {  	_ =	shalt  }
0x86: {  	_ =	shalt  }
0x87: {  	_ =	shalt  }
.Lfunc_end0:
.L_simem_size_0:
called_computation_lowered:
.L_overlay_start_0:
0x88: {  	s2 =	sld [smem:$0x3FD9]  }
0x89: {  	s3 =	sld [smem:$0x3FFE];
	_ =	sdelay $0x1  }
0x8a: {  	s1 =	srdreg.scid  }
0x8b: {  	s0 =	sand.u32 $0x1, s1  }
0x8c: {  	s17 =	sshll.u32 s0, $0xA;
	s2 =	sadd.s32 s3, s2  }
0x8d: {  	s2 =	sadd.s32 s2, s17  }
0x8e: {  	[smem:$0x3FC4] =	sst s2  }
0x8f: {  	_ = 	snop  }
0x90: {  	s2 =	sld [smem:$0x3FD0];
	(tm) =	ssettm $0x1  }
0x91: {  	s18 =	sld [smem:$0x3FFB];
	_ =	sdelay $0x3  }
0x92: {  	_ =	strace s18  }
0x93: {  	s3 =	sld [smem:$0x3FFC];
	_ =	sdelay $0x3  }
0x94: {  	_ =	strace s3  }
0x95: {  	s3 =	sld [smem:$0x3FFD];
	_ =	sdelay $0x3  }
0x96: {  	_ =	strace s3  }
0x97: {  	_ =	strace $0x8FFFFFFF  }
0x98: {  	s19 =	sld [smem:$0x3FDB];
	_ =	sdelay $0x1  }
0x99: {  	s4 =	simm.s32 $_scs_section_size  }
0x9a: {  	s5 =	simm.s32 $_size__tile_overlayer_lowered;
	s6 =	simm.s32 $_tile_overlayer_lowered  }
0x9b: {  	s22 =	simm.s32 $0x1BFF;
	s21 =	sshll.u32 s6, $0x1;
	s3 =	sadd.s32 s4, s19  }
0x9c: {  	s7 =	simm.s32 $0x0;
	s20 =	sshll.u32 s5, $0x1;
	s5 =	sadd.s32 s21, s3  }
0x9d: {  	[timem:s7], [sflag:s22] =	dma.local [hbm:s5], s20  }
0x9e: {  	_ =	swait.ge [sflag:s22], s20  }
0x9f: {  	s4 =	ssub.s32 $0x0, s20;
	[sflag:s22] =	ssyncset.done $0x0  }
0xa0: {  	[sflag:s22] =	ssyncadd.s32 s4;
	_ =	sdelay $0x1  }
0xa1: {  	s23 =	simm.s32 $0x1B8B  }
0xa2: {  	_ =	swait.ge [sflag:s23], $0x1  }
0xa3: {  	[sflag:s23] =	ssyncset.done $0x0  }
0xa4: {  	s25 =	simm.s32 $0x1B8E;
	s24 =	sld [smem:$0x3FFE];
	[sflag:s23] =	ssyncadd.s32 $0xFFFFFFFF  }
0xa5: {  	s26 =	simm.s32 $execute0_lowered;
	[smem:$0x3FD2] =	sst s25  }
0xa6: {  	s5 =	sshll.u32 s26, $0x1;
	_ =	strace $0x80000046;
	[dreg:$0x1] =	wrdreg $0xFFFFFFFF  }
0xa7: {  	s28 =	simm.s32 $_size_execute0_lowered;
	s3 =	sadd.s32 s3, s5;
	[dreg:$0x0] =	wrdreg $0x0  }
0xa8: {  	s5 =	sshll.u32 s28, $0x1;
	[dreg:$0x2] =	wrdreg s3  }
0xa9: {  	[dreg:$0x3] =	wrdreg s5  }
0xaa: {  	[dreg:$0x4] =	wrdreg $0xC0  }
0xab: {  	_ =	task [dreg:s7], $0x5FFFF  }
0xac: {  	[dreg:$0x1] =	wrdreg $0xFFFFFFFF  }
0xad: {  	[dreg:$0x0] =	wrdreg $0x60  }
0xae: {  	[dreg:$0x2] =	wrdreg s24  }
0xaf: {  	[dreg:$0x3] =	wrdreg s2  }
0xb0: {  	[dreg:$0x4] =	wrdreg $0x193800  }
0xb1: {  	[dreg:$0x5] =	wrdreg $0x9  }
0xb2: {  	_ =	task.clear_ibuf [dreg:s7], $0x6FFFF;
	_ =	strace $0x90000046  }
0xb3: {  	s29 =	simm.s32 $0x9;
	_ =	strace $0x80000048  }
0xb4: {  	_ =	swait.ge [sflag:s29], $0x1  }
0xb5: {  	[sflag:s29] =	ssyncadd.s32 $0xFFFFFFFF  }
0xb6: {  	_ =	strace $0x90000048  }
0xb7: {  	_ =	sfence  }
0xb8: {  	s30 =	sld [smem:$0x0];
	_ =	sdelay $0x2  }
0xb9: {  	s31 =	sshll.u32 s1, $0xD;
	s1 =	sshrl.u32 s1, $0x2  }
0xba: {  	s3 =	sand.u32 $0x4000, s31;
	s1 =	sadd.s32 s1, s30  }
0xbb: {  	s0 =	sor.u32 s3, s0;
	s1 =	sshll.u32 s1, $0x11  }
0xbc: {  	s0 =	sor.u32 s1, s0  }
0xbd: {  	s0 =	sadd.s32 $0x8F2B, s0  }
0xbe: {  	[sflag:s0] =	ssyncadd.remote.s32 $0x1  }
0xbf: {  	_ =	sfence.sel $0xFFFF  }
0xc0: {  	[dreg:$0x0] =	wrdreg $0xFFFFFFFF;
	(pc) =	sbr.abs _section_cstart, $3  }
0xc1: {  	[dreg:$0x1] =	wrdreg $0xFFFFFFFF  }
0xc2: {  	_ =	task.clear_ibuf [dreg:s7], $0x2FFFF;
	_ =	strace $0x9FFFFFFF  }
0xc3: {  	(tm) =	ssettm $0x7FFFFFFF  }
tec
execute0_lowered:
.L_overlay_start_1:
0x0: {  	(tag) =	ssettag $0x1  }
0x1: {  	s0 =	rddreg [dreg:$0x0]  }
0x2: {  	s1 =	rddreg [dreg:$0x1]  }
0x3: {  	s3 =	rddreg [dreg:$0x2];
	s4 =	simm.s32 $0x0;
	s2 =	srdreg.scid  }
0x4: {  	s17 =	stileid.u32;
	s28 =	simm.s32 $0x11280;
	s29 =	simm.s32 $0x4E80  }
0x5: {  	s30 =	simm.s32 $0x13A00;
	s31 =	simm.s32 $0x16180;
	[smem:$0x7FF] =	sst s4  }
0x6: {  	s2 =	sand.u32 $0x1, s2;
	s5 =	sshll.u32 s17, $0x1;
	s6 =	sadd.s32 $0x3B600, s0  }
0x7: {  	s7 =	sadd.s32 $0x200, s0;
	s23 =	sadd.s32 $0x1200, s0;
	s8 =	smul.u32 $0x4E20, s17  }
0x8: {  	s10 =	sadd.s32 $0x76000, s0;
	s12 =	smul.u32 $0x4E2, s17;
	s16 =	sadd.s32 $0x3600, s0  }
0x9: {  	s26 =	smul.u32 $0x2710, s17;
	_ =	strace $0x80000047;
	[dreg:$0x4] =	wrdreg s7  }
0xa: {  	s19 =	sadd.s32 $0x6E2, s0;
	s21 =	sadd.s32 $0x16E2, s0;
	[dreg:$0x5] =	wrdreg s23  }
0xb: {  	s5 =	sor.u32 s2, s5;
	s7 =	sadd.s32 $0x2200, s0;
	[dreg:$0xa] =	wrdreg s19  }
0xc: {  	s11 =	ssub.s32 $0x2, s2;
	[dreg:$0xb] =	wrdreg s21;
	s9 =	smul.u32 $0x9C4, s5  }
0xd: {  	p0 =	sne.s32 s2, $0x0;
	s14 =	smul.u32 $0x1388, s5;
	s15 =	sor.u32 $0x20, s5  }
0xe: {  	s2 =	simm.s32 $0x1;
	s13 =	sshrl.u32 s11, $0x1;
	s24 =	smul.u32 $0x9C4, s15  }
0xf: {  	s25 =	sadd.s32 s16, s12;
	s5 =	sor.u32 $0x40, s5;
	s20 =	smul.u32 $0x1388, s15  }
0x10: {  	s11 =	ssub.s32 s11, s13;
	[dreg:$0x7] =	wrdreg s25;
	s22 =	smul.u32 $0x9C4, s5  }
0x11: {  	s5 =	smul.u32 $0x1388, s5;
	s25 =	sadd.s32 $0xBC4, s0;
	s0 =	sadd.s32 $0x1BC4, s0  }
0x12: {  	s13 =	simm.s32 $0xC3B0;
	s15 =	simm.s32 $0x4;
	[dreg:$0x10] =	wrdreg s25  }
0x13: {  	s9 =	sadd.s32 s6, s9;
	s17 =	sadd.s32 s10, s14;
	[dreg:$0x11] =	wrdreg s0  }
0x14: {  	s25 =	simm.s32 $0x5;
	s0 =	simm.s32 $0x17A80;
	[dreg:$0x6] =	wrdreg s9  }
0x15: {  	s14 =	simm.s32 $0x2;
	[dreg:$0x8] =	wrdreg s17;
	s18 =	sadd.s32 s6, s24  }
0x16: {  	s9 =	sshrl.u32 s26, $0x3;
	s24 =	sadd.s32 $0x9C40, s1;
	[dreg:$0x9] =	wrdreg s18  }
0x17: {  	s12 =	sadd.s32 s10, s20;
	s6 =	sadd.s32 s6, s22;
	[dreg:$0xd] =	wrdreg s24  }
0x18: {  	s22 =	sadd.s32 s10, s5;
	s5 =	simm.s32 $0x3;
	[dreg:$0xe] =	wrdreg s12  }
0x19: {  	s10 =	simm.s32 $0x7590;
	s9 =	sadd.s32 s16, s9;
	[dreg:$0xf] =	wrdreg s6  }
0x1a: {  	s24 =	smax.u32 s11, $0x1;
	s6 =	simm.s32 $0x16E00;
	s11 =	simm.s32 $0x2710  }
0x1b: {  	s12 =	simm.s32 $0x9CA0;
	s16 =	simm.s32 $0x0;
	s23 =	sadd.s32 $0x4E20, s9  }
0x1c: {  	s26 =	sadd.s32 $0x9C40, s9;
	s9 =	simm.s32 $0x18700;
	[dreg:$0xc] =	wrdreg s23  }
0x1d: {  	[dreg:$0x12] =	wrdreg s26;
	s23 =	sadd.s32 $0x13880, s1;
	s26 =	simm.s32 $0xEB00  }
.LBB2_1:
0x1e: {  	s17 =	rddreg [dreg:$0x6]  }
0x1f: {  	[tilespmem:s4], [sflag:$0x5] =	stream.linear.gather [hbm4b:s17+s4], $0x4E20, $0x38;
	[tilespmem:$0x1E1A0] =	vst v63  }
0x20: {  	_ =	swait.ge [sflag:s25], $0x4E20  }
0x21: {  	[sflag:s25] =	ssyncset.done $0x0  }
0x22: {  	s20 =	rddreg [dreg:$0x4];
	[sflag:s25] =	ssyncadd.s32 $0xFFFFB1E0  }
0x23: {  	[tilespmem:s26], [sflag:$0x5] =	stream.linear.gather [hbm4b:s20+s4], $0x2710, $0x38;
	[tilespmem:$0x1E1A0] =	vst v63  }
0x24: {  	_ =	swait.ge [sflag:s25], $0x2710  }
0x25: {  	[sflag:s25] =	ssyncset.done $0x0  }
0x26: {  	s21 =	rddreg [dreg:$0x5];
	[sflag:s25] =	ssyncadd.s32 $0xFFFFD8F0  }
0x27: {  	[tilespmem:s28], [sflag:$0x5] =	stream.linear.gather [hbm4b:s21+s4], $0x2710, $0x38;
	[tilespmem:$0x1E1A0] =	vst v63  }
0x28: {  	_ =	swait.ge [sflag:s25], $0x2710  }
0x29: {  	[sflag:s25] =	ssyncset.done $0x0  }
0x2a: {  	[sflag:s25] =	ssyncadd.s32 $0xFFFFD8F0  }
0x2b: {  	[tilespmem:s29], [sflag:$0x5] =	stream.linear.gather [hbm4b:s7+s4], $0x9C80, $0x38;
	[tilespmem:$0x1E1A0] =	vst v63  }
0x2c: {  	_ =	swait.ge [sflag:s25], $0x9C80  }
0x2d: {  	[sflag:s25] =	ssyncset.done $0x0  }
0x2e: {  	[sflag:s25] =	ssyncadd.s32 $0xFFFF6380  }
0x2f: {  	[tilespmem:s30], [sflag:$0x5] =	stream.linear.gather [hbm4b:s7+s4], $0x2710, $0x38;
	[tilespmem:$0x1E1A0] =	vst v63  }
0x30: {  	_ =	swait.ge [sflag:s25], $0x2710  }
0x31: {  	[sflag:s25] =	ssyncset.done $0x0  }
0x32: {  	s17 =	simm.s32 $0x0;
	[sflag:s25] =	ssyncadd.s32 $0xFFFFD8F0  }
.LBB2_2:
0x33: {  	s18 =	smul.u32 $0x7D0, s17;
	_ =	sdelay $0x1  }
0x34: {  	s18 =	sadd.s32 s8, s18  }
0x35: {  	s19 =	sshrl.u32 s18, $0x3  }
0x36: {  	s19 =	sadd.s32 s1, s19  }
0x37: {  	[tilespmem:s31], [sflag:$0x5] =	stream.linear.gather [hbm4b:s19+s4], $0x7D0, $0x38;
	[tilespmem:$0x1E1A0] =	vst v63  }
0x38: {  	_ =	swait.ge [sflag:s25], $0x7D0  }
0x39: {  	[sflag:s25] =	ssyncset.done $0x0  }
0x3a: {  	s20 =	simm.s32 $0x161A0;
	[sflag:s25] =	ssyncadd.s32 $0xFFFFF830  }
0x3b: {  	v0 =	vld [tilespmem:s20+$0x20];
	_ =	sdelay $0x1  }
0x3c: {  	v1 =	vld [tilespmem:s20+$0xFFFFFFF0];
	_ =	sdelay $0x1  }
0x3d: {  	v2 =	vld [tilespmem:s20+$0xFFFFFFE0]  }
0x3e: {  	v5 =	vand.u32 $0xFFFF, v0  }
0x3f: {  	v0 =	vshra.s32 v0, $0x10  }
0x40: {  	v3 =	vld [tilespmem:s20+$0x0];
	v7 =	vand.u32 $0xFFFF, v1  }
0x41: {  	v1 =	vshra.s32 v1, $0x10  }
0x42: {  	v6 =	vld [tilespmem:s20+$0x10];
	v8 =	vand.u32 $0xFFFF, v2  }
0x43: {  	v2 =	vshra.s32 v2, $0x10;
	v4 =	vld.idx.msk [tilespmem:v5+s26+$0x0], $0xffff  }
0x44: {  	v0 =	vld.idx.msk [tilespmem:v0+s28+$0x0], $0xffff  }
0x45: {  	v9 =	vand.u32 $0xFFFF, v3;
	v3 =	vshra.s32 v3, $0x10;
	v10 =	vld.idx.msk [tilespmem:v7+s26+$0x0], $0xffff  }
0x46: {  	v1 =	vld.idx.msk [tilespmem:v1+s28+$0x0], $0xffff  }
0x47: {  	v11 =	vld.idx.msk [tilespmem:v8+s26+$0x0], $0xffff  }
0x48: {  	s21 =	simm.s32 $0x161F0;
	v2 =	vld.idx.msk [tilespmem:v2+s28+$0x0], $0xffff  }
0x49: {  	v13 =	vld [tilespmem:s21+$0x20];
	v0 =	vadd.f32 v0, v4  }
0x4a: {  	v3 =	vld.idx.msk [tilespmem:v3+s28+$0x0], $0xffff  }
0x4b: {  	v4 =	vld.idx.msk [tilespmem:v9+s26+$0x0], $0xffff;
	v10 =	vadd.f32 v1, v10;
	v12 =	vmul.f32 $2.000000030e-01, v0  }
0x4c: {  	v14 =	vld [tilespmem:s21+$0xFFFFFFF0]  }
0x4d: {  	v2 =	vadd.f32 v2, v11;
	v11 =	vmul.f32 $2.000000030e-01, v10;
	v12 =	vmax.f32 v0, v12  }
0x4e: {  	v0 =	vand.u32 $0xFFFF, v6;
	v12 =	vsub.f32 $0.0e+00, v12  }
0x4f: {  	v15 =	vld [tilespmem:s21+$0xFFFFFFE0];
	v6 =	vshra.s32 v6, $0x10;
	v10 =	vmax.f32 v10, v11  }
0x50: {  	v4 =	vadd.f32 v3, v4;
	v1 =	vmul.f32 $1.442695020e+00, v12;
	v12 =	vand.u32 $0xFFFF, v13  }
0x51: {  	v11 =	vshra.s32 v14, $0x10;
	v3 =	vmul.f32 $2.000000030e-01, v2;
	v13 =	vshra.s32 v13, $0x10  }
0x52: {  	v16 =	vld [tilespmem:s21+$0x0];
	(erf) = vpow2.f32 v1;
	v1 =	vand.u32 $0xFFFF, v14;
	v14 =	vmul.f32 $2.000000030e-01, v4  }
0x53: {  	v10 =	vsub.f32 $0.0e+00, v10;
	v17 =	vld.idx.msk [tilespmem:v0+s26+$0x0], $0xffff  }
0x54: {  	v2 =	vmax.f32 v2, v3;
	v3 =	vand.u32 $0xFFFF, v15;
	v6 =	vld.idx.msk [tilespmem:v6+s28+$0x0], $0xffff;
	v14 =	vmax.f32 v4, v14  }
0x55: {  	v15 =	vshra.s32 v15, $0x10;
	v10 =	vmul.f32 $1.442695020e+00, v10;
	v19 =	vld.idx.msk [tilespmem:v12+s26+$0x0], $0xffff;
	v14 =	vsub.f32 $0.0e+00, v14  }
0x56: {  	v2 =	vsub.f32 $0.0e+00, v2;
	v13 =	vld.idx.msk [tilespmem:v13+s28+$0x0], $0xffff  }
0x57: {  	(erf) = vpow2.f32 v10;
	v10 =	vld.idx.msk [tilespmem:v11+s28+$0x0], $0xffff;
	v11 =	vmul.f32 $1.442695020e+00, v14  }
0x58: {  	v2 =	vmul.f32 $1.442695020e+00, v2  }
0x59: {  	v18 =	vld [tilespmem:s21+$0x10];
	v4 =	vand.u32 $0xFFFF, v16  }
0x5a: {  	v16 =	vshra.s32 v16, $0x10;
	(erf) = vpow2.f32 v2;
	v15 =	vld.idx.msk [tilespmem:v15+s28+$0x0], $0xffff;
	v6 =	vadd.f32 v6, v17  }
0x5b: {  	s21 =	simm.s32 $0x17AA0;
	v20 =	vld.idx.msk [tilespmem:v1+s26+$0x0], $0xffff;
	(erf) = vpow2.f32 v11;
	v13 =	vadd.f32 v13, v19;
	v11 =	vpop (erf)  }
0x5c: {  	v14 =	vld.idx.msk [tilespmem:v3+s26+$0x0], $0xffff;
	v19 =	vmul.f32 $2.000000030e-01, v6;
	[tilespmem:s21+$0x20] =	vst v11  }
0x5d: {  	[tilespmem:v5+s30+$0x0] =	vst.idx.add.f32.msk $0xffff, v11;
	v5 =	vmul.f32 $2.000000030e-01, v13  }
0x5e: {  	v2 =	vand.u32 $0xFFFF, v18;
	v17 =	vld.idx.msk [tilespmem:v4+s26+$0x0], $0xffff;
	v6 =	vmax.f32 v6, v19  }
0x5f: {  	s20 =	simm.s32 $0x16240;
	v18 =	vshra.s32 v18, $0x10;
	v11 =	vld.idx.msk [tilespmem:v16+s28+$0x0], $0xffff;
	v6 =	vsub.f32 $0.0e+00, v6;
	v5 =	vmax.f32 v13, v5  }
0x60: {  	v16 =	vld [tilespmem:s20+$0x20];
	v5 =	vsub.f32 $0.0e+00, v5  }
0x61: {  	v13 =	vld [tilespmem:s20+$0xFFFFFFF0];
	v6 =	vmul.f32 $1.442695020e+00, v6  }
0x62: {  	v22 =	vld [tilespmem:s20+$0x0];
	v21 =	vpop (erf);
	v5 =	vmul.f32 $1.442695020e+00, v5  }
0x63: {  	v24 =	vld [tilespmem:s20+$0xFFFFFFE0];
	v10 =	vadd.f32 v10, v20;
	v23 =	vpop (erf);
	(erf) = vpow2.f32 v6  }
0x64: {  	v18 =	vld.idx.msk [tilespmem:v18+s28+$0x0], $0xffff;
	[tilespmem:s21+$0xFFFFFFE0] =	vst v23;
	(erf) = vpow2.f32 v5  }
0x65: {  	[tilespmem:v8+s30+$0x0] =	vst.idx.add.f32.msk $0xffff, v23;
	v8 =	vadd.f32 v15, v14;
	v14 =	vmul.f32 $2.000000030e-01, v10;
	v6 =	vand.u32 $0xFFFF, v16  }
0x66: {  	v19 =	vld.idx.msk [tilespmem:v2+s26+$0x0], $0xffff;
	[tilespmem:s21+$0xFFFFFFF0] =	vst v21;
	v11 =	vadd.f32 v11, v17;
	v5 =	vand.u32 $0xFFFF, v13;
	v13 =	vshra.s32 v13, $0x10  }
0x67: {  	[tilespmem:v7+s30+$0x0] =	vst.idx.add.f32.msk $0xffff, v21;
	v26 =	vpop (erf);
	v16 =	vshra.s32 v16, $0x10;
	v15 =	vmul.f32 $2.000000030e-01, v8  }
0x68: {  	v25 =	vld [tilespmem:s20+$0x10];
	v7 =	vmax.f32 v10, v14;
	v17 =	vshra.s32 v24, $0x10;
	[tilespmem:s21+$0x0] =	vst v26;
	v10 =	vmul.f32 $2.000000030e-01, v11  }
0x69: {  	v14 =	vsub.f32 $0.0e+00, v7;
	[tilespmem:v9+s30+$0x0] =	vst.idx.add.f32.msk $0xffff, v26  }
0x6a: {  	v9 =	vand.u32 $0xFFFF, v24;
	v15 =	vmax.f32 v8, v15;
	v20 =	vld.idx.msk [tilespmem:v6+s26+$0x0], $0xffff  }
0x6b: {  	v15 =	vsub.f32 $0.0e+00, v15;
	v11 =	vmax.f32 v11, v10;
	v23 =	vld.idx.msk [tilespmem:v13+s28+$0x0], $0xffff;
	v13 =	vmul.f32 $1.442695020e+00, v14  }
0x6c: {  	v21 =	vshra.s32 v22, $0x10;
	v18 =	vadd.f32 v18, v19;
	v16 =	vld.idx.msk [tilespmem:v16+s28+$0x0], $0xffff;
	v11 =	vsub.f32 $0.0e+00, v11;
	v10 =	vpop (erf)  }
0x6d: {  	v7 =	vand.u32 $0xFFFF, v22;
	v62 =	vmul.f32 $1.442695020e+00, v15;
	v15 =	vld.idx.msk [tilespmem:v17+s28+$0x0], $0xffff;
	v17 =	vpop (erf);
	(erf) = vpow2.f32 v13  }
0x6e: {  	v19 =	vmul.f32 $2.000000030e-01, v18;
	v63 =	vmul.f32 $1.442695020e+00, v11  }
0x6f: {  	v8 =	vand.u32 $0xFFFF, v25;
	v22 =	vld.idx.msk [tilespmem:v5+s26+$0x0], $0xffff;
	(erf) = vpow2.f32 v62  }
0x70: {  	v14 =	vld.idx.msk [tilespmem:v9+s26+$0x0], $0xffff;
	v11 =	vmax.f32 v18, v19;
	(erf) = vpow2.f32 v63  }
0x71: {  	s19 =	simm.s32 $0x17AF0;
	v19 =	vsub.f32 $0.0e+00, v11;
	v18 =	vadd.f32 v16, v20;
	v16 =	vld.idx.msk [tilespmem:v21+s28+$0x0], $0xffff  }
0x72: {  	v13 =	vld.idx.msk [tilespmem:v7+s26+$0x0], $0xffff;
	[tilespmem:s19+$0x20] =	vst v17  }
0x73: {  	v19 =	vmul.f32 $1.442695020e+00, v19;
	[tilespmem:v12+s30+$0x0] =	vst.idx.add.f32.msk $0xffff, v17  }
0x74: {  	s20 =	simm.s32 $0xA;
	v11 =	vshra.s32 v25, $0x10;
	[tilespmem:s21+$0x10] =	vst v10;
	s21 =	simm.s32 $0x16290;
	v20 =	vmul.f32 $2.000000030e-01, v18;
	v17 =	vadd.f32 v23, v22;
	v12 =	vld.idx.msk [tilespmem:v8+s26+$0x0], $0xffff  }
.LBB2_3:
0x75: {  	v21 =	vld [tilespmem:s21+$0x20];
	(erf) = vpow2.f32 v19  }
0x76: {  	v14 =	vadd.f32 v15, v14;
	v19 =	vld [tilespmem:s21+$0xFFFFFFF0];
	v15 =	vmul.f32 $2.000000030e-01, v17;
	v18 =	vmax.f32 v18, v20;
	v20 =	vpop (erf)  }
0x77: {  	s20 =	sadd.s32 $0x5, s20;
	v22 =	vld [tilespmem:s21+$0x0];
	v26 =	vsub.f32 $0.0e+00, v18;
	[tilespmem:s19+$0xFFFFFFF0] =	vst v20  }
0x78: {  	p1 =	slt.u32 s20, $0x78;
	v24 =	vmul.f32 $2.000000030e-01, v14;
	v23 =	vld [tilespmem:s21+$0x10];
	v15 =	vmax.f32 v17, v15;
	v17 =	vpop (erf)  }
0x79: {  	v13 =	vadd.f32 v16, v13;
	v25 =	vld [tilespmem:s21+$0xFFFFFFE0];
	v15 =	vsub.f32 $0.0e+00, v15;
	v16 =	vmul.f32 $1.442695020e+00, v26;
	[tilespmem:s19+$0xFFFFFFE0] =	vst v17;
	v18 =	vpop (erf)  }
0x7a: {  	v14 =	vmax.f32 v14, v24;
	v26 =	vand.u32 $0xFFFF, v21;
	v24 =	vld.idx.msk [tilespmem:v11+s28+$0x0], $0xffff;
	[tilespmem:s19+$0x0] =	vst v18  }
0x7b: {  	v21 =	vshra.s32 v21, $0x10;
	v27 =	vshra.s32 v19, $0x10;
	(erf) = vpow2.f32 v16;
	[tilespmem:v3+s30+$0x0] =	vst.idx.add.f32.msk $0xffff, v17;
	v3 =	vmovc v9  }
0x7c: {  	v16 =	vshra.s32 v22, $0x10;
	v9 =	vand.u32 $0xFFFF, v22;
	[tilespmem:v1+s30+$0x0] =	vst.idx.add.f32.msk $0xffff, v20;
	v1 =	vmovc v5;
	v5 =	vand.u32 $0xFFFF, v19  }
0x7d: {  	v19 =	vmul.f32 $2.000000030e-01, v13;
	v11 =	vshra.s32 v23, $0x10;
	v17 =	vand.u32 $0xFFFF, v23;
	[tilespmem:v4+s30+$0x0] =	vst.idx.add.f32.msk $0xffff, v18;
	v4 =	vmovc v7;
	v7 =	vmovc v9  }
0x7e: {  	v14 =	vsub.f32 $0.0e+00, v14;
	v18 =	vshra.s32 v25, $0x10;
	v9 =	vand.u32 $0xFFFF, v25;
	[tilespmem:v0+s30+$0x0] =	vst.idx.add.f32.msk $0xffff, v10;
	v10 =	vpop (erf)  }
0x7f: {  	v15 =	vmul.f32 $1.442695020e+00, v15;
	v13 =	vmax.f32 v13, v19;
	v0 =	vmovc v2;
	v2 =	vmov v8;
	v20 =	vld.idx.msk [tilespmem:v26+s26+$0x0], $0xffff;
	[tilespmem:s19+$0x10] =	vst v10  }
0x80: {  	v8 =	vmovc v17;
	v13 =	vsub.f32 $0.0e+00, v13;
	v12 =	vadd.f32 v24, v12;
	v19 =	vld.idx.msk [tilespmem:v21+s28+$0x0], $0xffff;
	v21 =	vmul.f32 $1.442695020e+00, v14  }
0x81: {  	v17 =	vld.idx.msk [tilespmem:v5+s26+$0x0], $0xffff;
	(erf) = vpow2.f32 v15  }
0x82: {  	v13 =	vmul.f32 $1.442695020e+00, v13;
	v23 =	vmul.f32 $2.000000030e-01, v12;
	v22 =	vld.idx.msk [tilespmem:v27+s28+$0x0], $0xffff  }
0x83: {  	v14 =	vld.idx.msk [tilespmem:v9+s26+$0x0], $0xffff;
	(erf) = vpow2.f32 v21  }
.Ltmp0:
0x84: {  	s19 =	sadd.s32 $0x50, s19;
	v12 =	vmax.f32 v12, v23;
	v15 =	vld.idx.msk [tilespmem:v18+s28+$0x0], $0xffff;
	(erf) = vpow2.f32 v13;
	v21 =	vpop (erf);
	(pc) =	sbr.rel @p1 .LBB2_3-.Ltmp0, $4  }
0x85: {  	v12 =	vsub.f32 $0.0e+00, v12;
	v13 =	vld.idx.msk [tilespmem:v7+s26+$0x0], $0xffff;
	[tilespmem:s19+$0x20] =	vst v21  }
0x86: {  	v18 =	vadd.f32 v19, v20;
	[tilespmem:v6+s30+$0x0] =	vst.idx.add.f32.msk $0xffff, v21;
	v6 =	vmov v26  }
0x87: {  	v19 =	vmul.f32 $1.442695020e+00, v12;
	v16 =	vld.idx.msk [tilespmem:v16+s28+$0x0], $0xffff  }
0x88: {  	s21 =	sadd.s32 $0x50, s21;
	v17 =	vadd.f32 v22, v17;
	v20 =	vmul.f32 $2.000000030e-01, v18;
	v12 =	vld.idx.msk [tilespmem:v8+s26+$0x0], $0xffff  }
0x89: {  	_ =	sdelay $0x3  }
0x8a: {  	v14 =	vadd.f32 v15, v14;
	v11 =	vld.idx.msk [tilespmem:v11+s28+$0x0], $0xffff  }
0x8b: {  	v48 =	vmul.f32 $2.000000030e-01, v17;
	v18 =	vmax.f32 v18, v20  }
0x8c: {  	v49 =	vsub.f32 $0.0e+00, v18;
	v50 =	vmul.f32 $2.000000030e-01, v14  }
0x8d: {  	(erf) = vpow2.f32 v19;
	v13 =	vadd.f32 v16, v13;
	v15 =	vmax.f32 v17, v48  }
0x8e: {  	v15 =	vsub.f32 $0.0e+00, v15;
	v16 =	vmul.f32 $1.442695020e+00, v49;
	v14 =	vmax.f32 v14, v50  }
0x8f: {  	v51 =	vmul.f32 $2.000000030e-01, v13;
	v14 =	vsub.f32 $0.0e+00, v14;
	v11 =	vadd.f32 v11, v12  }
0x90: {  	v15 =	vmul.f32 $1.442695020e+00, v15;
	(erf) = vpow2.f32 v16  }
0x91: {  	[tilespmem:v0+s30+$0x0] =	vst.idx.add.f32.msk $0xffff, v10;
	v52 =	vpop (erf);
	v13 =	vmax.f32 v13, v51;
	v14 =	vmul.f32 $1.442695020e+00, v14;
	v54 =	vmul.f32 $2.000000030e-01, v11  }
0x92: {  	[tilespmem:s19+$0xFFFFFFF0] =	vst v52;
	v53 =	vpop (erf);
	v13 =	vsub.f32 $0.0e+00, v13;
	(erf) = vpow2.f32 v15  }
0x93: {  	[tilespmem:v1+s30+$0x0] =	vst.idx.add.f32.msk $0xffff, v52;
	v55 =	vpop (erf);
	(erf) = vpow2.f32 v14;
	v11 =	vmax.f32 v11, v54  }
0x94: {  	[tilespmem:s19+$0xFFFFFFE0] =	vst v53;
	v13 =	vmul.f32 $1.442695020e+00, v13;
	v56 =	vsub.f32 $0.0e+00, v11  }
0x95: {  	[tilespmem:s19+$0x0] =	vst v55  }
0x96: {  	[tilespmem:v3+s30+$0x0] =	vst.idx.add.f32.msk $0xffff, v53;
	(erf) = vpow2.f32 v13;
	v57 =	vmul.f32 $1.442695020e+00, v56  }
0x97: {  	[tilespmem:v4+s30+$0x0] =	vst.idx.add.f32.msk $0xffff, v55;
	v58 =	vpop (erf)  }
0x98: {  	[tilespmem:s19+$0x10] =	vst v58;
	(erf) = vpow2.f32 v57  }
0x99: {  	s21 =	sadd.s32 $0x50, s19;
	[tilespmem:v2+s30+$0x0] =	vst.idx.add.f32.msk $0xffff, v58;
	v59 =	vpop (erf)  }
0x9a: {  	[tilespmem:s21+$0x20] =	vst v59  }
0x9b: {  	[tilespmem:v6+s30+$0x0] =	vst.idx.add.f32.msk $0xffff, v59;
	v60 =	vpop (erf)  }
0x9c: {  	[tilespmem:s21+$0xFFFFFFF0] =	vst v60;
	v61 =	vpop (erf)  }
0x9d: {  	[tilespmem:s21+$0xFFFFFFE0] =	vst v61  }
0x9e: {  	[tilespmem:v5+s30+$0x0] =	vst.idx.add.f32.msk $0xffff, v60  }
0x9f: {  	[tilespmem:v9+s30+$0x0] =	vst.idx.add.f32.msk $0xffff, v61;
	v62 =	vpop (erf)  }
0xa0: {  	[tilespmem:s21+$0x0] =	vst v62  }
0xa1: {  	s17 =	sadd.s32 $0x1, s17;
	[tilespmem:v7+s30+$0x0] =	vst.idx.add.f32.msk $0xffff, v62;
	v63 =	vpop (erf)  }
0xa2: {  	p1 =	sne.s32 s17, $0xA;
	[tilespmem:s21+$0x10] =	vst v63  }
.Ltmp1:
0xa3: {  	s18 =	sadd.s32 s18, s3;
	[tilespmem:v8+s30+$0x0] =	vst.idx.add.f32.msk $0xffff, v63;
	(pc) =	sbr.rel @p1 .LBB2_2-.Ltmp1, $4  }
0xa4: {  	[spmem:s18] =	stream.linear.scatter [tilespmem:s0], [sflag:$0x5], $0x7D0, $0x38;
	[tilespmem:$0x1E1A0] =	vst v63  }
0xa5: {  	_ =	swait.ge [sflag:s25], $0x7D0  }
0xa6: {  	[sflag:s25] =	ssyncset.done $0x0  }
0xa7: {  	[sflag:s25] =	ssyncadd.s32 $0xFFFFF830  }
0xa8: {  	s17 =	simm.s32 @!p0 $0x0;
	s18 =	simm.s32 @!p0 $0x13A00;
	s19 =	rddreg [dreg:$0x7]  }
0xa9: {  	[hbm4b:s19+s17] =	stream.linear.scatter @!p0 [tilespmem:s18], [sflag:$0x5], $0x2710, $0x38;
	[tilespmem:$0x1E1A0] =	vst v63  }
0xaa: {  	s17 =	simm.s32 @!p0 $0x5  }
0xab: {  	_ =	swait.ge @!p0 [sflag:s17], $0x2710  }
0xac: {  	[sflag:s17] =	ssyncset.done @!p0 $0x0  }
0xad: {  	[sflag:s17] =	ssyncadd.s32 @!p0 $0xFFFFD8F0  }
0xae: {  	s17 =	simm.s32 $0x0;
	[bflag:$0x0] =	sbarrier.arrive $0xFFFF  }
0xaf: {  	[tilespmem:s31], [sflag:$0x1] =	stream.linear.gather [hbm4b:s1+s17], $0xC80, $0x38;
	[tilespmem:$0x1E1A0] =	vst v63  }
0xb0: {  	_ = 	snop  }
0xb1: {  	[tilespmem:s0], [sflag:$0x3] =	stream.linear.gather [spmem:s3], $0xC80, $0x38;
	[tilespmem:$0x1E1A0] =	vst v63  }
.LBB2_6:
0xb2: {  	_ =	swait.ge [sflag:s2], $0xC80  }
0xb3: {  	s18 =	smul.u32 $0x1900, s17;
	[sflag:s2] =	ssyncset.done $0x0  }
0xb4: {  	[sflag:s2] =	ssyncadd.s32 $0xFFFFF380  }
0xb5: {  	s18 =	sadd.s32 $0xC80, s18;
	_ =	swait.ge [sflag:s5], $0xC80  }
0xb6: {  	s19 =	sshrl.u32 s18, $0x3;
	[sflag:s5] =	ssyncset.done $0x0  }
0xb7: {  	s19 =	sadd.s32 s1, s19;
	[sflag:s5] =	ssyncadd.s32 $0xFFFFF380  }
0xb8: {  	[tilespmem:s6], [sflag:$0x2] =	stream.linear.gather [hbm4b:s19+s4], $0xC80, $0x38;
	[tilespmem:$0x1E1A0] =	vst v63  }
0xb9: {  	s21 =	simm.s32 $0x161C0;
	s18 =	sadd.s32 s18, s3  }
0xba: {  	[tilespmem:s9], [sflag:$0x4] =	stream.linear.gather [spmem:s18], $0xC80, $0x38;
	[tilespmem:$0x1E1A0] =	vst v63  }
0xbb: {  	v0 =	vld [tilespmem:s21+$0x30]  }
0xbc: {  	v1 =	vld [tilespmem:s21+$0xFFFFFFD0]  }
0xbd: {  	v2 =	vld [tilespmem:s21+$0xFFFFFFE0]  }
0xbe: {  	v3 =	vld [tilespmem:s21+$0xFFFFFFF0]  }
0xbf: {  	v4 =	vld [tilespmem:s21+$0x0]  }
0xc0: {  	v6 =	vld [tilespmem:s21+$0x10]  }
0xc1: {  	v8 =	vld [tilespmem:s21+$0xFFFFFFC0]  }
0xc2: {  	s18 =	simm.s32 $0x17AC0;
	v9 =	vld [tilespmem:s21+$0x20];
	v5 =	vshra.s32 v0, $0x10  }
0xc3: {  	v17 =	vld [tilespmem:s18+$0x30]  }
0xc4: {  	v55 =	vld [tilespmem:s18+$0xFFFFFFC0]  }
0xc5: {  	v56 =	vld [tilespmem:s18+$0xFFFFFFD0]  }
0xc6: {  	v26 =	vld [tilespmem:s18+$0xFFFFFFE0]  }
0xc7: {  	v7 =	vshra.s32 v1, $0x10;
	v13 =	vld.idx.msk [tilespmem:v5+s4+$0x0], $0xffff  }
0xc8: {  	v27 =	vld [tilespmem:s18+$0xFFFFFFF0];
	v11 =	vshra.s32 v3, $0x10  }
0xc9: {  	v29 =	vld [tilespmem:s18+$0x0];
	v16 =	vshra.s32 v8, $0x10  }
0xca: {  	v30 =	vld [tilespmem:s18+$0x10];
	v0 =	vand.u32 $0xFFFF, v0  }
0xcb: {  	v33 =	vld [tilespmem:s18+$0x20]  }
0xcc: {  	v15 =	vld.idx.msk [tilespmem:v7+s4+$0x0], $0xffff;
	v23 =	vunpack.i.l.bf16.f32 v13  }
0xcd: {  	v10 =	vshra.s32 v2, $0x10;
	v20 =	vld.idx.msk [tilespmem:v11+s4+$0x0], $0xffff;
	v13 =	vunpack.i.u.bf16.f32 v13;
	v23 =	vmul.f32 v23, v17  }
0xce: {  	v12 =	vshra.s32 v4, $0x10;
	v24 =	vld.idx.msk [tilespmem:v16+s4+$0x0], $0xffff;
	v13 =	vmul.f32 v13, v17  }
0xcf: {  	v14 =	vshra.s32 v6, $0x10;
	[tilespmem:v0+s29+$0x0] =	vst.idx.add.f32.msk $0xffff, v23  }
0xd0: {  	v18 =	vshra.s32 v9, $0x10;
	[tilespmem:v0+s10+$0x0] =	vst.idx.add.f32.msk $0xffff, v13  }
0xd1: {  	v8 =	vand.u32 $0xFFFF, v8;
	v5 =	vld.idx.msk [tilespmem:v5+s11+$0x0], $0xffff  }
0xd2: {  	v32 =	vand.u32 $0xFFFF, v1;
	v19 =	vld.idx.msk [tilespmem:v10+s4+$0x0], $0xffff  }
0xd3: {  	v3 =	vand.u32 $0xFFFF, v3;
	v21 =	vld.idx.msk [tilespmem:v12+s4+$0x0], $0xffff;
	v28 =	vunpack.i.l.bf16.f32 v24  }
0xd4: {  	v22 =	vld.idx.msk [tilespmem:v14+s4+$0x0], $0xffff;
	v57 =	vunpack.i.l.bf16.f32 v15;
	v28 =	vmul.f32 v28, v55  }
0xd5: {  	v59 =	vand.u32 $0xFFFF, v4;
	v25 =	vld.idx.msk [tilespmem:v18+s4+$0x0], $0xffff;
	v4 =	vunpack.i.l.bf16.f32 v20;
	v58 =	vmul.f32 v57, v56  }
0xd6: {  	v4 =	vmul.f32 v4, v27;
	[tilespmem:v8+s29+$0x0] =	vst.idx.add.f32.msk $0xffff, v28;
	v31 =	vunpack.i.l.bf16.f32 v5  }
0xd7: {  	[tilespmem:v32+s29+$0x0] =	vst.idx.add.f32.msk $0xffff, v58;
	v1 =	vunpack.i.u.bf16.f32 v5;
	v5 =	vmul.f32 v31, v17  }
0xd8: {  	v2 =	vand.u32 $0xFFFF, v2;
	v24 =	vunpack.i.u.bf16.f32 v24;
	[tilespmem:v3+s29+$0x0] =	vst.idx.add.f32.msk $0xffff, v4;
	v1 =	vmul.f32 v1, v17  }
0xd9: {  	v24 =	vmul.f32 v24, v55;
	[tilespmem:v0+s12+$0x0] =	vst.idx.add.f32.msk $0xffff, v5;
	v5 =	vunpack.i.u.bf16.f32 v15  }
0xda: {  	[tilespmem:v0+s13+$0x0] =	vst.idx.add.f32.msk $0xffff, v1;
	v0 =	vunpack.i.l.bf16.f32 v19;
	v1 =	vmul.f32 v5, v56  }
0xdb: {  	[tilespmem:v8+s10+$0x0] =	vst.idx.add.f32.msk $0xffff, v24;
	v5 =	vunpack.i.u.bf16.f32 v19;
	v0 =	vmul.f32 v0, v26  }
0xdc: {  	v5 =	vmul.f32 v5, v26;
	[tilespmem:v32+s10+$0x0] =	vst.idx.add.f32.msk $0xffff, v1;
	v1 =	vunpack.i.u.bf16.f32 v20  }
0xdd: {  	[tilespmem:v2+s29+$0x0] =	vst.idx.add.f32.msk $0xffff, v0;
	v0 =	vand.u32 $0xFFFF, v6;
	v6 =	vunpack.i.l.bf16.f32 v21;
	v60 =	vmul.f32 v1, v27  }
0xde: {  	[tilespmem:v2+s10+$0x0] =	vst.idx.add.f32.msk $0xffff, v5;
	v5 =	vunpack.i.u.bf16.f32 v21;
	v6 =	vmul.f32 v6, v29  }
0xdf: {  	v1 =	vand.u32 $0xFFFF, v9;
	v5 =	vmul.f32 v5, v29;
	[tilespmem:v3+s10+$0x0] =	vst.idx.add.f32.msk $0xffff, v60  }
0xe0: {  	v4 =	vunpack.i.l.bf16.f32 v22;
	[tilespmem:v59+s29+$0x0] =	vst.idx.add.f32.msk $0xffff, v6  }
0xe1: {  	v4 =	vmul.f32 v4, v30;
	v6 =	vunpack.i.l.bf16.f32 v25;
	[tilespmem:v59+s10+$0x0] =	vst.idx.add.f32.msk $0xffff, v5  }
0xe2: {  	v5 =	vmul.f32 v6, v33;
	v6 =	vld.idx.msk [tilespmem:v10+s11+$0x0], $0xffff  }
0xe3: {  	[tilespmem:v0+s29+$0x0] =	vst.idx.add.f32.msk $0xffff, v4;
	v4 =	vunpack.i.u.bf16.f32 v25  }
0xe4: {  	v4 =	vmul.f32 v4, v33;
	[tilespmem:v1+s29+$0x0] =	vst.idx.add.f32.msk $0xffff, v5  }
0xe5: {  	v9 =	vunpack.i.u.bf16.f32 v22;
	v5 =	vld.idx.msk [tilespmem:v16+s11+$0x0], $0xffff  }
0xe6: {  	v9 =	vmul.f32 v9, v30;
	[tilespmem:v1+s10+$0x0] =	vst.idx.add.f32.msk $0xffff, v4  }
0xe7: {  	v4 =	vld.idx.msk [tilespmem:v7+s11+$0x0], $0xffff  }
0xe8: {  	[tilespmem:v0+s10+$0x0] =	vst.idx.add.f32.msk $0xffff, v9  }
0xe9: {  	v9 =	vld.idx.msk [tilespmem:v12+s11+$0x0], $0xffff  }
0xea: {  	v7 =	vld.idx.msk [tilespmem:v11+s11+$0x0], $0xffff;
	v10 =	vunpack.i.l.bf16.f32 v5  }
0xeb: {  	v11 =	vld.idx.msk [tilespmem:v14+s11+$0x0], $0xffff;
	v5 =	vunpack.i.u.bf16.f32 v5;
	v10 =	vmul.f32 v10, v55  }
0xec: {  	v61 =	vld.idx.msk [tilespmem:v18+s11+$0x0], $0xffff;
	v5 =	vmul.f32 v5, v55;
	v62 =	vunpack.i.l.bf16.f32 v4  }
0xed: {  	v4 =	vunpack.i.u.bf16.f32 v4;
	[tilespmem:v8+s12+$0x0] =	vst.idx.add.f32.msk $0xffff, v10;
	v10 =	vmul.f32 v62, v56  }
0xee: {  	v63 =	vunpack.i.l.bf16.f32 v6;
	v4 =	vmul.f32 v4, v56;
	[tilespmem:v8+s13+$0x0] =	vst.idx.add.f32.msk $0xffff, v5  }
0xef: {  	v5 =	vunpack.i.u.bf16.f32 v6;
	v6 =	vmul.f32 v63, v26;
	[tilespmem:v32+s12+$0x0] =	vst.idx.add.f32.msk $0xffff, v10  }
0xf0: {  	v8 =	vunpack.i.l.bf16.f32 v7;
	[tilespmem:v32+s13+$0x0] =	vst.idx.add.f32.msk $0xffff, v4;
	v4 =	vmul.f32 v5, v26  }
0xf1: {  	v5 =	vunpack.i.u.bf16.f32 v7;
	[tilespmem:v2+s12+$0x0] =	vst.idx.add.f32.msk $0xffff, v6;
	v6 =	vmul.f32 v8, v27  }
0xf2: {  	v7 =	vunpack.i.l.bf16.f32 v9;
	v5 =	vmul.f32 v5, v27;
	[tilespmem:v2+s13+$0x0] =	vst.idx.add.f32.msk $0xffff, v4  }
0xf3: {  	v10 =	vunpack.i.u.bf16.f32 v61;
	v7 =	vmul.f32 v7, v29;
	v2 =	vunpack.i.u.bf16.f32 v9;
	[tilespmem:v3+s12+$0x0] =	vst.idx.add.f32.msk $0xffff, v6  }
0xf4: {  	v4 =	vunpack.i.u.bf16.f32 v11;
	v6 =	vunpack.i.l.bf16.f32 v11;
	v11 =	vmul.f32 v2, v29;
	[tilespmem:v3+s13+$0x0] =	vst.idx.add.f32.msk $0xffff, v5  }
0xf5: {  	v2 =	vunpack.i.l.bf16.f32 v61;
	v9 =	vmul.f32 v6, v30;
	v8 =	vmul.f32 v4, v30;
	[tilespmem:v59+s12+$0x0] =	vst.idx.add.f32.msk $0xffff, v7  }
0xf6: {  	s20 =	simm.s32 $0x16240;
	s19 =	simm.s32 $0x0;
	v4 =	vmul.f32 v2, v33;
	v2 =	vmul.f32 v10, v33;
	[tilespmem:v59+s13+$0x0] =	vst.idx.add.f32.msk $0xffff, v11  }
.LBB2_7:
0xf7: {  	v11 =	vld [tilespmem:s20+$0x30]  }
0xf8: {  	v3 =	vld [tilespmem:s20+$0xFFFFFFD0]  }
0xf9: {  	s19 =	sadd.s32 $0x8, s19;
	v5 =	vld [tilespmem:s20+$0xFFFFFFE0]  }
0xfa: {  	p1 =	slt.u32 s19, $0xC0;
	v12 =	vld [tilespmem:s20+$0xFFFFFFF0]  }
0xfb: {  	v13 =	vld [tilespmem:s20+$0x0]  }
0xfc: {  	v14 =	vld [tilespmem:s20+$0x10];
	v15 =	vshra.s32 v11, $0x10  }
0xfd: {  	v7 =	vand.u32 $0xFFFF, v3;
	v10 =	vshra.s32 v3, $0x10;
	v16 =	vld [tilespmem:s20+$0x20]  }
0xfe: {  	v17 =	vld [tilespmem:s20+$0xFFFFFFC0];
	v6 =	vand.u32 $0xFFFF, v5;
	v18 =	vshra.s32 v5, $0x10  }
0xff: {  	v5 =	vand.u32 $0xFFFF, v12;
	v12 =	vshra.s32 v12, $0x10;
	[tilespmem:v0+s12+$0x0] =	vst.idx.add.f32.msk $0xffff, v9  }
0x100: {  	v3 =	vand.u32 $0xFFFF, v13;
	v13 =	vshra.s32 v13, $0x10;
	[tilespmem:v0+s13+$0x0] =	vst.idx.add.f32.msk $0xffff, v8  }
0x101: {  	v0 =	vand.u32 $0xFFFF, v14;
	v14 =	vshra.s32 v14, $0x10;
	v19 =	vld.idx.msk [tilespmem:v15+s4+$0x0], $0xffff  }
0x102: {  	s18 =	sadd.s32 $0x80, s18;
	v20 =	vld.idx.msk [tilespmem:v10+s4+$0x0], $0xffff;
	v9 =	vand.u32 $0xFFFF, v16;
	v16 =	vshra.s32 v16, $0x10  }
0x103: {  	v8 =	vand.u32 $0xFFFF, v17;
	v17 =	vshra.s32 v17, $0x10;
	v21 =	vld [tilespmem:s18+$0x30]  }
0x104: {  	v22 =	vld.idx.msk [tilespmem:v18+s4+$0x0], $0xffff  }
0x105: {  	v11 =	vand.u32 $0xFFFF, v11;
	v23 =	vld.idx.msk [tilespmem:v12+s4+$0x0], $0xffff  }
0x106: {  	v24 =	vld.idx.msk [tilespmem:v13+s4+$0x0], $0xffff  }
0x107: {  	v26 =	vunpack.i.l.bf16.f32 v19;
	v25 =	vld.idx.msk [tilespmem:v14+s4+$0x0], $0xffff  }
0x108: {  	v19 =	vunpack.i.u.bf16.f32 v19;
	v28 =	vunpack.i.u.bf16.f32 v20;
	v27 =	vld.idx.msk [tilespmem:v17+s4+$0x0], $0xffff;
	v26 =	vmul.f32 v26, v21  }
0x109: {  	v20 =	vunpack.i.l.bf16.f32 v20;
	v19 =	vmul.f32 v19, v21;
	v29 =	vld.idx.msk [tilespmem:v16+s4+$0x0], $0xffff  }
0x10a: {  	v30 =	vunpack.i.u.bf16.f32 v22;
	v22 =	vunpack.i.l.bf16.f32 v22;
	[tilespmem:v11+s29+$0x0] =	vst.idx.add.f32.msk $0xffff, v26  }
0x10b: {  	v26 =	vunpack.i.u.bf16.f32 v23;
	v23 =	vunpack.i.l.bf16.f32 v23;
	[tilespmem:v11+s10+$0x0] =	vst.idx.add.f32.msk $0xffff, v19  }
0x10c: {  	v19 =	vunpack.i.u.bf16.f32 v24;
	v24 =	vunpack.i.l.bf16.f32 v24;
	v15 =	vld.idx.msk [tilespmem:v15+s11+$0x0], $0xffff  }
0x10d: {  	v32 =	vunpack.i.u.bf16.f32 v25;
	v25 =	vunpack.i.l.bf16.f32 v25;
	v31 =	vld [tilespmem:s18+$0xFFFFFFC0]  }
0x10e: {  	v33 =	vunpack.i.u.bf16.f32 v27;
	v27 =	vunpack.i.l.bf16.f32 v27;
	v34 =	vld [tilespmem:s18+$0xFFFFFFD0]  }
0x10f: {  	v36 =	vunpack.i.u.bf16.f32 v29;
	v29 =	vunpack.i.l.bf16.f32 v29;
	v35 =	vld [tilespmem:s18+$0xFFFFFFE0]  }
0x110: {  	v37 =	vld [tilespmem:s18+$0xFFFFFFF0]  }
0x111: {  	v38 =	vld [tilespmem:s18+$0x0]  }
0x112: {  	v40 =	vunpack.i.l.bf16.f32 v15;
	v27 =	vmul.f32 v27, v31;
	v33 =	vmul.f32 v33, v31;
	v39 =	vld [tilespmem:s18+$0x10]  }
0x113: {  	v15 =	vunpack.i.u.bf16.f32 v15;
	v40 =	vmul.f32 v40, v21;
	v20 =	vmul.f32 v20, v34;
	v41 =	vld [tilespmem:s18+$0x20]  }
0x114: {  	v15 =	vmul.f32 v15, v21;
	[tilespmem:v8+s29+$0x0] =	vst.idx.add.f32.msk $0xffff, v27;
	v27 =	vmul.f32 v28, v34  }
0x115: {  	v21 =	vmul.f32 v22, v35;
	v22 =	vmul.f32 v30, v35;
	[tilespmem:v11+s12+$0x0] =	vst.idx.add.f32.msk $0xffff, v40  }
0x116: {  	v23 =	vmul.f32 v23, v37;
	v26 =	vmul.f32 v26, v37;
	[tilespmem:v11+s13+$0x0] =	vst.idx.add.f32.msk $0xffff, v15  }
0x117: {  	v11 =	vmul.f32 v24, v38;
	v15 =	vmul.f32 v19, v38;
	[tilespmem:v8+s10+$0x0] =	vst.idx.add.f32.msk $0xffff, v33  }
0x118: {  	v19 =	vmul.f32 v25, v39;
	[tilespmem:v7+s29+$0x0] =	vst.idx.add.f32.msk $0xffff, v20;
	v20 =	vmul.f32 v32, v39  }
0x119: {  	v24 =	vmul.f32 v29, v41;
	v25 =	vmul.f32 v36, v41;
	[tilespmem:v7+s10+$0x0] =	vst.idx.add.f32.msk $0xffff, v27  }
0x11a: {  	[tilespmem:v6+s29+$0x0] =	vst.idx.add.f32.msk $0xffff, v21  }
0x11b: {  	[tilespmem:v6+s10+$0x0] =	vst.idx.add.f32.msk $0xffff, v22  }
0x11c: {  	[tilespmem:v5+s29+$0x0] =	vst.idx.add.f32.msk $0xffff, v23  }
0x11d: {  	[tilespmem:v5+s10+$0x0] =	vst.idx.add.f32.msk $0xffff, v26  }
0x11e: {  	[tilespmem:v3+s29+$0x0] =	vst.idx.add.f32.msk $0xffff, v11  }
0x11f: {  	[tilespmem:v3+s10+$0x0] =	vst.idx.add.f32.msk $0xffff, v15  }
0x120: {  	[tilespmem:v0+s29+$0x0] =	vst.idx.add.f32.msk $0xffff, v19  }
0x121: {  	[tilespmem:v0+s10+$0x0] =	vst.idx.add.f32.msk $0xffff, v20  }
0x122: {  	[tilespmem:v9+s29+$0x0] =	vst.idx.add.f32.msk $0xffff, v24  }
0x123: {  	[tilespmem:v9+s10+$0x0] =	vst.idx.add.f32.msk $0xffff, v25  }
0x124: {  	v11 =	vld.idx.msk [tilespmem:v17+s11+$0x0], $0xffff  }
0x125: {  	v10 =	vld.idx.msk [tilespmem:v10+s11+$0x0], $0xffff  }
0x126: {  	v15 =	vld.idx.msk [tilespmem:v18+s11+$0x0], $0xffff  }
0x127: {  	v12 =	vld.idx.msk [tilespmem:v12+s11+$0x0], $0xffff  }
0x128: {  	v13 =	vld.idx.msk [tilespmem:v13+s11+$0x0], $0xffff  }
0x129: {  	v14 =	vld.idx.msk [tilespmem:v14+s11+$0x0], $0xffff  }
0x12a: {  	v17 =	vunpack.i.u.bf16.f32 v11;
	v11 =	vunpack.i.l.bf16.f32 v11;
	v16 =	vld.idx.msk [tilespmem:v16+s11+$0x0], $0xffff  }
0x12b: {  	v11 =	vmul.f32 v11, v31;
	v18 =	vunpack.i.u.bf16.f32 v10;
	v10 =	vunpack.i.l.bf16.f32 v10;
	[tilespmem:v1+s12+$0x0] =	vst.idx.add.f32.msk $0xffff, v4  }
0x12c: {  	v4 =	vmul.f32 v17, v31;
	v17 =	vunpack.i.u.bf16.f32 v15;
	v15 =	vunpack.i.l.bf16.f32 v15;
	[tilespmem:v1+s13+$0x0] =	vst.idx.add.f32.msk $0xffff, v2;
	v1 =	vmovc v9  }
0x12d: {  	v2 =	vmul.f32 v10, v34;
	v9 =	vunpack.i.u.bf16.f32 v12;
	v10 =	vunpack.i.l.bf16.f32 v12;
	[tilespmem:v8+s12+$0x0] =	vst.idx.add.f32.msk $0xffff, v11  }
0x12e: {  	v11 =	vunpack.i.l.bf16.f32 v13;
	[tilespmem:v8+s13+$0x0] =	vst.idx.add.f32.msk $0xffff, v4;
	v4 =	vmul.f32 v18, v34;
	v8 =	vunpack.i.u.bf16.f32 v13  }
0x12f: {  	v12 =	vunpack.i.u.bf16.f32 v14;
	v13 =	vunpack.i.l.bf16.f32 v14;
	[tilespmem:v7+s12+$0x0] =	vst.idx.add.f32.msk $0xffff, v2;
	v2 =	vmul.f32 v15, v35  }
0x130: {  	v14 =	vunpack.i.l.bf16.f32 v16;
	[tilespmem:v7+s13+$0x0] =	vst.idx.add.f32.msk $0xffff, v4;
	v4 =	vmul.f32 v17, v35;
	v7 =	vunpack.i.u.bf16.f32 v16  }
0x131: {  	[tilespmem:v6+s12+$0x0] =	vst.idx.add.f32.msk $0xffff, v2;
	v2 =	vmul.f32 v10, v37;
	v10 =	vmul.f32 v9, v37  }
.Ltmp2:
0x132: {  	[tilespmem:v6+s13+$0x0] =	vst.idx.add.f32.msk $0xffff, v4;
	v6 =	vmul.f32 v11, v38;
	v11 =	vmul.f32 v8, v38;
	(pc) =	sbr.rel @p1 .LBB2_7-.Ltmp2, $4  }
0x133: {  	v9 =	vmul.f32 v13, v39;
	v8 =	vmul.f32 v12, v39;
	[tilespmem:v5+s12+$0x0] =	vst.idx.add.f32.msk $0xffff, v2  }
0x134: {  	v4 =	vmul.f32 v14, v41;
	v2 =	vmul.f32 v7, v41;
	[tilespmem:v5+s13+$0x0] =	vst.idx.add.f32.msk $0xffff, v10  }
0x135: {  	[tilespmem:v3+s12+$0x0] =	vst.idx.add.f32.msk $0xffff, v6  }
0x136: {  	s20 =	sadd.s32 $0x80, s20;
	[tilespmem:v3+s13+$0x0] =	vst.idx.add.f32.msk $0xffff, v11  }
0x137: {  	_ =	sdelay $0x3  }
0x138: {  	[tilespmem:v0+s12+$0x0] =	vst.idx.add.f32.msk $0xffff, v9  }
0x139: {  	[tilespmem:v1+s12+$0x0] =	vst.idx.add.f32.msk $0xffff, v4  }
0x13a: {  	[tilespmem:v0+s13+$0x0] =	vst.idx.add.f32.msk $0xffff, v8  }
0x13b: {  	s18 =	sshll.u32 s17, $0x1;
	[tilespmem:v1+s13+$0x0] =	vst.idx.add.f32.msk $0xffff, v2  }
0x13c: {  	s18 =	smin.u32 s18, $0x61;
	_ =	swait.ge [sflag:s14], $0xC80  }
0x13d: {  	s18 =	smul.u32 $0xC80, s18;
	[sflag:s14] =	ssyncset.done $0x0  }
0x13e: {  	[sflag:s14] =	ssyncadd.s32 $0xFFFFF380  }
0x13f: {  	s18 =	sadd.s32 $0x1900, s18;
	_ =	swait.ge [sflag:s15], $0xC80  }
0x140: {  	s19 =	sshrl.u32 s18, $0x3;
	[sflag:s15] =	ssyncset.done $0x0  }
0x141: {  	s19 =	sadd.s32 s1, s19;
	[sflag:s15] =	ssyncadd.s32 $0xFFFFF380  }
0x142: {  	[tilespmem:s31], [sflag:$0x1] =	stream.linear.gather [hbm4b:s19+s4], $0xC80, $0x38;
	[tilespmem:$0x1E1A0] =	vst v63  }
0x143: {  	s21 =	simm.s32 $0x16E40;
	s18 =	sadd.s32 s18, s3  }
0x144: {  	[tilespmem:s0], [sflag:$0x3] =	stream.linear.gather [spmem:s18], $0xC80, $0x38;
	[tilespmem:$0x1E1A0] =	vst v63  }
0x145: {  	v0 =	vld [tilespmem:s21+$0x30]  }
0x146: {  	v1 =	vld [tilespmem:s21+$0xFFFFFFD0]  }
0x147: {  	v2 =	vld [tilespmem:s21+$0xFFFFFFE0]  }
0x148: {  	v3 =	vld [tilespmem:s21+$0xFFFFFFF0]  }
0x149: {  	v4 =	vld [tilespmem:s21+$0x0]  }
0x14a: {  	v6 =	vld [tilespmem:s21+$0x10]  }
0x14b: {  	v8 =	vld [tilespmem:s21+$0xFFFFFFC0]  }
0x14c: {  	s18 =	simm.s32 $0x18740;
	v9 =	vld [tilespmem:s21+$0x20];
	v5 =	vshra.s32 v0, $0x10  }
0x14d: {  	v17 =	vld [tilespmem:s18+$0x30]  }
0x14e: {  	v55 =	vld [tilespmem:s18+$0xFFFFFFC0]  }
0x14f: {  	v56 =	vld [tilespmem:s18+$0xFFFFFFD0]  }
0x150: {  	v26 =	vld [tilespmem:s18+$0xFFFFFFE0]  }
0x151: {  	v7 =	vshra.s32 v1, $0x10;
	v13 =	vld.idx.msk [tilespmem:v5+s4+$0x0], $0xffff  }
0x152: {  	v27 =	vld [tilespmem:s18+$0xFFFFFFF0];
	v11 =	vshra.s32 v3, $0x10  }
0x153: {  	v29 =	vld [tilespmem:s18+$0x0];
	v16 =	vshra.s32 v8, $0x10  }
0x154: {  	v30 =	vld [tilespmem:s18+$0x10];
	v0 =	vand.u32 $0xFFFF, v0  }
0x155: {  	v33 =	vld [tilespmem:s18+$0x20]  }
0x156: {  	v15 =	vld.idx.msk [tilespmem:v7+s4+$0x0], $0xffff;
	v23 =	vunpack.i.l.bf16.f32 v13  }
0x157: {  	v10 =	vshra.s32 v2, $0x10;
	v20 =	vld.idx.msk [tilespmem:v11+s4+$0x0], $0xffff;
	v13 =	vunpack.i.u.bf16.f32 v13;
	v23 =	vmul.f32 v23, v17  }
0x158: {  	v12 =	vshra.s32 v4, $0x10;
	v24 =	vld.idx.msk [tilespmem:v16+s4+$0x0], $0xffff;
	v13 =	vmul.f32 v13, v17  }
0x159: {  	v14 =	vshra.s32 v6, $0x10;
	[tilespmem:v0+s29+$0x0] =	vst.idx.add.f32.msk $0xffff, v23  }
0x15a: {  	v18 =	vshra.s32 v9, $0x10;
	[tilespmem:v0+s10+$0x0] =	vst.idx.add.f32.msk $0xffff, v13  }
0x15b: {  	v8 =	vand.u32 $0xFFFF, v8;
	v5 =	vld.idx.msk [tilespmem:v5+s11+$0x0], $0xffff  }
0x15c: {  	v32 =	vand.u32 $0xFFFF, v1;
	v19 =	vld.idx.msk [tilespmem:v10+s4+$0x0], $0xffff  }
0x15d: {  	v3 =	vand.u32 $0xFFFF, v3;
	v21 =	vld.idx.msk [tilespmem:v12+s4+$0x0], $0xffff;
	v28 =	vunpack.i.l.bf16.f32 v24  }
0x15e: {  	v22 =	vld.idx.msk [tilespmem:v14+s4+$0x0], $0xffff;
	v57 =	vunpack.i.l.bf16.f32 v15;
	v28 =	vmul.f32 v28, v55  }
0x15f: {  	v59 =	vand.u32 $0xFFFF, v4;
	v25 =	vld.idx.msk [tilespmem:v18+s4+$0x0], $0xffff;
	v4 =	vunpack.i.l.bf16.f32 v20;
	v58 =	vmul.f32 v57, v56  }
0x160: {  	v4 =	vmul.f32 v4, v27;
	[tilespmem:v8+s29+$0x0] =	vst.idx.add.f32.msk $0xffff, v28;
	v31 =	vunpack.i.l.bf16.f32 v5  }
0x161: {  	[tilespmem:v32+s29+$0x0] =	vst.idx.add.f32.msk $0xffff, v58;
	v1 =	vunpack.i.u.bf16.f32 v5;
	v5 =	vmul.f32 v31, v17  }
0x162: {  	v2 =	vand.u32 $0xFFFF, v2;
	v24 =	vunpack.i.u.bf16.f32 v24;
	[tilespmem:v3+s29+$0x0] =	vst.idx.add.f32.msk $0xffff, v4;
	v1 =	vmul.f32 v1, v17  }
0x163: {  	v24 =	vmul.f32 v24, v55;
	[tilespmem:v0+s12+$0x0] =	vst.idx.add.f32.msk $0xffff, v5;
	v5 =	vunpack.i.u.bf16.f32 v15  }
0x164: {  	[tilespmem:v0+s13+$0x0] =	vst.idx.add.f32.msk $0xffff, v1;
	v0 =	vunpack.i.l.bf16.f32 v19;
	v1 =	vmul.f32 v5, v56  }
0x165: {  	[tilespmem:v8+s10+$0x0] =	vst.idx.add.f32.msk $0xffff, v24;
	v5 =	vunpack.i.u.bf16.f32 v19;
	v0 =	vmul.f32 v0, v26  }
0x166: {  	v5 =	vmul.f32 v5, v26;
	[tilespmem:v32+s10+$0x0] =	vst.idx.add.f32.msk $0xffff, v1;
	v1 =	vunpack.i.u.bf16.f32 v20  }
0x167: {  	[tilespmem:v2+s29+$0x0] =	vst.idx.add.f32.msk $0xffff, v0;
	v0 =	vand.u32 $0xFFFF, v6;
	v6 =	vunpack.i.l.bf16.f32 v21;
	v60 =	vmul.f32 v1, v27  }
0x168: {  	[tilespmem:v2+s10+$0x0] =	vst.idx.add.f32.msk $0xffff, v5;
	v5 =	vunpack.i.u.bf16.f32 v21;
	v6 =	vmul.f32 v6, v29  }
0x169: {  	v1 =	vand.u32 $0xFFFF, v9;
	v5 =	vmul.f32 v5, v29;
	[tilespmem:v3+s10+$0x0] =	vst.idx.add.f32.msk $0xffff, v60  }
0x16a: {  	v4 =	vunpack.i.l.bf16.f32 v22;
	[tilespmem:v59+s29+$0x0] =	vst.idx.add.f32.msk $0xffff, v6  }
0x16b: {  	v4 =	vmul.f32 v4, v30;
	v6 =	vunpack.i.l.bf16.f32 v25;
	[tilespmem:v59+s10+$0x0] =	vst.idx.add.f32.msk $0xffff, v5  }
0x16c: {  	v5 =	vmul.f32 v6, v33;
	v6 =	vld.idx.msk [tilespmem:v10+s11+$0x0], $0xffff  }
0x16d: {  	[tilespmem:v0+s29+$0x0] =	vst.idx.add.f32.msk $0xffff, v4;
	v4 =	vunpack.i.u.bf16.f32 v25  }
0x16e: {  	v4 =	vmul.f32 v4, v33;
	[tilespmem:v1+s29+$0x0] =	vst.idx.add.f32.msk $0xffff, v5  }
0x16f: {  	v9 =	vunpack.i.u.bf16.f32 v22;
	v5 =	vld.idx.msk [tilespmem:v16+s11+$0x0], $0xffff  }
0x170: {  	v9 =	vmul.f32 v9, v30;
	[tilespmem:v1+s10+$0x0] =	vst.idx.add.f32.msk $0xffff, v4  }
0x171: {  	v4 =	vld.idx.msk [tilespmem:v7+s11+$0x0], $0xffff  }
0x172: {  	[tilespmem:v0+s10+$0x0] =	vst.idx.add.f32.msk $0xffff, v9  }
0x173: {  	v9 =	vld.idx.msk [tilespmem:v12+s11+$0x0], $0xffff  }
0x174: {  	v7 =	vld.idx.msk [tilespmem:v11+s11+$0x0], $0xffff;
	v10 =	vunpack.i.l.bf16.f32 v5  }
0x175: {  	v11 =	vld.idx.msk [tilespmem:v14+s11+$0x0], $0xffff;
	v5 =	vunpack.i.u.bf16.f32 v5;
	v10 =	vmul.f32 v10, v55  }
0x176: {  	v61 =	vld.idx.msk [tilespmem:v18+s11+$0x0], $0xffff;
	v5 =	vmul.f32 v5, v55;
	v62 =	vunpack.i.l.bf16.f32 v4  }
0x177: {  	v4 =	vunpack.i.u.bf16.f32 v4;
	[tilespmem:v8+s12+$0x0] =	vst.idx.add.f32.msk $0xffff, v10;
	v10 =	vmul.f32 v62, v56  }
0x178: {  	v63 =	vunpack.i.l.bf16.f32 v6;
	v4 =	vmul.f32 v4, v56;
	[tilespmem:v8+s13+$0x0] =	vst.idx.add.f32.msk $0xffff, v5  }
0x179: {  	v5 =	vunpack.i.u.bf16.f32 v6;
	v6 =	vmul.f32 v63, v26;
	[tilespmem:v32+s12+$0x0] =	vst.idx.add.f32.msk $0xffff, v10  }
0x17a: {  	v8 =	vunpack.i.l.bf16.f32 v7;
	[tilespmem:v32+s13+$0x0] =	vst.idx.add.f32.msk $0xffff, v4;
	v4 =	vmul.f32 v5, v26  }
0x17b: {  	v5 =	vunpack.i.u.bf16.f32 v7;
	[tilespmem:v2+s12+$0x0] =	vst.idx.add.f32.msk $0xffff, v6;
	v6 =	vmul.f32 v8, v27  }
0x17c: {  	v7 =	vunpack.i.l.bf16.f32 v9;
	v5 =	vmul.f32 v5, v27;
	[tilespmem:v2+s13+$0x0] =	vst.idx.add.f32.msk $0xffff, v4  }
0x17d: {  	v10 =	vunpack.i.u.bf16.f32 v61;
	v7 =	vmul.f32 v7, v29;
	v2 =	vunpack.i.u.bf16.f32 v9;
	[tilespmem:v3+s12+$0x0] =	vst.idx.add.f32.msk $0xffff, v6  }
0x17e: {  	v4 =	vunpack.i.u.bf16.f32 v11;
	v6 =	vunpack.i.l.bf16.f32 v11;
	v11 =	vmul.f32 v2, v29;
	[tilespmem:v3+s13+$0x0] =	vst.idx.add.f32.msk $0xffff, v5  }
0x17f: {  	v2 =	vunpack.i.l.bf16.f32 v61;
	v9 =	vmul.f32 v6, v30;
	v8 =	vmul.f32 v4, v30;
	[tilespmem:v59+s12+$0x0] =	vst.idx.add.f32.msk $0xffff, v7  }
0x180: {  	s20 =	simm.s32 $0x16EC0;
	s19 =	simm.s32 $0x0;
	v4 =	vmul.f32 v2, v33;
	v2 =	vmul.f32 v10, v33;
	[tilespmem:v59+s13+$0x0] =	vst.idx.add.f32.msk $0xffff, v11  }
.LBB2_9:
0x181: {  	v11 =	vld [tilespmem:s20+$0x30]  }
0x182: {  	v3 =	vld [tilespmem:s20+$0xFFFFFFD0]  }
0x183: {  	s19 =	sadd.s32 $0x8, s19;
	v5 =	vld [tilespmem:s20+$0xFFFFFFE0]  }
0x184: {  	p1 =	slt.u32 s19, $0xC0;
	v12 =	vld [tilespmem:s20+$0xFFFFFFF0]  }
0x185: {  	v13 =	vld [tilespmem:s20+$0x0]  }
0x186: {  	v14 =	vld [tilespmem:s20+$0x10];
	v15 =	vshra.s32 v11, $0x10  }
0x187: {  	v7 =	vand.u32 $0xFFFF, v3;
	v10 =	vshra.s32 v3, $0x10;
	v16 =	vld [tilespmem:s20+$0x20]  }
0x188: {  	v17 =	vld [tilespmem:s20+$0xFFFFFFC0];
	v6 =	vand.u32 $0xFFFF, v5;
	v18 =	vshra.s32 v5, $0x10  }
0x189: {  	v5 =	vand.u32 $0xFFFF, v12;
	v12 =	vshra.s32 v12, $0x10;
	[tilespmem:v0+s12+$0x0] =	vst.idx.add.f32.msk $0xffff, v9  }
0x18a: {  	v3 =	vand.u32 $0xFFFF, v13;
	v13 =	vshra.s32 v13, $0x10;
	[tilespmem:v0+s13+$0x0] =	vst.idx.add.f32.msk $0xffff, v8  }
0x18b: {  	v0 =	vand.u32 $0xFFFF, v14;
	v14 =	vshra.s32 v14, $0x10;
	v19 =	vld.idx.msk [tilespmem:v15+s4+$0x0], $0xffff  }
0x18c: {  	s18 =	sadd.s32 $0x80, s18;
	v20 =	vld.idx.msk [tilespmem:v10+s4+$0x0], $0xffff;
	v9 =	vand.u32 $0xFFFF, v16;
	v16 =	vshra.s32 v16, $0x10  }
0x18d: {  	v8 =	vand.u32 $0xFFFF, v17;
	v17 =	vshra.s32 v17, $0x10;
	v21 =	vld [tilespmem:s18+$0x30]  }
0x18e: {  	v22 =	vld.idx.msk [tilespmem:v18+s4+$0x0], $0xffff  }
0x18f: {  	v11 =	vand.u32 $0xFFFF, v11;
	v23 =	vld.idx.msk [tilespmem:v12+s4+$0x0], $0xffff  }
0x190: {  	v24 =	vld.idx.msk [tilespmem:v13+s4+$0x0], $0xffff  }
0x191: {  	v26 =	vunpack.i.l.bf16.f32 v19;
	v25 =	vld.idx.msk [tilespmem:v14+s4+$0x0], $0xffff  }
0x192: {  	v19 =	vunpack.i.u.bf16.f32 v19;
	v28 =	vunpack.i.u.bf16.f32 v20;
	v27 =	vld.idx.msk [tilespmem:v17+s4+$0x0], $0xffff;
	v26 =	vmul.f32 v26, v21  }
0x193: {  	v20 =	vunpack.i.l.bf16.f32 v20;
	v19 =	vmul.f32 v19, v21;
	v29 =	vld.idx.msk [tilespmem:v16+s4+$0x0], $0xffff  }
0x194: {  	v30 =	vunpack.i.u.bf16.f32 v22;
	v22 =	vunpack.i.l.bf16.f32 v22;
	[tilespmem:v11+s29+$0x0] =	vst.idx.add.f32.msk $0xffff, v26  }
0x195: {  	v26 =	vunpack.i.u.bf16.f32 v23;
	v23 =	vunpack.i.l.bf16.f32 v23;
	[tilespmem:v11+s10+$0x0] =	vst.idx.add.f32.msk $0xffff, v19  }
0x196: {  	v19 =	vunpack.i.u.bf16.f32 v24;
	v24 =	vunpack.i.l.bf16.f32 v24;
	v15 =	vld.idx.msk [tilespmem:v15+s11+$0x0], $0xffff  }
0x197: {  	v32 =	vunpack.i.u.bf16.f32 v25;
	v25 =	vunpack.i.l.bf16.f32 v25;
	v31 =	vld [tilespmem:s18+$0xFFFFFFC0]  }
0x198: {  	v33 =	vunpack.i.u.bf16.f32 v27;
	v27 =	vunpack.i.l.bf16.f32 v27;
	v34 =	vld [tilespmem:s18+$0xFFFFFFD0]  }
0x199: {  	v36 =	vunpack.i.u.bf16.f32 v29;
	v29 =	vunpack.i.l.bf16.f32 v29;
	v35 =	vld [tilespmem:s18+$0xFFFFFFE0]  }
0x19a: {  	v37 =	vld [tilespmem:s18+$0xFFFFFFF0]  }
0x19b: {  	v38 =	vld [tilespmem:s18+$0x0]  }
0x19c: {  	v40 =	vunpack.i.l.bf16.f32 v15;
	v27 =	vmul.f32 v27, v31;
	v33 =	vmul.f32 v33, v31;
	v39 =	vld [tilespmem:s18+$0x10]  }
0x19d: {  	v15 =	vunpack.i.u.bf16.f32 v15;
	v40 =	vmul.f32 v40, v21;
	v20 =	vmul.f32 v20, v34;
	v41 =	vld [tilespmem:s18+$0x20]  }
0x19e: {  	v15 =	vmul.f32 v15, v21;
	[tilespmem:v8+s29+$0x0] =	vst.idx.add.f32.msk $0xffff, v27;
	v27 =	vmul.f32 v28, v34  }
0x19f: {  	v21 =	vmul.f32 v22, v35;
	v22 =	vmul.f32 v30, v35;
	[tilespmem:v11+s12+$0x0] =	vst.idx.add.f32.msk $0xffff, v40  }
0x1a0: {  	v23 =	vmul.f32 v23, v37;
	v26 =	vmul.f32 v26, v37;
	[tilespmem:v11+s13+$0x0] =	vst.idx.add.f32.msk $0xffff, v15  }
0x1a1: {  	v11 =	vmul.f32 v24, v38;
	v15 =	vmul.f32 v19, v38;
	[tilespmem:v8+s10+$0x0] =	vst.idx.add.f32.msk $0xffff, v33  }
0x1a2: {  	v19 =	vmul.f32 v25, v39;
	[tilespmem:v7+s29+$0x0] =	vst.idx.add.f32.msk $0xffff, v20;
	v20 =	vmul.f32 v32, v39  }
0x1a3: {  	v24 =	vmul.f32 v29, v41;
	v25 =	vmul.f32 v36, v41;
	[tilespmem:v7+s10+$0x0] =	vst.idx.add.f32.msk $0xffff, v27  }
0x1a4: {  	[tilespmem:v6+s29+$0x0] =	vst.idx.add.f32.msk $0xffff, v21  }
0x1a5: {  	[tilespmem:v6+s10+$0x0] =	vst.idx.add.f32.msk $0xffff, v22  }
0x1a6: {  	[tilespmem:v5+s29+$0x0] =	vst.idx.add.f32.msk $0xffff, v23  }
0x1a7: {  	[tilespmem:v5+s10+$0x0] =	vst.idx.add.f32.msk $0xffff, v26  }
0x1a8: {  	[tilespmem:v3+s29+$0x0] =	vst.idx.add.f32.msk $0xffff, v11  }
0x1a9: {  	[tilespmem:v3+s10+$0x0] =	vst.idx.add.f32.msk $0xffff, v15  }
0x1aa: {  	[tilespmem:v0+s29+$0x0] =	vst.idx.add.f32.msk $0xffff, v19  }
0x1ab: {  	[tilespmem:v0+s10+$0x0] =	vst.idx.add.f32.msk $0xffff, v20  }
0x1ac: {  	[tilespmem:v9+s29+$0x0] =	vst.idx.add.f32.msk $0xffff, v24  }
0x1ad: {  	[tilespmem:v9+s10+$0x0] =	vst.idx.add.f32.msk $0xffff, v25  }
0x1ae: {  	v11 =	vld.idx.msk [tilespmem:v17+s11+$0x0], $0xffff  }
0x1af: {  	v10 =	vld.idx.msk [tilespmem:v10+s11+$0x0], $0xffff  }
0x1b0: {  	v15 =	vld.idx.msk [tilespmem:v18+s11+$0x0], $0xffff  }
0x1b1: {  	v12 =	vld.idx.msk [tilespmem:v12+s11+$0x0], $0xffff  }
0x1b2: {  	v13 =	vld.idx.msk [tilespmem:v13+s11+$0x0], $0xffff  }
0x1b3: {  	v14 =	vld.idx.msk [tilespmem:v14+s11+$0x0], $0xffff  }
0x1b4: {  	v17 =	vunpack.i.u.bf16.f32 v11;
	v11 =	vunpack.i.l.bf16.f32 v11;
	v16 =	vld.idx.msk [tilespmem:v16+s11+$0x0], $0xffff  }
0x1b5: {  	v11 =	vmul.f32 v11, v31;
	v18 =	vunpack.i.u.bf16.f32 v10;
	v10 =	vunpack.i.l.bf16.f32 v10;
	[tilespmem:v1+s12+$0x0] =	vst.idx.add.f32.msk $0xffff, v4  }
0x1b6: {  	v4 =	vmul.f32 v17, v31;
	v17 =	vunpack.i.u.bf16.f32 v15;
	v15 =	vunpack.i.l.bf16.f32 v15;
	[tilespmem:v1+s13+$0x0] =	vst.idx.add.f32.msk $0xffff, v2;
	v1 =	vmovc v9  }
0x1b7: {  	v2 =	vmul.f32 v10, v34;
	v9 =	vunpack.i.u.bf16.f32 v12;
	v10 =	vunpack.i.l.bf16.f32 v12;
	[tilespmem:v8+s12+$0x0] =	vst.idx.add.f32.msk $0xffff, v11  }
0x1b8: {  	v11 =	vunpack.i.l.bf16.f32 v13;
	[tilespmem:v8+s13+$0x0] =	vst.idx.add.f32.msk $0xffff, v4;
	v4 =	vmul.f32 v18, v34;
	v8 =	vunpack.i.u.bf16.f32 v13  }
0x1b9: {  	v12 =	vunpack.i.u.bf16.f32 v14;
	v13 =	vunpack.i.l.bf16.f32 v14;
	[tilespmem:v7+s12+$0x0] =	vst.idx.add.f32.msk $0xffff, v2;
	v2 =	vmul.f32 v15, v35  }
0x1ba: {  	v14 =	vunpack.i.l.bf16.f32 v16;
	[tilespmem:v7+s13+$0x0] =	vst.idx.add.f32.msk $0xffff, v4;
	v4 =	vmul.f32 v17, v35;
	v7 =	vunpack.i.u.bf16.f32 v16  }
0x1bb: {  	[tilespmem:v6+s12+$0x0] =	vst.idx.add.f32.msk $0xffff, v2;
	v2 =	vmul.f32 v10, v37;
	v10 =	vmul.f32 v9, v37  }
.Ltmp3:
0x1bc: {  	[tilespmem:v6+s13+$0x0] =	vst.idx.add.f32.msk $0xffff, v4;
	v6 =	vmul.f32 v11, v38;
	v11 =	vmul.f32 v8, v38;
	(pc) =	sbr.rel @p1 .LBB2_9-.Ltmp3, $4  }
0x1bd: {  	v9 =	vmul.f32 v13, v39;
	v8 =	vmul.f32 v12, v39;
	[tilespmem:v5+s12+$0x0] =	vst.idx.add.f32.msk $0xffff, v2  }
0x1be: {  	v4 =	vmul.f32 v14, v41;
	v2 =	vmul.f32 v7, v41;
	[tilespmem:v5+s13+$0x0] =	vst.idx.add.f32.msk $0xffff, v10  }
0x1bf: {  	[tilespmem:v3+s12+$0x0] =	vst.idx.add.f32.msk $0xffff, v6  }
0x1c0: {  	s20 =	sadd.s32 $0x80, s20;
	[tilespmem:v3+s13+$0x0] =	vst.idx.add.f32.msk $0xffff, v11  }
0x1c1: {  	_ = 	snop  }
0x1c2: {  	s17 =	sadd.s32 $0x1, s17  }
0x1c3: {  	p1 =	sne.s32 s17, $0x32  }
.Ltmp4:
0x1c4: {  	_ = 	snop;
	(pc) =	sbr.rel @p1 .LBB2_6-.Ltmp4, $4  }
0x1c5: {  	[tilespmem:v0+s12+$0x0] =	vst.idx.add.f32.msk $0xffff, v9  }
0x1c6: {  	[tilespmem:v1+s12+$0x0] =	vst.idx.add.f32.msk $0xffff, v4  }
0x1c7: {  	[tilespmem:v0+s13+$0x0] =	vst.idx.add.f32.msk $0xffff, v8  }
0x1c8: {  	[tilespmem:v1+s13+$0x0] =	vst.idx.add.f32.msk $0xffff, v2  }
0x1c9: {  	_ =	swait.ge [sflag:s2], $0xC80  }
0x1ca: {  	[sflag:s2] =	ssyncset.done $0x0  }
0x1cb: {  	[sflag:s2] =	ssyncadd.s32 $0xFFFFF380  }
0x1cc: {  	_ =	swait.ge [sflag:s5], $0xC80  }
0x1cd: {  	[sflag:s5] =	ssyncset.done $0x0  }
0x1ce: {  	s17 =	simm.s32 $0x0;
	s18 =	rddreg [dreg:$0x8];
	[sflag:s5] =	ssyncadd.s32 $0xFFFFF380  }
0x1cf: {  	[hbm4b:s18+s17] =	stream.linear.scatter [tilespmem:s29], [sflag:$0x5], $0x9C40, $0x38;
	[tilespmem:$0x1E1A0] =	vst v63  }
0x1d0: {  	_ =	swait.ge [sflag:s25], $0x9C40  }
0x1d1: {  	[sflag:s25] =	ssyncset.done $0x0  }
0x1d2: {  	[sflag:s25] =	ssyncadd.s32 $0xFFFF63C0  }
0x1d3: {  	[bflag:$0x0] =	sbarrier.arrive $0xFFFF  }
0x1d4: {  	s19 =	rddreg [dreg:$0x9]  }
0x1d5: {  	[tilespmem:s17], [sflag:$0x5] =	stream.linear.gather [hbm4b:s19+s17], $0x4E20, $0x38;
	[tilespmem:$0x1E1A0] =	vst v63  }
0x1d6: {  	_ =	swait.ge [sflag:s25], $0x4E20  }
0x1d7: {  	[sflag:s25] =	ssyncset.done $0x0  }
0x1d8: {  	s20 =	rddreg [dreg:$0xa];
	[sflag:s25] =	ssyncadd.s32 $0xFFFFB1E0  }
0x1d9: {  	[tilespmem:s26], [sflag:$0x5] =	stream.linear.gather [hbm4b:s20+s17], $0x2710, $0x38;
	[tilespmem:$0x1E1A0] =	vst v63  }
0x1da: {  	_ =	swait.ge [sflag:s25], $0x2710  }
0x1db: {  	[sflag:s25] =	ssyncset.done $0x0  }
0x1dc: {  	s21 =	rddreg [dreg:$0xb];
	[sflag:s25] =	ssyncadd.s32 $0xFFFFD8F0  }
0x1dd: {  	[tilespmem:s28], [sflag:$0x5] =	stream.linear.gather [hbm4b:s21+s17], $0x2710, $0x38;
	[tilespmem:$0x1E1A0] =	vst v63  }
0x1de: {  	_ =	swait.ge [sflag:s25], $0x2710  }
0x1df: {  	[sflag:s25] =	ssyncset.done $0x0  }
0x1e0: {  	[sflag:s25] =	ssyncadd.s32 $0xFFFFD8F0  }
0x1e1: {  	[tilespmem:s29], [sflag:$0x5] =	stream.linear.gather [hbm4b:s7+s17], $0x9C80, $0x38;
	[tilespmem:$0x1E1A0] =	vst v63  }
0x1e2: {  	_ =	swait.ge [sflag:s25], $0x9C80  }
0x1e3: {  	[sflag:s25] =	ssyncset.done $0x0  }
0x1e4: {  	[sflag:s25] =	ssyncadd.s32 $0xFFFF6380  }
0x1e5: {  	[tilespmem:s30], [sflag:$0x5] =	stream.linear.gather [hbm4b:s7+s17], $0x2710, $0x38;
	[tilespmem:$0x1E1A0] =	vst v63  }
0x1e6: {  	_ =	swait.ge [sflag:s25], $0x2710  }
0x1e7: {  	[sflag:s25] =	ssyncset.done $0x0  }
0x1e8: {  	[sflag:s25] =	ssyncadd.s32 $0xFFFFD8F0  }
.LBB2_12:
0x1e9: {  	s18 =	smul.u32 $0x7D0, s17;
	_ =	sdelay $0x1  }
0x1ea: {  	s18 =	sadd.s32 s8, s18  }
0x1eb: {  	s19 =	sshrl.u32 s18, $0x3  }
0x1ec: {  	s19 =	sadd.s32 s1, s19  }
0x1ed: {  	s19 =	sadd.s32 $0x9C40, s19  }
0x1ee: {  	[tilespmem:s31], [sflag:$0x5] =	stream.linear.gather [hbm4b:s19+s4], $0x7D0, $0x38;
	[tilespmem:$0x1E1A0] =	vst v63  }
0x1ef: {  	_ =	swait.ge [sflag:s25], $0x7D0  }
0x1f0: {  	[sflag:s25] =	ssyncset.done $0x0  }
0x1f1: {  	s20 =	simm.s32 $0x161A0;
	[sflag:s25] =	ssyncadd.s32 $0xFFFFF830  }
0x1f2: {  	v0 =	vld [tilespmem:s20+$0x20];
	_ =	sdelay $0x1  }
0x1f3: {  	v1 =	vld [tilespmem:s20+$0xFFFFFFF0];
	_ =	sdelay $0x1  }
0x1f4: {  	v2 =	vld [tilespmem:s20+$0xFFFFFFE0]  }
0x1f5: {  	v5 =	vand.u32 $0xFFFF, v0  }
0x1f6: {  	v0 =	vshra.s32 v0, $0x10  }
0x1f7: {  	v3 =	vld [tilespmem:s20+$0x0];
	v7 =	vand.u32 $0xFFFF, v1  }
0x1f8: {  	v1 =	vshra.s32 v1, $0x10  }
0x1f9: {  	v6 =	vld [tilespmem:s20+$0x10];
	v8 =	vand.u32 $0xFFFF, v2  }
0x1fa: {  	v2 =	vshra.s32 v2, $0x10;
	v4 =	vld.idx.msk [tilespmem:v5+s26+$0x0], $0xffff  }
0x1fb: {  	v0 =	vld.idx.msk [tilespmem:v0+s28+$0x0], $0xffff  }
0x1fc: {  	v9 =	vand.u32 $0xFFFF, v3;
	v3 =	vshra.s32 v3, $0x10;
	v10 =	vld.idx.msk [tilespmem:v7+s26+$0x0], $0xffff  }
0x1fd: {  	v1 =	vld.idx.msk [tilespmem:v1+s28+$0x0], $0xffff  }
0x1fe: {  	v11 =	vld.idx.msk [tilespmem:v8+s26+$0x0], $0xffff  }
0x1ff: {  	s21 =	simm.s32 $0x161F0;
	v2 =	vld.idx.msk [tilespmem:v2+s28+$0x0], $0xffff  }
0x200: {  	v13 =	vld [tilespmem:s21+$0x20];
	v0 =	vadd.f32 v0, v4  }
0x201: {  	v3 =	vld.idx.msk [tilespmem:v3+s28+$0x0], $0xffff  }
0x202: {  	v4 =	vld.idx.msk [tilespmem:v9+s26+$0x0], $0xffff;
	v10 =	vadd.f32 v1, v10;
	v12 =	vmul.f32 $2.000000030e-01, v0  }
0x203: {  	v14 =	vld [tilespmem:s21+$0xFFFFFFF0]  }
0x204: {  	v2 =	vadd.f32 v2, v11;
	v11 =	vmul.f32 $2.000000030e-01, v10;
	v12 =	vmax.f32 v0, v12  }
0x205: {  	v0 =	vand.u32 $0xFFFF, v6;
	v12 =	vsub.f32 $0.0e+00, v12  }
0x206: {  	v15 =	vld [tilespmem:s21+$0xFFFFFFE0];
	v6 =	vshra.s32 v6, $0x10;
	v10 =	vmax.f32 v10, v11  }
0x207: {  	v4 =	vadd.f32 v3, v4;
	v1 =	vmul.f32 $1.442695020e+00, v12;
	v12 =	vand.u32 $0xFFFF, v13  }
0x208: {  	v11 =	vshra.s32 v14, $0x10;
	v3 =	vmul.f32 $2.000000030e-01, v2;
	v13 =	vshra.s32 v13, $0x10  }
0x209: {  	v16 =	vld [tilespmem:s21+$0x0];
	(erf) = vpow2.f32 v1;
	v1 =	vand.u32 $0xFFFF, v14;
	v14 =	vmul.f32 $2.000000030e-01, v4  }
0x20a: {  	v10 =	vsub.f32 $0.0e+00, v10;
	v17 =	vld.idx.msk [tilespmem:v0+s26+$0x0], $0xffff  }
0x20b: {  	v2 =	vmax.f32 v2, v3;
	v3 =	vand.u32 $0xFFFF, v15;
	v6 =	vld.idx.msk [tilespmem:v6+s28+$0x0], $0xffff;
	v14 =	vmax.f32 v4, v14  }
0x20c: {  	v15 =	vshra.s32 v15, $0x10;
	v10 =	vmul.f32 $1.442695020e+00, v10;
	v19 =	vld.idx.msk [tilespmem:v12+s26+$0x0], $0xffff;
	v14 =	vsub.f32 $0.0e+00, v14  }
0x20d: {  	v2 =	vsub.f32 $0.0e+00, v2;
	v13 =	vld.idx.msk [tilespmem:v13+s28+$0x0], $0xffff  }
0x20e: {  	(erf) = vpow2.f32 v10;
	v10 =	vld.idx.msk [tilespmem:v11+s28+$0x0], $0xffff;
	v11 =	vmul.f32 $1.442695020e+00, v14  }
0x20f: {  	v2 =	vmul.f32 $1.442695020e+00, v2  }
0x210: {  	v18 =	vld [tilespmem:s21+$0x10];
	v4 =	vand.u32 $0xFFFF, v16  }
0x211: {  	v16 =	vshra.s32 v16, $0x10;
	(erf) = vpow2.f32 v2;
	v15 =	vld.idx.msk [tilespmem:v15+s28+$0x0], $0xffff;
	v6 =	vadd.f32 v6, v17  }
0x212: {  	s21 =	simm.s32 $0x17AA0;
	v20 =	vld.idx.msk [tilespmem:v1+s26+$0x0], $0xffff;
	(erf) = vpow2.f32 v11;
	v13 =	vadd.f32 v13, v19;
	v11 =	vpop (erf)  }
0x213: {  	v14 =	vld.idx.msk [tilespmem:v3+s26+$0x0], $0xffff;
	v19 =	vmul.f32 $2.000000030e-01, v6;
	[tilespmem:s21+$0x20] =	vst v11  }
0x214: {  	[tilespmem:v5+s30+$0x0] =	vst.idx.add.f32.msk $0xffff, v11;
	v5 =	vmul.f32 $2.000000030e-01, v13  }
0x215: {  	v2 =	vand.u32 $0xFFFF, v18;
	v17 =	vld.idx.msk [tilespmem:v4+s26+$0x0], $0xffff;
	v6 =	vmax.f32 v6, v19  }
0x216: {  	s20 =	simm.s32 $0x16240;
	v18 =	vshra.s32 v18, $0x10;
	v11 =	vld.idx.msk [tilespmem:v16+s28+$0x0], $0xffff;
	v6 =	vsub.f32 $0.0e+00, v6;
	v5 =	vmax.f32 v13, v5  }
0x217: {  	v16 =	vld [tilespmem:s20+$0x20];
	v5 =	vsub.f32 $0.0e+00, v5  }
0x218: {  	v13 =	vld [tilespmem:s20+$0xFFFFFFF0];
	v6 =	vmul.f32 $1.442695020e+00, v6  }
0x219: {  	v22 =	vld [tilespmem:s20+$0x0];
	v21 =	vpop (erf);
	v5 =	vmul.f32 $1.442695020e+00, v5  }
0x21a: {  	v24 =	vld [tilespmem:s20+$0xFFFFFFE0];
	v10 =	vadd.f32 v10, v20;
	v23 =	vpop (erf);
	(erf) = vpow2.f32 v6  }
0x21b: {  	v18 =	vld.idx.msk [tilespmem:v18+s28+$0x0], $0xffff;
	[tilespmem:s21+$0xFFFFFFE0] =	vst v23;
	(erf) = vpow2.f32 v5  }
0x21c: {  	[tilespmem:v8+s30+$0x0] =	vst.idx.add.f32.msk $0xffff, v23;
	v8 =	vadd.f32 v15, v14;
	v14 =	vmul.f32 $2.000000030e-01, v10;
	v6 =	vand.u32 $0xFFFF, v16  }
0x21d: {  	v19 =	vld.idx.msk [tilespmem:v2+s26+$0x0], $0xffff;
	[tilespmem:s21+$0xFFFFFFF0] =	vst v21;
	v11 =	vadd.f32 v11, v17;
	v5 =	vand.u32 $0xFFFF, v13;
	v13 =	vshra.s32 v13, $0x10  }
0x21e: {  	[tilespmem:v7+s30+$0x0] =	vst.idx.add.f32.msk $0xffff, v21;
	v26 =	vpop (erf);
	v16 =	vshra.s32 v16, $0x10;
	v15 =	vmul.f32 $2.000000030e-01, v8  }
0x21f: {  	v25 =	vld [tilespmem:s20+$0x10];
	v7 =	vmax.f32 v10, v14;
	v17 =	vshra.s32 v24, $0x10;
	[tilespmem:s21+$0x0] =	vst v26;
	v10 =	vmul.f32 $2.000000030e-01, v11  }
0x220: {  	v14 =	vsub.f32 $0.0e+00, v7;
	[tilespmem:v9+s30+$0x0] =	vst.idx.add.f32.msk $0xffff, v26  }
0x221: {  	v9 =	vand.u32 $0xFFFF, v24;
	v15 =	vmax.f32 v8, v15;
	v20 =	vld.idx.msk [tilespmem:v6+s26+$0x0], $0xffff  }
0x222: {  	v15 =	vsub.f32 $0.0e+00, v15;
	v11 =	vmax.f32 v11, v10;
	v23 =	vld.idx.msk [tilespmem:v13+s28+$0x0], $0xffff;
	v13 =	vmul.f32 $1.442695020e+00, v14  }
0x223: {  	v21 =	vshra.s32 v22, $0x10;
	v18 =	vadd.f32 v18, v19;
	v16 =	vld.idx.msk [tilespmem:v16+s28+$0x0], $0xffff;
	v11 =	vsub.f32 $0.0e+00, v11;
	v10 =	vpop (erf)  }
0x224: {  	v7 =	vand.u32 $0xFFFF, v22;
	v62 =	vmul.f32 $1.442695020e+00, v15;
	v15 =	vld.idx.msk [tilespmem:v17+s28+$0x0], $0xffff;
	v17 =	vpop (erf);
	(erf) = vpow2.f32 v13  }
0x225: {  	v19 =	vmul.f32 $2.000000030e-01, v18;
	v63 =	vmul.f32 $1.442695020e+00, v11  }
0x226: {  	v8 =	vand.u32 $0xFFFF, v25;
	v22 =	vld.idx.msk [tilespmem:v5+s26+$0x0], $0xffff;
	(erf) = vpow2.f32 v62  }
0x227: {  	v14 =	vld.idx.msk [tilespmem:v9+s26+$0x0], $0xffff;
	v11 =	vmax.f32 v18, v19;
	(erf) = vpow2.f32 v63  }
0x228: {  	s19 =	simm.s32 $0x17AF0;
	v19 =	vsub.f32 $0.0e+00, v11;
	v18 =	vadd.f32 v16, v20;
	v16 =	vld.idx.msk [tilespmem:v21+s28+$0x0], $0xffff  }
0x229: {  	v13 =	vld.idx.msk [tilespmem:v7+s26+$0x0], $0xffff;
	[tilespmem:s19+$0x20] =	vst v17  }
0x22a: {  	v19 =	vmul.f32 $1.442695020e+00, v19;
	[tilespmem:v12+s30+$0x0] =	vst.idx.add.f32.msk $0xffff, v17  }
0x22b: {  	s20 =	simm.s32 $0xA;
	v11 =	vshra.s32 v25, $0x10;
	[tilespmem:s21+$0x10] =	vst v10;
	s21 =	simm.s32 $0x16290;
	v20 =	vmul.f32 $2.000000030e-01, v18;
	v17 =	vadd.f32 v23, v22;
	v12 =	vld.idx.msk [tilespmem:v8+s26+$0x0], $0xffff  }
.LBB2_13:
0x22c: {  	v21 =	vld [tilespmem:s21+$0x20];
	(erf) = vpow2.f32 v19  }
0x22d: {  	v14 =	vadd.f32 v15, v14;
	v19 =	vld [tilespmem:s21+$0xFFFFFFF0];
	v15 =	vmul.f32 $2.000000030e-01, v17;
	v18 =	vmax.f32 v18, v20;
	v20 =	vpop (erf)  }
0x22e: {  	s20 =	sadd.s32 $0x5, s20;
	v22 =	vld [tilespmem:s21+$0x0];
	v26 =	vsub.f32 $0.0e+00, v18;
	[tilespmem:s19+$0xFFFFFFF0] =	vst v20  }
0x22f: {  	p1 =	slt.u32 s20, $0x78;
	v24 =	vmul.f32 $2.000000030e-01, v14;
	v23 =	vld [tilespmem:s21+$0x10];
	v15 =	vmax.f32 v17, v15;
	v17 =	vpop (erf)  }
0x230: {  	v13 =	vadd.f32 v16, v13;
	v25 =	vld [tilespmem:s21+$0xFFFFFFE0];
	v15 =	vsub.f32 $0.0e+00, v15;
	v16 =	vmul.f32 $1.442695020e+00, v26;
	[tilespmem:s19+$0xFFFFFFE0] =	vst v17;
	v18 =	vpop (erf)  }
0x231: {  	v14 =	vmax.f32 v14, v24;
	v26 =	vand.u32 $0xFFFF, v21;
	v24 =	vld.idx.msk [tilespmem:v11+s28+$0x0], $0xffff;
	[tilespmem:s19+$0x0] =	vst v18  }
0x232: {  	v21 =	vshra.s32 v21, $0x10;
	v27 =	vshra.s32 v19, $0x10;
	(erf) = vpow2.f32 v16;
	[tilespmem:v3+s30+$0x0] =	vst.idx.add.f32.msk $0xffff, v17;
	v3 =	vmovc v9  }
0x233: {  	v16 =	vshra.s32 v22, $0x10;
	v9 =	vand.u32 $0xFFFF, v22;
	[tilespmem:v1+s30+$0x0] =	vst.idx.add.f32.msk $0xffff, v20;
	v1 =	vmovc v5;
	v5 =	vand.u32 $0xFFFF, v19  }
0x234: {  	v19 =	vmul.f32 $2.000000030e-01, v13;
	v11 =	vshra.s32 v23, $0x10;
	v17 =	vand.u32 $0xFFFF, v23;
	[tilespmem:v4+s30+$0x0] =	vst.idx.add.f32.msk $0xffff, v18;
	v4 =	vmovc v7;
	v7 =	vmovc v9  }
0x235: {  	v14 =	vsub.f32 $0.0e+00, v14;
	v18 =	vshra.s32 v25, $0x10;
	v9 =	vand.u32 $0xFFFF, v25;
	[tilespmem:v0+s30+$0x0] =	vst.idx.add.f32.msk $0xffff, v10;
	v10 =	vpop (erf)  }
0x236: {  	v15 =	vmul.f32 $1.442695020e+00, v15;
	v13 =	vmax.f32 v13, v19;
	v0 =	vmovc v2;
	v2 =	vmov v8;
	v20 =	vld.idx.msk [tilespmem:v26+s26+$0x0], $0xffff;
	[tilespmem:s19+$0x10] =	vst v10  }
0x237: {  	v8 =	vmovc v17;
	v13 =	vsub.f32 $0.0e+00, v13;
	v12 =	vadd.f32 v24, v12;
	v19 =	vld.idx.msk [tilespmem:v21+s28+$0x0], $0xffff;
	v21 =	vmul.f32 $1.442695020e+00, v14  }
0x238: {  	v17 =	vld.idx.msk [tilespmem:v5+s26+$0x0], $0xffff;
	(erf) = vpow2.f32 v15  }
0x239: {  	v13 =	vmul.f32 $1.442695020e+00, v13;
	v23 =	vmul.f32 $2.000000030e-01, v12;
	v22 =	vld.idx.msk [tilespmem:v27+s28+$0x0], $0xffff  }
0x23a: {  	v14 =	vld.idx.msk [tilespmem:v9+s26+$0x0], $0xffff;
	(erf) = vpow2.f32 v21  }
.Ltmp5:
0x23b: {  	s19 =	sadd.s32 $0x50, s19;
	v12 =	vmax.f32 v12, v23;
	v15 =	vld.idx.msk [tilespmem:v18+s28+$0x0], $0xffff;
	(erf) = vpow2.f32 v13;
	v21 =	vpop (erf);
	(pc) =	sbr.rel @p1 .LBB2_13-.Ltmp5, $4  }
0x23c: {  	v12 =	vsub.f32 $0.0e+00, v12;
	v13 =	vld.idx.msk [tilespmem:v7+s26+$0x0], $0xffff;
	[tilespmem:s19+$0x20] =	vst v21  }
0x23d: {  	v18 =	vadd.f32 v19, v20;
	[tilespmem:v6+s30+$0x0] =	vst.idx.add.f32.msk $0xffff, v21;
	v6 =	vmov v26  }
0x23e: {  	v19 =	vmul.f32 $1.442695020e+00, v12;
	v16 =	vld.idx.msk [tilespmem:v16+s28+$0x0], $0xffff  }
0x23f: {  	s21 =	sadd.s32 $0x50, s21;
	v17 =	vadd.f32 v22, v17;
	v20 =	vmul.f32 $2.000000030e-01, v18;
	v12 =	vld.idx.msk [tilespmem:v8+s26+$0x0], $0xffff  }
0x240: {  	_ =	sdelay $0x3  }
0x241: {  	v14 =	vadd.f32 v15, v14;
	v11 =	vld.idx.msk [tilespmem:v11+s28+$0x0], $0xffff  }
0x242: {  	v48 =	vmul.f32 $2.000000030e-01, v17;
	v18 =	vmax.f32 v18, v20  }
0x243: {  	v49 =	vsub.f32 $0.0e+00, v18;
	v50 =	vmul.f32 $2.000000030e-01, v14  }
0x244: {  	(erf) = vpow2.f32 v19;
	v13 =	vadd.f32 v16, v13;
	v15 =	vmax.f32 v17, v48  }
0x245: {  	v15 =	vsub.f32 $0.0e+00, v15;
	v16 =	vmul.f32 $1.442695020e+00, v49;
	v14 =	vmax.f32 v14, v50  }
0x246: {  	v51 =	vmul.f32 $2.000000030e-01, v13;
	v14 =	vsub.f32 $0.0e+00, v14;
	v11 =	vadd.f32 v11, v12  }
0x247: {  	v15 =	vmul.f32 $1.442695020e+00, v15;
	(erf) = vpow2.f32 v16  }
0x248: {  	[tilespmem:v0+s30+$0x0] =	vst.idx.add.f32.msk $0xffff, v10;
	v52 =	vpop (erf);
	v13 =	vmax.f32 v13, v51;
	v14 =	vmul.f32 $1.442695020e+00, v14;
	v54 =	vmul.f32 $2.000000030e-01, v11  }
0x249: {  	[tilespmem:s19+$0xFFFFFFF0] =	vst v52;
	v53 =	vpop (erf);
	v13 =	vsub.f32 $0.0e+00, v13;
	(erf) = vpow2.f32 v15  }
0x24a: {  	[tilespmem:v1+s30+$0x0] =	vst.idx.add.f32.msk $0xffff, v52;
	v55 =	vpop (erf);
	(erf) = vpow2.f32 v14;
	v11 =	vmax.f32 v11, v54  }
0x24b: {  	[tilespmem:s19+$0xFFFFFFE0] =	vst v53;
	v13 =	vmul.f32 $1.442695020e+00, v13;
	v56 =	vsub.f32 $0.0e+00, v11  }
0x24c: {  	[tilespmem:s19+$0x0] =	vst v55  }
0x24d: {  	[tilespmem:v3+s30+$0x0] =	vst.idx.add.f32.msk $0xffff, v53;
	(erf) = vpow2.f32 v13;
	v57 =	vmul.f32 $1.442695020e+00, v56  }
0x24e: {  	[tilespmem:v4+s30+$0x0] =	vst.idx.add.f32.msk $0xffff, v55;
	v58 =	vpop (erf)  }
0x24f: {  	[tilespmem:s19+$0x10] =	vst v58;
	(erf) = vpow2.f32 v57  }
0x250: {  	s21 =	sadd.s32 $0x50, s19;
	[tilespmem:v2+s30+$0x0] =	vst.idx.add.f32.msk $0xffff, v58;
	v59 =	vpop (erf)  }
0x251: {  	[tilespmem:s21+$0x20] =	vst v59  }
0x252: {  	[tilespmem:v6+s30+$0x0] =	vst.idx.add.f32.msk $0xffff, v59;
	v60 =	vpop (erf)  }
0x253: {  	[tilespmem:s21+$0xFFFFFFF0] =	vst v60;
	v61 =	vpop (erf)  }
0x254: {  	[tilespmem:s21+$0xFFFFFFE0] =	vst v61  }
0x255: {  	[tilespmem:v5+s30+$0x0] =	vst.idx.add.f32.msk $0xffff, v60  }
0x256: {  	[tilespmem:v9+s30+$0x0] =	vst.idx.add.f32.msk $0xffff, v61;
	v62 =	vpop (erf)  }
0x257: {  	[tilespmem:s21+$0x0] =	vst v62  }
0x258: {  	s17 =	sadd.s32 $0x1, s17;
	[tilespmem:v7+s30+$0x0] =	vst.idx.add.f32.msk $0xffff, v62;
	v63 =	vpop (erf)  }
0x259: {  	p1 =	sne.s32 s17, $0xA;
	[tilespmem:s21+$0x10] =	vst v63  }
.Ltmp6:
0x25a: {  	s18 =	sadd.s32 s18, s3;
	[tilespmem:v8+s30+$0x0] =	vst.idx.add.f32.msk $0xffff, v63;
	(pc) =	sbr.rel @p1 .LBB2_12-.Ltmp6, $4  }
0x25b: {  	[spmem:s18] =	stream.linear.scatter [tilespmem:s0], [sflag:$0x5], $0x7D0, $0x38;
	[tilespmem:$0x1E1A0] =	vst v63  }
0x25c: {  	_ =	swait.ge [sflag:s25], $0x7D0  }
0x25d: {  	[sflag:s25] =	ssyncset.done $0x0  }
0x25e: {  	[sflag:s25] =	ssyncadd.s32 $0xFFFFF830  }
0x25f: {  	s17 =	simm.s32 @!p0 $0x0;
	s18 =	simm.s32 @!p0 $0x13A00;
	s19 =	rddreg [dreg:$0xc]  }
0x260: {  	[hbm4b:s19+s17] =	stream.linear.scatter @!p0 [tilespmem:s18], [sflag:$0x5], $0x2710, $0x38;
	[tilespmem:$0x1E1A0] =	vst v63  }
0x261: {  	s17 =	simm.s32 @!p0 $0x5  }
0x262: {  	_ =	swait.ge @!p0 [sflag:s17], $0x2710  }
0x263: {  	[sflag:s17] =	ssyncset.done @!p0 $0x0  }
0x264: {  	[sflag:s17] =	ssyncadd.s32 @!p0 $0xFFFFD8F0  }
0x265: {  	[bflag:$0x0] =	sbarrier.arrive $0xFFFF  }
0x266: {  	s17 =	simm.s32 $0x0;
	s21 =	rddreg [dreg:$0xd]  }
0x267: {  	[tilespmem:s31], [sflag:$0x1] =	stream.linear.gather [hbm4b:s21+s17], $0xC80, $0x38;
	[tilespmem:$0x1E1A0] =	vst v63  }
0x268: {  	_ = 	snop  }
0x269: {  	[tilespmem:s0], [sflag:$0x3] =	stream.linear.gather [spmem:s3], $0xC80, $0x38;
	[tilespmem:$0x1E1A0] =	vst v63  }
.LBB2_16:
0x26a: {  	_ =	swait.ge [sflag:s2], $0xC80  }
0x26b: {  	s18 =	smul.u32 $0x1900, s17;
	[sflag:s2] =	ssyncset.done $0x0  }
0x26c: {  	[sflag:s2] =	ssyncadd.s32 $0xFFFFF380  }
0x26d: {  	s19 =	sshrl.u32 s18, $0x3;
	_ =	swait.ge [sflag:s5], $0xC80  }
0x26e: {  	s19 =	sadd.s32 s1, s19;
	[sflag:s5] =	ssyncset.done $0x0  }
0x26f: {  	s18 =	sadd.s32 s18, s3;
	s19 =	sadd.s32 $0x9DD0, s19;
	[sflag:s5] =	ssyncadd.s32 $0xFFFFF380  }
0x270: {  	[tilespmem:s6], [sflag:$0x2] =	stream.linear.gather [hbm4b:s19+s4], $0xC80, $0x38;
	[tilespmem:$0x1E1A0] =	vst v63  }
0x271: {  	s21 =	simm.s32 $0x161C0;
	s18 =	sadd.s32 $0xC80, s18  }
0x272: {  	[tilespmem:s9], [sflag:$0x4] =	stream.linear.gather [spmem:s18], $0xC80, $0x38;
	[tilespmem:$0x1E1A0] =	vst v63  }
0x273: {  	v0 =	vld [tilespmem:s21+$0x30]  }
0x274: {  	v1 =	vld [tilespmem:s21+$0xFFFFFFD0]  }
0x275: {  	v2 =	vld [tilespmem:s21+$0xFFFFFFE0]  }
0x276: {  	v3 =	vld [tilespmem:s21+$0xFFFFFFF0]  }
0x277: {  	v4 =	vld [tilespmem:s21+$0x0]  }
0x278: {  	v6 =	vld [tilespmem:s21+$0x10]  }
0x279: {  	v8 =	vld [tilespmem:s21+$0xFFFFFFC0]  }
0x27a: {  	s18 =	simm.s32 $0x17AC0;
	v9 =	vld [tilespmem:s21+$0x20];
	v5 =	vshra.s32 v0, $0x10  }
0x27b: {  	v17 =	vld [tilespmem:s18+$0x30]  }
0x27c: {  	v55 =	vld [tilespmem:s18+$0xFFFFFFC0]  }
0x27d: {  	v56 =	vld [tilespmem:s18+$0xFFFFFFD0]  }
0x27e: {  	v26 =	vld [tilespmem:s18+$0xFFFFFFE0]  }
0x27f: {  	v7 =	vshra.s32 v1, $0x10;
	v13 =	vld.idx.msk [tilespmem:v5+s4+$0x0], $0xffff  }
0x280: {  	v27 =	vld [tilespmem:s18+$0xFFFFFFF0];
	v11 =	vshra.s32 v3, $0x10  }
0x281: {  	v29 =	vld [tilespmem:s18+$0x0];
	v16 =	vshra.s32 v8, $0x10  }
0x282: {  	v30 =	vld [tilespmem:s18+$0x10];
	v0 =	vand.u32 $0xFFFF, v0  }
0x283: {  	v33 =	vld [tilespmem:s18+$0x20]  }
0x284: {  	v15 =	vld.idx.msk [tilespmem:v7+s4+$0x0], $0xffff;
	v23 =	vunpack.i.l.bf16.f32 v13  }
0x285: {  	v10 =	vshra.s32 v2, $0x10;
	v20 =	vld.idx.msk [tilespmem:v11+s4+$0x0], $0xffff;
	v13 =	vunpack.i.u.bf16.f32 v13;
	v23 =	vmul.f32 v23, v17  }
0x286: {  	v12 =	vshra.s32 v4, $0x10;
	v24 =	vld.idx.msk [tilespmem:v16+s4+$0x0], $0xffff;
	v13 =	vmul.f32 v13, v17  }
0x287: {  	v14 =	vshra.s32 v6, $0x10;
	[tilespmem:v0+s29+$0x0] =	vst.idx.add.f32.msk $0xffff, v23  }
0x288: {  	v18 =	vshra.s32 v9, $0x10;
	[tilespmem:v0+s10+$0x0] =	vst.idx.add.f32.msk $0xffff, v13  }
0x289: {  	v8 =	vand.u32 $0xFFFF, v8;
	v5 =	vld.idx.msk [tilespmem:v5+s11+$0x0], $0xffff  }
0x28a: {  	v32 =	vand.u32 $0xFFFF, v1;
	v19 =	vld.idx.msk [tilespmem:v10+s4+$0x0], $0xffff  }
0x28b: {  	v3 =	vand.u32 $0xFFFF, v3;
	v21 =	vld.idx.msk [tilespmem:v12+s4+$0x0], $0xffff;
	v28 =	vunpack.i.l.bf16.f32 v24  }
0x28c: {  	v22 =	vld.idx.msk [tilespmem:v14+s4+$0x0], $0xffff;
	v57 =	vunpack.i.l.bf16.f32 v15;
	v28 =	vmul.f32 v28, v55  }
0x28d: {  	v59 =	vand.u32 $0xFFFF, v4;
	v25 =	vld.idx.msk [tilespmem:v18+s4+$0x0], $0xffff;
	v4 =	vunpack.i.l.bf16.f32 v20;
	v58 =	vmul.f32 v57, v56  }
0x28e: {  	v4 =	vmul.f32 v4, v27;
	[tilespmem:v8+s29+$0x0] =	vst.idx.add.f32.msk $0xffff, v28;
	v31 =	vunpack.i.l.bf16.f32 v5  }
0x28f: {  	[tilespmem:v32+s29+$0x0] =	vst.idx.add.f32.msk $0xffff, v58;
	v1 =	vunpack.i.u.bf16.f32 v5;
	v5 =	vmul.f32 v31, v17  }
0x290: {  	v2 =	vand.u32 $0xFFFF, v2;
	v24 =	vunpack.i.u.bf16.f32 v24;
	[tilespmem:v3+s29+$0x0] =	vst.idx.add.f32.msk $0xffff, v4;
	v1 =	vmul.f32 v1, v17  }
0x291: {  	v24 =	vmul.f32 v24, v55;
	[tilespmem:v0+s12+$0x0] =	vst.idx.add.f32.msk $0xffff, v5;
	v5 =	vunpack.i.u.bf16.f32 v15  }
0x292: {  	[tilespmem:v0+s13+$0x0] =	vst.idx.add.f32.msk $0xffff, v1;
	v0 =	vunpack.i.l.bf16.f32 v19;
	v1 =	vmul.f32 v5, v56  }
0x293: {  	[tilespmem:v8+s10+$0x0] =	vst.idx.add.f32.msk $0xffff, v24;
	v5 =	vunpack.i.u.bf16.f32 v19;
	v0 =	vmul.f32 v0, v26  }
0x294: {  	v5 =	vmul.f32 v5, v26;
	[tilespmem:v32+s10+$0x0] =	vst.idx.add.f32.msk $0xffff, v1;
	v1 =	vunpack.i.u.bf16.f32 v20  }
0x295: {  	[tilespmem:v2+s29+$0x0] =	vst.idx.add.f32.msk $0xffff, v0;
	v0 =	vand.u32 $0xFFFF, v6;
	v6 =	vunpack.i.l.bf16.f32 v21;
	v60 =	vmul.f32 v1, v27  }
0x296: {  	[tilespmem:v2+s10+$0x0] =	vst.idx.add.f32.msk $0xffff, v5;
	v5 =	vunpack.i.u.bf16.f32 v21;
	v6 =	vmul.f32 v6, v29  }
0x297: {  	v1 =	vand.u32 $0xFFFF, v9;
	v5 =	vmul.f32 v5, v29;
	[tilespmem:v3+s10+$0x0] =	vst.idx.add.f32.msk $0xffff, v60  }
0x298: {  	v4 =	vunpack.i.l.bf16.f32 v22;
	[tilespmem:v59+s29+$0x0] =	vst.idx.add.f32.msk $0xffff, v6  }
0x299: {  	v4 =	vmul.f32 v4, v30;
	v6 =	vunpack.i.l.bf16.f32 v25;
	[tilespmem:v59+s10+$0x0] =	vst.idx.add.f32.msk $0xffff, v5  }
0x29a: {  	v5 =	vmul.f32 v6, v33;
	v6 =	vld.idx.msk [tilespmem:v10+s11+$0x0], $0xffff  }
0x29b: {  	[tilespmem:v0+s29+$0x0] =	vst.idx.add.f32.msk $0xffff, v4;
	v4 =	vunpack.i.u.bf16.f32 v25  }
0x29c: {  	v4 =	vmul.f32 v4, v33;
	[tilespmem:v1+s29+$0x0] =	vst.idx.add.f32.msk $0xffff, v5  }
0x29d: {  	v9 =	vunpack.i.u.bf16.f32 v22;
	v5 =	vld.idx.msk [tilespmem:v16+s11+$0x0], $0xffff  }
0x29e: {  	v9 =	vmul.f32 v9, v30;
	[tilespmem:v1+s10+$0x0] =	vst.idx.add.f32.msk $0xffff, v4  }
0x29f: {  	v4 =	vld.idx.msk [tilespmem:v7+s11+$0x0], $0xffff  }
0x2a0: {  	[tilespmem:v0+s10+$0x0] =	vst.idx.add.f32.msk $0xffff, v9  }
0x2a1: {  	v9 =	vld.idx.msk [tilespmem:v12+s11+$0x0], $0xffff  }
0x2a2: {  	v7 =	vld.idx.msk [tilespmem:v11+s11+$0x0], $0xffff;
	v10 =	vunpack.i.l.bf16.f32 v5  }
0x2a3: {  	v11 =	vld.idx.msk [tilespmem:v14+s11+$0x0], $0xffff;
	v5 =	vunpack.i.u.bf16.f32 v5;
	v10 =	vmul.f32 v10, v55  }
0x2a4: {  	v61 =	vld.idx.msk [tilespmem:v18+s11+$0x0], $0xffff;
	v5 =	vmul.f32 v5, v55;
	v62 =	vunpack.i.l.bf16.f32 v4  }
0x2a5: {  	v4 =	vunpack.i.u.bf16.f32 v4;
	[tilespmem:v8+s12+$0x0] =	vst.idx.add.f32.msk $0xffff, v10;
	v10 =	vmul.f32 v62, v56  }
0x2a6: {  	v63 =	vunpack.i.l.bf16.f32 v6;
	v4 =	vmul.f32 v4, v56;
	[tilespmem:v8+s13+$0x0] =	vst.idx.add.f32.msk $0xffff, v5  }
0x2a7: {  	v5 =	vunpack.i.u.bf16.f32 v6;
	v6 =	vmul.f32 v63, v26;
	[tilespmem:v32+s12+$0x0] =	vst.idx.add.f32.msk $0xffff, v10  }
0x2a8: {  	v8 =	vunpack.i.l.bf16.f32 v7;
	[tilespmem:v32+s13+$0x0] =	vst.idx.add.f32.msk $0xffff, v4;
	v4 =	vmul.f32 v5, v26  }
0x2a9: {  	v5 =	vunpack.i.u.bf16.f32 v7;
	[tilespmem:v2+s12+$0x0] =	vst.idx.add.f32.msk $0xffff, v6;
	v6 =	vmul.f32 v8, v27  }
0x2aa: {  	v7 =	vunpack.i.l.bf16.f32 v9;
	v5 =	vmul.f32 v5, v27;
	[tilespmem:v2+s13+$0x0] =	vst.idx.add.f32.msk $0xffff, v4  }
0x2ab: {  	v10 =	vunpack.i.u.bf16.f32 v61;
	v7 =	vmul.f32 v7, v29;
	v2 =	vunpack.i.u.bf16.f32 v9;
	[tilespmem:v3+s12+$0x0] =	vst.idx.add.f32.msk $0xffff, v6  }
0x2ac: {  	v4 =	vunpack.i.u.bf16.f32 v11;
	v6 =	vunpack.i.l.bf16.f32 v11;
	v11 =	vmul.f32 v2, v29;
	[tilespmem:v3+s13+$0x0] =	vst.idx.add.f32.msk $0xffff, v5  }
0x2ad: {  	v2 =	vunpack.i.l.bf16.f32 v61;
	v9 =	vmul.f32 v6, v30;
	v8 =	vmul.f32 v4, v30;
	[tilespmem:v59+s12+$0x0] =	vst.idx.add.f32.msk $0xffff, v7  }
0x2ae: {  	s20 =	simm.s32 $0x16240;
	s19 =	simm.s32 $0x0;
	v4 =	vmul.f32 v2, v33;
	v2 =	vmul.f32 v10, v33;
	[tilespmem:v59+s13+$0x0] =	vst.idx.add.f32.msk $0xffff, v11  }
.LBB2_17:
0x2af: {  	v11 =	vld [tilespmem:s20+$0x30]  }
0x2b0: {  	v3 =	vld [tilespmem:s20+$0xFFFFFFD0]  }
0x2b1: {  	s19 =	sadd.s32 $0x8, s19;
	v5 =	vld [tilespmem:s20+$0xFFFFFFE0]  }
0x2b2: {  	p1 =	slt.u32 s19, $0xC0;
	v12 =	vld [tilespmem:s20+$0xFFFFFFF0]  }
0x2b3: {  	v13 =	vld [tilespmem:s20+$0x0]  }
0x2b4: {  	v14 =	vld [tilespmem:s20+$0x10];
	v15 =	vshra.s32 v11, $0x10  }
0x2b5: {  	v7 =	vand.u32 $0xFFFF, v3;
	v10 =	vshra.s32 v3, $0x10;
	v16 =	vld [tilespmem:s20+$0x20]  }
0x2b6: {  	v17 =	vld [tilespmem:s20+$0xFFFFFFC0];
	v6 =	vand.u32 $0xFFFF, v5;
	v18 =	vshra.s32 v5, $0x10  }
0x2b7: {  	v5 =	vand.u32 $0xFFFF, v12;
	v12 =	vshra.s32 v12, $0x10;
	[tilespmem:v0+s12+$0x0] =	vst.idx.add.f32.msk $0xffff, v9  }
0x2b8: {  	v3 =	vand.u32 $0xFFFF, v13;
	v13 =	vshra.s32 v13, $0x10;
	[tilespmem:v0+s13+$0x0] =	vst.idx.add.f32.msk $0xffff, v8  }
0x2b9: {  	v0 =	vand.u32 $0xFFFF, v14;
	v14 =	vshra.s32 v14, $0x10;
	v19 =	vld.idx.msk [tilespmem:v15+s4+$0x0], $0xffff  }
0x2ba: {  	s18 =	sadd.s32 $0x80, s18;
	v20 =	vld.idx.msk [tilespmem:v10+s4+$0x0], $0xffff;
	v9 =	vand.u32 $0xFFFF, v16;
	v16 =	vshra.s32 v16, $0x10  }
0x2bb: {  	v8 =	vand.u32 $0xFFFF, v17;
	v17 =	vshra.s32 v17, $0x10;
	v21 =	vld [tilespmem:s18+$0x30]  }
0x2bc: {  	v22 =	vld.idx.msk [tilespmem:v18+s4+$0x0], $0xffff  }
0x2bd: {  	v11 =	vand.u32 $0xFFFF, v11;
	v23 =	vld.idx.msk [tilespmem:v12+s4+$0x0], $0xffff  }
0x2be: {  	v24 =	vld.idx.msk [tilespmem:v13+s4+$0x0], $0xffff  }
0x2bf: {  	v26 =	vunpack.i.l.bf16.f32 v19;
	v25 =	vld.idx.msk [tilespmem:v14+s4+$0x0], $0xffff  }
0x2c0: {  	v19 =	vunpack.i.u.bf16.f32 v19;
	v28 =	vunpack.i.u.bf16.f32 v20;
	v27 =	vld.idx.msk [tilespmem:v17+s4+$0x0], $0xffff;
	v26 =	vmul.f32 v26, v21  }
0x2c1: {  	v20 =	vunpack.i.l.bf16.f32 v20;
	v19 =	vmul.f32 v19, v21;
	v29 =	vld.idx.msk [tilespmem:v16+s4+$0x0], $0xffff  }
0x2c2: {  	v30 =	vunpack.i.u.bf16.f32 v22;
	v22 =	vunpack.i.l.bf16.f32 v22;
	[tilespmem:v11+s29+$0x0] =	vst.idx.add.f32.msk $0xffff, v26  }
0x2c3: {  	v26 =	vunpack.i.u.bf16.f32 v23;
	v23 =	vunpack.i.l.bf16.f32 v23;
	[tilespmem:v11+s10+$0x0] =	vst.idx.add.f32.msk $0xffff, v19  }
0x2c4: {  	v19 =	vunpack.i.u.bf16.f32 v24;
	v24 =	vunpack.i.l.bf16.f32 v24;
	v15 =	vld.idx.msk [tilespmem:v15+s11+$0x0], $0xffff  }
0x2c5: {  	v32 =	vunpack.i.u.bf16.f32 v25;
	v25 =	vunpack.i.l.bf16.f32 v25;
	v31 =	vld [tilespmem:s18+$0xFFFFFFC0]  }
0x2c6: {  	v33 =	vunpack.i.u.bf16.f32 v27;
	v27 =	vunpack.i.l.bf16.f32 v27;
	v34 =	vld [tilespmem:s18+$0xFFFFFFD0]  }
0x2c7: {  	v36 =	vunpack.i.u.bf16.f32 v29;
	v29 =	vunpack.i.l.bf16.f32 v29;
	v35 =	vld [tilespmem:s18+$0xFFFFFFE0]  }
0x2c8: {  	v37 =	vld [tilespmem:s18+$0xFFFFFFF0]  }
0x2c9: {  	v38 =	vld [tilespmem:s18+$0x0]  }
0x2ca: {  	v40 =	vunpack.i.l.bf16.f32 v15;
	v27 =	vmul.f32 v27, v31;
	v33 =	vmul.f32 v33, v31;
	v39 =	vld [tilespmem:s18+$0x10]  }
0x2cb: {  	v15 =	vunpack.i.u.bf16.f32 v15;
	v40 =	vmul.f32 v40, v21;
	v20 =	vmul.f32 v20, v34;
	v41 =	vld [tilespmem:s18+$0x20]  }
0x2cc: {  	v15 =	vmul.f32 v15, v21;
	[tilespmem:v8+s29+$0x0] =	vst.idx.add.f32.msk $0xffff, v27;
	v27 =	vmul.f32 v28, v34  }
0x2cd: {  	v21 =	vmul.f32 v22, v35;
	v22 =	vmul.f32 v30, v35;
	[tilespmem:v11+s12+$0x0] =	vst.idx.add.f32.msk $0xffff, v40  }
0x2ce: {  	v23 =	vmul.f32 v23, v37;
	v26 =	vmul.f32 v26, v37;
	[tilespmem:v11+s13+$0x0] =	vst.idx.add.f32.msk $0xffff, v15  }
0x2cf: {  	v11 =	vmul.f32 v24, v38;
	v15 =	vmul.f32 v19, v38;
	[tilespmem:v8+s10+$0x0] =	vst.idx.add.f32.msk $0xffff, v33  }
0x2d0: {  	v19 =	vmul.f32 v25, v39;
	[tilespmem:v7+s29+$0x0] =	vst.idx.add.f32.msk $0xffff, v20;
	v20 =	vmul.f32 v32, v39  }
0x2d1: {  	v24 =	vmul.f32 v29, v41;
	v25 =	vmul.f32 v36, v41;
	[tilespmem:v7+s10+$0x0] =	vst.idx.add.f32.msk $0xffff, v27  }
0x2d2: {  	[tilespmem:v6+s29+$0x0] =	vst.idx.add.f32.msk $0xffff, v21  }
0x2d3: {  	[tilespmem:v6+s10+$0x0] =	vst.idx.add.f32.msk $0xffff, v22  }
0x2d4: {  	[tilespmem:v5+s29+$0x0] =	vst.idx.add.f32.msk $0xffff, v23  }
0x2d5: {  	[tilespmem:v5+s10+$0x0] =	vst.idx.add.f32.msk $0xffff, v26  }
0x2d6: {  	[tilespmem:v3+s29+$0x0] =	vst.idx.add.f32.msk $0xffff, v11  }
0x2d7: {  	[tilespmem:v3+s10+$0x0] =	vst.idx.add.f32.msk $0xffff, v15  }
0x2d8: {  	[tilespmem:v0+s29+$0x0] =	vst.idx.add.f32.msk $0xffff, v19  }
0x2d9: {  	[tilespmem:v0+s10+$0x0] =	vst.idx.add.f32.msk $0xffff, v20  }
0x2da: {  	[tilespmem:v9+s29+$0x0] =	vst.idx.add.f32.msk $0xffff, v24  }
0x2db: {  	[tilespmem:v9+s10+$0x0] =	vst.idx.add.f32.msk $0xffff, v25  }
0x2dc: {  	v11 =	vld.idx.msk [tilespmem:v17+s11+$0x0], $0xffff  }
0x2dd: {  	v10 =	vld.idx.msk [tilespmem:v10+s11+$0x0], $0xffff  }
0x2de: {  	v15 =	vld.idx.msk [tilespmem:v18+s11+$0x0], $0xffff  }
0x2df: {  	v12 =	vld.idx.msk [tilespmem:v12+s11+$0x0], $0xffff  }
0x2e0: {  	v13 =	vld.idx.msk [tilespmem:v13+s11+$0x0], $0xffff  }
0x2e1: {  	v14 =	vld.idx.msk [tilespmem:v14+s11+$0x0], $0xffff  }
0x2e2: {  	v17 =	vunpack.i.u.bf16.f32 v11;
	v11 =	vunpack.i.l.bf16.f32 v11;
	v16 =	vld.idx.msk [tilespmem:v16+s11+$0x0], $0xffff  }
0x2e3: {  	v11 =	vmul.f32 v11, v31;
	v18 =	vunpack.i.u.bf16.f32 v10;
	v10 =	vunpack.i.l.bf16.f32 v10;
	[tilespmem:v1+s12+$0x0] =	vst.idx.add.f32.msk $0xffff, v4  }
0x2e4: {  	v4 =	vmul.f32 v17, v31;
	v17 =	vunpack.i.u.bf16.f32 v15;
	v15 =	vunpack.i.l.bf16.f32 v15;
	[tilespmem:v1+s13+$0x0] =	vst.idx.add.f32.msk $0xffff, v2;
	v1 =	vmovc v9  }
0x2e5: {  	v2 =	vmul.f32 v10, v34;
	v9 =	vunpack.i.u.bf16.f32 v12;
	v10 =	vunpack.i.l.bf16.f32 v12;
	[tilespmem:v8+s12+$0x0] =	vst.idx.add.f32.msk $0xffff, v11  }
0x2e6: {  	v11 =	vunpack.i.l.bf16.f32 v13;
	[tilespmem:v8+s13+$0x0] =	vst.idx.add.f32.msk $0xffff, v4;
	v4 =	vmul.f32 v18, v34;
	v8 =	vunpack.i.u.bf16.f32 v13  }
0x2e7: {  	v12 =	vunpack.i.u.bf16.f32 v14;
	v13 =	vunpack.i.l.bf16.f32 v14;
	[tilespmem:v7+s12+$0x0] =	vst.idx.add.f32.msk $0xffff, v2;
	v2 =	vmul.f32 v15, v35  }
0x2e8: {  	v14 =	vunpack.i.l.bf16.f32 v16;
	[tilespmem:v7+s13+$0x0] =	vst.idx.add.f32.msk $0xffff, v4;
	v4 =	vmul.f32 v17, v35;
	v7 =	vunpack.i.u.bf16.f32 v16  }
0x2e9: {  	[tilespmem:v6+s12+$0x0] =	vst.idx.add.f32.msk $0xffff, v2;
	v2 =	vmul.f32 v10, v37;
	v10 =	vmul.f32 v9, v37  }
.Ltmp7:
0x2ea: {  	[tilespmem:v6+s13+$0x0] =	vst.idx.add.f32.msk $0xffff, v4;
	v6 =	vmul.f32 v11, v38;
	v11 =	vmul.f32 v8, v38;
	(pc) =	sbr.rel @p1 .LBB2_17-.Ltmp7, $4  }
0x2eb: {  	v9 =	vmul.f32 v13, v39;
	v8 =	vmul.f32 v12, v39;
	[tilespmem:v5+s12+$0x0] =	vst.idx.add.f32.msk $0xffff, v2  }
0x2ec: {  	v4 =	vmul.f32 v14, v41;
	v2 =	vmul.f32 v7, v41;
	[tilespmem:v5+s13+$0x0] =	vst.idx.add.f32.msk $0xffff, v10  }
0x2ed: {  	[tilespmem:v3+s12+$0x0] =	vst.idx.add.f32.msk $0xffff, v6  }
0x2ee: {  	s20 =	sadd.s32 $0x80, s20;
	[tilespmem:v3+s13+$0x0] =	vst.idx.add.f32.msk $0xffff, v11  }
0x2ef: {  	_ =	sdelay $0x3  }
0x2f0: {  	[tilespmem:v0+s12+$0x0] =	vst.idx.add.f32.msk $0xffff, v9  }
0x2f1: {  	[tilespmem:v1+s12+$0x0] =	vst.idx.add.f32.msk $0xffff, v4  }
0x2f2: {  	[tilespmem:v0+s13+$0x0] =	vst.idx.add.f32.msk $0xffff, v8  }
0x2f3: {  	s18 =	sshll.u32 s17, $0x1;
	[tilespmem:v1+s13+$0x0] =	vst.idx.add.f32.msk $0xffff, v2  }
0x2f4: {  	s18 =	smin.u32 s18, $0x61;
	_ =	swait.ge [sflag:s14], $0xC80  }
0x2f5: {  	s18 =	smul.u32 $0xC80, s18;
	[sflag:s14] =	ssyncset.done $0x0  }
0x2f6: {  	[sflag:s14] =	ssyncadd.s32 $0xFFFFF380  }
0x2f7: {  	s19 =	sshrl.u32 s18, $0x3;
	_ =	swait.ge [sflag:s15], $0xC80  }
0x2f8: {  	s19 =	sadd.s32 s1, s19;
	[sflag:s15] =	ssyncset.done $0x0  }
0x2f9: {  	s18 =	sadd.s32 s18, s3;
	s19 =	sadd.s32 $0x9F60, s19;
	[sflag:s15] =	ssyncadd.s32 $0xFFFFF380  }
0x2fa: {  	[tilespmem:s31], [sflag:$0x1] =	stream.linear.gather [hbm4b:s19+s4], $0xC80, $0x38;
	[tilespmem:$0x1E1A0] =	vst v63  }
0x2fb: {  	s21 =	simm.s32 $0x16E40;
	s18 =	sadd.s32 $0x1900, s18  }
0x2fc: {  	[tilespmem:s0], [sflag:$0x3] =	stream.linear.gather [spmem:s18], $0xC80, $0x38;
	[tilespmem:$0x1E1A0] =	vst v63  }
0x2fd: {  	v0 =	vld [tilespmem:s21+$0x30]  }
0x2fe: {  	v1 =	vld [tilespmem:s21+$0xFFFFFFD0]  }
0x2ff: {  	v2 =	vld [tilespmem:s21+$0xFFFFFFE0]  }
0x300: {  	v3 =	vld [tilespmem:s21+$0xFFFFFFF0]  }
0x301: {  	v4 =	vld [tilespmem:s21+$0x0]  }
0x302: {  	v6 =	vld [tilespmem:s21+$0x10]  }
0x303: {  	v8 =	vld [tilespmem:s21+$0xFFFFFFC0]  }
0x304: {  	s18 =	simm.s32 $0x18740;
	v9 =	vld [tilespmem:s21+$0x20];
	v5 =	vshra.s32 v0, $0x10  }
0x305: {  	v17 =	vld [tilespmem:s18+$0x30]  }
0x306: {  	v55 =	vld [tilespmem:s18+$0xFFFFFFC0]  }
0x307: {  	v56 =	vld [tilespmem:s18+$0xFFFFFFD0]  }
0x308: {  	v26 =	vld [tilespmem:s18+$0xFFFFFFE0]  }
0x309: {  	v7 =	vshra.s32 v1, $0x10;
	v13 =	vld.idx.msk [tilespmem:v5+s4+$0x0], $0xffff  }
0x30a: {  	v27 =	vld [tilespmem:s18+$0xFFFFFFF0];
	v11 =	vshra.s32 v3, $0x10  }
0x30b: {  	v29 =	vld [tilespmem:s18+$0x0];
	v16 =	vshra.s32 v8, $0x10  }
0x30c: {  	v30 =	vld [tilespmem:s18+$0x10];
	v0 =	vand.u32 $0xFFFF, v0  }
0x30d: {  	v33 =	vld [tilespmem:s18+$0x20]  }
0x30e: {  	v15 =	vld.idx.msk [tilespmem:v7+s4+$0x0], $0xffff;
	v23 =	vunpack.i.l.bf16.f32 v13  }
0x30f: {  	v10 =	vshra.s32 v2, $0x10;
	v20 =	vld.idx.msk [tilespmem:v11+s4+$0x0], $0xffff;
	v13 =	vunpack.i.u.bf16.f32 v13;
	v23 =	vmul.f32 v23, v17  }
0x310: {  	v12 =	vshra.s32 v4, $0x10;
	v24 =	vld.idx.msk [tilespmem:v16+s4+$0x0], $0xffff;
	v13 =	vmul.f32 v13, v17  }
0x311: {  	v14 =	vshra.s32 v6, $0x10;
	[tilespmem:v0+s29+$0x0] =	vst.idx.add.f32.msk $0xffff, v23  }
0x312: {  	v18 =	vshra.s32 v9, $0x10;
	[tilespmem:v0+s10+$0x0] =	vst.idx.add.f32.msk $0xffff, v13  }
0x313: {  	v8 =	vand.u32 $0xFFFF, v8;
	v5 =	vld.idx.msk [tilespmem:v5+s11+$0x0], $0xffff  }
0x314: {  	v32 =	vand.u32 $0xFFFF, v1;
	v19 =	vld.idx.msk [tilespmem:v10+s4+$0x0], $0xffff  }
0x315: {  	v3 =	vand.u32 $0xFFFF, v3;
	v21 =	vld.idx.msk [tilespmem:v12+s4+$0x0], $0xffff;
	v28 =	vunpack.i.l.bf16.f32 v24  }
0x316: {  	v22 =	vld.idx.msk [tilespmem:v14+s4+$0x0], $0xffff;
	v57 =	vunpack.i.l.bf16.f32 v15;
	v28 =	vmul.f32 v28, v55  }
0x317: {  	v59 =	vand.u32 $0xFFFF, v4;
	v25 =	vld.idx.msk [tilespmem:v18+s4+$0x0], $0xffff;
	v4 =	vunpack.i.l.bf16.f32 v20;
	v58 =	vmul.f32 v57, v56  }
0x318: {  	v4 =	vmul.f32 v4, v27;
	[tilespmem:v8+s29+$0x0] =	vst.idx.add.f32.msk $0xffff, v28;
	v31 =	vunpack.i.l.bf16.f32 v5  }
0x319: {  	[tilespmem:v32+s29+$0x0] =	vst.idx.add.f32.msk $0xffff, v58;
	v1 =	vunpack.i.u.bf16.f32 v5;
	v5 =	vmul.f32 v31, v17  }
0x31a: {  	v2 =	vand.u32 $0xFFFF, v2;
	v24 =	vunpack.i.u.bf16.f32 v24;
	[tilespmem:v3+s29+$0x0] =	vst.idx.add.f32.msk $0xffff, v4;
	v1 =	vmul.f32 v1, v17  }
0x31b: {  	v24 =	vmul.f32 v24, v55;
	[tilespmem:v0+s12+$0x0] =	vst.idx.add.f32.msk $0xffff, v5;
	v5 =	vunpack.i.u.bf16.f32 v15  }
0x31c: {  	[tilespmem:v0+s13+$0x0] =	vst.idx.add.f32.msk $0xffff, v1;
	v0 =	vunpack.i.l.bf16.f32 v19;
	v1 =	vmul.f32 v5, v56  }
0x31d: {  	[tilespmem:v8+s10+$0x0] =	vst.idx.add.f32.msk $0xffff, v24;
	v5 =	vunpack.i.u.bf16.f32 v19;
	v0 =	vmul.f32 v0, v26  }
0x31e: {  	v5 =	vmul.f32 v5, v26;
	[tilespmem:v32+s10+$0x0] =	vst.idx.add.f32.msk $0xffff, v1;
	v1 =	vunpack.i.u.bf16.f32 v20  }
0x31f: {  	[tilespmem:v2+s29+$0x0] =	vst.idx.add.f32.msk $0xffff, v0;
	v0 =	vand.u32 $0xFFFF, v6;
	v6 =	vunpack.i.l.bf16.f32 v21;
	v60 =	vmul.f32 v1, v27  }
0x320: {  	[tilespmem:v2+s10+$0x0] =	vst.idx.add.f32.msk $0xffff, v5;
	v5 =	vunpack.i.u.bf16.f32 v21;
	v6 =	vmul.f32 v6, v29  }
0x321: {  	v1 =	vand.u32 $0xFFFF, v9;
	v5 =	vmul.f32 v5, v29;
	[tilespmem:v3+s10+$0x0] =	vst.idx.add.f32.msk $0xffff, v60  }
0x322: {  	v4 =	vunpack.i.l.bf16.f32 v22;
	[tilespmem:v59+s29+$0x0] =	vst.idx.add.f32.msk $0xffff, v6  }
0x323: {  	v4 =	vmul.f32 v4, v30;
	v6 =	vunpack.i.l.bf16.f32 v25;
	[tilespmem:v59+s10+$0x0] =	vst.idx.add.f32.msk $0xffff, v5  }
0x324: {  	v5 =	vmul.f32 v6, v33;
	v6 =	vld.idx.msk [tilespmem:v10+s11+$0x0], $0xffff  }
0x325: {  	[tilespmem:v0+s29+$0x0] =	vst.idx.add.f32.msk $0xffff, v4;
	v4 =	vunpack.i.u.bf16.f32 v25  }
0x326: {  	v4 =	vmul.f32 v4, v33;
	[tilespmem:v1+s29+$0x0] =	vst.idx.add.f32.msk $0xffff, v5  }
0x327: {  	v9 =	vunpack.i.u.bf16.f32 v22;
	v5 =	vld.idx.msk [tilespmem:v16+s11+$0x0], $0xffff  }
0x328: {  	v9 =	vmul.f32 v9, v30;
	[tilespmem:v1+s10+$0x0] =	vst.idx.add.f32.msk $0xffff, v4  }
0x329: {  	v4 =	vld.idx.msk [tilespmem:v7+s11+$0x0], $0xffff  }
0x32a: {  	[tilespmem:v0+s10+$0x0] =	vst.idx.add.f32.msk $0xffff, v9  }
0x32b: {  	v9 =	vld.idx.msk [tilespmem:v12+s11+$0x0], $0xffff  }
0x32c: {  	v7 =	vld.idx.msk [tilespmem:v11+s11+$0x0], $0xffff;
	v10 =	vunpack.i.l.bf16.f32 v5  }
0x32d: {  	v11 =	vld.idx.msk [tilespmem:v14+s11+$0x0], $0xffff;
	v5 =	vunpack.i.u.bf16.f32 v5;
	v10 =	vmul.f32 v10, v55  }
0x32e: {  	v61 =	vld.idx.msk [tilespmem:v18+s11+$0x0], $0xffff;
	v5 =	vmul.f32 v5, v55;
	v62 =	vunpack.i.l.bf16.f32 v4  }
0x32f: {  	v4 =	vunpack.i.u.bf16.f32 v4;
	[tilespmem:v8+s12+$0x0] =	vst.idx.add.f32.msk $0xffff, v10;
	v10 =	vmul.f32 v62, v56  }
0x330: {  	v63 =	vunpack.i.l.bf16.f32 v6;
	v4 =	vmul.f32 v4, v56;
	[tilespmem:v8+s13+$0x0] =	vst.idx.add.f32.msk $0xffff, v5  }
0x331: {  	v5 =	vunpack.i.u.bf16.f32 v6;
	v6 =	vmul.f32 v63, v26;
	[tilespmem:v32+s12+$0x0] =	vst.idx.add.f32.msk $0xffff, v10  }
0x332: {  	v8 =	vunpack.i.l.bf16.f32 v7;
	[tilespmem:v32+s13+$0x0] =	vst.idx.add.f32.msk $0xffff, v4;
	v4 =	vmul.f32 v5, v26  }
0x333: {  	v5 =	vunpack.i.u.bf16.f32 v7;
	[tilespmem:v2+s12+$0x0] =	vst.idx.add.f32.msk $0xffff, v6;
	v6 =	vmul.f32 v8, v27  }
0x334: {  	v7 =	vunpack.i.l.bf16.f32 v9;
	v5 =	vmul.f32 v5, v27;
	[tilespmem:v2+s13+$0x0] =	vst.idx.add.f32.msk $0xffff, v4  }
0x335: {  	v10 =	vunpack.i.u.bf16.f32 v61;
	v7 =	vmul.f32 v7, v29;
	v2 =	vunpack.i.u.bf16.f32 v9;
	[tilespmem:v3+s12+$0x0] =	vst.idx.add.f32.msk $0xffff, v6  }
0x336: {  	v4 =	vunpack.i.u.bf16.f32 v11;
	v6 =	vunpack.i.l.bf16.f32 v11;
	v11 =	vmul.f32 v2, v29;
	[tilespmem:v3+s13+$0x0] =	vst.idx.add.f32.msk $0xffff, v5  }
0x337: {  	v2 =	vunpack.i.l.bf16.f32 v61;
	v9 =	vmul.f32 v6, v30;
	v8 =	vmul.f32 v4, v30;
	[tilespmem:v59+s12+$0x0] =	vst.idx.add.f32.msk $0xffff, v7  }
0x338: {  	s20 =	simm.s32 $0x16EC0;
	s19 =	simm.s32 $0x0;
	v4 =	vmul.f32 v2, v33;
	v2 =	vmul.f32 v10, v33;
	[tilespmem:v59+s13+$0x0] =	vst.idx.add.f32.msk $0xffff, v11  }
.LBB2_19:
0x339: {  	v11 =	vld [tilespmem:s20+$0x30]  }
0x33a: {  	v3 =	vld [tilespmem:s20+$0xFFFFFFD0]  }
0x33b: {  	s19 =	sadd.s32 $0x8, s19;
	v5 =	vld [tilespmem:s20+$0xFFFFFFE0]  }
0x33c: {  	p1 =	slt.u32 s19, $0xC0;
	v12 =	vld [tilespmem:s20+$0xFFFFFFF0]  }
0x33d: {  	v13 =	vld [tilespmem:s20+$0x0]  }
0x33e: {  	v14 =	vld [tilespmem:s20+$0x10];
	v15 =	vshra.s32 v11, $0x10  }
0x33f: {  	v7 =	vand.u32 $0xFFFF, v3;
	v10 =	vshra.s32 v3, $0x10;
	v16 =	vld [tilespmem:s20+$0x20]  }
0x340: {  	v17 =	vld [tilespmem:s20+$0xFFFFFFC0];
	v6 =	vand.u32 $0xFFFF, v5;
	v18 =	vshra.s32 v5, $0x10  }
0x341: {  	v5 =	vand.u32 $0xFFFF, v12;
	v12 =	vshra.s32 v12, $0x10;
	[tilespmem:v0+s12+$0x0] =	vst.idx.add.f32.msk $0xffff, v9  }
0x342: {  	v3 =	vand.u32 $0xFFFF, v13;
	v13 =	vshra.s32 v13, $0x10;
	[tilespmem:v0+s13+$0x0] =	vst.idx.add.f32.msk $0xffff, v8  }
0x343: {  	v0 =	vand.u32 $0xFFFF, v14;
	v14 =	vshra.s32 v14, $0x10;
	v19 =	vld.idx.msk [tilespmem:v15+s4+$0x0], $0xffff  }
0x344: {  	s18 =	sadd.s32 $0x80, s18;
	v20 =	vld.idx.msk [tilespmem:v10+s4+$0x0], $0xffff;
	v9 =	vand.u32 $0xFFFF, v16;
	v16 =	vshra.s32 v16, $0x10  }
0x345: {  	v8 =	vand.u32 $0xFFFF, v17;
	v17 =	vshra.s32 v17, $0x10;
	v21 =	vld [tilespmem:s18+$0x30]  }
0x346: {  	v22 =	vld.idx.msk [tilespmem:v18+s4+$0x0], $0xffff  }
0x347: {  	v11 =	vand.u32 $0xFFFF, v11;
	v23 =	vld.idx.msk [tilespmem:v12+s4+$0x0], $0xffff  }
0x348: {  	v24 =	vld.idx.msk [tilespmem:v13+s4+$0x0], $0xffff  }
0x349: {  	v26 =	vunpack.i.l.bf16.f32 v19;
	v25 =	vld.idx.msk [tilespmem:v14+s4+$0x0], $0xffff  }
0x34a: {  	v19 =	vunpack.i.u.bf16.f32 v19;
	v28 =	vunpack.i.u.bf16.f32 v20;
	v27 =	vld.idx.msk [tilespmem:v17+s4+$0x0], $0xffff;
	v26 =	vmul.f32 v26, v21  }
0x34b: {  	v20 =	vunpack.i.l.bf16.f32 v20;
	v19 =	vmul.f32 v19, v21;
	v29 =	vld.idx.msk [tilespmem:v16+s4+$0x0], $0xffff  }
0x34c: {  	v30 =	vunpack.i.u.bf16.f32 v22;
	v22 =	vunpack.i.l.bf16.f32 v22;
	[tilespmem:v11+s29+$0x0] =	vst.idx.add.f32.msk $0xffff, v26  }
0x34d: {  	v26 =	vunpack.i.u.bf16.f32 v23;
	v23 =	vunpack.i.l.bf16.f32 v23;
	[tilespmem:v11+s10+$0x0] =	vst.idx.add.f32.msk $0xffff, v19  }
0x34e: {  	v19 =	vunpack.i.u.bf16.f32 v24;
	v24 =	vunpack.i.l.bf16.f32 v24;
	v15 =	vld.idx.msk [tilespmem:v15+s11+$0x0], $0xffff  }
0x34f: {  	v32 =	vunpack.i.u.bf16.f32 v25;
	v25 =	vunpack.i.l.bf16.f32 v25;
	v31 =	vld [tilespmem:s18+$0xFFFFFFC0]  }
0x350: {  	v33 =	vunpack.i.u.bf16.f32 v27;
	v27 =	vunpack.i.l.bf16.f32 v27;
	v34 =	vld [tilespmem:s18+$0xFFFFFFD0]  }
0x351: {  	v36 =	vunpack.i.u.bf16.f32 v29;
	v29 =	vunpack.i.l.bf16.f32 v29;
	v35 =	vld [tilespmem:s18+$0xFFFFFFE0]  }
0x352: {  	v37 =	vld [tilespmem:s18+$0xFFFFFFF0]  }
0x353: {  	v38 =	vld [tilespmem:s18+$0x0]  }
0x354: {  	v40 =	vunpack.i.l.bf16.f32 v15;
	v27 =	vmul.f32 v27, v31;
	v33 =	vmul.f32 v33, v31;
	v39 =	vld [tilespmem:s18+$0x10]  }
0x355: {  	v15 =	vunpack.i.u.bf16.f32 v15;
	v40 =	vmul.f32 v40, v21;
	v20 =	vmul.f32 v20, v34;
	v41 =	vld [tilespmem:s18+$0x20]  }
0x356: {  	v15 =	vmul.f32 v15, v21;
	[tilespmem:v8+s29+$0x0] =	vst.idx.add.f32.msk $0xffff, v27;
	v27 =	vmul.f32 v28, v34  }
0x357: {  	v21 =	vmul.f32 v22, v35;
	v22 =	vmul.f32 v30, v35;
	[tilespmem:v11+s12+$0x0] =	vst.idx.add.f32.msk $0xffff, v40  }
0x358: {  	v23 =	vmul.f32 v23, v37;
	v26 =	vmul.f32 v26, v37;
	[tilespmem:v11+s13+$0x0] =	vst.idx.add.f32.msk $0xffff, v15  }
0x359: {  	v11 =	vmul.f32 v24, v38;
	v15 =	vmul.f32 v19, v38;
	[tilespmem:v8+s10+$0x0] =	vst.idx.add.f32.msk $0xffff, v33  }
0x35a: {  	v19 =	vmul.f32 v25, v39;
	[tilespmem:v7+s29+$0x0] =	vst.idx.add.f32.msk $0xffff, v20;
	v20 =	vmul.f32 v32, v39  }
0x35b: {  	v24 =	vmul.f32 v29, v41;
	v25 =	vmul.f32 v36, v41;
	[tilespmem:v7+s10+$0x0] =	vst.idx.add.f32.msk $0xffff, v27  }
0x35c: {  	[tilespmem:v6+s29+$0x0] =	vst.idx.add.f32.msk $0xffff, v21  }
0x35d: {  	[tilespmem:v6+s10+$0x0] =	vst.idx.add.f32.msk $0xffff, v22  }
0x35e: {  	[tilespmem:v5+s29+$0x0] =	vst.idx.add.f32.msk $0xffff, v23  }
0x35f: {  	[tilespmem:v5+s10+$0x0] =	vst.idx.add.f32.msk $0xffff, v26  }
0x360: {  	[tilespmem:v3+s29+$0x0] =	vst.idx.add.f32.msk $0xffff, v11  }
0x361: {  	[tilespmem:v3+s10+$0x0] =	vst.idx.add.f32.msk $0xffff, v15  }
0x362: {  	[tilespmem:v0+s29+$0x0] =	vst.idx.add.f32.msk $0xffff, v19  }
0x363: {  	[tilespmem:v0+s10+$0x0] =	vst.idx.add.f32.msk $0xffff, v20  }
0x364: {  	[tilespmem:v9+s29+$0x0] =	vst.idx.add.f32.msk $0xffff, v24  }
0x365: {  	[tilespmem:v9+s10+$0x0] =	vst.idx.add.f32.msk $0xffff, v25  }
0x366: {  	v11 =	vld.idx.msk [tilespmem:v17+s11+$0x0], $0xffff  }
0x367: {  	v10 =	vld.idx.msk [tilespmem:v10+s11+$0x0], $0xffff  }
0x368: {  	v15 =	vld.idx.msk [tilespmem:v18+s11+$0x0], $0xffff  }
0x369: {  	v12 =	vld.idx.msk [tilespmem:v12+s11+$0x0], $0xffff  }
0x36a: {  	v13 =	vld.idx.msk [tilespmem:v13+s11+$0x0], $0xffff  }
0x36b: {  	v14 =	vld.idx.msk [tilespmem:v14+s11+$0x0], $0xffff  }
0x36c: {  	v17 =	vunpack.i.u.bf16.f32 v11;
	v11 =	vunpack.i.l.bf16.f32 v11;
	v16 =	vld.idx.msk [tilespmem:v16+s11+$0x0], $0xffff  }
0x36d: {  	v11 =	vmul.f32 v11, v31;
	v18 =	vunpack.i.u.bf16.f32 v10;
	v10 =	vunpack.i.l.bf16.f32 v10;
	[tilespmem:v1+s12+$0x0] =	vst.idx.add.f32.msk $0xffff, v4  }
0x36e: {  	v4 =	vmul.f32 v17, v31;
	v17 =	vunpack.i.u.bf16.f32 v15;
	v15 =	vunpack.i.l.bf16.f32 v15;
	[tilespmem:v1+s13+$0x0] =	vst.idx.add.f32.msk $0xffff, v2;
	v1 =	vmovc v9  }
0x36f: {  	v2 =	vmul.f32 v10, v34;
	v9 =	vunpack.i.u.bf16.f32 v12;
	v10 =	vunpack.i.l.bf16.f32 v12;
	[tilespmem:v8+s12+$0x0] =	vst.idx.add.f32.msk $0xffff, v11  }
0x370: {  	v11 =	vunpack.i.l.bf16.f32 v13;
	[tilespmem:v8+s13+$0x0] =	vst.idx.add.f32.msk $0xffff, v4;
	v4 =	vmul.f32 v18, v34;
	v8 =	vunpack.i.u.bf16.f32 v13  }
0x371: {  	v12 =	vunpack.i.u.bf16.f32 v14;
	v13 =	vunpack.i.l.bf16.f32 v14;
	[tilespmem:v7+s12+$0x0] =	vst.idx.add.f32.msk $0xffff, v2;
	v2 =	vmul.f32 v15, v35  }
0x372: {  	v14 =	vunpack.i.l.bf16.f32 v16;
	[tilespmem:v7+s13+$0x0] =	vst.idx.add.f32.msk $0xffff, v4;
	v4 =	vmul.f32 v17, v35;
	v7 =	vunpack.i.u.bf16.f32 v16  }
0x373: {  	[tilespmem:v6+s12+$0x0] =	vst.idx.add.f32.msk $0xffff, v2;
	v2 =	vmul.f32 v10, v37;
	v10 =	vmul.f32 v9, v37  }
.Ltmp8:
0x374: {  	[tilespmem:v6+s13+$0x0] =	vst.idx.add.f32.msk $0xffff, v4;
	v6 =	vmul.f32 v11, v38;
	v11 =	vmul.f32 v8, v38;
	(pc) =	sbr.rel @p1 .LBB2_19-.Ltmp8, $4  }
0x375: {  	v9 =	vmul.f32 v13, v39;
	v8 =	vmul.f32 v12, v39;
	[tilespmem:v5+s12+$0x0] =	vst.idx.add.f32.msk $0xffff, v2  }
0x376: {  	v4 =	vmul.f32 v14, v41;
	v2 =	vmul.f32 v7, v41;
	[tilespmem:v5+s13+$0x0] =	vst.idx.add.f32.msk $0xffff, v10  }
0x377: {  	[tilespmem:v3+s12+$0x0] =	vst.idx.add.f32.msk $0xffff, v6  }
0x378: {  	s20 =	sadd.s32 $0x80, s20;
	[tilespmem:v3+s13+$0x0] =	vst.idx.add.f32.msk $0xffff, v11  }
0x379: {  	_ = 	snop  }
0x37a: {  	s17 =	sadd.s32 $0x1, s17  }
0x37b: {  	p1 =	sne.s32 s17, $0x32  }
.Ltmp9:
0x37c: {  	_ = 	snop;
	(pc) =	sbr.rel @p1 .LBB2_16-.Ltmp9, $4  }
0x37d: {  	[tilespmem:v0+s12+$0x0] =	vst.idx.add.f32.msk $0xffff, v9  }
0x37e: {  	[tilespmem:v1+s12+$0x0] =	vst.idx.add.f32.msk $0xffff, v4  }
0x37f: {  	[tilespmem:v0+s13+$0x0] =	vst.idx.add.f32.msk $0xffff, v8  }
0x380: {  	[tilespmem:v1+s13+$0x0] =	vst.idx.add.f32.msk $0xffff, v2  }
0x381: {  	_ =	swait.ge [sflag:s2], $0xC80  }
0x382: {  	[sflag:s2] =	ssyncset.done $0x0  }
0x383: {  	[sflag:s2] =	ssyncadd.s32 $0xFFFFF380  }
0x384: {  	_ =	swait.ge [sflag:s5], $0xC80  }
0x385: {  	[sflag:s5] =	ssyncset.done $0x0  }
0x386: {  	s17 =	simm.s32 $0x0;
	s18 =	rddreg [dreg:$0xe];
	[sflag:s5] =	ssyncadd.s32 $0xFFFFF380  }
0x387: {  	[hbm4b:s18+s17] =	stream.linear.scatter [tilespmem:s29], [sflag:$0x5], $0x9C40, $0x38;
	[tilespmem:$0x1E1A0] =	vst v63  }
0x388: {  	_ =	swait.ge [sflag:s25], $0x9C40  }
0x389: {  	[sflag:s25] =	ssyncset.done $0x0  }
0x38a: {  	[sflag:s25] =	ssyncadd.s32 $0xFFFF63C0  }
0x38b: {  	[bflag:$0x0] =	sbarrier.arrive $0xFFFF  }
0x38c: {  	s19 =	rddreg [dreg:$0xf]  }
0x38d: {  	[tilespmem:s17], [sflag:$0x5] =	stream.linear.gather [hbm4b:s19+s17], $0x4E20, $0x38;
	[tilespmem:$0x1E1A0] =	vst v63  }
0x38e: {  	_ =	swait.ge [sflag:s25], $0x4E20  }
0x38f: {  	[sflag:s25] =	ssyncset.done $0x0  }
0x390: {  	s20 =	rddreg [dreg:$0x10];
	[sflag:s25] =	ssyncadd.s32 $0xFFFFB1E0  }
0x391: {  	[tilespmem:s26], [sflag:$0x5] =	stream.linear.gather [hbm4b:s20+s17], $0x2710, $0x38;
	[tilespmem:$0x1E1A0] =	vst v63  }
0x392: {  	_ =	swait.ge [sflag:s25], $0x2710  }
0x393: {  	[sflag:s25] =	ssyncset.done $0x0  }
0x394: {  	s21 =	rddreg [dreg:$0x11];
	[sflag:s25] =	ssyncadd.s32 $0xFFFFD8F0  }
0x395: {  	[tilespmem:s28], [sflag:$0x5] =	stream.linear.gather [hbm4b:s21+s17], $0x2710, $0x38;
	[tilespmem:$0x1E1A0] =	vst v63  }
0x396: {  	_ =	swait.ge [sflag:s25], $0x2710  }
0x397: {  	[sflag:s25] =	ssyncset.done $0x0  }
0x398: {  	[sflag:s25] =	ssyncadd.s32 $0xFFFFD8F0  }
0x399: {  	[tilespmem:s29], [sflag:$0x5] =	stream.linear.gather [hbm4b:s7+s17], $0x9C80, $0x38;
	[tilespmem:$0x1E1A0] =	vst v63  }
0x39a: {  	_ =	swait.ge [sflag:s25], $0x9C80  }
0x39b: {  	[sflag:s25] =	ssyncset.done $0x0  }
0x39c: {  	[sflag:s25] =	ssyncadd.s32 $0xFFFF6380  }
0x39d: {  	[tilespmem:s30], [sflag:$0x5] =	stream.linear.gather [hbm4b:s7+s17], $0x2710, $0x38;
	[tilespmem:$0x1E1A0] =	vst v63  }
0x39e: {  	_ =	swait.ge [sflag:s25], $0x2710  }
0x39f: {  	[sflag:s25] =	ssyncset.done $0x0  }
0x3a0: {  	[sflag:s25] =	ssyncadd.s32 $0xFFFFD8F0  }
.LBB2_22:
0x3a1: {  	s18 =	smul.u32 $0x7D0, s17;
	_ =	sdelay $0x1  }
0x3a2: {  	s18 =	sadd.s32 s8, s18  }
0x3a3: {  	s19 =	sshrl.u32 s18, $0x3  }
0x3a4: {  	s19 =	sadd.s32 s1, s19  }
0x3a5: {  	s19 =	sadd.s32 $0x13880, s19  }
0x3a6: {  	[tilespmem:s31], [sflag:$0x5] =	stream.linear.gather [hbm4b:s19+s4], $0x7D0, $0x38;
	[tilespmem:$0x1E1A0] =	vst v63  }
0x3a7: {  	_ =	swait.ge [sflag:s25], $0x7D0  }
0x3a8: {  	[sflag:s25] =	ssyncset.done $0x0  }
0x3a9: {  	s20 =	simm.s32 $0x161A0;
	[sflag:s25] =	ssyncadd.s32 $0xFFFFF830  }
0x3aa: {  	v0 =	vld [tilespmem:s20+$0x20];
	_ =	sdelay $0x1  }
0x3ab: {  	v1 =	vld [tilespmem:s20+$0xFFFFFFF0];
	_ =	sdelay $0x1  }
0x3ac: {  	v2 =	vld [tilespmem:s20+$0xFFFFFFE0]  }
0x3ad: {  	v5 =	vand.u32 $0xFFFF, v0  }
0x3ae: {  	v0 =	vshra.s32 v0, $0x10  }
0x3af: {  	v3 =	vld [tilespmem:s20+$0x0];
	v7 =	vand.u32 $0xFFFF, v1  }
0x3b0: {  	v1 =	vshra.s32 v1, $0x10  }
0x3b1: {  	v6 =	vld [tilespmem:s20+$0x10];
	v8 =	vand.u32 $0xFFFF, v2  }
0x3b2: {  	v2 =	vshra.s32 v2, $0x10;
	v4 =	vld.idx.msk [tilespmem:v5+s26+$0x0], $0xffff  }
0x3b3: {  	v0 =	vld.idx.msk [tilespmem:v0+s28+$0x0], $0xffff  }
0x3b4: {  	v9 =	vand.u32 $0xFFFF, v3;
	v3 =	vshra.s32 v3, $0x10;
	v10 =	vld.idx.msk [tilespmem:v7+s26+$0x0], $0xffff  }
0x3b5: {  	v1 =	vld.idx.msk [tilespmem:v1+s28+$0x0], $0xffff  }
0x3b6: {  	v11 =	vld.idx.msk [tilespmem:v8+s26+$0x0], $0xffff  }
0x3b7: {  	s21 =	simm.s32 $0x161F0;
	v2 =	vld.idx.msk [tilespmem:v2+s28+$0x0], $0xffff  }
0x3b8: {  	v13 =	vld [tilespmem:s21+$0x20];
	v0 =	vadd.f32 v0, v4  }
0x3b9: {  	v3 =	vld.idx.msk [tilespmem:v3+s28+$0x0], $0xffff  }
0x3ba: {  	v4 =	vld.idx.msk [tilespmem:v9+s26+$0x0], $0xffff;
	v10 =	vadd.f32 v1, v10;
	v12 =	vmul.f32 $2.000000030e-01, v0  }
0x3bb: {  	v14 =	vld [tilespmem:s21+$0xFFFFFFF0]  }
0x3bc: {  	v2 =	vadd.f32 v2, v11;
	v11 =	vmul.f32 $2.000000030e-01, v10;
	v12 =	vmax.f32 v0, v12  }
0x3bd: {  	v0 =	vand.u32 $0xFFFF, v6;
	v12 =	vsub.f32 $0.0e+00, v12  }
0x3be: {  	v15 =	vld [tilespmem:s21+$0xFFFFFFE0];
	v6 =	vshra.s32 v6, $0x10;
	v10 =	vmax.f32 v10, v11  }
0x3bf: {  	v4 =	vadd.f32 v3, v4;
	v1 =	vmul.f32 $1.442695020e+00, v12;
	v12 =	vand.u32 $0xFFFF, v13  }
0x3c0: {  	v11 =	vshra.s32 v14, $0x10;
	v3 =	vmul.f32 $2.000000030e-01, v2;
	v13 =	vshra.s32 v13, $0x10  }
0x3c1: {  	v16 =	vld [tilespmem:s21+$0x0];
	(erf) = vpow2.f32 v1;
	v1 =	vand.u32 $0xFFFF, v14;
	v14 =	vmul.f32 $2.000000030e-01, v4  }
0x3c2: {  	v10 =	vsub.f32 $0.0e+00, v10;
	v17 =	vld.idx.msk [tilespmem:v0+s26+$0x0], $0xffff  }
0x3c3: {  	v2 =	vmax.f32 v2, v3;
	v3 =	vand.u32 $0xFFFF, v15;
	v6 =	vld.idx.msk [tilespmem:v6+s28+$0x0], $0xffff;
	v14 =	vmax.f32 v4, v14  }
0x3c4: {  	v15 =	vshra.s32 v15, $0x10;
	v10 =	vmul.f32 $1.442695020e+00, v10;
	v19 =	vld.idx.msk [tilespmem:v12+s26+$0x0], $0xffff;
	v14 =	vsub.f32 $0.0e+00, v14  }
0x3c5: {  	v2 =	vsub.f32 $0.0e+00, v2;
	v13 =	vld.idx.msk [tilespmem:v13+s28+$0x0], $0xffff  }
0x3c6: {  	(erf) = vpow2.f32 v10;
	v10 =	vld.idx.msk [tilespmem:v11+s28+$0x0], $0xffff;
	v11 =	vmul.f32 $1.442695020e+00, v14  }
0x3c7: {  	v2 =	vmul.f32 $1.442695020e+00, v2  }
0x3c8: {  	v18 =	vld [tilespmem:s21+$0x10];
	v4 =	vand.u32 $0xFFFF, v16  }
0x3c9: {  	v16 =	vshra.s32 v16, $0x10;
	(erf) = vpow2.f32 v2;
	v15 =	vld.idx.msk [tilespmem:v15+s28+$0x0], $0xffff;
	v6 =	vadd.f32 v6, v17  }
0x3ca: {  	s21 =	simm.s32 $0x17AA0;
	v20 =	vld.idx.msk [tilespmem:v1+s26+$0x0], $0xffff;
	(erf) = vpow2.f32 v11;
	v13 =	vadd.f32 v13, v19;
	v11 =	vpop (erf)  }
0x3cb: {  	v14 =	vld.idx.msk [tilespmem:v3+s26+$0x0], $0xffff;
	v19 =	vmul.f32 $2.000000030e-01, v6;
	[tilespmem:s21+$0x20] =	vst v11  }
0x3cc: {  	[tilespmem:v5+s30+$0x0] =	vst.idx.add.f32.msk $0xffff, v11;
	v5 =	vmul.f32 $2.000000030e-01, v13  }
0x3cd: {  	v2 =	vand.u32 $0xFFFF, v18;
	v17 =	vld.idx.msk [tilespmem:v4+s26+$0x0], $0xffff;
	v6 =	vmax.f32 v6, v19  }
0x3ce: {  	s20 =	simm.s32 $0x16240;
	v18 =	vshra.s32 v18, $0x10;
	v11 =	vld.idx.msk [tilespmem:v16+s28+$0x0], $0xffff;
	v6 =	vsub.f32 $0.0e+00, v6;
	v5 =	vmax.f32 v13, v5  }
0x3cf: {  	v16 =	vld [tilespmem:s20+$0x20];
	v5 =	vsub.f32 $0.0e+00, v5  }
0x3d0: {  	v13 =	vld [tilespmem:s20+$0xFFFFFFF0];
	v6 =	vmul.f32 $1.442695020e+00, v6  }
0x3d1: {  	v22 =	vld [tilespmem:s20+$0x0];
	v21 =	vpop (erf);
	v5 =	vmul.f32 $1.442695020e+00, v5  }
0x3d2: {  	v24 =	vld [tilespmem:s20+$0xFFFFFFE0];
	v10 =	vadd.f32 v10, v20;
	v23 =	vpop (erf);
	(erf) = vpow2.f32 v6  }
0x3d3: {  	v18 =	vld.idx.msk [tilespmem:v18+s28+$0x0], $0xffff;
	[tilespmem:s21+$0xFFFFFFE0] =	vst v23;
	(erf) = vpow2.f32 v5  }
0x3d4: {  	[tilespmem:v8+s30+$0x0] =	vst.idx.add.f32.msk $0xffff, v23;
	v8 =	vadd.f32 v15, v14;
	v14 =	vmul.f32 $2.000000030e-01, v10;
	v6 =	vand.u32 $0xFFFF, v16  }
0x3d5: {  	v19 =	vld.idx.msk [tilespmem:v2+s26+$0x0], $0xffff;
	[tilespmem:s21+$0xFFFFFFF0] =	vst v21;
	v11 =	vadd.f32 v11, v17;
	v5 =	vand.u32 $0xFFFF, v13;
	v13 =	vshra.s32 v13, $0x10  }
0x3d6: {  	[tilespmem:v7+s30+$0x0] =	vst.idx.add.f32.msk $0xffff, v21;
	v26 =	vpop (erf);
	v16 =	vshra.s32 v16, $0x10;
	v15 =	vmul.f32 $2.000000030e-01, v8  }
0x3d7: {  	v25 =	vld [tilespmem:s20+$0x10];
	v7 =	vmax.f32 v10, v14;
	v17 =	vshra.s32 v24, $0x10;
	[tilespmem:s21+$0x0] =	vst v26;
	v10 =	vmul.f32 $2.000000030e-01, v11  }
0x3d8: {  	v14 =	vsub.f32 $0.0e+00, v7;
	[tilespmem:v9+s30+$0x0] =	vst.idx.add.f32.msk $0xffff, v26  }
0x3d9: {  	v9 =	vand.u32 $0xFFFF, v24;
	v15 =	vmax.f32 v8, v15;
	v20 =	vld.idx.msk [tilespmem:v6+s26+$0x0], $0xffff  }
0x3da: {  	v15 =	vsub.f32 $0.0e+00, v15;
	v11 =	vmax.f32 v11, v10;
	v23 =	vld.idx.msk [tilespmem:v13+s28+$0x0], $0xffff;
	v13 =	vmul.f32 $1.442695020e+00, v14  }
0x3db: {  	v21 =	vshra.s32 v22, $0x10;
	v18 =	vadd.f32 v18, v19;
	v16 =	vld.idx.msk [tilespmem:v16+s28+$0x0], $0xffff;
	v11 =	vsub.f32 $0.0e+00, v11;
	v10 =	vpop (erf)  }
0x3dc: {  	v7 =	vand.u32 $0xFFFF, v22;
	v62 =	vmul.f32 $1.442695020e+00, v15;
	v15 =	vld.idx.msk [tilespmem:v17+s28+$0x0], $0xffff;
	v17 =	vpop (erf);
	(erf) = vpow2.f32 v13  }
0x3dd: {  	v19 =	vmul.f32 $2.000000030e-01, v18;
	v63 =	vmul.f32 $1.442695020e+00, v11  }
0x3de: {  	v8 =	vand.u32 $0xFFFF, v25;
	v22 =	vld.idx.msk [tilespmem:v5+s26+$0x0], $0xffff;
	(erf) = vpow2.f32 v62  }
0x3df: {  	v14 =	vld.idx.msk [tilespmem:v9+s26+$0x0], $0xffff;
	v11 =	vmax.f32 v18, v19;
	(erf) = vpow2.f32 v63  }
0x3e0: {  	s19 =	simm.s32 $0x17AF0;
	v19 =	vsub.f32 $0.0e+00, v11;
	v18 =	vadd.f32 v16, v20;
	v16 =	vld.idx.msk [tilespmem:v21+s28+$0x0], $0xffff  }
0x3e1: {  	v13 =	vld.idx.msk [tilespmem:v7+s26+$0x0], $0xffff;
	[tilespmem:s19+$0x20] =	vst v17  }
0x3e2: {  	v19 =	vmul.f32 $1.442695020e+00, v19;
	[tilespmem:v12+s30+$0x0] =	vst.idx.add.f32.msk $0xffff, v17  }
0x3e3: {  	s20 =	simm.s32 $0xA;
	v11 =	vshra.s32 v25, $0x10;
	[tilespmem:s21+$0x10] =	vst v10;
	s21 =	simm.s32 $0x16290;
	v20 =	vmul.f32 $2.000000030e-01, v18;
	v17 =	vadd.f32 v23, v22;
	v12 =	vld.idx.msk [tilespmem:v8+s26+$0x0], $0xffff  }
.LBB2_23:
0x3e4: {  	v21 =	vld [tilespmem:s21+$0x20];
	(erf) = vpow2.f32 v19  }
0x3e5: {  	v14 =	vadd.f32 v15, v14;
	v19 =	vld [tilespmem:s21+$0xFFFFFFF0];
	v15 =	vmul.f32 $2.000000030e-01, v17;
	v18 =	vmax.f32 v18, v20;
	v20 =	vpop (erf)  }
0x3e6: {  	s20 =	sadd.s32 $0x5, s20;
	v22 =	vld [tilespmem:s21+$0x0];
	v26 =	vsub.f32 $0.0e+00, v18;
	[tilespmem:s19+$0xFFFFFFF0] =	vst v20  }
0x3e7: {  	p1 =	slt.u32 s20, $0x78;
	v24 =	vmul.f32 $2.000000030e-01, v14;
	v23 =	vld [tilespmem:s21+$0x10];
	v15 =	vmax.f32 v17, v15;
	v17 =	vpop (erf)  }
0x3e8: {  	v13 =	vadd.f32 v16, v13;
	v25 =	vld [tilespmem:s21+$0xFFFFFFE0];
	v15 =	vsub.f32 $0.0e+00, v15;
	v16 =	vmul.f32 $1.442695020e+00, v26;
	[tilespmem:s19+$0xFFFFFFE0] =	vst v17;
	v18 =	vpop (erf)  }
0x3e9: {  	v14 =	vmax.f32 v14, v24;
	v26 =	vand.u32 $0xFFFF, v21;
	v24 =	vld.idx.msk [tilespmem:v11+s28+$0x0], $0xffff;
	[tilespmem:s19+$0x0] =	vst v18  }
0x3ea: {  	v21 =	vshra.s32 v21, $0x10;
	v27 =	vshra.s32 v19, $0x10;
	(erf) = vpow2.f32 v16;
	[tilespmem:v3+s30+$0x0] =	vst.idx.add.f32.msk $0xffff, v17;
	v3 =	vmovc v9  }
0x3eb: {  	v16 =	vshra.s32 v22, $0x10;
	v9 =	vand.u32 $0xFFFF, v22;
	[tilespmem:v1+s30+$0x0] =	vst.idx.add.f32.msk $0xffff, v20;
	v1 =	vmovc v5;
	v5 =	vand.u32 $0xFFFF, v19  }
0x3ec: {  	v19 =	vmul.f32 $2.000000030e-01, v13;
	v11 =	vshra.s32 v23, $0x10;
	v17 =	vand.u32 $0xFFFF, v23;
	[tilespmem:v4+s30+$0x0] =	vst.idx.add.f32.msk $0xffff, v18;
	v4 =	vmovc v7;
	v7 =	vmovc v9  }
0x3ed: {  	v14 =	vsub.f32 $0.0e+00, v14;
	v18 =	vshra.s32 v25, $0x10;
	v9 =	vand.u32 $0xFFFF, v25;
	[tilespmem:v0+s30+$0x0] =	vst.idx.add.f32.msk $0xffff, v10;
	v10 =	vpop (erf)  }
0x3ee: {  	v15 =	vmul.f32 $1.442695020e+00, v15;
	v13 =	vmax.f32 v13, v19;
	v0 =	vmovc v2;
	v2 =	vmov v8;
	v20 =	vld.idx.msk [tilespmem:v26+s26+$0x0], $0xffff;
	[tilespmem:s19+$0x10] =	vst v10  }
0x3ef: {  	v8 =	vmovc v17;
	v13 =	vsub.f32 $0.0e+00, v13;
	v12 =	vadd.f32 v24, v12;
	v19 =	vld.idx.msk [tilespmem:v21+s28+$0x0], $0xffff;
	v21 =	vmul.f32 $1.442695020e+00, v14  }
0x3f0: {  	v17 =	vld.idx.msk [tilespmem:v5+s26+$0x0], $0xffff;
	(erf) = vpow2.f32 v15  }
0x3f1: {  	v13 =	vmul.f32 $1.442695020e+00, v13;
	v23 =	vmul.f32 $2.000000030e-01, v12;
	v22 =	vld.idx.msk [tilespmem:v27+s28+$0x0], $0xffff  }
0x3f2: {  	v14 =	vld.idx.msk [tilespmem:v9+s26+$0x0], $0xffff;
	(erf) = vpow2.f32 v21  }
.Ltmp10:
0x3f3: {  	s19 =	sadd.s32 $0x50, s19;
	v12 =	vmax.f32 v12, v23;
	v15 =	vld.idx.msk [tilespmem:v18+s28+$0x0], $0xffff;
	(erf) = vpow2.f32 v13;
	v21 =	vpop (erf);
	(pc) =	sbr.rel @p1 .LBB2_23-.Ltmp10, $4  }
0x3f4: {  	v12 =	vsub.f32 $0.0e+00, v12;
	v13 =	vld.idx.msk [tilespmem:v7+s26+$0x0], $0xffff;
	[tilespmem:s19+$0x20] =	vst v21  }
0x3f5: {  	v18 =	vadd.f32 v19, v20;
	[tilespmem:v6+s30+$0x0] =	vst.idx.add.f32.msk $0xffff, v21;
	v6 =	vmov v26  }
0x3f6: {  	v19 =	vmul.f32 $1.442695020e+00, v12;
	v16 =	vld.idx.msk [tilespmem:v16+s28+$0x0], $0xffff  }
0x3f7: {  	s21 =	sadd.s32 $0x50, s21;
	v17 =	vadd.f32 v22, v17;
	v20 =	vmul.f32 $2.000000030e-01, v18;
	v12 =	vld.idx.msk [tilespmem:v8+s26+$0x0], $0xffff  }
0x3f8: {  	_ =	sdelay $0x3  }
0x3f9: {  	v14 =	vadd.f32 v15, v14;
	v11 =	vld.idx.msk [tilespmem:v11+s28+$0x0], $0xffff  }
0x3fa: {  	v48 =	vmul.f32 $2.000000030e-01, v17;
	v18 =	vmax.f32 v18, v20  }
0x3fb: {  	v49 =	vsub.f32 $0.0e+00, v18;
	v50 =	vmul.f32 $2.000000030e-01, v14  }
0x3fc: {  	(erf) = vpow2.f32 v19;
	v13 =	vadd.f32 v16, v13;
	v15 =	vmax.f32 v17, v48  }
0x3fd: {  	v15 =	vsub.f32 $0.0e+00, v15;
	v16 =	vmul.f32 $1.442695020e+00, v49;
	v14 =	vmax.f32 v14, v50  }
0x3fe: {  	v51 =	vmul.f32 $2.000000030e-01, v13;
	v14 =	vsub.f32 $0.0e+00, v14;
	v11 =	vadd.f32 v11, v12  }
0x3ff: {  	v15 =	vmul.f32 $1.442695020e+00, v15;
	(erf) = vpow2.f32 v16  }
0x400: {  	[tilespmem:v0+s30+$0x0] =	vst.idx.add.f32.msk $0xffff, v10;
	v52 =	vpop (erf);
	v13 =	vmax.f32 v13, v51;
	v14 =	vmul.f32 $1.442695020e+00, v14;
	v54 =	vmul.f32 $2.000000030e-01, v11  }
0x401: {  	[tilespmem:s19+$0xFFFFFFF0] =	vst v52;
	v53 =	vpop (erf);
	v13 =	vsub.f32 $0.0e+00, v13;
	(erf) = vpow2.f32 v15  }
0x402: {  	[tilespmem:v1+s30+$0x0] =	vst.idx.add.f32.msk $0xffff, v52;
	v55 =	vpop (erf);
	(erf) = vpow2.f32 v14;
	v11 =	vmax.f32 v11, v54  }
0x403: {  	[tilespmem:s19+$0xFFFFFFE0] =	vst v53;
	v13 =	vmul.f32 $1.442695020e+00, v13;
	v56 =	vsub.f32 $0.0e+00, v11  }
0x404: {  	[tilespmem:s19+$0x0] =	vst v55  }
0x405: {  	[tilespmem:v3+s30+$0x0] =	vst.idx.add.f32.msk $0xffff, v53;
	(erf) = vpow2.f32 v13;
	v57 =	vmul.f32 $1.442695020e+00, v56  }
0x406: {  	[tilespmem:v4+s30+$0x0] =	vst.idx.add.f32.msk $0xffff, v55;
	v58 =	vpop (erf)  }
0x407: {  	[tilespmem:s19+$0x10] =	vst v58;
	(erf) = vpow2.f32 v57  }
0x408: {  	s21 =	sadd.s32 $0x50, s19;
	[tilespmem:v2+s30+$0x0] =	vst.idx.add.f32.msk $0xffff, v58;
	v59 =	vpop (erf)  }
0x409: {  	[tilespmem:s21+$0x20] =	vst v59  }
0x40a: {  	[tilespmem:v6+s30+$0x0] =	vst.idx.add.f32.msk $0xffff, v59;
	v60 =	vpop (erf)  }
0x40b: {  	[tilespmem:s21+$0xFFFFFFF0] =	vst v60;
	v61 =	vpop (erf)  }
0x40c: {  	[tilespmem:s21+$0xFFFFFFE0] =	vst v61  }
0x40d: {  	[tilespmem:v5+s30+$0x0] =	vst.idx.add.f32.msk $0xffff, v60  }
0x40e: {  	[tilespmem:v9+s30+$0x0] =	vst.idx.add.f32.msk $0xffff, v61;
	v62 =	vpop (erf)  }
0x40f: {  	[tilespmem:s21+$0x0] =	vst v62  }
0x410: {  	s17 =	sadd.s32 $0x1, s17;
	[tilespmem:v7+s30+$0x0] =	vst.idx.add.f32.msk $0xffff, v62;
	v63 =	vpop (erf)  }
0x411: {  	p1 =	sne.s32 s17, $0xA;
	[tilespmem:s21+$0x10] =	vst v63  }
.Ltmp11:
0x412: {  	s18 =	sadd.s32 s18, s3;
	[tilespmem:v8+s30+$0x0] =	vst.idx.add.f32.msk $0xffff, v63;
	(pc) =	sbr.rel @p1 .LBB2_22-.Ltmp11, $4  }
0x413: {  	[spmem:s18] =	stream.linear.scatter [tilespmem:s0], [sflag:$0x5], $0x7D0, $0x38;
	[tilespmem:$0x1E1A0] =	vst v63  }
0x414: {  	_ =	swait.ge [sflag:s25], $0x7D0  }
0x415: {  	[sflag:s25] =	ssyncset.done $0x0  }
0x416: {  	[sflag:s25] =	ssyncadd.s32 $0xFFFFF830  }
0x417: {  	s17 =	simm.s32 @!p0 $0x0;
	s18 =	simm.s32 @!p0 $0x13A00;
	s19 =	rddreg [dreg:$0x12]  }
0x418: {  	[hbm4b:s19+s17] =	stream.linear.scatter @!p0 [tilespmem:s18], [sflag:$0x5], $0x2710, $0x38;
	[tilespmem:$0x1E1A0] =	vst v63  }
0x419: {  	s17 =	simm.s32 @!p0 $0x5  }
0x41a: {  	_ =	swait.ge @!p0 [sflag:s17], $0x2710  }
0x41b: {  	[sflag:s17] =	ssyncset.done @!p0 $0x0  }
0x41c: {  	[sflag:s17] =	ssyncadd.s32 @!p0 $0xFFFFD8F0  }
0x41d: {  	s17 =	simm.s32 $0x0;
	[bflag:$0x0] =	sbarrier.arrive $0xFFFF  }
0x41e: {  	[tilespmem:s31], [sflag:$0x1] =	stream.linear.gather [hbm4b:s23+s17], $0xC80, $0x38;
	[tilespmem:$0x1E1A0] =	vst v63  }
0x41f: {  	_ = 	snop  }
0x420: {  	[tilespmem:s0], [sflag:$0x3] =	stream.linear.gather [spmem:s3], $0xC80, $0x38;
	[tilespmem:$0x1E1A0] =	vst v63  }
.LBB2_26:
0x421: {  	_ =	swait.ge [sflag:s2], $0xC80  }
0x422: {  	s18 =	smul.u32 $0x1900, s17;
	[sflag:s2] =	ssyncset.done $0x0  }
0x423: {  	[sflag:s2] =	ssyncadd.s32 $0xFFFFF380  }
0x424: {  	s19 =	sshrl.u32 s18, $0x3;
	_ =	swait.ge [sflag:s5], $0xC80  }
0x425: {  	s19 =	sadd.s32 s1, s19;
	[sflag:s5] =	ssyncset.done $0x0  }
0x426: {  	s18 =	sadd.s32 s18, s3;
	s19 =	sadd.s32 $0x13A10, s19;
	[sflag:s5] =	ssyncadd.s32 $0xFFFFF380  }
0x427: {  	[tilespmem:s6], [sflag:$0x2] =	stream.linear.gather [hbm4b:s19+s4], $0xC80, $0x38;
	[tilespmem:$0x1E1A0] =	vst v63  }
0x428: {  	s21 =	simm.s32 $0x161C0;
	s18 =	sadd.s32 $0xC80, s18  }
0x429: {  	[tilespmem:s9], [sflag:$0x4] =	stream.linear.gather [spmem:s18], $0xC80, $0x38;
	[tilespmem:$0x1E1A0] =	vst v63  }
0x42a: {  	v0 =	vld [tilespmem:s21+$0x30]  }
0x42b: {  	v1 =	vld [tilespmem:s21+$0xFFFFFFD0]  }
0x42c: {  	v2 =	vld [tilespmem:s21+$0xFFFFFFE0]  }
0x42d: {  	v3 =	vld [tilespmem:s21+$0xFFFFFFF0]  }
0x42e: {  	v4 =	vld [tilespmem:s21+$0x0]  }
0x42f: {  	v6 =	vld [tilespmem:s21+$0x10]  }
0x430: {  	v8 =	vld [tilespmem:s21+$0xFFFFFFC0]  }
0x431: {  	s18 =	simm.s32 $0x17AC0;
	v9 =	vld [tilespmem:s21+$0x20];
	v5 =	vshra.s32 v0, $0x10  }
0x432: {  	v17 =	vld [tilespmem:s18+$0x30]  }
0x433: {  	v55 =	vld [tilespmem:s18+$0xFFFFFFC0]  }
0x434: {  	v56 =	vld [tilespmem:s18+$0xFFFFFFD0]  }
0x435: {  	v26 =	vld [tilespmem:s18+$0xFFFFFFE0]  }
0x436: {  	v7 =	vshra.s32 v1, $0x10;
	v13 =	vld.idx.msk [tilespmem:v5+s4+$0x0], $0xffff  }
0x437: {  	v27 =	vld [tilespmem:s18+$0xFFFFFFF0];
	v11 =	vshra.s32 v3, $0x10  }
0x438: {  	v29 =	vld [tilespmem:s18+$0x0];
	v16 =	vshra.s32 v8, $0x10  }
0x439: {  	v30 =	vld [tilespmem:s18+$0x10];
	v0 =	vand.u32 $0xFFFF, v0  }
0x43a: {  	v33 =	vld [tilespmem:s18+$0x20]  }
0x43b: {  	v15 =	vld.idx.msk [tilespmem:v7+s4+$0x0], $0xffff;
	v23 =	vunpack.i.l.bf16.f32 v13  }
0x43c: {  	v10 =	vshra.s32 v2, $0x10;
	v20 =	vld.idx.msk [tilespmem:v11+s4+$0x0], $0xffff;
	v13 =	vunpack.i.u.bf16.f32 v13;
	v23 =	vmul.f32 v23, v17  }
0x43d: {  	v12 =	vshra.s32 v4, $0x10;
	v24 =	vld.idx.msk [tilespmem:v16+s4+$0x0], $0xffff;
	v13 =	vmul.f32 v13, v17  }
0x43e: {  	v14 =	vshra.s32 v6, $0x10;
	[tilespmem:v0+s29+$0x0] =	vst.idx.add.f32.msk $0xffff, v23  }
0x43f: {  	v18 =	vshra.s32 v9, $0x10;
	[tilespmem:v0+s10+$0x0] =	vst.idx.add.f32.msk $0xffff, v13  }
0x440: {  	v8 =	vand.u32 $0xFFFF, v8;
	v5 =	vld.idx.msk [tilespmem:v5+s11+$0x0], $0xffff  }
0x441: {  	v32 =	vand.u32 $0xFFFF, v1;
	v19 =	vld.idx.msk [tilespmem:v10+s4+$0x0], $0xffff  }
0x442: {  	v3 =	vand.u32 $0xFFFF, v3;
	v21 =	vld.idx.msk [tilespmem:v12+s4+$0x0], $0xffff;
	v28 =	vunpack.i.l.bf16.f32 v24  }
0x443: {  	v22 =	vld.idx.msk [tilespmem:v14+s4+$0x0], $0xffff;
	v57 =	vunpack.i.l.bf16.f32 v15;
	v28 =	vmul.f32 v28, v55  }
0x444: {  	v59 =	vand.u32 $0xFFFF, v4;
	v25 =	vld.idx.msk [tilespmem:v18+s4+$0x0], $0xffff;
	v4 =	vunpack.i.l.bf16.f32 v20;
	v58 =	vmul.f32 v57, v56  }
0x445: {  	v4 =	vmul.f32 v4, v27;
	[tilespmem:v8+s29+$0x0] =	vst.idx.add.f32.msk $0xffff, v28;
	v31 =	vunpack.i.l.bf16.f32 v5  }
0x446: {  	[tilespmem:v32+s29+$0x0] =	vst.idx.add.f32.msk $0xffff, v58;
	v1 =	vunpack.i.u.bf16.f32 v5;
	v5 =	vmul.f32 v31, v17  }
0x447: {  	v2 =	vand.u32 $0xFFFF, v2;
	v24 =	vunpack.i.u.bf16.f32 v24;
	[tilespmem:v3+s29+$0x0] =	vst.idx.add.f32.msk $0xffff, v4;
	v1 =	vmul.f32 v1, v17  }
0x448: {  	v24 =	vmul.f32 v24, v55;
	[tilespmem:v0+s12+$0x0] =	vst.idx.add.f32.msk $0xffff, v5;
	v5 =	vunpack.i.u.bf16.f32 v15  }
0x449: {  	[tilespmem:v0+s13+$0x0] =	vst.idx.add.f32.msk $0xffff, v1;
	v0 =	vunpack.i.l.bf16.f32 v19;
	v1 =	vmul.f32 v5, v56  }
0x44a: {  	[tilespmem:v8+s10+$0x0] =	vst.idx.add.f32.msk $0xffff, v24;
	v5 =	vunpack.i.u.bf16.f32 v19;
	v0 =	vmul.f32 v0, v26  }
0x44b: {  	v5 =	vmul.f32 v5, v26;
	[tilespmem:v32+s10+$0x0] =	vst.idx.add.f32.msk $0xffff, v1;
	v1 =	vunpack.i.u.bf16.f32 v20  }
0x44c: {  	[tilespmem:v2+s29+$0x0] =	vst.idx.add.f32.msk $0xffff, v0;
	v0 =	vand.u32 $0xFFFF, v6;
	v6 =	vunpack.i.l.bf16.f32 v21;
	v60 =	vmul.f32 v1, v27  }
0x44d: {  	[tilespmem:v2+s10+$0x0] =	vst.idx.add.f32.msk $0xffff, v5;
	v5 =	vunpack.i.u.bf16.f32 v21;
	v6 =	vmul.f32 v6, v29  }
0x44e: {  	v1 =	vand.u32 $0xFFFF, v9;
	v5 =	vmul.f32 v5, v29;
	[tilespmem:v3+s10+$0x0] =	vst.idx.add.f32.msk $0xffff, v60  }
0x44f: {  	v4 =	vunpack.i.l.bf16.f32 v22;
	[tilespmem:v59+s29+$0x0] =	vst.idx.add.f32.msk $0xffff, v6  }
0x450: {  	v4 =	vmul.f32 v4, v30;
	v6 =	vunpack.i.l.bf16.f32 v25;
	[tilespmem:v59+s10+$0x0] =	vst.idx.add.f32.msk $0xffff, v5  }
0x451: {  	v5 =	vmul.f32 v6, v33;
	v6 =	vld.idx.msk [tilespmem:v10+s11+$0x0], $0xffff  }
0x452: {  	[tilespmem:v0+s29+$0x0] =	vst.idx.add.f32.msk $0xffff, v4;
	v4 =	vunpack.i.u.bf16.f32 v25  }
0x453: {  	v4 =	vmul.f32 v4, v33;
	[tilespmem:v1+s29+$0x0] =	vst.idx.add.f32.msk $0xffff, v5  }
0x454: {  	v9 =	vunpack.i.u.bf16.f32 v22;
	v5 =	vld.idx.msk [tilespmem:v16+s11+$0x0], $0xffff  }
0x455: {  	v9 =	vmul.f32 v9, v30;
	[tilespmem:v1+s10+$0x0] =	vst.idx.add.f32.msk $0xffff, v4  }
0x456: {  	v4 =	vld.idx.msk [tilespmem:v7+s11+$0x0], $0xffff  }
0x457: {  	[tilespmem:v0+s10+$0x0] =	vst.idx.add.f32.msk $0xffff, v9  }
0x458: {  	v9 =	vld.idx.msk [tilespmem:v12+s11+$0x0], $0xffff  }
0x459: {  	v7 =	vld.idx.msk [tilespmem:v11+s11+$0x0], $0xffff;
	v10 =	vunpack.i.l.bf16.f32 v5  }
0x45a: {  	v11 =	vld.idx.msk [tilespmem:v14+s11+$0x0], $0xffff;
	v5 =	vunpack.i.u.bf16.f32 v5;
	v10 =	vmul.f32 v10, v55  }
0x45b: {  	v61 =	vld.idx.msk [tilespmem:v18+s11+$0x0], $0xffff;
	v5 =	vmul.f32 v5, v55;
	v62 =	vunpack.i.l.bf16.f32 v4  }
0x45c: {  	v4 =	vunpack.i.u.bf16.f32 v4;
	[tilespmem:v8+s12+$0x0] =	vst.idx.add.f32.msk $0xffff, v10;
	v10 =	vmul.f32 v62, v56  }
0x45d: {  	v63 =	vunpack.i.l.bf16.f32 v6;
	v4 =	vmul.f32 v4, v56;
	[tilespmem:v8+s13+$0x0] =	vst.idx.add.f32.msk $0xffff, v5  }
0x45e: {  	v5 =	vunpack.i.u.bf16.f32 v6;
	v6 =	vmul.f32 v63, v26;
	[tilespmem:v32+s12+$0x0] =	vst.idx.add.f32.msk $0xffff, v10  }
0x45f: {  	v8 =	vunpack.i.l.bf16.f32 v7;
	[tilespmem:v32+s13+$0x0] =	vst.idx.add.f32.msk $0xffff, v4;
	v4 =	vmul.f32 v5, v26  }
0x460: {  	v5 =	vunpack.i.u.bf16.f32 v7;
	[tilespmem:v2+s12+$0x0] =	vst.idx.add.f32.msk $0xffff, v6;
	v6 =	vmul.f32 v8, v27  }
0x461: {  	v7 =	vunpack.i.l.bf16.f32 v9;
	v5 =	vmul.f32 v5, v27;
	[tilespmem:v2+s13+$0x0] =	vst.idx.add.f32.msk $0xffff, v4  }
0x462: {  	v10 =	vunpack.i.u.bf16.f32 v61;
	v7 =	vmul.f32 v7, v29;
	v2 =	vunpack.i.u.bf16.f32 v9;
	[tilespmem:v3+s12+$0x0] =	vst.idx.add.f32.msk $0xffff, v6  }
0x463: {  	v4 =	vunpack.i.u.bf16.f32 v11;
	v6 =	vunpack.i.l.bf16.f32 v11;
	v11 =	vmul.f32 v2, v29;
	[tilespmem:v3+s13+$0x0] =	vst.idx.add.f32.msk $0xffff, v5  }
0x464: {  	v2 =	vunpack.i.l.bf16.f32 v61;
	v9 =	vmul.f32 v6, v30;
	v8 =	vmul.f32 v4, v30;
	[tilespmem:v59+s12+$0x0] =	vst.idx.add.f32.msk $0xffff, v7  }
0x465: {  	s20 =	simm.s32 $0x16240;
	s19 =	simm.s32 $0x0;
	v4 =	vmul.f32 v2, v33;
	v2 =	vmul.f32 v10, v33;
	[tilespmem:v59+s13+$0x0] =	vst.idx.add.f32.msk $0xffff, v11  }
.LBB2_27:
0x466: {  	v11 =	vld [tilespmem:s20+$0x30]  }
0x467: {  	v3 =	vld [tilespmem:s20+$0xFFFFFFD0]  }
0x468: {  	s19 =	sadd.s32 $0x8, s19;
	v5 =	vld [tilespmem:s20+$0xFFFFFFE0]  }
0x469: {  	p1 =	slt.u32 s19, $0xC0;
	v12 =	vld [tilespmem:s20+$0xFFFFFFF0]  }
0x46a: {  	v13 =	vld [tilespmem:s20+$0x0]  }
0x46b: {  	v14 =	vld [tilespmem:s20+$0x10];
	v15 =	vshra.s32 v11, $0x10  }
0x46c: {  	v7 =	vand.u32 $0xFFFF, v3;
	v10 =	vshra.s32 v3, $0x10;
	v16 =	vld [tilespmem:s20+$0x20]  }
0x46d: {  	v17 =	vld [tilespmem:s20+$0xFFFFFFC0];
	v6 =	vand.u32 $0xFFFF, v5;
	v18 =	vshra.s32 v5, $0x10  }
0x46e: {  	v5 =	vand.u32 $0xFFFF, v12;
	v12 =	vshra.s32 v12, $0x10;
	[tilespmem:v0+s12+$0x0] =	vst.idx.add.f32.msk $0xffff, v9  }
0x46f: {  	v3 =	vand.u32 $0xFFFF, v13;
	v13 =	vshra.s32 v13, $0x10;
	[tilespmem:v0+s13+$0x0] =	vst.idx.add.f32.msk $0xffff, v8  }
0x470: {  	v0 =	vand.u32 $0xFFFF, v14;
	v14 =	vshra.s32 v14, $0x10;
	v19 =	vld.idx.msk [tilespmem:v15+s4+$0x0], $0xffff  }
0x471: {  	s18 =	sadd.s32 $0x80, s18;
	v20 =	vld.idx.msk [tilespmem:v10+s4+$0x0], $0xffff;
	v9 =	vand.u32 $0xFFFF, v16;
	v16 =	vshra.s32 v16, $0x10  }
0x472: {  	v8 =	vand.u32 $0xFFFF, v17;
	v17 =	vshra.s32 v17, $0x10;
	v21 =	vld [tilespmem:s18+$0x30]  }
0x473: {  	v22 =	vld.idx.msk [tilespmem:v18+s4+$0x0], $0xffff  }
0x474: {  	v11 =	vand.u32 $0xFFFF, v11;
	v23 =	vld.idx.msk [tilespmem:v12+s4+$0x0], $0xffff  }
0x475: {  	v24 =	vld.idx.msk [tilespmem:v13+s4+$0x0], $0xffff  }
0x476: {  	v26 =	vunpack.i.l.bf16.f32 v19;
	v25 =	vld.idx.msk [tilespmem:v14+s4+$0x0], $0xffff  }
0x477: {  	v19 =	vunpack.i.u.bf16.f32 v19;
	v28 =	vunpack.i.u.bf16.f32 v20;
	v27 =	vld.idx.msk [tilespmem:v17+s4+$0x0], $0xffff;
	v26 =	vmul.f32 v26, v21  }
0x478: {  	v20 =	vunpack.i.l.bf16.f32 v20;
	v19 =	vmul.f32 v19, v21;
	v29 =	vld.idx.msk [tilespmem:v16+s4+$0x0], $0xffff  }
0x479: {  	v30 =	vunpack.i.u.bf16.f32 v22;
	v22 =	vunpack.i.l.bf16.f32 v22;
	[tilespmem:v11+s29+$0x0] =	vst.idx.add.f32.msk $0xffff, v26  }
0x47a: {  	v26 =	vunpack.i.u.bf16.f32 v23;
	v23 =	vunpack.i.l.bf16.f32 v23;
	[tilespmem:v11+s10+$0x0] =	vst.idx.add.f32.msk $0xffff, v19  }
0x47b: {  	v19 =	vunpack.i.u.bf16.f32 v24;
	v24 =	vunpack.i.l.bf16.f32 v24;
	v15 =	vld.idx.msk [tilespmem:v15+s11+$0x0], $0xffff  }
0x47c: {  	v32 =	vunpack.i.u.bf16.f32 v25;
	v25 =	vunpack.i.l.bf16.f32 v25;
	v31 =	vld [tilespmem:s18+$0xFFFFFFC0]  }
0x47d: {  	v33 =	vunpack.i.u.bf16.f32 v27;
	v27 =	vunpack.i.l.bf16.f32 v27;
	v34 =	vld [tilespmem:s18+$0xFFFFFFD0]  }
0x47e: {  	v36 =	vunpack.i.u.bf16.f32 v29;
	v29 =	vunpack.i.l.bf16.f32 v29;
	v35 =	vld [tilespmem:s18+$0xFFFFFFE0]  }
0x47f: {  	v37 =	vld [tilespmem:s18+$0xFFFFFFF0]  }
0x480: {  	v38 =	vld [tilespmem:s18+$0x0]  }
0x481: {  	v40 =	vunpack.i.l.bf16.f32 v15;
	v27 =	vmul.f32 v27, v31;
	v33 =	vmul.f32 v33, v31;
	v39 =	vld [tilespmem:s18+$0x10]  }
0x482: {  	v15 =	vunpack.i.u.bf16.f32 v15;
	v40 =	vmul.f32 v40, v21;
	v20 =	vmul.f32 v20, v34;
	v41 =	vld [tilespmem:s18+$0x20]  }
0x483: {  	v15 =	vmul.f32 v15, v21;
	[tilespmem:v8+s29+$0x0] =	vst.idx.add.f32.msk $0xffff, v27;
	v27 =	vmul.f32 v28, v34  }
0x484: {  	v21 =	vmul.f32 v22, v35;
	v22 =	vmul.f32 v30, v35;
	[tilespmem:v11+s12+$0x0] =	vst.idx.add.f32.msk $0xffff, v40  }
0x485: {  	v23 =	vmul.f32 v23, v37;
	v26 =	vmul.f32 v26, v37;
	[tilespmem:v11+s13+$0x0] =	vst.idx.add.f32.msk $0xffff, v15  }
0x486: {  	v11 =	vmul.f32 v24, v38;
	v15 =	vmul.f32 v19, v38;
	[tilespmem:v8+s10+$0x0] =	vst.idx.add.f32.msk $0xffff, v33  }
0x487: {  	v19 =	vmul.f32 v25, v39;
	[tilespmem:v7+s29+$0x0] =	vst.idx.add.f32.msk $0xffff, v20;
	v20 =	vmul.f32 v32, v39  }
0x488: {  	v24 =	vmul.f32 v29, v41;
	v25 =	vmul.f32 v36, v41;
	[tilespmem:v7+s10+$0x0] =	vst.idx.add.f32.msk $0xffff, v27  }
0x489: {  	[tilespmem:v6+s29+$0x0] =	vst.idx.add.f32.msk $0xffff, v21  }
0x48a: {  	[tilespmem:v6+s10+$0x0] =	vst.idx.add.f32.msk $0xffff, v22  }
0x48b: {  	[tilespmem:v5+s29+$0x0] =	vst.idx.add.f32.msk $0xffff, v23  }
0x48c: {  	[tilespmem:v5+s10+$0x0] =	vst.idx.add.f32.msk $0xffff, v26  }
0x48d: {  	[tilespmem:v3+s29+$0x0] =	vst.idx.add.f32.msk $0xffff, v11  }
0x48e: {  	[tilespmem:v3+s10+$0x0] =	vst.idx.add.f32.msk $0xffff, v15  }
0x48f: {  	[tilespmem:v0+s29+$0x0] =	vst.idx.add.f32.msk $0xffff, v19  }
0x490: {  	[tilespmem:v0+s10+$0x0] =	vst.idx.add.f32.msk $0xffff, v20  }
0x491: {  	[tilespmem:v9+s29+$0x0] =	vst.idx.add.f32.msk $0xffff, v24  }
0x492: {  	[tilespmem:v9+s10+$0x0] =	vst.idx.add.f32.msk $0xffff, v25  }
0x493: {  	v11 =	vld.idx.msk [tilespmem:v17+s11+$0x0], $0xffff  }
0x494: {  	v10 =	vld.idx.msk [tilespmem:v10+s11+$0x0], $0xffff  }
0x495: {  	v15 =	vld.idx.msk [tilespmem:v18+s11+$0x0], $0xffff  }
0x496: {  	v12 =	vld.idx.msk [tilespmem:v12+s11+$0x0], $0xffff  }
0x497: {  	v13 =	vld.idx.msk [tilespmem:v13+s11+$0x0], $0xffff  }
0x498: {  	v14 =	vld.idx.msk [tilespmem:v14+s11+$0x0], $0xffff  }
0x499: {  	v17 =	vunpack.i.u.bf16.f32 v11;
	v11 =	vunpack.i.l.bf16.f32 v11;
	v16 =	vld.idx.msk [tilespmem:v16+s11+$0x0], $0xffff  }
0x49a: {  	v11 =	vmul.f32 v11, v31;
	v18 =	vunpack.i.u.bf16.f32 v10;
	v10 =	vunpack.i.l.bf16.f32 v10;
	[tilespmem:v1+s12+$0x0] =	vst.idx.add.f32.msk $0xffff, v4  }
0x49b: {  	v4 =	vmul.f32 v17, v31;
	v17 =	vunpack.i.u.bf16.f32 v15;
	v15 =	vunpack.i.l.bf16.f32 v15;
	[tilespmem:v1+s13+$0x0] =	vst.idx.add.f32.msk $0xffff, v2;
	v1 =	vmovc v9  }
0x49c: {  	v2 =	vmul.f32 v10, v34;
	v9 =	vunpack.i.u.bf16.f32 v12;
	v10 =	vunpack.i.l.bf16.f32 v12;
	[tilespmem:v8+s12+$0x0] =	vst.idx.add.f32.msk $0xffff, v11  }
0x49d: {  	v11 =	vunpack.i.l.bf16.f32 v13;
	[tilespmem:v8+s13+$0x0] =	vst.idx.add.f32.msk $0xffff, v4;
	v4 =	vmul.f32 v18, v34;
	v8 =	vunpack.i.u.bf16.f32 v13  }
0x49e: {  	v12 =	vunpack.i.u.bf16.f32 v14;
	v13 =	vunpack.i.l.bf16.f32 v14;
	[tilespmem:v7+s12+$0x0] =	vst.idx.add.f32.msk $0xffff, v2;
	v2 =	vmul.f32 v15, v35  }
0x49f: {  	v14 =	vunpack.i.l.bf16.f32 v16;
	[tilespmem:v7+s13+$0x0] =	vst.idx.add.f32.msk $0xffff, v4;
	v4 =	vmul.f32 v17, v35;
	v7 =	vunpack.i.u.bf16.f32 v16  }
0x4a0: {  	[tilespmem:v6+s12+$0x0] =	vst.idx.add.f32.msk $0xffff, v2;
	v2 =	vmul.f32 v10, v37;
	v10 =	vmul.f32 v9, v37  }
.Ltmp12:
0x4a1: {  	[tilespmem:v6+s13+$0x0] =	vst.idx.add.f32.msk $0xffff, v4;
	v6 =	vmul.f32 v11, v38;
	v11 =	vmul.f32 v8, v38;
	(pc) =	sbr.rel @p1 .LBB2_27-.Ltmp12, $4  }
0x4a2: {  	v9 =	vmul.f32 v13, v39;
	v8 =	vmul.f32 v12, v39;
	[tilespmem:v5+s12+$0x0] =	vst.idx.add.f32.msk $0xffff, v2  }
0x4a3: {  	v4 =	vmul.f32 v14, v41;
	v2 =	vmul.f32 v7, v41;
	[tilespmem:v5+s13+$0x0] =	vst.idx.add.f32.msk $0xffff, v10  }
0x4a4: {  	[tilespmem:v3+s12+$0x0] =	vst.idx.add.f32.msk $0xffff, v6  }
0x4a5: {  	s20 =	sadd.s32 $0x80, s20;
	[tilespmem:v3+s13+$0x0] =	vst.idx.add.f32.msk $0xffff, v11  }
0x4a6: {  	_ =	sdelay $0x3  }
0x4a7: {  	[tilespmem:v0+s12+$0x0] =	vst.idx.add.f32.msk $0xffff, v9  }
0x4a8: {  	[tilespmem:v1+s12+$0x0] =	vst.idx.add.f32.msk $0xffff, v4  }
0x4a9: {  	[tilespmem:v0+s13+$0x0] =	vst.idx.add.f32.msk $0xffff, v8  }
0x4aa: {  	s18 =	sshll.u32 s17, $0x1;
	[tilespmem:v1+s13+$0x0] =	vst.idx.add.f32.msk $0xffff, v2  }
0x4ab: {  	s18 =	smin.u32 s18, $0x61;
	_ =	swait.ge [sflag:s14], $0xC80  }
0x4ac: {  	s18 =	smul.u32 $0xC80, s18;
	[sflag:s14] =	ssyncset.done $0x0  }
0x4ad: {  	[sflag:s14] =	ssyncadd.s32 $0xFFFFF380  }
0x4ae: {  	s19 =	sshrl.u32 s18, $0x3;
	_ =	swait.ge [sflag:s15], $0xC80  }
0x4af: {  	s19 =	sadd.s32 s1, s19;
	[sflag:s15] =	ssyncset.done $0x0  }
0x4b0: {  	s18 =	sadd.s32 s18, s3;
	s19 =	sadd.s32 $0x13BA0, s19;
	[sflag:s15] =	ssyncadd.s32 $0xFFFFF380  }
0x4b1: {  	[tilespmem:s31], [sflag:$0x1] =	stream.linear.gather [hbm4b:s19+s4], $0xC80, $0x38;
	[tilespmem:$0x1E1A0] =	vst v63  }
0x4b2: {  	s21 =	simm.s32 $0x16E40;
	s18 =	sadd.s32 $0x1900, s18  }
0x4b3: {  	[tilespmem:s0], [sflag:$0x3] =	stream.linear.gather [spmem:s18], $0xC80, $0x38;
	[tilespmem:$0x1E1A0] =	vst v63  }
0x4b4: {  	v0 =	vld [tilespmem:s21+$0x30]  }
0x4b5: {  	v1 =	vld [tilespmem:s21+$0xFFFFFFD0]  }
0x4b6: {  	v2 =	vld [tilespmem:s21+$0xFFFFFFE0]  }
0x4b7: {  	v3 =	vld [tilespmem:s21+$0xFFFFFFF0]  }
0x4b8: {  	v4 =	vld [tilespmem:s21+$0x0]  }
0x4b9: {  	v6 =	vld [tilespmem:s21+$0x10]  }
0x4ba: {  	v8 =	vld [tilespmem:s21+$0xFFFFFFC0]  }
0x4bb: {  	s18 =	simm.s32 $0x18740;
	v9 =	vld [tilespmem:s21+$0x20];
	v5 =	vshra.s32 v0, $0x10  }
0x4bc: {  	v17 =	vld [tilespmem:s18+$0x30]  }
0x4bd: {  	v55 =	vld [tilespmem:s18+$0xFFFFFFC0]  }
0x4be: {  	v56 =	vld [tilespmem:s18+$0xFFFFFFD0]  }
0x4bf: {  	v26 =	vld [tilespmem:s18+$0xFFFFFFE0]  }
0x4c0: {  	v7 =	vshra.s32 v1, $0x10;
	v13 =	vld.idx.msk [tilespmem:v5+s4+$0x0], $0xffff  }
0x4c1: {  	v27 =	vld [tilespmem:s18+$0xFFFFFFF0];
	v11 =	vshra.s32 v3, $0x10  }
0x4c2: {  	v29 =	vld [tilespmem:s18+$0x0];
	v16 =	vshra.s32 v8, $0x10  }
0x4c3: {  	v30 =	vld [tilespmem:s18+$0x10];
	v0 =	vand.u32 $0xFFFF, v0  }
0x4c4: {  	v33 =	vld [tilespmem:s18+$0x20]  }
0x4c5: {  	v15 =	vld.idx.msk [tilespmem:v7+s4+$0x0], $0xffff;
	v23 =	vunpack.i.l.bf16.f32 v13  }
0x4c6: {  	v10 =	vshra.s32 v2, $0x10;
	v20 =	vld.idx.msk [tilespmem:v11+s4+$0x0], $0xffff;
	v13 =	vunpack.i.u.bf16.f32 v13;
	v23 =	vmul.f32 v23, v17  }
0x4c7: {  	v12 =	vshra.s32 v4, $0x10;
	v24 =	vld.idx.msk [tilespmem:v16+s4+$0x0], $0xffff;
	v13 =	vmul.f32 v13, v17  }
0x4c8: {  	v14 =	vshra.s32 v6, $0x10;
	[tilespmem:v0+s29+$0x0] =	vst.idx.add.f32.msk $0xffff, v23  }
0x4c9: {  	v18 =	vshra.s32 v9, $0x10;
	[tilespmem:v0+s10+$0x0] =	vst.idx.add.f32.msk $0xffff, v13  }
0x4ca: {  	v8 =	vand.u32 $0xFFFF, v8;
	v5 =	vld.idx.msk [tilespmem:v5+s11+$0x0], $0xffff  }
0x4cb: {  	v32 =	vand.u32 $0xFFFF, v1;
	v19 =	vld.idx.msk [tilespmem:v10+s4+$0x0], $0xffff  }
0x4cc: {  	v3 =	vand.u32 $0xFFFF, v3;
	v21 =	vld.idx.msk [tilespmem:v12+s4+$0x0], $0xffff;
	v28 =	vunpack.i.l.bf16.f32 v24  }
0x4cd: {  	v22 =	vld.idx.msk [tilespmem:v14+s4+$0x0], $0xffff;
	v57 =	vunpack.i.l.bf16.f32 v15;
	v28 =	vmul.f32 v28, v55  }
0x4ce: {  	v59 =	vand.u32 $0xFFFF, v4;
	v25 =	vld.idx.msk [tilespmem:v18+s4+$0x0], $0xffff;
	v4 =	vunpack.i.l.bf16.f32 v20;
	v58 =	vmul.f32 v57, v56  }
0x4cf: {  	v4 =	vmul.f32 v4, v27;
	[tilespmem:v8+s29+$0x0] =	vst.idx.add.f32.msk $0xffff, v28;
	v31 =	vunpack.i.l.bf16.f32 v5  }
0x4d0: {  	[tilespmem:v32+s29+$0x0] =	vst.idx.add.f32.msk $0xffff, v58;
	v1 =	vunpack.i.u.bf16.f32 v5;
	v5 =	vmul.f32 v31, v17  }
0x4d1: {  	v2 =	vand.u32 $0xFFFF, v2;
	v24 =	vunpack.i.u.bf16.f32 v24;
	[tilespmem:v3+s29+$0x0] =	vst.idx.add.f32.msk $0xffff, v4;
	v1 =	vmul.f32 v1, v17  }
0x4d2: {  	v24 =	vmul.f32 v24, v55;
	[tilespmem:v0+s12+$0x0] =	vst.idx.add.f32.msk $0xffff, v5;
	v5 =	vunpack.i.u.bf16.f32 v15  }
0x4d3: {  	[tilespmem:v0+s13+$0x0] =	vst.idx.add.f32.msk $0xffff, v1;
	v0 =	vunpack.i.l.bf16.f32 v19;
	v1 =	vmul.f32 v5, v56  }
0x4d4: {  	[tilespmem:v8+s10+$0x0] =	vst.idx.add.f32.msk $0xffff, v24;
	v5 =	vunpack.i.u.bf16.f32 v19;
	v0 =	vmul.f32 v0, v26  }
0x4d5: {  	v5 =	vmul.f32 v5, v26;
	[tilespmem:v32+s10+$0x0] =	vst.idx.add.f32.msk $0xffff, v1;
	v1 =	vunpack.i.u.bf16.f32 v20  }
0x4d6: {  	[tilespmem:v2+s29+$0x0] =	vst.idx.add.f32.msk $0xffff, v0;
	v0 =	vand.u32 $0xFFFF, v6;
	v6 =	vunpack.i.l.bf16.f32 v21;
	v60 =	vmul.f32 v1, v27  }
0x4d7: {  	[tilespmem:v2+s10+$0x0] =	vst.idx.add.f32.msk $0xffff, v5;
	v5 =	vunpack.i.u.bf16.f32 v21;
	v6 =	vmul.f32 v6, v29  }
0x4d8: {  	v1 =	vand.u32 $0xFFFF, v9;
	v5 =	vmul.f32 v5, v29;
	[tilespmem:v3+s10+$0x0] =	vst.idx.add.f32.msk $0xffff, v60  }
0x4d9: {  	v4 =	vunpack.i.l.bf16.f32 v22;
	[tilespmem:v59+s29+$0x0] =	vst.idx.add.f32.msk $0xffff, v6  }
0x4da: {  	v4 =	vmul.f32 v4, v30;
	v6 =	vunpack.i.l.bf16.f32 v25;
	[tilespmem:v59+s10+$0x0] =	vst.idx.add.f32.msk $0xffff, v5  }
0x4db: {  	v5 =	vmul.f32 v6, v33;
	v6 =	vld.idx.msk [tilespmem:v10+s11+$0x0], $0xffff  }
0x4dc: {  	[tilespmem:v0+s29+$0x0] =	vst.idx.add.f32.msk $0xffff, v4;
	v4 =	vunpack.i.u.bf16.f32 v25  }
0x4dd: {  	v4 =	vmul.f32 v4, v33;
	[tilespmem:v1+s29+$0x0] =	vst.idx.add.f32.msk $0xffff, v5  }
0x4de: {  	v9 =	vunpack.i.u.bf16.f32 v22;
	v5 =	vld.idx.msk [tilespmem:v16+s11+$0x0], $0xffff  }
0x4df: {  	v9 =	vmul.f32 v9, v30;
	[tilespmem:v1+s10+$0x0] =	vst.idx.add.f32.msk $0xffff, v4  }
0x4e0: {  	v4 =	vld.idx.msk [tilespmem:v7+s11+$0x0], $0xffff  }
0x4e1: {  	[tilespmem:v0+s10+$0x0] =	vst.idx.add.f32.msk $0xffff, v9  }
0x4e2: {  	v9 =	vld.idx.msk [tilespmem:v12+s11+$0x0], $0xffff  }
0x4e3: {  	v7 =	vld.idx.msk [tilespmem:v11+s11+$0x0], $0xffff;
	v10 =	vunpack.i.l.bf16.f32 v5  }
0x4e4: {  	v11 =	vld.idx.msk [tilespmem:v14+s11+$0x0], $0xffff;
	v5 =	vunpack.i.u.bf16.f32 v5;
	v10 =	vmul.f32 v10, v55  }
0x4e5: {  	v61 =	vld.idx.msk [tilespmem:v18+s11+$0x0], $0xffff;
	v5 =	vmul.f32 v5, v55;
	v62 =	vunpack.i.l.bf16.f32 v4  }
0x4e6: {  	v4 =	vunpack.i.u.bf16.f32 v4;
	[tilespmem:v8+s12+$0x0] =	vst.idx.add.f32.msk $0xffff, v10;
	v10 =	vmul.f32 v62, v56  }
0x4e7: {  	v63 =	vunpack.i.l.bf16.f32 v6;
	v4 =	vmul.f32 v4, v56;
	[tilespmem:v8+s13+$0x0] =	vst.idx.add.f32.msk $0xffff, v5  }
0x4e8: {  	v5 =	vunpack.i.u.bf16.f32 v6;
	v6 =	vmul.f32 v63, v26;
	[tilespmem:v32+s12+$0x0] =	vst.idx.add.f32.msk $0xffff, v10  }
0x4e9: {  	v8 =	vunpack.i.l.bf16.f32 v7;
	[tilespmem:v32+s13+$0x0] =	vst.idx.add.f32.msk $0xffff, v4;
	v4 =	vmul.f32 v5, v26  }
0x4ea: {  	v5 =	vunpack.i.u.bf16.f32 v7;
	[tilespmem:v2+s12+$0x0] =	vst.idx.add.f32.msk $0xffff, v6;
	v6 =	vmul.f32 v8, v27  }
0x4eb: {  	v7 =	vunpack.i.l.bf16.f32 v9;
	v5 =	vmul.f32 v5, v27;
	[tilespmem:v2+s13+$0x0] =	vst.idx.add.f32.msk $0xffff, v4  }
0x4ec: {  	v10 =	vunpack.i.u.bf16.f32 v61;
	v7 =	vmul.f32 v7, v29;
	v2 =	vunpack.i.u.bf16.f32 v9;
	[tilespmem:v3+s12+$0x0] =	vst.idx.add.f32.msk $0xffff, v6  }
0x4ed: {  	v4 =	vunpack.i.u.bf16.f32 v11;
	v6 =	vunpack.i.l.bf16.f32 v11;
	v11 =	vmul.f32 v2, v29;
	[tilespmem:v3+s13+$0x0] =	vst.idx.add.f32.msk $0xffff, v5  }
0x4ee: {  	v2 =	vunpack.i.l.bf16.f32 v61;
	v9 =	vmul.f32 v6, v30;
	v8 =	vmul.f32 v4, v30;
	[tilespmem:v59+s12+$0x0] =	vst.idx.add.f32.msk $0xffff, v7  }
0x4ef: {  	s20 =	simm.s32 $0x16EC0;
	s19 =	simm.s32 $0x0;
	v4 =	vmul.f32 v2, v33;
	v2 =	vmul.f32 v10, v33;
	[tilespmem:v59+s13+$0x0] =	vst.idx.add.f32.msk $0xffff, v11  }
.LBB2_29:
0x4f0: {  	v11 =	vld [tilespmem:s20+$0x30]  }
0x4f1: {  	v3 =	vld [tilespmem:s20+$0xFFFFFFD0]  }
0x4f2: {  	s19 =	sadd.s32 $0x8, s19;
	v5 =	vld [tilespmem:s20+$0xFFFFFFE0]  }
0x4f3: {  	p1 =	slt.u32 s19, $0xC0;
	v12 =	vld [tilespmem:s20+$0xFFFFFFF0]  }
0x4f4: {  	v13 =	vld [tilespmem:s20+$0x0]  }
0x4f5: {  	v14 =	vld [tilespmem:s20+$0x10];
	v15 =	vshra.s32 v11, $0x10  }
0x4f6: {  	v7 =	vand.u32 $0xFFFF, v3;
	v10 =	vshra.s32 v3, $0x10;
	v16 =	vld [tilespmem:s20+$0x20]  }
0x4f7: {  	v17 =	vld [tilespmem:s20+$0xFFFFFFC0];
	v6 =	vand.u32 $0xFFFF, v5;
	v18 =	vshra.s32 v5, $0x10  }
0x4f8: {  	v5 =	vand.u32 $0xFFFF, v12;
	v12 =	vshra.s32 v12, $0x10;
	[tilespmem:v0+s12+$0x0] =	vst.idx.add.f32.msk $0xffff, v9  }
0x4f9: {  	v3 =	vand.u32 $0xFFFF, v13;
	v13 =	vshra.s32 v13, $0x10;
	[tilespmem:v0+s13+$0x0] =	vst.idx.add.f32.msk $0xffff, v8  }
0x4fa: {  	v0 =	vand.u32 $0xFFFF, v14;
	v14 =	vshra.s32 v14, $0x10;
	v19 =	vld.idx.msk [tilespmem:v15+s4+$0x0], $0xffff  }
0x4fb: {  	s18 =	sadd.s32 $0x80, s18;
	v20 =	vld.idx.msk [tilespmem:v10+s4+$0x0], $0xffff;
	v9 =	vand.u32 $0xFFFF, v16;
	v16 =	vshra.s32 v16, $0x10  }
0x4fc: {  	v8 =	vand.u32 $0xFFFF, v17;
	v17 =	vshra.s32 v17, $0x10;
	v21 =	vld [tilespmem:s18+$0x30]  }
0x4fd: {  	v22 =	vld.idx.msk [tilespmem:v18+s4+$0x0], $0xffff  }
0x4fe: {  	v11 =	vand.u32 $0xFFFF, v11;
	v23 =	vld.idx.msk [tilespmem:v12+s4+$0x0], $0xffff  }
0x4ff: {  	v24 =	vld.idx.msk [tilespmem:v13+s4+$0x0], $0xffff  }
0x500: {  	v26 =	vunpack.i.l.bf16.f32 v19;
	v25 =	vld.idx.msk [tilespmem:v14+s4+$0x0], $0xffff  }
0x501: {  	v19 =	vunpack.i.u.bf16.f32 v19;
	v28 =	vunpack.i.u.bf16.f32 v20;
	v27 =	vld.idx.msk [tilespmem:v17+s4+$0x0], $0xffff;
	v26 =	vmul.f32 v26, v21  }
0x502: {  	v20 =	vunpack.i.l.bf16.f32 v20;
	v19 =	vmul.f32 v19, v21;
	v29 =	vld.idx.msk [tilespmem:v16+s4+$0x0], $0xffff  }
0x503: {  	v30 =	vunpack.i.u.bf16.f32 v22;
	v22 =	vunpack.i.l.bf16.f32 v22;
	[tilespmem:v11+s29+$0x0] =	vst.idx.add.f32.msk $0xffff, v26  }
0x504: {  	v26 =	vunpack.i.u.bf16.f32 v23;
	v23 =	vunpack.i.l.bf16.f32 v23;
	[tilespmem:v11+s10+$0x0] =	vst.idx.add.f32.msk $0xffff, v19  }
0x505: {  	v19 =	vunpack.i.u.bf16.f32 v24;
	v24 =	vunpack.i.l.bf16.f32 v24;
	v15 =	vld.idx.msk [tilespmem:v15+s11+$0x0], $0xffff  }
0x506: {  	v32 =	vunpack.i.u.bf16.f32 v25;
	v25 =	vunpack.i.l.bf16.f32 v25;
	v31 =	vld [tilespmem:s18+$0xFFFFFFC0]  }
0x507: {  	v33 =	vunpack.i.u.bf16.f32 v27;
	v27 =	vunpack.i.l.bf16.f32 v27;
	v34 =	vld [tilespmem:s18+$0xFFFFFFD0]  }
0x508: {  	v36 =	vunpack.i.u.bf16.f32 v29;
	v29 =	vunpack.i.l.bf16.f32 v29;
	v35 =	vld [tilespmem:s18+$0xFFFFFFE0]  }
0x509: {  	v37 =	vld [tilespmem:s18+$0xFFFFFFF0]  }
0x50a: {  	v38 =	vld [tilespmem:s18+$0x0]  }
0x50b: {  	v40 =	vunpack.i.l.bf16.f32 v15;
	v27 =	vmul.f32 v27, v31;
	v33 =	vmul.f32 v33, v31;
	v39 =	vld [tilespmem:s18+$0x10]  }
0x50c: {  	v15 =	vunpack.i.u.bf16.f32 v15;
	v40 =	vmul.f32 v40, v21;
	v20 =	vmul.f32 v20, v34;
	v41 =	vld [tilespmem:s18+$0x20]  }
0x50d: {  	v15 =	vmul.f32 v15, v21;
	[tilespmem:v8+s29+$0x0] =	vst.idx.add.f32.msk $0xffff, v27;
	v27 =	vmul.f32 v28, v34  }
0x50e: {  	v21 =	vmul.f32 v22, v35;
	v22 =	vmul.f32 v30, v35;
	[tilespmem:v11+s12+$0x0] =	vst.idx.add.f32.msk $0xffff, v40  }
0x50f: {  	v23 =	vmul.f32 v23, v37;
	v26 =	vmul.f32 v26, v37;
	[tilespmem:v11+s13+$0x0] =	vst.idx.add.f32.msk $0xffff, v15  }
0x510: {  	v11 =	vmul.f32 v24, v38;
	v15 =	vmul.f32 v19, v38;
	[tilespmem:v8+s10+$0x0] =	vst.idx.add.f32.msk $0xffff, v33  }
0x511: {  	v19 =	vmul.f32 v25, v39;
	[tilespmem:v7+s29+$0x0] =	vst.idx.add.f32.msk $0xffff, v20;
	v20 =	vmul.f32 v32, v39  }
0x512: {  	v24 =	vmul.f32 v29, v41;
	v25 =	vmul.f32 v36, v41;
	[tilespmem:v7+s10+$0x0] =	vst.idx.add.f32.msk $0xffff, v27  }
0x513: {  	[tilespmem:v6+s29+$0x0] =	vst.idx.add.f32.msk $0xffff, v21  }
0x514: {  	[tilespmem:v6+s10+$0x0] =	vst.idx.add.f32.msk $0xffff, v22  }
0x515: {  	[tilespmem:v5+s29+$0x0] =	vst.idx.add.f32.msk $0xffff, v23  }
0x516: {  	[tilespmem:v5+s10+$0x0] =	vst.idx.add.f32.msk $0xffff, v26  }
0x517: {  	[tilespmem:v3+s29+$0x0] =	vst.idx.add.f32.msk $0xffff, v11  }
0x518: {  	[tilespmem:v3+s10+$0x0] =	vst.idx.add.f32.msk $0xffff, v15  }
0x519: {  	[tilespmem:v0+s29+$0x0] =	vst.idx.add.f32.msk $0xffff, v19  }
0x51a: {  	[tilespmem:v0+s10+$0x0] =	vst.idx.add.f32.msk $0xffff, v20  }
0x51b: {  	[tilespmem:v9+s29+$0x0] =	vst.idx.add.f32.msk $0xffff, v24  }
0x51c: {  	[tilespmem:v9+s10+$0x0] =	vst.idx.add.f32.msk $0xffff, v25  }
0x51d: {  	v11 =	vld.idx.msk [tilespmem:v17+s11+$0x0], $0xffff  }
0x51e: {  	v10 =	vld.idx.msk [tilespmem:v10+s11+$0x0], $0xffff  }
0x51f: {  	v15 =	vld.idx.msk [tilespmem:v18+s11+$0x0], $0xffff  }
0x520: {  	v12 =	vld.idx.msk [tilespmem:v12+s11+$0x0], $0xffff  }
0x521: {  	v13 =	vld.idx.msk [tilespmem:v13+s11+$0x0], $0xffff  }
0x522: {  	v14 =	vld.idx.msk [tilespmem:v14+s11+$0x0], $0xffff  }
0x523: {  	v17 =	vunpack.i.u.bf16.f32 v11;
	v11 =	vunpack.i.l.bf16.f32 v11;
	v16 =	vld.idx.msk [tilespmem:v16+s11+$0x0], $0xffff  }
0x524: {  	v11 =	vmul.f32 v11, v31;
	v18 =	vunpack.i.u.bf16.f32 v10;
	v10 =	vunpack.i.l.bf16.f32 v10;
	[tilespmem:v1+s12+$0x0] =	vst.idx.add.f32.msk $0xffff, v4  }
0x525: {  	v4 =	vmul.f32 v17, v31;
	v17 =	vunpack.i.u.bf16.f32 v15;
	v15 =	vunpack.i.l.bf16.f32 v15;
	[tilespmem:v1+s13+$0x0] =	vst.idx.add.f32.msk $0xffff, v2;
	v1 =	vmovc v9  }
0x526: {  	v2 =	vmul.f32 v10, v34;
	v9 =	vunpack.i.u.bf16.f32 v12;
	v10 =	vunpack.i.l.bf16.f32 v12;
	[tilespmem:v8+s12+$0x0] =	vst.idx.add.f32.msk $0xffff, v11  }
0x527: {  	v11 =	vunpack.i.l.bf16.f32 v13;
	[tilespmem:v8+s13+$0x0] =	vst.idx.add.f32.msk $0xffff, v4;
	v4 =	vmul.f32 v18, v34;
	v8 =	vunpack.i.u.bf16.f32 v13  }
0x528: {  	v12 =	vunpack.i.u.bf16.f32 v14;
	v13 =	vunpack.i.l.bf16.f32 v14;
	[tilespmem:v7+s12+$0x0] =	vst.idx.add.f32.msk $0xffff, v2;
	v2 =	vmul.f32 v15, v35  }
0x529: {  	v14 =	vunpack.i.l.bf16.f32 v16;
	[tilespmem:v7+s13+$0x0] =	vst.idx.add.f32.msk $0xffff, v4;
	v4 =	vmul.f32 v17, v35;
	v7 =	vunpack.i.u.bf16.f32 v16  }
0x52a: {  	[tilespmem:v6+s12+$0x0] =	vst.idx.add.f32.msk $0xffff, v2;
	v2 =	vmul.f32 v10, v37;
	v10 =	vmul.f32 v9, v37  }
.Ltmp13:
0x52b: {  	[tilespmem:v6+s13+$0x0] =	vst.idx.add.f32.msk $0xffff, v4;
	v6 =	vmul.f32 v11, v38;
	v11 =	vmul.f32 v8, v38;
	(pc) =	sbr.rel @p1 .LBB2_29-.Ltmp13, $4  }
0x52c: {  	v9 =	vmul.f32 v13, v39;
	v8 =	vmul.f32 v12, v39;
	[tilespmem:v5+s12+$0x0] =	vst.idx.add.f32.msk $0xffff, v2  }
0x52d: {  	v4 =	vmul.f32 v14, v41;
	v2 =	vmul.f32 v7, v41;
	[tilespmem:v5+s13+$0x0] =	vst.idx.add.f32.msk $0xffff, v10  }
0x52e: {  	[tilespmem:v3+s12+$0x0] =	vst.idx.add.f32.msk $0xffff, v6  }
0x52f: {  	s20 =	sadd.s32 $0x80, s20;
	[tilespmem:v3+s13+$0x0] =	vst.idx.add.f32.msk $0xffff, v11  }
0x530: {  	_ = 	snop  }
0x531: {  	s17 =	sadd.s32 $0x1, s17  }
0x532: {  	p1 =	sne.s32 s17, $0x32  }
.Ltmp14:
0x533: {  	_ = 	snop;
	(pc) =	sbr.rel @p1 .LBB2_26-.Ltmp14, $4  }
0x534: {  	[tilespmem:v0+s12+$0x0] =	vst.idx.add.f32.msk $0xffff, v9  }
0x535: {  	[tilespmem:v1+s12+$0x0] =	vst.idx.add.f32.msk $0xffff, v4  }
0x536: {  	[tilespmem:v0+s13+$0x0] =	vst.idx.add.f32.msk $0xffff, v8  }
0x537: {  	[tilespmem:v1+s13+$0x0] =	vst.idx.add.f32.msk $0xffff, v2  }
0x538: {  	_ =	swait.ge [sflag:s2], $0xC80  }
0x539: {  	[sflag:s2] =	ssyncset.done $0x0  }
0x53a: {  	[sflag:s2] =	ssyncadd.s32 $0xFFFFF380  }
0x53b: {  	_ =	swait.ge [sflag:s5], $0xC80  }
0x53c: {  	s16 =	sadd.s32 $0x1, s16;
	[sflag:s5] =	ssyncset.done $0x0  }
0x53d: {  	p1 =	sne.s32 s16, s24;
	[sflag:s5] =	ssyncadd.s32 $0xFFFFF380  }
0x53e: {  	[hbm4b:s22+s4] =	stream.linear.scatter [tilespmem:s29], [sflag:$0x5], $0x9C40, $0x38;
	[tilespmem:$0x1E1A0] =	vst v63  }
.Ltmp15:
0x53f: {  	_ =	swait.ge [sflag:s25], $0x9C40;
	(pc) =	sbr.rel @p1 .LBB2_1-.Ltmp15, $3  }
0x540: {  	[sflag:s25] =	ssyncset.done $0x0  }
0x541: {  	[sflag:s25] =	ssyncadd.s32 $0xFFFF63C0  }
0x542: {  	[bflag:$0x0] =	sbarrier.arrive $0xFFFF;
	_ =	sdelay $0x1  }
0x543: {  	_ =	sfence.sel $0x180000  }
0x544: {  	[bflag:$0x0] =	sbarrier.arrive $0xFFFF  }
0x545: {  	_ =	strace $0x90000047  }
0x546: {  	s0 =	stileid.u32;
	[bflag:$0x2] =	sbarrier.arrive $0xFFFF  }
0x547: {  	p0 =	sne.s32 s0, $0x0;
	s0 =	rddreg [dreg:$0x3]  }
0x548: {  	s0 =	sadd.s32 @!p0 $0x100000, s0  }
0x549: {  	[sflag:s0] =	ssyncadd.tile.s32 @!p0 $0x1;
	_ =	shalt  }
.Lfunc_end2:
_tile_overlayer_lowered:
.L_overlay_start_2:
0x54a: {  	(tag) =	ssettag $0x2  }
0x54b: {  	s0 =	rddreg [dreg:$0x0];
	s2 =	stileid.u32  }
0x54c: {  	s1 =	rddreg [dreg:$0x1];
	p0 =	sne.s32 s2, $0x0  }
0x54d: {  	s3 =	rddreg [dreg:$0x2];
	[bflag:$0x3] =	sbarrier.arrive $0xFFFF;
	s2 =	simm.s32 @!p0 $0x1C05  }
0x54e: {  	[timem:s3], [sflag:s2] =	dma.local @!p0 [hbm:s0], s1  }
0x54f: {  	s0 =	simm.s32 @!p0 $0x5  }
0x550: {  	_ =	swait.ge @!p0 [sflag:s0], s1  }
0x551: {  	s1 =	ssub.s32 @!p0 $0x0, s1;
	[sflag:s0] =	ssyncset.done @!p0 $0x0  }
0x552: {  	[sflag:s0] =	ssyncadd.s32 @!p0 s1  }
0x553: {  	[bflag:$0x3] =	sbarrier.arrive $0xFFFF  }
0x554: {  	_ =	shalt  }

</sc_bundles>
